<compile_context>
chip_gen: v7x
topology: tpu7x:2x2x1
jax: 0.10.2.dev20260603
libtpu: 0.0.44.dev20260713+nightly
codegen_flags: <defaults>
</compile_context>

<pallas_src>
import functools

import jax
import jax.numpy as jnp
from jax import lax
from jax.experimental import pallas as pl
from jax.experimental.pallas import tpu as pltpu
from jax.experimental.pallas import tpu_sc as plsc

_BINS = 10
_BETA = 0.001
_NC = 2
_NS = 16
_L = 16
_NW = _NC * _NS
_U = 5


def _pick_chunk(rows_per_tile: int) -> int:
    step = _L * _U
    for c in range(12000 - 12000 % step, step - 1, -step):
        if rows_per_tile % c == 0:
            return c
    return _L


def _accumulate(p0c, p1c, s0c, s1c, ht, wvec):
    n = ht.shape[0]
    rows_per_tile = n // _NW
    chunk = _pick_chunk(rows_per_tile)
    nchunk = rows_per_tile // chunk
    iters = chunk // _L
    unroll = _U if iters % _U == 0 else 1
    mesh = plsc.VectorSubcoreMesh(core_axis_name="c", subcore_axis_name="s")

    @functools.partial(
        pl.kernel,
        out_type=jax.ShapeDtypeStruct((_NW, 64), jnp.float32),
        mesh=mesh,
        scratch_types=[
            pltpu.VMEM((2 * chunk,), jnp.float32),
            pltpu.VMEM((2 * chunk,), jnp.float32),
            pltpu.VMEM((2 * chunk,), jnp.float32),
            pltpu.VMEM((2 * chunk,), jnp.float32),
            pltpu.VMEM((2 * chunk,), jnp.int32),
            pltpu.VMEM((2 * _L,), jnp.float32),
            pltpu.VMEM((_L,), jnp.float32),
            pltpu.VMEM((_L,), jnp.float32),
            pltpu.VMEM((_L,), jnp.float32),
            pltpu.VMEM((64,), jnp.float32),
            pltpu.SemaphoreType.DMA,
            pltpu.SemaphoreType.DMA,
        ],
        compiler_params=pltpu.CompilerParams(
            use_tc_tiling_on_sc=False, needs_layout_passes=False),
    )
    def acc_kernel(p0_hbm, p1_hbm, s0_hbm, s1_hbm, ht_hbm, w_hbm, out_hbm,
                   p0_v, p1_v, s0_v, s1_v, ht_v,
                   w_v, cnt_v, mat_v, conf_v, out_v, sem0, sem1):
        wid = lax.axis_index("s") * _NC + lax.axis_index("c")
        row0 = wid * rows_per_tile
        sems = (sem0, sem1)
        f32_bufs = ((p0_hbm, p0_v), (p1_hbm, p1_v),
                    (s0_hbm, s0_v), (s1_hbm, s1_v))

        pltpu.sync_copy(w_hbm, w_v)
        zeros = jnp.zeros((_L,), jnp.float32)
        cnt_v[...] = zeros
        mat_v[...] = zeros
        conf_v[...] = zeros

        w0 = w_v[pl.ds(0, _L)]
        w1 = w_v[pl.ds(_L, _L)]
        ones = jnp.ones((_L,), jnp.float32)

        def start(c, slot):
            r = row0 + c * chunk
            o = slot * chunk
            for hbm, buf in f32_bufs:
                pltpu.async_copy(hbm.at[pl.ds(r, chunk)],
                                 buf.at[pl.ds(o, chunk)], sems[slot])
            pltpu.async_copy(ht_hbm.at[pl.ds(r, chunk)],
                             ht_v.at[pl.ds(o, chunk)], sems[slot])

        def wait_slot(slot):
            o = slot * chunk
            for hbm, buf in f32_bufs:
                pltpu.make_async_copy(hbm.at[pl.ds(0, chunk)],
                                      buf.at[pl.ds(o, chunk)],
                                      sems[slot]).wait()
            pltpu.make_async_copy(ht_hbm.at[pl.ds(0, chunk)],
                                  ht_v.at[pl.ds(o, chunk)],
                                  sems[slot]).wait()

        def process(slot, ce_in):
            o0 = slot * chunk

            def body(j, ce):
                base = o0 + j * (_L * unroll)
                contribs = []
                for u in range(unroll):
                    o = base + u * _L
                    p0 = p0_v[pl.ds(o, _L)]
                    p1 = p1_v[pl.ds(o, _L)]
                    s0 = s0_v[pl.ds(o, _L)]
                    s1 = s1_v[pl.ds(o, _L)]
                    hv = ht_v[pl.ds(o, _L)]

                    mx = jnp.maximum(p0, p1)
                    mn = jnp.minimum(p0, p1)
                    t = jnp.exp(mn - mx)
                    z = t / (t + 2.0)
                    zz = z * z
                    log1p = z * (2.0 + zz * (2.0 / 3.0 + zz * (2.0 / 5.0
                                 + zz * (2.0 / 7.0 + zz * (2.0 / 9.0)))))
                    lse = mx + log1p
                    contribs.append(s0 * w0 * (lse - p0)
                                    + s1 * w1 * (lse - p1))

                    x = 1.0 / (1.0 + jnp.exp(-p1))
                    bi = jnp.minimum((x * 10.0).astype(jnp.int32),
                                     jnp.int32(_BINS - 1))
                    matched = jnp.where(hv == 1, ones, zeros)
                    plsc.addupdate_scatter(cnt_v, [bi], ones)
                    plsc.addupdate_scatter(mat_v, [bi], matched)
                    plsc.addupdate_scatter(conf_v, [bi], x)
                while len(contribs) > 1:
                    contribs = [a + b for a, b in
                                zip(contribs[::2], contribs[1::2])] + (
                        [contribs[-1]] if len(contribs) % 2 else [])
                return ce + contribs[0]

            return lax.fori_loop(0, iters // unroll, body, ce_in)

        ce_acc = zeros
        if nchunk >= 3 and nchunk % 2 == 1:
            start(0, 0)
            start(1, 1)

            def pair(k, ce):
                wait_slot(0)
                ce = process(0, ce)
                start(2 * k + 2, 0)
                wait_slot(1)
                ce = process(1, ce)
                start(2 * k + 3, 1)
                return ce

            ce_acc = lax.fori_loop(0, (nchunk - 3) // 2, pair, ce_acc)
            wait_slot(0)
            ce_acc = process(0, ce_acc)
            start(nchunk - 1, 0)
            wait_slot(1)
            ce_acc = process(1, ce_acc)
            wait_slot(0)
            ce_acc = process(0, ce_acc)
        else:
            for c in range(nchunk):
                slot = c % 2
                start(c, slot)
                wait_slot(slot)
                ce_acc = process(slot, ce_acc)

        out_v[pl.ds(0, _L)] = ce_acc
        out_v[pl.ds(_L, _L)] = cnt_v[...]
        out_v[pl.ds(2 * _L, _L)] = mat_v[...]
        out_v[pl.ds(3 * _L, _L)] = conf_v[...]
        pltpu.sync_copy(out_v, out_hbm.at[wid])

    return acc_kernel(p0c, p1c, s0c, s1c, ht, wvec)


def _combine(partials, n):
    mesh = plsc.VectorSubcoreMesh(core_axis_name="c", subcore_axis_name="s")
    inv_n = jnp.float32(1.0 / n)

    @functools.partial(
        pl.kernel,
        out_type=jax.ShapeDtypeStruct((_L,), jnp.float32),
        mesh=mesh,
        scratch_types=[
            pltpu.VMEM((_NW, 64), jnp.float32),
            pltpu.VMEM((_L,), jnp.float32),
        ],
        compiler_params=pltpu.CompilerParams(
            use_tc_tiling_on_sc=False, needs_layout_passes=False),
    )
    def combine_kernel(part_hbm, out_hbm, part_v, out_v):
        wid = lax.axis_index("s") * _NC + lax.axis_index("c")

        @pl.when(wid == 0)
        def _():
            pltpu.sync_copy(part_hbm, part_v)
            zeros = jnp.zeros((_L,), jnp.float32)
            ce = zeros
            cnt = zeros
            mat = zeros
            conf = zeros
            for i in range(_NW):
                ce = ce + part_v[i, pl.ds(0, _L)]
                cnt = cnt + part_v[i, pl.ds(_L, _L)]
                mat = mat + part_v[i, pl.ds(2 * _L, _L)]
                conf = conf + part_v[i, pl.ds(3 * _L, _L)]
            safe = jnp.maximum(cnt, 1.0)
            per_bin = (cnt * inv_n) * jnp.abs(mat / safe - conf / safe)
            per_bin = jnp.where(cnt > 0.0, per_bin, 0.0)
            ece_v = jnp.full((_L,), jnp.sum(per_bin))
            ce_v = jnp.full((_L,), jnp.sum(ce))
            out_v[...] = ce_v * inv_n + _BETA * ece_v
            pltpu.sync_copy(out_v, out_hbm)

    return combine_kernel(partials)


def kernel(pred, soft_targets, hard_target, weight):
    n = pred.shape[0]
    assert n % (_NW * _L) == 0
    ht = hard_target.astype(jnp.int32)
    wvec = jnp.broadcast_to(
        weight.astype(jnp.float32)[:, None], (2, _L)).reshape(2 * _L)
    partials = _accumulate(
        pred[:, 0], pred[:, 1], soft_targets[:, 0], soft_targets[:, 1],
        ht, wvec)
    out = _combine(partials, n)
    return out[0].reshape(())

# --- scband reference (transcript-rebuilt; emitter-appended) ---
"""Pipeline reference for scband-cross-entropy-loss-soft-ece-28999619183070 (READ-ONLY COPY).

The authoritative reference and input builder live on the scoring server;
editing this copy changes nothing except your own understanding.
"""

import jax, jax.numpy as jnp
import numpy as np

BINS = 10
BETA = 0.001
N = 8000000


def setup_inputs(seed: int = 0) -> dict:
    key = jax.random.key(seed)
    k1, k2, k3 = jax.random.split(key, 3)
    pred = jax.random.normal(k1, (N, 2), dtype=jnp.float32)
    soft_targets = jax.random.uniform(k2, (N, 2), dtype=jnp.float32)
    hard_target = jax.random.randint(k3, (N,), 0, 2)
    weight = jnp.array([1.0, 1.0], dtype=jnp.float32)
    return {"pred": pred, "soft_targets": soft_targets, "hard_target": hard_target, "weight": weight}


def _bucketize(X, bin_boundaries):
    # result += (X > boundary) for each boundary, vectorized
    return jnp.sum((X[:, None] > bin_boundaries[None, :]).astype(jnp.int32), axis=1)


def _compute_ece(X, y, bins):
    num_samples = y.shape[0]
    prediction = jnp.ones_like(X)
    matched = (prediction == y.astype(X.dtype)).astype(jnp.float32)
    bin_boundaries = jnp.linspace(0.0, 1.0, bins + 1)
    idx = _bucketize(X, bin_boundaries) - 1
    idx = jnp.where(idx == -1, 0, idx)
    idx = jnp.where(idx == bins, bins - 1, idx)
    counts = jnp.bincount(idx, length=bins).astype(jnp.float32)
    sum_matched = jax.ops.segment_sum(matched, idx, num_segments=bins)
    sum_conf = jax.ops.segment_sum(X, idx, num_segments=bins)
    safe_counts = jnp.maximum(counts, 1.0)
    bin_weight = counts / float(num_samples)
    per_bin = bin_weight * jnp.abs(sum_matched / safe_counts - sum_conf / safe_counts)
    return jnp.sum(jnp.where(counts > 0, per_bin, 0.0))


def reference(pred, soft_targets, hard_target, weight):
    logsoftmax = jax.nn.log_softmax(pred, axis=1)
    cross_entropy_soft = jnp.mean(jnp.sum(-soft_targets * weight * logsoftmax, axis=1))
    ece = _compute_ece(jax.nn.sigmoid(pred)[:, 1], hard_target, BINS)
    loss = cross_entropy_soft + BETA * ece
    return loss

if __name__ == "__main__":
    import jax
    _d = setup_inputs()
    print(jax.jit(kernel)(*tuple(_d.values())))

</pallas_src>

<mosaic_0001>
#map = affine_map<(d0, d1) -> (0, 0)>
#map1 = affine_map<(d0, d1) -> (0)>
module attributes {stable_mosaic.version = 14 : i64} {
  func.func @_rewritten_body(%arg0: i32, %arg1: i32, %arg2: memref<32x64xf32, #tpu.memory_space<hbm>>, %arg3: memref<1xf32, #tpu.memory_space<hbm>>, %arg4: memref<16xf32, #tpu.memory_space<hbm>>, %arg5: memref<32x64xf32, #tpu.memory_space<vmem>>, %arg6: memref<16xf32, #tpu.memory_space<vmem>>) attributes {dimension_semantics = [#tpu.dimension_semantics<core_parallel>, #tpu.dimension_semantics<subcore_parallel>], iteration_bounds = array<i64: 2, 16>, scalar_prefetch = 0 : i64, scratch_operands = 2 : i64, tpu.core_type = #tpu.core_type<sc_vector_subcore>, window_params = [{transform_indices = #map}, {transform_indices = #map1}, {transform_indices = #map1}]} {
    %empty_ref3A = memref.alloca() : memref<16xf32, #tpu.memory_space<vmem>>
    "tpu.region"() ({
      %run_scoped3A = tpu.sem_alloc : memref<!tpu.dma_semaphore, #tpu.memory_space<semaphore_mem>>
      %dma_start3A = arith.constant 0 : i32
      %dma_start3A_4 = tpu.memref_slice %empty_ref3A[%dma_start3A] : memref<16xf32, #tpu.memory_space<vmem>> -> memref<1xf32, #tpu.memory_space<vmem>>
      %dma_start3A_5 = arith.constant 0 : i32
      %dma_start3A_6 = tpu.memref_slice %empty_ref3A[%dma_start3A_5] : memref<16xf32, #tpu.memory_space<vmem>> -> memref<1xf32, #tpu.memory_space<vmem>>
      tpu.enqueue_dma source(%arg3 : memref<1xf32, #tpu.memory_space<hbm>>) target(%dma_start3A_6 : memref<1xf32, #tpu.memory_space<vmem>>) target_semaphore(%run_scoped3A : memref<!tpu.dma_semaphore, #tpu.memory_space<semaphore_mem>>)
      %dma_wait3A = arith.constant 0 : i32
      %dma_wait3A_7 = tpu.memref_slice %empty_ref3A[%dma_wait3A] : memref<16xf32, #tpu.memory_space<vmem>> -> memref<1xf32, #tpu.memory_space<vmem>>
      %dma_wait3A_8 = arith.constant 0 : i32
      %dma_wait3A_9 = tpu.memref_slice %empty_ref3A[%dma_wait3A_8] : memref<16xf32, #tpu.memory_space<vmem>> -> memref<1xf32, #tpu.memory_space<vmem>>
      tpu.wait_dma2 semaphore(%run_scoped3A : memref<!tpu.dma_semaphore, #tpu.memory_space<semaphore_mem>>) src(%arg3 : memref<1xf32, #tpu.memory_space<hbm>>) dst(%dma_wait3A_9 : memref<1xf32, #tpu.memory_space<vmem>>)
      tpu.yield
    }) : () -> ()
    %get3A = arith.constant 0 : index
    %get3A_0 = tpu.vector_load %empty_ref3A[%get3A] {strides = array<i32>} : memref<16xf32, #tpu.memory_space<vmem>>, vector<16xf32>,
    %slice3A = vector.extract_strided_slice %get3A_0 {offsets = [0], sizes = [1], strides = [1]} : vector<16xf32> to vector<1xf32>
    %squeeze3A = vector.extract %slice3A[0] : f32 from vector<1xf32>
    %mul3A = arith.constant 2 : i32
    %mul3A_1 = arith.muli %arg1, %mul3A : i32
    %add3A = arith.addi %mul3A_1, %arg0 : i32
    %eq3A = arith.constant 0 : i32
    %eq3A_2 = arith.cmpi eq, %add3A, %eq3A : i32
    %convert_element_type3A = arith.extui %eq3A_2 : i1 to i32
    %cond3A = arith.constant 0 : i32
    %cond3A_3 = arith.cmpi ne, %convert_element_type3A, %cond3A : i32
    scf.if %cond3A_3 {
      "tpu.region"() ({
        %run_scoped3A = tpu.sem_alloc : memref<!tpu.dma_semaphore, #tpu.memory_space<semaphore_mem>>
        tpu.enqueue_dma source(%arg2 : memref<32x64xf32, #tpu.memory_space<hbm>>) target(%arg5 : memref<32x64xf32, #tpu.memory_space<vmem>>) target_semaphore(%run_scoped3A : memref<!tpu.dma_semaphore, #tpu.memory_space<semaphore_mem>>)
        tpu.wait_dma2 semaphore(%run_scoped3A : memref<!tpu.dma_semaphore, #tpu.memory_space<semaphore_mem>>) src(%arg2 : memref<32x64xf32, #tpu.memory_space<hbm>>) dst(%arg5 : memref<32x64xf32, #tpu.memory_space<vmem>>)
        tpu.yield
      }) : () -> ()
      %broadcast_in_dim3A = arith.constant 0.000000e+00 : f32
      %broadcast_in_dim3A_4 = vector.broadcast %broadcast_in_dim3A : f32 to vector<16xf32>
      %get3A_5 = arith.constant 0 : i32
      %get3A_6 = arith.index_cast %get3A_5 : i32 to index
      %get3A_7 = arith.constant 0 : index
      %get3A_8 = tpu.vector_load %arg5[%get3A_6, %get3A_7] {strides = array<i32>} : memref<32x64xf32, #tpu.memory_space<vmem>>, vector<16xf32>,
      %add3A_9 = arith.addf %broadcast_in_dim3A_4, %get3A_8 : vector<16xf32>
      %get3A_10 = arith.constant 0 : i32
      %get3A_11 = arith.index_cast %get3A_10 : i32 to index
      %get3A_12 = arith.constant 16 : index
      %get3A_13 = tpu.vector_load %arg5[%get3A_11, %get3A_12] {strides = array<i32>} : memref<32x64xf32, #tpu.memory_space<vmem>>, vector<16xf32>,
      %add3A_14 = arith.addf %broadcast_in_dim3A_4, %get3A_13 : vector<16xf32>
      %get3A_15 = arith.constant 0 : i32
      %get3A_16 = arith.index_cast %get3A_15 : i32 to index
      %get3A_17 = arith.constant 32 : index
      %get3A_18 = tpu.vector_load %arg5[%get3A_16, %get3A_17] {strides = array<i32>} : memref<32x64xf32, #tpu.memory_space<vmem>>, vector<16xf32>,
      %add3A_19 = arith.addf %broadcast_in_dim3A_4, %get3A_18 : vector<16xf32>
      %get3A_20 = arith.constant 0 : i32
      %get3A_21 = arith.index_cast %get3A_20 : i32 to index
      %get3A_22 = arith.constant 48 : index
      %get3A_23 = tpu.vector_load %arg5[%get3A_21, %get3A_22] {strides = array<i32>} : memref<32x64xf32, #tpu.memory_space<vmem>>, vector<16xf32>,
      %add3A_24 = arith.addf %broadcast_in_dim3A_4, %get3A_23 : vector<16xf32>
      %get3A_25 = arith.constant 1 : i32
      %get3A_26 = arith.index_cast %get3A_25 : i32 to index
      %get3A_27 = arith.constant 0 : index
      %get3A_28 = tpu.vector_load %arg5[%get3A_26, %get3A_27] {strides = array<i32>} : memref<32x64xf32, #tpu.memory_space<vmem>>, vector<16xf32>,
      %add3A_29 = arith.addf %add3A_9, %get3A_28 : vector<16xf32>
      %get3A_30 = arith.constant 1 : i32
      %get3A_31 = arith.index_cast %get3A_30 : i32 to index
      %get3A_32 = arith.constant 16 : index
      %get3A_33 = tpu.vector_load %arg5[%get3A_31, %get3A_32] {strides = array<i32>} : memref<32x64xf32, #tpu.memory_space<vmem>>, vector<16xf32>,
      %add3A_34 = arith.addf %add3A_14, %get3A_33 : vector<16xf32>
      %get3A_35 = arith.constant 1 : i32
      %get3A_36 = arith.index_cast %get3A_35 : i32 to index
      %get3A_37 = arith.constant 32 : index
      %get3A_38 = tpu.vector_load %arg5[%get3A_36, %get3A_37] {strides = array<i32>} : memref<32x64xf32, #tpu.memory_space<vmem>>, vector<16xf32>,
      %add3A_39 = arith.addf %add3A_19, %get3A_38 : vector<16xf32>
      %get3A_40 = arith.constant 1 : i32
      %get3A_41 = arith.index_cast %get3A_40 : i32 to index
      %get3A_42 = arith.constant 48 : index
      %get3A_43 = tpu.vector_load %arg5[%get3A_41, %get3A_42] {strides = array<i32>} : memref<32x64xf32, #tpu.memory_space<vmem>>, vector<16xf32>,
      %add3A_44 = arith.addf %add3A_24, %get3A_43 : vector<16xf32>
      %get3A_45 = arith.constant 2 : i32
      %get3A_46 = arith.index_cast %get3A_45 : i32 to index
      %get3A_47 = arith.constant 0 : index
      %get3A_48 = tpu.vector_load %arg5[%get3A_46, %get3A_47] {strides = array<i32>} : memref<32x64xf32, #tpu.memory_space<vmem>>, vector<16xf32>,
      %add3A_49 = arith.addf %add3A_29, %get3A_48 : vector<16xf32>
      %get3A_50 = arith.constant 2 : i32
      %get3A_51 = arith.index_cast %get3A_50 : i32 to index
      %get3A_52 = arith.constant 16 : index
      %get3A_53 = tpu.vector_load %arg5[%get3A_51, %get3A_52] {strides = array<i32>} : memref<32x64xf32, #tpu.memory_space<vmem>>, vector<16xf32>,
      %add3A_54 = arith.addf %add3A_34, %get3A_53 : vector<16xf32>
      %get3A_55 = arith.constant 2 : i32
      %get3A_56 = arith.index_cast %get3A_55 : i32 to index
      %get3A_57 = arith.constant 32 : index
      %get3A_58 = tpu.vector_load %arg5[%get3A_56, %get3A_57] {strides = array<i32>} : memref<32x64xf32, #tpu.memory_space<vmem>>, vector<16xf32>,
      %add3A_59 = arith.addf %add3A_39, %get3A_58 : vector<16xf32>
      %get3A_60 = arith.constant 2 : i32
      %get3A_61 = arith.index_cast %get3A_60 : i32 to index
      %get3A_62 = arith.constant 48 : index
      %get3A_63 = tpu.vector_load %arg5[%get3A_61, %get3A_62] {strides = array<i32>} : memref<32x64xf32, #tpu.memory_space<vmem>>, vector<16xf32>,
      %add3A_64 = arith.addf %add3A_44, %get3A_63 : vector<16xf32>
      %get3A_65 = arith.constant 3 : i32
      %get3A_66 = arith.index_cast %get3A_65 : i32 to index
      %get3A_67 = arith.constant 0 : index
      %get3A_68 = tpu.vector_load %arg5[%get3A_66, %get3A_67] {strides = array<i32>} : memref<32x64xf32, #tpu.memory_space<vmem>>, vector<16xf32>,
      %add3A_69 = arith.addf %add3A_49, %get3A_68 : vector<16xf32>
      %get3A_70 = arith.constant 3 : i32
      %get3A_71 = arith.index_cast %get3A_70 : i32 to index
      %get3A_72 = arith.constant 16 : index
      %get3A_73 = tpu.vector_load %arg5[%get3A_71, %get3A_72] {strides = array<i32>} : memref<32x64xf32, #tpu.memory_space<vmem>>, vector<16xf32>,
      %add3A_74 = arith.addf %add3A_54, %get3A_73 : vector<16xf32>
      %get3A_75 = arith.constant 3 : i32
      %get3A_76 = arith.index_cast %get3A_75 : i32 to index
      %get3A_77 = arith.constant 32 : index
      %get3A_78 = tpu.vector_load %arg5[%get3A_76, %get3A_77] {strides = array<i32>} : memref<32x64xf32, #tpu.memory_space<vmem>>, vector<16xf32>,
      %add3A_79 = arith.addf %add3A_59, %get3A_78 : vector<16xf32>
      %get3A_80 = arith.constant 3 : i32
      %get3A_81 = arith.index_cast %get3A_80 : i32 to index
      %get3A_82 = arith.constant 48 : index
      %get3A_83 = tpu.vector_load %arg5[%get3A_81, %get3A_82] {strides = array<i32>} : memref<32x64xf32, #tpu.memory_space<vmem>>, vector<16xf32>,
      %add3A_84 = arith.addf %add3A_64, %get3A_83 : vector<16xf32>
      %get3A_85 = arith.constant 4 : i32
      %get3A_86 = arith.index_cast %get3A_85 : i32 to index
      %get3A_87 = arith.constant 0 : index
      %get3A_88 = tpu.vector_load %arg5[%get3A_86, %get3A_87] {strides = array<i32>} : memref<32x64xf32, #tpu.memory_space<vmem>>, vector<16xf32>,
      %add3A_89 = arith.addf %add3A_69, %get3A_88 : vector<16xf32>
      %get3A_90 = arith.constant 4 : i32
      %get3A_91 = arith.index_cast %get3A_90 : i32 to index
      %get3A_92 = arith.constant 16 : index
      %get3A_93 = tpu.vector_load %arg5[%get3A_91, %get3A_92] {strides = array<i32>} : memref<32x64xf32, #tpu.memory_space<vmem>>, vector<16xf32>,
      %add3A_94 = arith.addf %add3A_74, %get3A_93 : vector<16xf32>
      %get3A_95 = arith.constant 4 : i32
      %get3A_96 = arith.index_cast %get3A_95 : i32 to index
      %get3A_97 = arith.constant 32 : index
      %get3A_98 = tpu.vector_load %arg5[%get3A_96, %get3A_97] {strides = array<i32>} : memref<32x64xf32, #tpu.memory_space<vmem>>, vector<16xf32>,
      %add3A_99 = arith.addf %add3A_79, %get3A_98 : vector<16xf32>
      %get3A_100 = arith.constant 4 : i32
      %get3A_101 = arith.index_cast %get3A_100 : i32 to index
      %get3A_102 = arith.constant 48 : index
      %get3A_103 = tpu.vector_load %arg5[%get3A_101, %get3A_102] {strides = array<i32>} : memref<32x64xf32, #tpu.memory_space<vmem>>, vector<16xf32>,
      %add3A_104 = arith.addf %add3A_84, %get3A_103 : vector<16xf32>
      %get3A_105 = arith.constant 5 : i32
      %get3A_106 = arith.index_cast %get3A_105 : i32 to index
      %get3A_107 = arith.constant 0 : index
      %get3A_108 = tpu.vector_load %arg5[%get3A_106, %get3A_107] {strides = array<i32>} : memref<32x64xf32, #tpu.memory_space<vmem>>, vector<16xf32>,
      %add3A_109 = arith.addf %add3A_89, %get3A_108 : vector<16xf32>
      %get3A_110 = arith.constant 5 : i32
      %get3A_111 = arith.index_cast %get3A_110 : i32 to index
      %get3A_112 = arith.constant 16 : index
      %get3A_113 = tpu.vector_load %arg5[%get3A_111, %get3A_112] {strides = array<i32>} : memref<32x64xf32, #tpu.memory_space<vmem>>, vector<16xf32>,
      %add3A_114 = arith.addf %add3A_94, %get3A_113 : vector<16xf32>
      %get3A_115 = arith.constant 5 : i32
      %get3A_116 = arith.index_cast %get3A_115 : i32 to index
      %get3A_117 = arith.constant 32 : index
      %get3A_118 = tpu.vector_load %arg5[%get3A_116, %get3A_117] {strides = array<i32>} : memref<32x64xf32, #tpu.memory_space<vmem>>, vector<16xf32>,
      %add3A_119 = arith.addf %add3A_99, %get3A_118 : vector<16xf32>
      %get3A_120 = arith.constant 5 : i32
      %get3A_121 = arith.index_cast %get3A_120 : i32 to index
      %get3A_122 = arith.constant 48 : index
      %get3A_123 = tpu.vector_load %arg5[%get3A_121, %get3A_122] {strides = array<i32>} : memref<32x64xf32, #tpu.memory_space<vmem>>, vector<16xf32>,
      %add3A_124 = arith.addf %add3A_104, %get3A_123 : vector<16xf32>
      %get3A_125 = arith.constant 6 : i32
      %get3A_126 = arith.index_cast %get3A_125 : i32 to index
      %get3A_127 = arith.constant 0 : index
      %get3A_128 = tpu.vector_load %arg5[%get3A_126, %get3A_127] {strides = array<i32>} : memref<32x64xf32, #tpu.memory_space<vmem>>, vector<16xf32>,
      %add3A_129 = arith.addf %add3A_109, %get3A_128 : vector<16xf32>
      %get3A_130 = arith.constant 6 : i32
      %get3A_131 = arith.index_cast %get3A_130 : i32 to index
      %get3A_132 = arith.constant 16 : index
      %get3A_133 = tpu.vector_load %arg5[%get3A_131, %get3A_132] {strides = array<i32>} : memref<32x64xf32, #tpu.memory_space<vmem>>, vector<16xf32>,
      %add3A_134 = arith.addf %add3A_114, %get3A_133 : vector<16xf32>
      %get3A_135 = arith.constant 6 : i32
      %get3A_136 = arith.index_cast %get3A_135 : i32 to index
      %get3A_137 = arith.constant 32 : index
      %get3A_138 = tpu.vector_load %arg5[%get3A_136, %get3A_137] {strides = array<i32>} : memref<32x64xf32, #tpu.memory_space<vmem>>, vector<16xf32>,
      %add3A_139 = arith.addf %add3A_119, %get3A_138 : vector<16xf32>
      %get3A_140 = arith.constant 6 : i32
      %get3A_141 = arith.index_cast %get3A_140 : i32 to index
      %get3A_142 = arith.constant 48 : index
      %get3A_143 = tpu.vector_load %arg5[%get3A_141, %get3A_142] {strides = array<i32>} : memref<32x64xf32, #tpu.memory_space<vmem>>, vector<16xf32>,
      %add3A_144 = arith.addf %add3A_124, %get3A_143 : vector<16xf32>
      %get3A_145 = arith.constant 7 : i32
      %get3A_146 = arith.index_cast %get3A_145 : i32 to index
      %get3A_147 = arith.constant 0 : index
      %get3A_148 = tpu.vector_load %arg5[%get3A_146, %get3A_147] {strides = array<i32>} : memref<32x64xf32, #tpu.memory_space<vmem>>, vector<16xf32>,
      %add3A_149 = arith.addf %add3A_129, %get3A_148 : vector<16xf32>
      %get3A_150 = arith.constant 7 : i32
      %get3A_151 = arith.index_cast %get3A_150 : i32 to index
      %get3A_152 = arith.constant 16 : index
      %get3A_153 = tpu.vector_load %arg5[%get3A_151, %get3A_152] {strides = array<i32>} : memref<32x64xf32, #tpu.memory_space<vmem>>, vector<16xf32>,
      %add3A_154 = arith.addf %add3A_134, %get3A_153 : vector<16xf32>
      %get3A_155 = arith.constant 7 : i32
      %get3A_156 = arith.index_cast %get3A_155 : i32 to index
      %get3A_157 = arith.constant 32 : index
      %get3A_158 = tpu.vector_load %arg5[%get3A_156, %get3A_157] {strides = array<i32>} : memref<32x64xf32, #tpu.memory_space<vmem>>, vector<16xf32>,
      %add3A_159 = arith.addf %add3A_139, %get3A_158 : vector<16xf32>
      %get3A_160 = arith.constant 7 : i32
      %get3A_161 = arith.index_cast %get3A_160 : i32 to index
      %get3A_162 = arith.constant 48 : index
      %get3A_163 = tpu.vector_load %arg5[%get3A_161, %get3A_162] {strides = array<i32>} : memref<32x64xf32, #tpu.memory_space<vmem>>, vector<16xf32>,
      %add3A_164 = arith.addf %add3A_144, %get3A_163 : vector<16xf32>
      %get3A_165 = arith.constant 8 : i32
      %get3A_166 = arith.index_cast %get3A_165 : i32 to index
      %get3A_167 = arith.constant 0 : index
      %get3A_168 = tpu.vector_load %arg5[%get3A_166, %get3A_167] {strides = array<i32>} : memref<32x64xf32, #tpu.memory_space<vmem>>, vector<16xf32>,
      %add3A_169 = arith.addf %add3A_149, %get3A_168 : vector<16xf32>
      %get3A_170 = arith.constant 8 : i32
      %get3A_171 = arith.index_cast %get3A_170 : i32 to index
      %get3A_172 = arith.constant 16 : index
      %get3A_173 = tpu.vector_load %arg5[%get3A_171, %get3A_172] {strides = array<i32>} : memref<32x64xf32, #tpu.memory_space<vmem>>, vector<16xf32>,
      %add3A_174 = arith.addf %add3A_154, %get3A_173 : vector<16xf32>
      %get3A_175 = arith.constant 8 : i32
      %get3A_176 = arith.index_cast %get3A_175 : i32 to index
      %get3A_177 = arith.constant 32 : index
      %get3A_178 = tpu.vector_load %arg5[%get3A_176, %get3A_177] {strides = array<i32>} : memref<32x64xf32, #tpu.memory_space<vmem>>, vector<16xf32>,
      %add3A_179 = arith.addf %add3A_159, %get3A_178 : vector<16xf32>
      %get3A_180 = arith.constant 8 : i32
      %get3A_181 = arith.index_cast %get3A_180 : i32 to index
      %get3A_182 = arith.constant 48 : index
      %get3A_183 = tpu.vector_load %arg5[%get3A_181, %get3A_182] {strides = array<i32>} : memref<32x64xf32, #tpu.memory_space<vmem>>, vector<16xf32>,
      %add3A_184 = arith.addf %add3A_164, %get3A_183 : vector<16xf32>
      %get3A_185 = arith.constant 9 : i32
      %get3A_186 = arith.index_cast %get3A_185 : i32 to index
      %get3A_187 = arith.constant 0 : index
      %get3A_188 = tpu.vector_load %arg5[%get3A_186, %get3A_187] {strides = array<i32>} : memref<32x64xf32, #tpu.memory_space<vmem>>, vector<16xf32>,
      %add3A_189 = arith.addf %add3A_169, %get3A_188 : vector<16xf32>
      %get3A_190 = arith.constant 9 : i32
      %get3A_191 = arith.index_cast %get3A_190 : i32 to index
      %get3A_192 = arith.constant 16 : index
      %get3A_193 = tpu.vector_load %arg5[%get3A_191, %get3A_192] {strides = array<i32>} : memref<32x64xf32, #tpu.memory_space<vmem>>, vector<16xf32>,
      %add3A_194 = arith.addf %add3A_174, %get3A_193 : vector<16xf32>
      %get3A_195 = arith.constant 9 : i32
      %get3A_196 = arith.index_cast %get3A_195 : i32 to index
      %get3A_197 = arith.constant 32 : index
      %get3A_198 = tpu.vector_load %arg5[%get3A_196, %get3A_197] {strides = array<i32>} : memref<32x64xf32, #tpu.memory_space<vmem>>, vector<16xf32>,
      %add3A_199 = arith.addf %add3A_179, %get3A_198 : vector<16xf32>
      %get3A_200 = arith.constant 9 : i32
      %get3A_201 = arith.index_cast %get3A_200 : i32 to index
      %get3A_202 = arith.constant 48 : index
      %get3A_203 = tpu.vector_load %arg5[%get3A_201, %get3A_202] {strides = array<i32>} : memref<32x64xf32, #tpu.memory_space<vmem>>, vector<16xf32>,
      %add3A_204 = arith.addf %add3A_184, %get3A_203 : vector<16xf32>
      %get3A_205 = arith.constant 10 : i32
      %get3A_206 = arith.index_cast %get3A_205 : i32 to index
      %get3A_207 = arith.constant 0 : index
      %get3A_208 = tpu.vector_load %arg5[%get3A_206, %get3A_207] {strides = array<i32>} : memref<32x64xf32, #tpu.memory_space<vmem>>, vector<16xf32>,
      %add3A_209 = arith.addf %add3A_189, %get3A_208 : vector<16xf32>
      %get3A_210 = arith.constant 10 : i32
      %get3A_211 = arith.index_cast %get3A_210 : i32 to index
      %get3A_212 = arith.constant 16 : index
      %get3A_213 = tpu.vector_load %arg5[%get3A_211, %get3A_212] {strides = array<i32>} : memref<32x64xf32, #tpu.memory_space<vmem>>, vector<16xf32>,
      %add3A_214 = arith.addf %add3A_194, %get3A_213 : vector<16xf32>
      %get3A_215 = arith.constant 10 : i32
      %get3A_216 = arith.index_cast %get3A_215 : i32 to index
      %get3A_217 = arith.constant 32 : index
      %get3A_218 = tpu.vector_load %arg5[%get3A_216, %get3A_217] {strides = array<i32>} : memref<32x64xf32, #tpu.memory_space<vmem>>, vector<16xf32>,
      %add3A_219 = arith.addf %add3A_199, %get3A_218 : vector<16xf32>
      %get3A_220 = arith.constant 10 : i32
      %get3A_221 = arith.index_cast %get3A_220 : i32 to index
      %get3A_222 = arith.constant 48 : index
      %get3A_223 = tpu.vector_load %arg5[%get3A_221, %get3A_222] {strides = array<i32>} : memref<32x64xf32, #tpu.memory_space<vmem>>, vector<16xf32>,
      %add3A_224 = arith.addf %add3A_204, %get3A_223 : vector<16xf32>
      %get3A_225 = arith.constant 11 : i32
      %get3A_226 = arith.index_cast %get3A_225 : i32 to index
      %get3A_227 = arith.constant 0 : index
      %get3A_228 = tpu.vector_load %arg5[%get3A_226, %get3A_227] {strides = array<i32>} : memref<32x64xf32, #tpu.memory_space<vmem>>, vector<16xf32>,
      %add3A_229 = arith.addf %add3A_209, %get3A_228 : vector<16xf32>
      %get3A_230 = arith.constant 11 : i32
      %get3A_231 = arith.index_cast %get3A_230 : i32 to index
      %get3A_232 = arith.constant 16 : index
      %get3A_233 = tpu.vector_load %arg5[%get3A_231, %get3A_232] {strides = array<i32>} : memref<32x64xf32, #tpu.memory_space<vmem>>, vector<16xf32>,
      %add3A_234 = arith.addf %add3A_214, %get3A_233 : vector<16xf32>
      %get3A_235 = arith.constant 11 : i32
      %get3A_236 = arith.index_cast %get3A_235 : i32 to index
      %get3A_237 = arith.constant 32 : index
      %get3A_238 = tpu.vector_load %arg5[%get3A_236, %get3A_237] {strides = array<i32>} : memref<32x64xf32, #tpu.memory_space<vmem>>, vector<16xf32>,
      %add3A_239 = arith.addf %add3A_219, %get3A_238 : vector<16xf32>
      %get3A_240 = arith.constant 11 : i32
      %get3A_241 = arith.index_cast %get3A_240 : i32 to index
      %get3A_242 = arith.constant 48 : index
      %get3A_243 = tpu.vector_load %arg5[%get3A_241, %get3A_242] {strides = array<i32>} : memref<32x64xf32, #tpu.memory_space<vmem>>, vector<16xf32>,
      %add3A_244 = arith.addf %add3A_224, %get3A_243 : vector<16xf32>
      %get3A_245 = arith.constant 12 : i32
      %get3A_246 = arith.index_cast %get3A_245 : i32 to index
      %get3A_247 = arith.constant 0 : index
      %get3A_248 = tpu.vector_load %arg5[%get3A_246, %get3A_247] {strides = array<i32>} : memref<32x64xf32, #tpu.memory_space<vmem>>, vector<16xf32>,
      %add3A_249 = arith.addf %add3A_229, %get3A_248 : vector<16xf32>
      %get3A_250 = arith.constant 12 : i32
      %get3A_251 = arith.index_cast %get3A_250 : i32 to index
      %get3A_252 = arith.constant 16 : index
      %get3A_253 = tpu.vector_load %arg5[%get3A_251, %get3A_252] {strides = array<i32>} : memref<32x64xf32, #tpu.memory_space<vmem>>, vector<16xf32>,
      %add3A_254 = arith.addf %add3A_234, %get3A_253 : vector<16xf32>
      %get3A_255 = arith.constant 12 : i32
      %get3A_256 = arith.index_cast %get3A_255 : i32 to index
      %get3A_257 = arith.constant 32 : index
      %get3A_258 = tpu.vector_load %arg5[%get3A_256, %get3A_257] {strides = array<i32>} : memref<32x64xf32, #tpu.memory_space<vmem>>, vector<16xf32>,
      %add3A_259 = arith.addf %add3A_239, %get3A_258 : vector<16xf32>
      %get3A_260 = arith.constant 12 : i32
      %get3A_261 = arith.index_cast %get3A_260 : i32 to index
      %get3A_262 = arith.constant 48 : index
      %get3A_263 = tpu.vector_load %arg5[%get3A_261, %get3A_262] {strides = array<i32>} : memref<32x64xf32, #tpu.memory_space<vmem>>, vector<16xf32>,
      %add3A_264 = arith.addf %add3A_244, %get3A_263 : vector<16xf32>
      %get3A_265 = arith.constant 13 : i32
      %get3A_266 = arith.index_cast %get3A_265 : i32 to index
      %get3A_267 = arith.constant 0 : index
      %get3A_268 = tpu.vector_load %arg5[%get3A_266, %get3A_267] {strides = array<i32>} : memref<32x64xf32, #tpu.memory_space<vmem>>, vector<16xf32>,
      %add3A_269 = arith.addf %add3A_249, %get3A_268 : vector<16xf32>
      %get3A_270 = arith.constant 13 : i32
      %get3A_271 = arith.index_cast %get3A_270 : i32 to index
      %get3A_272 = arith.constant 16 : index
      %get3A_273 = tpu.vector_load %arg5[%get3A_271, %get3A_272] {strides = array<i32>} : memref<32x64xf32, #tpu.memory_space<vmem>>, vector<16xf32>,
      %add3A_274 = arith.addf %add3A_254, %get3A_273 : vector<16xf32>
      %get3A_275 = arith.constant 13 : i32
      %get3A_276 = arith.index_cast %get3A_275 : i32 to index
      %get3A_277 = arith.constant 32 : index
      %get3A_278 = tpu.vector_load %arg5[%get3A_276, %get3A_277] {strides = array<i32>} : memref<32x64xf32, #tpu.memory_space<vmem>>, vector<16xf32>,
      %add3A_279 = arith.addf %add3A_259, %get3A_278 : vector<16xf32>
      %get3A_280 = arith.constant 13 : i32
      %get3A_281 = arith.index_cast %get3A_280 : i32 to index
      %get3A_282 = arith.constant 48 : index
      %get3A_283 = tpu.vector_load %arg5[%get3A_281, %get3A_282] {strides = array<i32>} : memref<32x64xf32, #tpu.memory_space<vmem>>, vector<16xf32>,
      %add3A_284 = arith.addf %add3A_264, %get3A_283 : vector<16xf32>
      %get3A_285 = arith.constant 14 : i32
      %get3A_286 = arith.index_cast %get3A_285 : i32 to index
      %get3A_287 = arith.constant 0 : index
      %get3A_288 = tpu.vector_load %arg5[%get3A_286, %get3A_287] {strides = array<i32>} : memref<32x64xf32, #tpu.memory_space<vmem>>, vector<16xf32>,
      %add3A_289 = arith.addf %add3A_269, %get3A_288 : vector<16xf32>
      %get3A_290 = arith.constant 14 : i32
      %get3A_291 = arith.index_cast %get3A_290 : i32 to index
      %get3A_292 = arith.constant 16 : index
      %get3A_293 = tpu.vector_load %arg5[%get3A_291, %get3A_292] {strides = array<i32>} : memref<32x64xf32, #tpu.memory_space<vmem>>, vector<16xf32>,
      %add3A_294 = arith.addf %add3A_274, %get3A_293 : vector<16xf32>
      %get3A_295 = arith.constant 14 : i32
      %get3A_296 = arith.index_cast %get3A_295 : i32 to index
      %get3A_297 = arith.constant 32 : index
      %get3A_298 = tpu.vector_load %arg5[%get3A_296, %get3A_297] {strides = array<i32>} : memref<32x64xf32, #tpu.memory_space<vmem>>, vector<16xf32>,
      %add3A_299 = arith.addf %add3A_279, %get3A_298 : vector<16xf32>
      %get3A_300 = arith.constant 14 : i32
      %get3A_301 = arith.index_cast %get3A_300 : i32 to index
      %get3A_302 = arith.constant 48 : index
      %get3A_303 = tpu.vector_load %arg5[%get3A_301, %get3A_302] {strides = array<i32>} : memref<32x64xf32, #tpu.memory_space<vmem>>, vector<16xf32>,
      %add3A_304 = arith.addf %add3A_284, %get3A_303 : vector<16xf32>
      %get3A_305 = arith.constant 15 : i32
      %get3A_306 = arith.index_cast %get3A_305 : i32 to index
      %get3A_307 = arith.constant 0 : index
      %get3A_308 = tpu.vector_load %arg5[%get3A_306, %get3A_307] {strides = array<i32>} : memref<32x64xf32, #tpu.memory_space<vmem>>, vector<16xf32>,
      %add3A_309 = arith.addf %add3A_289, %get3A_308 : vector<16xf32>
      %get3A_310 = arith.constant 15 : i32
      %get3A_311 = arith.index_cast %get3A_310 : i32 to index
      %get3A_312 = arith.constant 16 : index
      %get3A_313 = tpu.vector_load %arg5[%get3A_311, %get3A_312] {strides = array<i32>} : memref<32x64xf32, #tpu.memory_space<vmem>>, vector<16xf32>,
      %add3A_314 = arith.addf %add3A_294, %get3A_313 : vector<16xf32>
      %get3A_315 = arith.constant 15 : i32
      %get3A_316 = arith.index_cast %get3A_315 : i32 to index
      %get3A_317 = arith.constant 32 : index
      %get3A_318 = tpu.vector_load %arg5[%get3A_316, %get3A_317] {strides = array<i32>} : memref<32x64xf32, #tpu.memory_space<vmem>>, vector<16xf32>,
      %add3A_319 = arith.addf %add3A_299, %get3A_318 : vector<16xf32>
      %get3A_320 = arith.constant 15 : i32
      %get3A_321 = arith.index_cast %get3A_320 : i32 to index
      %get3A_322 = arith.constant 48 : index
      %get3A_323 = tpu.vector_load %arg5[%get3A_321, %get3A_322] {strides = array<i32>} : memref<32x64xf32, #tpu.memory_space<vmem>>, vector<16xf32>,
      %add3A_324 = arith.addf %add3A_304, %get3A_323 : vector<16xf32>
      %get3A_325 = arith.constant 16 : i32
      %get3A_326 = arith.index_cast %get3A_325 : i32 to index
      %get3A_327 = arith.constant 0 : index
      %get3A_328 = tpu.vector_load %arg5[%get3A_326, %get3A_327] {strides = array<i32>} : memref<32x64xf32, #tpu.memory_space<vmem>>, vector<16xf32>,
      %add3A_329 = arith.addf %add3A_309, %get3A_328 : vector<16xf32>
      %get3A_330 = arith.constant 16 : i32
      %get3A_331 = arith.index_cast %get3A_330 : i32 to index
      %get3A_332 = arith.constant 16 : index
      %get3A_333 = tpu.vector_load %arg5[%get3A_331, %get3A_332] {strides = array<i32>} : memref<32x64xf32, #tpu.memory_space<vmem>>, vector<16xf32>,
      %add3A_334 = arith.addf %add3A_314, %get3A_333 : vector<16xf32>
      %get3A_335 = arith.constant 16 : i32
      %get3A_336 = arith.index_cast %get3A_335 : i32 to index
      %get3A_337 = arith.constant 32 : index
      %get3A_338 = tpu.vector_load %arg5[%get3A_336, %get3A_337] {strides = array<i32>} : memref<32x64xf32, #tpu.memory_space<vmem>>, vector<16xf32>,
      %add3A_339 = arith.addf %add3A_319, %get3A_338 : vector<16xf32>
      %get3A_340 = arith.constant 16 : i32
      %get3A_341 = arith.index_cast %get3A_340 : i32 to index
      %get3A_342 = arith.constant 48 : index
      %get3A_343 = tpu.vector_load %arg5[%get3A_341, %get3A_342] {strides = array<i32>} : memref<32x64xf32, #tpu.memory_space<vmem>>, vector<16xf32>,
      %add3A_344 = arith.addf %add3A_324, %get3A_343 : vector<16xf32>
      %get3A_345 = arith.constant 17 : i32
      %get3A_346 = arith.index_cast %get3A_345 : i32 to index
      %get3A_347 = arith.constant 0 : index
      %get3A_348 = tpu.vector_load %arg5[%get3A_346, %get3A_347] {strides = array<i32>} : memref<32x64xf32, #tpu.memory_space<vmem>>, vector<16xf32>,
      %add3A_349 = arith.addf %add3A_329, %get3A_348 : vector<16xf32>
      %get3A_350 = arith.constant 17 : i32
      %get3A_351 = arith.index_cast %get3A_350 : i32 to index
      %get3A_352 = arith.constant 16 : index
      %get3A_353 = tpu.vector_load %arg5[%get3A_351, %get3A_352] {strides = array<i32>} : memref<32x64xf32, #tpu.memory_space<vmem>>, vector<16xf32>,
      %add3A_354 = arith.addf %add3A_334, %get3A_353 : vector<16xf32>
      %get3A_355 = arith.constant 17 : i32
      %get3A_356 = arith.index_cast %get3A_355 : i32 to index
      %get3A_357 = arith.constant 32 : index
      %get3A_358 = tpu.vector_load %arg5[%get3A_356, %get3A_357] {strides = array<i32>} : memref<32x64xf32, #tpu.memory_space<vmem>>, vector<16xf32>,
      %add3A_359 = arith.addf %add3A_339, %get3A_358 : vector<16xf32>
      %get3A_360 = arith.constant 17 : i32
      %get3A_361 = arith.index_cast %get3A_360 : i32 to index
      %get3A_362 = arith.constant 48 : index
      %get3A_363 = tpu.vector_load %arg5[%get3A_361, %get3A_362] {strides = array<i32>} : memref<32x64xf32, #tpu.memory_space<vmem>>, vector<16xf32>,
      %add3A_364 = arith.addf %add3A_344, %get3A_363 : vector<16xf32>
      %get3A_365 = arith.constant 18 : i32
      %get3A_366 = arith.index_cast %get3A_365 : i32 to index
      %get3A_367 = arith.constant 0 : index
      %get3A_368 = tpu.vector_load %arg5[%get3A_366, %get3A_367] {strides = array<i32>} : memref<32x64xf32, #tpu.memory_space<vmem>>, vector<16xf32>,
      %add3A_369 = arith.addf %add3A_349, %get3A_368 : vector<16xf32>
      %get3A_370 = arith.constant 18 : i32
      %get3A_371 = arith.index_cast %get3A_370 : i32 to index
      %get3A_372 = arith.constant 16 : index
      %get3A_373 = tpu.vector_load %arg5[%get3A_371, %get3A_372] {strides = array<i32>} : memref<32x64xf32, #tpu.memory_space<vmem>>, vector<16xf32>,
      %add3A_374 = arith.addf %add3A_354, %get3A_373 : vector<16xf32>
      %get3A_375 = arith.constant 18 : i32
      %get3A_376 = arith.index_cast %get3A_375 : i32 to index
      %get3A_377 = arith.constant 32 : index
      %get3A_378 = tpu.vector_load %arg5[%get3A_376, %get3A_377] {strides = array<i32>} : memref<32x64xf32, #tpu.memory_space<vmem>>, vector<16xf32>,
      %add3A_379 = arith.addf %add3A_359, %get3A_378 : vector<16xf32>
      %get3A_380 = arith.constant 18 : i32
      %get3A_381 = arith.index_cast %get3A_380 : i32 to index
      %get3A_382 = arith.constant 48 : index
      %get3A_383 = tpu.vector_load %arg5[%get3A_381, %get3A_382] {strides = array<i32>} : memref<32x64xf32, #tpu.memory_space<vmem>>, vector<16xf32>,
      %add3A_384 = arith.addf %add3A_364, %get3A_383 : vector<16xf32>
      %get3A_385 = arith.constant 19 : i32
      %get3A_386 = arith.index_cast %get3A_385 : i32 to index
      %get3A_387 = arith.constant 0 : index
      %get3A_388 = tpu.vector_load %arg5[%get3A_386, %get3A_387] {strides = array<i32>} : memref<32x64xf32, #tpu.memory_space<vmem>>, vector<16xf32>,
      %add3A_389 = arith.addf %add3A_369, %get3A_388 : vector<16xf32>
      %get3A_390 = arith.constant 19 : i32
      %get3A_391 = arith.index_cast %get3A_390 : i32 to index
      %get3A_392 = arith.constant 16 : index
      %get3A_393 = tpu.vector_load %arg5[%get3A_391, %get3A_392] {strides = array<i32>} : memref<32x64xf32, #tpu.memory_space<vmem>>, vector<16xf32>,
      %add3A_394 = arith.addf %add3A_374, %get3A_393 : vector<16xf32>
      %get3A_395 = arith.constant 19 : i32
      %get3A_396 = arith.index_cast %get3A_395 : i32 to index
      %get3A_397 = arith.constant 32 : index
      %get3A_398 = tpu.vector_load %arg5[%get3A_396, %get3A_397] {strides = array<i32>} : memref<32x64xf32, #tpu.memory_space<vmem>>, vector<16xf32>,
      %add3A_399 = arith.addf %add3A_379, %get3A_398 : vector<16xf32>
      %get3A_400 = arith.constant 19 : i32
      %get3A_401 = arith.index_cast %get3A_400 : i32 to index
      %get3A_402 = arith.constant 48 : index
      %get3A_403 = tpu.vector_load %arg5[%get3A_401, %get3A_402] {strides = array<i32>} : memref<32x64xf32, #tpu.memory_space<vmem>>, vector<16xf32>,
      %add3A_404 = arith.addf %add3A_384, %get3A_403 : vector<16xf32>
      %get3A_405 = arith.constant 20 : i32
      %get3A_406 = arith.index_cast %get3A_405 : i32 to index
      %get3A_407 = arith.constant 0 : index
      %get3A_408 = tpu.vector_load %arg5[%get3A_406, %get3A_407] {strides = array<i32>} : memref<32x64xf32, #tpu.memory_space<vmem>>, vector<16xf32>,
      %add3A_409 = arith.addf %add3A_389, %get3A_408 : vector<16xf32>
      %get3A_410 = arith.constant 20 : i32
      %get3A_411 = arith.index_cast %get3A_410 : i32 to index
      %get3A_412 = arith.constant 16 : index
      %get3A_413 = tpu.vector_load %arg5[%get3A_411, %get3A_412] {strides = array<i32>} : memref<32x64xf32, #tpu.memory_space<vmem>>, vector<16xf32>,
      %add3A_414 = arith.addf %add3A_394, %get3A_413 : vector<16xf32>
      %get3A_415 = arith.constant 20 : i32
      %get3A_416 = arith.index_cast %get3A_415 : i32 to index
      %get3A_417 = arith.constant 32 : index
      %get3A_418 = tpu.vector_load %arg5[%get3A_416, %get3A_417] {strides = array<i32>} : memref<32x64xf32, #tpu.memory_space<vmem>>, vector<16xf32>,
      %add3A_419 = arith.addf %add3A_399, %get3A_418 : vector<16xf32>
      %get3A_420 = arith.constant 20 : i32
      %get3A_421 = arith.index_cast %get3A_420 : i32 to index
      %get3A_422 = arith.constant 48 : index
      %get3A_423 = tpu.vector_load %arg5[%get3A_421, %get3A_422] {strides = array<i32>} : memref<32x64xf32, #tpu.memory_space<vmem>>, vector<16xf32>,
      %add3A_424 = arith.addf %add3A_404, %get3A_423 : vector<16xf32>
      %get3A_425 = arith.constant 21 : i32
      %get3A_426 = arith.index_cast %get3A_425 : i32 to index
      %get3A_427 = arith.constant 0 : index
      %get3A_428 = tpu.vector_load %arg5[%get3A_426, %get3A_427] {strides = array<i32>} : memref<32x64xf32, #tpu.memory_space<vmem>>, vector<16xf32>,
      %add3A_429 = arith.addf %add3A_409, %get3A_428 : vector<16xf32>
      %get3A_430 = arith.constant 21 : i32
      %get3A_431 = arith.index_cast %get3A_430 : i32 to index
      %get3A_432 = arith.constant 16 : index
      %get3A_433 = tpu.vector_load %arg5[%get3A_431, %get3A_432] {strides = array<i32>} : memref<32x64xf32, #tpu.memory_space<vmem>>, vector<16xf32>,
      %add3A_434 = arith.addf %add3A_414, %get3A_433 : vector<16xf32>
      %get3A_435 = arith.constant 21 : i32
      %get3A_436 = arith.index_cast %get3A_435 : i32 to index
      %get3A_437 = arith.constant 32 : index
      %get3A_438 = tpu.vector_load %arg5[%get3A_436, %get3A_437] {strides = array<i32>} : memref<32x64xf32, #tpu.memory_space<vmem>>, vector<16xf32>,
      %add3A_439 = arith.addf %add3A_419, %get3A_438 : vector<16xf32>
      %get3A_440 = arith.constant 21 : i32
      %get3A_441 = arith.index_cast %get3A_440 : i32 to index
      %get3A_442 = arith.constant 48 : index
      %get3A_443 = tpu.vector_load %arg5[%get3A_441, %get3A_442] {strides = array<i32>} : memref<32x64xf32, #tpu.memory_space<vmem>>, vector<16xf32>,
      %add3A_444 = arith.addf %add3A_424, %get3A_443 : vector<16xf32>
      %get3A_445 = arith.constant 22 : i32
      %get3A_446 = arith.index_cast %get3A_445 : i32 to index
      %get3A_447 = arith.constant 0 : index
      %get3A_448 = tpu.vector_load %arg5[%get3A_446, %get3A_447] {strides = array<i32>} : memref<32x64xf32, #tpu.memory_space<vmem>>, vector<16xf32>,
      %add3A_449 = arith.addf %add3A_429, %get3A_448 : vector<16xf32>
      %get3A_450 = arith.constant 22 : i32
      %get3A_451 = arith.index_cast %get3A_450 : i32 to index
      %get3A_452 = arith.constant 16 : index
      %get3A_453 = tpu.vector_load %arg5[%get3A_451, %get3A_452] {strides = array<i32>} : memref<32x64xf32, #tpu.memory_space<vmem>>, vector<16xf32>,
      %add3A_454 = arith.addf %add3A_434, %get3A_453 : vector<16xf32>
      %get3A_455 = arith.constant 22 : i32
      %get3A_456 = arith.index_cast %get3A_455 : i32 to index
      %get3A_457 = arith.constant 32 : index
      %get3A_458 = tpu.vector_load %arg5[%get3A_456, %get3A_457] {strides = array<i32>} : memref<32x64xf32, #tpu.memory_space<vmem>>, vector<16xf32>,
      %add3A_459 = arith.addf %add3A_439, %get3A_458 : vector<16xf32>
      %get3A_460 = arith.constant 22 : i32
      %get3A_461 = arith.index_cast %get3A_460 : i32 to index
      %get3A_462 = arith.constant 48 : index
      %get3A_463 = tpu.vector_load %arg5[%get3A_461, %get3A_462] {strides = array<i32>} : memref<32x64xf32, #tpu.memory_space<vmem>>, vector<16xf32>,
      %add3A_464 = arith.addf %add3A_444, %get3A_463 : vector<16xf32>
      %get3A_465 = arith.constant 23 : i32
      %get3A_466 = arith.index_cast %get3A_465 : i32 to index
      %get3A_467 = arith.constant 0 : index
      %get3A_468 = tpu.vector_load %arg5[%get3A_466, %get3A_467] {strides = array<i32>} : memref<32x64xf32, #tpu.memory_space<vmem>>, vector<16xf32>,
      %add3A_469 = arith.addf %add3A_449, %get3A_468 : vector<16xf32>
      %get3A_470 = arith.constant 23 : i32
      %get3A_471 = arith.index_cast %get3A_470 : i32 to index
      %get3A_472 = arith.constant 16 : index
      %get3A_473 = tpu.vector_load %arg5[%get3A_471, %get3A_472] {strides = array<i32>} : memref<32x64xf32, #tpu.memory_space<vmem>>, vector<16xf32>,
      %add3A_474 = arith.addf %add3A_454, %get3A_473 : vector<16xf32>
      %get3A_475 = arith.constant 23 : i32
      %get3A_476 = arith.index_cast %get3A_475 : i32 to index
      %get3A_477 = arith.constant 32 : index
      %get3A_478 = tpu.vector_load %arg5[%get3A_476, %get3A_477] {strides = array<i32>} : memref<32x64xf32, #tpu.memory_space<vmem>>, vector<16xf32>,
      %add3A_479 = arith.addf %add3A_459, %get3A_478 : vector<16xf32>
      %get3A_480 = arith.constant 23 : i32
      %get3A_481 = arith.index_cast %get3A_480 : i32 to index
      %get3A_482 = arith.constant 48 : index
      %get3A_483 = tpu.vector_load %arg5[%get3A_481, %get3A_482] {strides = array<i32>} : memref<32x64xf32, #tpu.memory_space<vmem>>, vector<16xf32>,
      %add3A_484 = arith.addf %add3A_464, %get3A_483 : vector<16xf32>
      %get3A_485 = arith.constant 24 : i32
      %get3A_486 = arith.index_cast %get3A_485 : i32 to index
      %get3A_487 = arith.constant 0 : index
      %get3A_488 = tpu.vector_load %arg5[%get3A_486, %get3A_487] {strides = array<i32>} : memref<32x64xf32, #tpu.memory_space<vmem>>, vector<16xf32>,
      %add3A_489 = arith.addf %add3A_469, %get3A_488 : vector<16xf32>
      %get3A_490 = arith.constant 24 : i32
      %get3A_491 = arith.index_cast %get3A_490 : i32 to index
      %get3A_492 = arith.constant 16 : index
      %get3A_493 = tpu.vector_load %arg5[%get3A_491, %get3A_492] {strides = array<i32>} : memref<32x64xf32, #tpu.memory_space<vmem>>, vector<16xf32>,
      %add3A_494 = arith.addf %add3A_474, %get3A_493 : vector<16xf32>
      %get3A_495 = arith.constant 24 : i32
      %get3A_496 = arith.index_cast %get3A_495 : i32 to index
      %get3A_497 = arith.constant 32 : index
      %get3A_498 = tpu.vector_load %arg5[%get3A_496, %get3A_497] {strides = array<i32>} : memref<32x64xf32, #tpu.memory_space<vmem>>, vector<16xf32>,
      %add3A_499 = arith.addf %add3A_479, %get3A_498 : vector<16xf32>
      %get3A_500 = arith.constant 24 : i32
      %get3A_501 = arith.index_cast %get3A_500 : i32 to index
      %get3A_502 = arith.constant 48 : index
      %get3A_503 = tpu.vector_load %arg5[%get3A_501, %get3A_502] {strides = array<i32>} : memref<32x64xf32, #tpu.memory_space<vmem>>, vector<16xf32>,
      %add3A_504 = arith.addf %add3A_484, %get3A_503 : vector<16xf32>
      %get3A_505 = arith.constant 25 : i32
      %get3A_506 = arith.index_cast %get3A_505 : i32 to index
      %get3A_507 = arith.constant 0 : index
      %get3A_508 = tpu.vector_load %arg5[%get3A_506, %get3A_507] {strides = array<i32>} : memref<32x64xf32, #tpu.memory_space<vmem>>, vector<16xf32>,
      %add3A_509 = arith.addf %add3A_489, %get3A_508 : vector<16xf32>
      %get3A_510 = arith.constant 25 : i32
      %get3A_511 = arith.index_cast %get3A_510 : i32 to index
      %get3A_512 = arith.constant 16 : index
      %get3A_513 = tpu.vector_load %arg5[%get3A_511, %get3A_512] {strides = array<i32>} : memref<32x64xf32, #tpu.memory_space<vmem>>, vector<16xf32>,
      %add3A_514 = arith.addf %add3A_494, %get3A_513 : vector<16xf32>
      %get3A_515 = arith.constant 25 : i32
      %get3A_516 = arith.index_cast %get3A_515 : i32 to index
      %get3A_517 = arith.constant 32 : index
      %get3A_518 = tpu.vector_load %arg5[%get3A_516, %get3A_517] {strides = array<i32>} : memref<32x64xf32, #tpu.memory_space<vmem>>, vector<16xf32>,
      %add3A_519 = arith.addf %add3A_499, %get3A_518 : vector<16xf32>
      %get3A_520 = arith.constant 25 : i32
      %get3A_521 = arith.index_cast %get3A_520 : i32 to index
      %get3A_522 = arith.constant 48 : index
      %get3A_523 = tpu.vector_load %arg5[%get3A_521, %get3A_522] {strides = array<i32>} : memref<32x64xf32, #tpu.memory_space<vmem>>, vector<16xf32>,
      %add3A_524 = arith.addf %add3A_504, %get3A_523 : vector<16xf32>
      %get3A_525 = arith.constant 26 : i32
      %get3A_526 = arith.index_cast %get3A_525 : i32 to index
      %get3A_527 = arith.constant 0 : index
      %get3A_528 = tpu.vector_load %arg5[%get3A_526, %get3A_527] {strides = array<i32>} : memref<32x64xf32, #tpu.memory_space<vmem>>, vector<16xf32>,
      %add3A_529 = arith.addf %add3A_509, %get3A_528 : vector<16xf32>
      %get3A_530 = arith.constant 26 : i32
      %get3A_531 = arith.index_cast %get3A_530 : i32 to index
      %get3A_532 = arith.constant 16 : index
      %get3A_533 = tpu.vector_load %arg5[%get3A_531, %get3A_532] {strides = array<i32>} : memref<32x64xf32, #tpu.memory_space<vmem>>, vector<16xf32>,
      %add3A_534 = arith.addf %add3A_514, %get3A_533 : vector<16xf32>
      %get3A_535 = arith.constant 26 : i32
      %get3A_536 = arith.index_cast %get3A_535 : i32 to index
      %get3A_537 = arith.constant 32 : index
      %get3A_538 = tpu.vector_load %arg5[%get3A_536, %get3A_537] {strides = array<i32>} : memref<32x64xf32, #tpu.memory_space<vmem>>, vector<16xf32>,
      %add3A_539 = arith.addf %add3A_519, %get3A_538 : vector<16xf32>
      %get3A_540 = arith.constant 26 : i32
      %get3A_541 = arith.index_cast %get3A_540 : i32 to index
      %get3A_542 = arith.constant 48 : index
      %get3A_543 = tpu.vector_load %arg5[%get3A_541, %get3A_542] {strides = array<i32>} : memref<32x64xf32, #tpu.memory_space<vmem>>, vector<16xf32>,
      %add3A_544 = arith.addf %add3A_524, %get3A_543 : vector<16xf32>
      %get3A_545 = arith.constant 27 : i32
      %get3A_546 = arith.index_cast %get3A_545 : i32 to index
      %get3A_547 = arith.constant 0 : index
      %get3A_548 = tpu.vector_load %arg5[%get3A_546, %get3A_547] {strides = array<i32>} : memref<32x64xf32, #tpu.memory_space<vmem>>, vector<16xf32>,
      %add3A_549 = arith.addf %add3A_529, %get3A_548 : vector<16xf32>
      %get3A_550 = arith.constant 27 : i32
      %get3A_551 = arith.index_cast %get3A_550 : i32 to index
      %get3A_552 = arith.constant 16 : index
      %get3A_553 = tpu.vector_load %arg5[%get3A_551, %get3A_552] {strides = array<i32>} : memref<32x64xf32, #tpu.memory_space<vmem>>, vector<16xf32>,
      %add3A_554 = arith.addf %add3A_534, %get3A_553 : vector<16xf32>
      %get3A_555 = arith.constant 27 : i32
      %get3A_556 = arith.index_cast %get3A_555 : i32 to index
      %get3A_557 = arith.constant 32 : index
      %get3A_558 = tpu.vector_load %arg5[%get3A_556, %get3A_557] {strides = array<i32>} : memref<32x64xf32, #tpu.memory_space<vmem>>, vector<16xf32>,
      %add3A_559 = arith.addf %add3A_539, %get3A_558 : vector<16xf32>
      %get3A_560 = arith.constant 27 : i32
      %get3A_561 = arith.index_cast %get3A_560 : i32 to index
      %get3A_562 = arith.constant 48 : index
      %get3A_563 = tpu.vector_load %arg5[%get3A_561, %get3A_562] {strides = array<i32>} : memref<32x64xf32, #tpu.memory_space<vmem>>, vector<16xf32>,
      %add3A_564 = arith.addf %add3A_544, %get3A_563 : vector<16xf32>
      %get3A_565 = arith.constant 28 : i32
      %get3A_566 = arith.index_cast %get3A_565 : i32 to index
      %get3A_567 = arith.constant 0 : index
      %get3A_568 = tpu.vector_load %arg5[%get3A_566, %get3A_567] {strides = array<i32>} : memref<32x64xf32, #tpu.memory_space<vmem>>, vector<16xf32>,
      %add3A_569 = arith.addf %add3A_549, %get3A_568 : vector<16xf32>
      %get3A_570 = arith.constant 28 : i32
      %get3A_571 = arith.index_cast %get3A_570 : i32 to index
      %get3A_572 = arith.constant 16 : index
      %get3A_573 = tpu.vector_load %arg5[%get3A_571, %get3A_572] {strides = array<i32>} : memref<32x64xf32, #tpu.memory_space<vmem>>, vector<16xf32>,
      %add3A_574 = arith.addf %add3A_554, %get3A_573 : vector<16xf32>
      %get3A_575 = arith.constant 28 : i32
      %get3A_576 = arith.index_cast %get3A_575 : i32 to index
      %get3A_577 = arith.constant 32 : index
      %get3A_578 = tpu.vector_load %arg5[%get3A_576, %get3A_577] {strides = array<i32>} : memref<32x64xf32, #tpu.memory_space<vmem>>, vector<16xf32>,
      %add3A_579 = arith.addf %add3A_559, %get3A_578 : vector<16xf32>
      %get3A_580 = arith.constant 28 : i32
      %get3A_581 = arith.index_cast %get3A_580 : i32 to index
      %get3A_582 = arith.constant 48 : index
      %get3A_583 = tpu.vector_load %arg5[%get3A_581, %get3A_582] {strides = array<i32>} : memref<32x64xf32, #tpu.memory_space<vmem>>, vector<16xf32>,
      %add3A_584 = arith.addf %add3A_564, %get3A_583 : vector<16xf32>
      %get3A_585 = arith.constant 29 : i32
      %get3A_586 = arith.index_cast %get3A_585 : i32 to index
      %get3A_587 = arith.constant 0 : index
      %get3A_588 = tpu.vector_load %arg5[%get3A_586, %get3A_587] {strides = array<i32>} : memref<32x64xf32, #tpu.memory_space<vmem>>, vector<16xf32>,
      %add3A_589 = arith.addf %add3A_569, %get3A_588 : vector<16xf32>
      %get3A_590 = arith.constant 29 : i32
      %get3A_591 = arith.index_cast %get3A_590 : i32 to index
      %get3A_592 = arith.constant 16 : index
      %get3A_593 = tpu.vector_load %arg5[%get3A_591, %get3A_592] {strides = array<i32>} : memref<32x64xf32, #tpu.memory_space<vmem>>, vector<16xf32>,
      %add3A_594 = arith.addf %add3A_574, %get3A_593 : vector<16xf32>
      %get3A_595 = arith.constant 29 : i32
      %get3A_596 = arith.index_cast %get3A_595 : i32 to index
      %get3A_597 = arith.constant 32 : index
      %get3A_598 = tpu.vector_load %arg5[%get3A_596, %get3A_597] {strides = array<i32>} : memref<32x64xf32, #tpu.memory_space<vmem>>, vector<16xf32>,
      %add3A_599 = arith.addf %add3A_579, %get3A_598 : vector<16xf32>
      %get3A_600 = arith.constant 29 : i32
      %get3A_601 = arith.index_cast %get3A_600 : i32 to index
      %get3A_602 = arith.constant 48 : index
      %get3A_603 = tpu.vector_load %arg5[%get3A_601, %get3A_602] {strides = array<i32>} : memref<32x64xf32, #tpu.memory_space<vmem>>, vector<16xf32>,
      %add3A_604 = arith.addf %add3A_584, %get3A_603 : vector<16xf32>
      %get3A_605 = arith.constant 30 : i32
      %get3A_606 = arith.index_cast %get3A_605 : i32 to index
      %get3A_607 = arith.constant 0 : index
      %get3A_608 = tpu.vector_load %arg5[%get3A_606, %get3A_607] {strides = array<i32>} : memref<32x64xf32, #tpu.memory_space<vmem>>, vector<16xf32>,
      %add3A_609 = arith.addf %add3A_589, %get3A_608 : vector<16xf32>
      %get3A_610 = arith.constant 30 : i32
      %get3A_611 = arith.index_cast %get3A_610 : i32 to index
      %get3A_612 = arith.constant 16 : index
      %get3A_613 = tpu.vector_load %arg5[%get3A_611, %get3A_612] {strides = array<i32>} : memref<32x64xf32, #tpu.memory_space<vmem>>, vector<16xf32>,
      %add3A_614 = arith.addf %add3A_594, %get3A_613 : vector<16xf32>
      %get3A_615 = arith.constant 30 : i32
      %get3A_616 = arith.index_cast %get3A_615 : i32 to index
      %get3A_617 = arith.constant 32 : index
      %get3A_618 = tpu.vector_load %arg5[%get3A_616, %get3A_617] {strides = array<i32>} : memref<32x64xf32, #tpu.memory_space<vmem>>, vector<16xf32>,
      %add3A_619 = arith.addf %add3A_599, %get3A_618 : vector<16xf32>
      %get3A_620 = arith.constant 30 : i32
      %get3A_621 = arith.index_cast %get3A_620 : i32 to index
      %get3A_622 = arith.constant 48 : index
      %get3A_623 = tpu.vector_load %arg5[%get3A_621, %get3A_622] {strides = array<i32>} : memref<32x64xf32, #tpu.memory_space<vmem>>, vector<16xf32>,
      %add3A_624 = arith.addf %add3A_604, %get3A_623 : vector<16xf32>
      %get3A_625 = arith.constant 31 : i32
      %get3A_626 = arith.index_cast %get3A_625 : i32 to index
      %get3A_627 = arith.constant 0 : index
      %get3A_628 = tpu.vector_load %arg5[%get3A_626, %get3A_627] {strides = array<i32>} : memref<32x64xf32, #tpu.memory_space<vmem>>, vector<16xf32>,
      %add3A_629 = arith.addf %add3A_609, %get3A_628 : vector<16xf32>
      %get3A_630 = arith.constant 31 : i32
      %get3A_631 = arith.index_cast %get3A_630 : i32 to index
      %get3A_632 = arith.constant 16 : index
      %get3A_633 = tpu.vector_load %arg5[%get3A_631, %get3A_632] {strides = array<i32>} : memref<32x64xf32, #tpu.memory_space<vmem>>, vector<16xf32>,
      %add3A_634 = arith.addf %add3A_614, %get3A_633 : vector<16xf32>
      %get3A_635 = arith.constant 31 : i32
      %get3A_636 = arith.index_cast %get3A_635 : i32 to index
      %get3A_637 = arith.constant 32 : index
      %get3A_638 = tpu.vector_load %arg5[%get3A_636, %get3A_637] {strides = array<i32>} : memref<32x64xf32, #tpu.memory_space<vmem>>, vector<16xf32>,
      %add3A_639 = arith.addf %add3A_619, %get3A_638 : vector<16xf32>
      %get3A_640 = arith.constant 31 : i32
      %get3A_641 = arith.index_cast %get3A_640 : i32 to index
      %get3A_642 = arith.constant 48 : index
      %get3A_643 = tpu.vector_load %arg5[%get3A_641, %get3A_642] {strides = array<i32>} : memref<32x64xf32, #tpu.memory_space<vmem>>, vector<16xf32>,
      %add3A_644 = arith.addf %add3A_624, %get3A_643 : vector<16xf32>
      %max3A = arith.constant 1.000000e+00 : f32
      %max3A_645 = vector.broadcast %max3A : f32 to vector<16xf32>
      %max3A_646 = arith.maximumf %add3A_634, %max3A_645 : vector<16xf32>
      %mul3A_647 = vector.broadcast %squeeze3A : f32 to vector<16xf32>
      %mul3A_648 = arith.mulf %add3A_634, %mul3A_647 : vector<16xf32>
      %div3A = arith.divf %add3A_639, %max3A_646 : vector<16xf32>
      %div3A_649 = arith.divf %add3A_644, %max3A_646 : vector<16xf32>
      %sub3A = arith.subf %div3A, %div3A_649 : vector<16xf32>
      %abs3A = math.absf %sub3A : vector<16xf32>
      %mul3A_650 = arith.mulf %mul3A_648, %abs3A : vector<16xf32>
      %gt3A = arith.constant 0.000000e+00 : f32
      %gt3A_651 = vector.broadcast %gt3A : f32 to vector<16xf32>
      %gt3A_652 = arith.cmpf ogt, %add3A_634, %gt3A_651 : vector<16xf32>
      %jit3A = arith.constant 0.000000e+00 : f32
      %broadcast_in_dim3A_653 = vector.broadcast %jit3A : f32 to vector<16xf32>
      %select_n3A = arith.select %gt3A_652, %mul3A_650, %broadcast_in_dim3A_653 : vector<16xi1>, vector<16xf32>
      %reduce_sum3A = arith.constant true
      %reduce_sum3A_654 = vector.broadcast %reduce_sum3A : i1 to vector<16xi1>
      %reduce_sum3A_655 = tpu.scan <sum>, %select_n3A masked %reduce_sum3A_654 : vector<16xf32>, vector<16xi1> -> vector<16xf32>
      %reduce_sum3A_656 = vector.extract %reduce_sum3A_655[15] : f32 from vector<16xf32>
      %broadcast_in_dim3A_657 = vector.broadcast %reduce_sum3A_656 : f32 to vector<16xf32>
      %reduce_sum3A_658 = arith.constant true
      %reduce_sum3A_659 = vector.broadcast %reduce_sum3A_658 : i1 to vector<16xi1>
      %reduce_sum3A_660 = tpu.scan <sum>, %add3A_629 masked %reduce_sum3A_659 : vector<16xf32>, vector<16xi1> -> vector<16xf32>
      %reduce_sum3A_661 = vector.extract %reduce_sum3A_660[15] : f32 from vector<16xf32>
      %broadcast_in_dim3A_662 = vector.broadcast %reduce_sum3A_661 : f32 to vector<16xf32>
      %mul3A_663 = vector.broadcast %squeeze3A : f32 to vector<16xf32>
      %mul3A_664 = arith.mulf %broadcast_in_dim3A_662, %mul3A_663 : vector<16xf32>
      %mul3A_665 = arith.constant 1.000000e-03 : f32
      %mul3A_666 = vector.broadcast %mul3A_665 : f32 to vector<16xf32>
      %mul3A_667 = arith.mulf %mul3A_666, %broadcast_in_dim3A_657 : vector<16xf32>
      %add3A_668 = arith.addf %mul3A_664, %mul3A_667 : vector<16xf32>
      %swap3A = arith.constant 0 : index
      %swap3A_669 = tpu.vector_load %arg6[%swap3A] {strides = array<i32>} : memref<16xf32, #tpu.memory_space<vmem>>, vector<16xf32>,
      tpu.vector_store %arg6[%swap3A], %add3A_668 {strides = array<i32>} : memref<16xf32, #tpu.memory_space<vmem>>, vector<16xf32>,
      "tpu.region"() ({
        %run_scoped3A = tpu.sem_alloc : memref<!tpu.dma_semaphore, #tpu.memory_space<semaphore_mem>>
        tpu.enqueue_dma source(%arg6 : memref<16xf32, #tpu.memory_space<vmem>>) target(%arg4 : memref<16xf32, #tpu.memory_space<hbm>>) target_semaphore(%run_scoped3A : memref<!tpu.dma_semaphore, #tpu.memory_space<semaphore_mem>>)
        tpu.wait_dma2 semaphore(%run_scoped3A : memref<!tpu.dma_semaphore, #tpu.memory_space<semaphore_mem>>) src(%arg6 : memref<16xf32, #tpu.memory_space<vmem>>) dst(%arg4 : memref<16xf32, #tpu.memory_space<hbm>>)
        tpu.yield
      }) : () -> ()
    } else {
    }
    return
  }
}

#map = affine_map<(d0, d1) -> (0)>
#map1 = affine_map<(d0, d1) -> (0, 0)>
module attributes {stable_mosaic.version = 14 : i64} {
  func.func @acc_kernel(%arg0: i32, %arg1: i32, %arg2: memref<8000000xf32, #tpu.memory_space<hbm>>, %arg3: memref<8000000xf32, #tpu.memory_space<hbm>>, %arg4: memref<8000000xf32, #tpu.memory_space<hbm>>, %arg5: memref<8000000xf32, #tpu.memory_space<hbm>>, %arg6: memref<8000000xi32, #tpu.memory_space<hbm>>, %arg7: memref<32xf32, #tpu.memory_space<hbm>>, %arg8: memref<32x64xf32, #tpu.memory_space<hbm>>, %arg9: memref<20000xf32, #tpu.memory_space<vmem>>, %arg10: memref<20000xf32, #tpu.memory_space<vmem>>, %arg11: memref<20000xf32, #tpu.memory_space<vmem>>, %arg12: memref<20000xf32, #tpu.memory_space<vmem>>, %arg13: memref<20000xi32, #tpu.memory_space<vmem>>, %arg14: memref<32xf32, #tpu.memory_space<vmem>>, %arg15: memref<16xf32, #tpu.memory_space<vmem>>, %arg16: memref<16xf32, #tpu.memory_space<vmem>>, %arg17: memref<16xf32, #tpu.memory_space<vmem>>, %arg18: memref<64xf32, #tpu.memory_space<vmem>>, %arg19: memref<!tpu.dma_semaphore, #tpu.memory_space<semaphore_mem>>, %arg20: memref<!tpu.dma_semaphore, #tpu.memory_space<semaphore_mem>>) attributes {dimension_semantics = [#tpu.dimension_semantics<core_parallel>, #tpu.dimension_semantics<subcore_parallel>], iteration_bounds = array<i64: 2, 16>, scalar_prefetch = 0 : i64, scratch_operands = 12 : i64, tpu.core_type = #tpu.core_type<sc_vector_subcore>, window_params = [{transform_indices = #map}, {transform_indices = #map}, {transform_indices = #map}, {transform_indices = #map}, {transform_indices = #map}, {transform_indices = #map}, {transform_indices = #map1}]} {
    %mul3A = arith.constant 2 : i32
    %mul3A_0 = arith.muli %arg1, %mul3A : i32
    %add3A = arith.addi %mul3A_0, %arg0 : i32
    %mul3A_1 = arith.constant 250000 : i32
    %mul3A_2 = arith.muli %add3A, %mul3A_1 : i32
    "tpu.region"() ({
      %run_scoped3A = tpu.sem_alloc : memref<!tpu.dma_semaphore, #tpu.memory_space<semaphore_mem>>
      tpu.enqueue_dma source(%arg7 : memref<32xf32, #tpu.memory_space<hbm>>) target(%arg14 : memref<32xf32, #tpu.memory_space<vmem>>) target_semaphore(%run_scoped3A : memref<!tpu.dma_semaphore, #tpu.memory_space<semaphore_mem>>)
      tpu.wait_dma2 semaphore(%run_scoped3A : memref<!tpu.dma_semaphore, #tpu.memory_space<semaphore_mem>>) src(%arg7 : memref<32xf32, #tpu.memory_space<hbm>>) dst(%arg14 : memref<32xf32, #tpu.memory_space<vmem>>)
      tpu.yield
    }) : () -> ()
    %broadcast_in_dim3A = arith.constant 0.000000e+00 : f32
    %broadcast_in_dim3A_3 = vector.broadcast %broadcast_in_dim3A : f32 to vector<16xf32>
    %swap3A = arith.constant 0 : index
    %swap3A_4 = tpu.vector_load %arg15[%swap3A] {strides = array<i32>} : memref<16xf32, #tpu.memory_space<vmem>>, vector<16xf32>,
    tpu.vector_store %arg15[%swap3A], %broadcast_in_dim3A_3 {strides = array<i32>} : memref<16xf32, #tpu.memory_space<vmem>>, vector<16xf32>,
    %swap3A_5 = arith.constant 0 : index
    %swap3A_6 = tpu.vector_load %arg16[%swap3A_5] {strides = array<i32>} : memref<16xf32, #tpu.memory_space<vmem>>, vector<16xf32>,
    tpu.vector_store %arg16[%swap3A_5], %broadcast_in_dim3A_3 {strides = array<i32>} : memref<16xf32, #tpu.memory_space<vmem>>, vector<16xf32>,
    %swap3A_7 = arith.constant 0 : index
    %swap3A_8 = tpu.vector_load %arg17[%swap3A_7] {strides = array<i32>} : memref<16xf32, #tpu.memory_space<vmem>>, vector<16xf32>,
    tpu.vector_store %arg17[%swap3A_7], %broadcast_in_dim3A_3 {strides = array<i32>} : memref<16xf32, #tpu.memory_space<vmem>>, vector<16xf32>,
    %get3A = arith.constant 0 : index
    %get3A_9 = tpu.vector_load %arg14[%get3A] {strides = array<i32>} : memref<32xf32, #tpu.memory_space<vmem>>, vector<16xf32>,
    %get3A_10 = arith.constant 16 : index
    %get3A_11 = tpu.vector_load %arg14[%get3A_10] {strides = array<i32>} : memref<32xf32, #tpu.memory_space<vmem>>, vector<16xf32>,
    %broadcast_in_dim3A_12 = arith.constant 1.000000e+00 : f32
    %broadcast_in_dim3A_13 = vector.broadcast %broadcast_in_dim3A_12 : f32 to vector<16xf32>
    %add3A_14 = arith.constant 0 : i32
    %add3A_15 = arith.addi %mul3A_2, %add3A_14 : i32
    %dma_start3A = arith.constant 0 : i32
    %dma_start3A_16 = tpu.memref_slice %arg9[%dma_start3A] : memref<20000xf32, #tpu.memory_space<vmem>> -> memref<10000xf32, #tpu.memory_space<vmem>>
    %dma_start3A_17 = tpu.memref_slice %arg2[%add3A_15] : memref<8000000xf32, #tpu.memory_space<hbm>> -> memref<10000xf32, #tpu.memory_space<hbm>>
    %dma_start3A_18 = arith.constant 0 : i32
    %dma_start3A_19 = tpu.memref_slice %arg9[%dma_start3A_18] : memref<20000xf32, #tpu.memory_space<vmem>> -> memref<10000xf32, #tpu.memory_space<vmem>>
    %dma_start3A_20 = tpu.memref_slice %arg2[%add3A_15] : memref<8000000xf32, #tpu.memory_space<hbm>> -> memref<10000xf32, #tpu.memory_space<hbm>>
    tpu.enqueue_dma source(%dma_start3A_20 : memref<10000xf32, #tpu.memory_space<hbm>>) target(%dma_start3A_19 : memref<10000xf32, #tpu.memory_space<vmem>>) target_semaphore(%arg19 : memref<!tpu.dma_semaphore, #tpu.memory_space<semaphore_mem>>)
    %dma_start3A_21 = arith.constant 0 : i32
    %dma_start3A_22 = tpu.memref_slice %arg10[%dma_start3A_21] : memref<20000xf32, #tpu.memory_space<vmem>> -> memref<10000xf32, #tpu.memory_space<vmem>>
    %dma_start3A_23 = tpu.memref_slice %arg3[%add3A_15] : memref<8000000xf32, #tpu.memory_space<hbm>> -> memref<10000xf32, #tpu.memory_space<hbm>>
    %dma_start3A_24 = arith.constant 0 : i32
    %dma_start3A_25 = tpu.memref_slice %arg10[%dma_start3A_24] : memref<20000xf32, #tpu.memory_space<vmem>> -> memref<10000xf32, #tpu.memory_space<vmem>>
    %dma_start3A_26 = tpu.memref_slice %arg3[%add3A_15] : memref<8000000xf32, #tpu.memory_space<hbm>> -> memref<10000xf32, #tpu.memory_space<hbm>>
    tpu.enqueue_dma source(%dma_start3A_26 : memref<10000xf32, #tpu.memory_space<hbm>>) target(%dma_start3A_25 : memref<10000xf32, #tpu.memory_space<vmem>>) target_semaphore(%arg19 : memref<!tpu.dma_semaphore, #tpu.memory_space<semaphore_mem>>)
    %dma_start3A_27 = arith.constant 0 : i32
    %dma_start3A_28 = tpu.memref_slice %arg11[%dma_start3A_27] : memref<20000xf32, #tpu.memory_space<vmem>> -> memref<10000xf32, #tpu.memory_space<vmem>>
    %dma_start3A_29 = tpu.memref_slice %arg4[%add3A_15] : memref<8000000xf32, #tpu.memory_space<hbm>> -> memref<10000xf32, #tpu.memory_space<hbm>>
    %dma_start3A_30 = arith.constant 0 : i32
    %dma_start3A_31 = tpu.memref_slice %arg11[%dma_start3A_30] : memref<20000xf32, #tpu.memory_space<vmem>> -> memref<10000xf32, #tpu.memory_space<vmem>>
    %dma_start3A_32 = tpu.memref_slice %arg4[%add3A_15] : memref<8000000xf32, #tpu.memory_space<hbm>> -> memref<10000xf32, #tpu.memory_space<hbm>>
    tpu.enqueue_dma source(%dma_start3A_32 : memref<10000xf32, #tpu.memory_space<hbm>>) target(%dma_start3A_31 : memref<10000xf32, #tpu.memory_space<vmem>>) target_semaphore(%arg19 : memref<!tpu.dma_semaphore, #tpu.memory_space<semaphore_mem>>)
    %dma_start3A_33 = arith.constant 0 : i32
    %dma_start3A_34 = tpu.memref_slice %arg12[%dma_start3A_33] : memref<20000xf32, #tpu.memory_space<vmem>> -> memref<10000xf32, #tpu.memory_space<vmem>>
    %dma_start3A_35 = tpu.memref_slice %arg5[%add3A_15] : memref<8000000xf32, #tpu.memory_space<hbm>> -> memref<10000xf32, #tpu.memory_space<hbm>>
    %dma_start3A_36 = arith.constant 0 : i32
    %dma_start3A_37 = tpu.memref_slice %arg12[%dma_start3A_36] : memref<20000xf32, #tpu.memory_space<vmem>> -> memref<10000xf32, #tpu.memory_space<vmem>>
    %dma_start3A_38 = tpu.memref_slice %arg5[%add3A_15] : memref<8000000xf32, #tpu.memory_space<hbm>> -> memref<10000xf32, #tpu.memory_space<hbm>>
    tpu.enqueue_dma source(%dma_start3A_38 : memref<10000xf32, #tpu.memory_space<hbm>>) target(%dma_start3A_37 : memref<10000xf32, #tpu.memory_space<vmem>>) target_semaphore(%arg19 : memref<!tpu.dma_semaphore, #tpu.memory_space<semaphore_mem>>)
    %dma_start3A_39 = arith.constant 0 : i32
    %dma_start3A_40 = tpu.memref_slice %arg13[%dma_start3A_39] : memref<20000xi32, #tpu.memory_space<vmem>> -> memref<10000xi32, #tpu.memory_space<vmem>>
    %dma_start3A_41 = tpu.memref_slice %arg6[%add3A_15] : memref<8000000xi32, #tpu.memory_space<hbm>> -> memref<10000xi32, #tpu.memory_space<hbm>>
    %dma_start3A_42 = arith.constant 0 : i32
    %dma_start3A_43 = tpu.memref_slice %arg13[%dma_start3A_42] : memref<20000xi32, #tpu.memory_space<vmem>> -> memref<10000xi32, #tpu.memory_space<vmem>>
    %dma_start3A_44 = tpu.memref_slice %arg6[%add3A_15] : memref<8000000xi32, #tpu.memory_space<hbm>> -> memref<10000xi32, #tpu.memory_space<hbm>>
    tpu.enqueue_dma source(%dma_start3A_44 : memref<10000xi32, #tpu.memory_space<hbm>>) target(%dma_start3A_43 : memref<10000xi32, #tpu.memory_space<vmem>>) target_semaphore(%arg19 : memref<!tpu.dma_semaphore, #tpu.memory_space<semaphore_mem>>)
    %add3A_45 = arith.constant 10000 : i32
    %add3A_46 = arith.addi %mul3A_2, %add3A_45 : i32
    %dma_start3A_47 = arith.constant 10000 : i32
    %dma_start3A_48 = tpu.memref_slice %arg9[%dma_start3A_47] : memref<20000xf32, #tpu.memory_space<vmem>> -> memref<10000xf32, #tpu.memory_space<vmem>>
    %dma_start3A_49 = tpu.memref_slice %arg2[%add3A_46] : memref<8000000xf32, #tpu.memory_space<hbm>> -> memref<10000xf32, #tpu.memory_space<hbm>>
    %dma_start3A_50 = arith.constant 10000 : i32
    %dma_start3A_51 = tpu.memref_slice %arg9[%dma_start3A_50] : memref<20000xf32, #tpu.memory_space<vmem>> -> memref<10000xf32, #tpu.memory_space<vmem>>
    %dma_start3A_52 = tpu.memref_slice %arg2[%add3A_46] : memref<8000000xf32, #tpu.memory_space<hbm>> -> memref<10000xf32, #tpu.memory_space<hbm>>
    tpu.enqueue_dma source(%dma_start3A_52 : memref<10000xf32, #tpu.memory_space<hbm>>) target(%dma_start3A_51 : memref<10000xf32, #tpu.memory_space<vmem>>) target_semaphore(%arg20 : memref<!tpu.dma_semaphore, #tpu.memory_space<semaphore_mem>>)
    %dma_start3A_53 = arith.constant 10000 : i32
    %dma_start3A_54 = tpu.memref_slice %arg10[%dma_start3A_53] : memref<20000xf32, #tpu.memory_space<vmem>> -> memref<10000xf32, #tpu.memory_space<vmem>>
    %dma_start3A_55 = tpu.memref_slice %arg3[%add3A_46] : memref<8000000xf32, #tpu.memory_space<hbm>> -> memref<10000xf32, #tpu.memory_space<hbm>>
    %dma_start3A_56 = arith.constant 10000 : i32
    %dma_start3A_57 = tpu.memref_slice %arg10[%dma_start3A_56] : memref<20000xf32, #tpu.memory_space<vmem>> -> memref<10000xf32, #tpu.memory_space<vmem>>
    %dma_start3A_58 = tpu.memref_slice %arg3[%add3A_46] : memref<8000000xf32, #tpu.memory_space<hbm>> -> memref<10000xf32, #tpu.memory_space<hbm>>
    tpu.enqueue_dma source(%dma_start3A_58 : memref<10000xf32, #tpu.memory_space<hbm>>) target(%dma_start3A_57 : memref<10000xf32, #tpu.memory_space<vmem>>) target_semaphore(%arg20 : memref<!tpu.dma_semaphore, #tpu.memory_space<semaphore_mem>>)
    %dma_start3A_59 = arith.constant 10000 : i32
    %dma_start3A_60 = tpu.memref_slice %arg11[%dma_start3A_59] : memref<20000xf32, #tpu.memory_space<vmem>> -> memref<10000xf32, #tpu.memory_space<vmem>>
    %dma_start3A_61 = tpu.memref_slice %arg4[%add3A_46] : memref<8000000xf32, #tpu.memory_space<hbm>> -> memref<10000xf32, #tpu.memory_space<hbm>>
    %dma_start3A_62 = arith.constant 10000 : i32
    %dma_start3A_63 = tpu.memref_slice %arg11[%dma_start3A_62] : memref<20000xf32, #tpu.memory_space<vmem>> -> memref<10000xf32, #tpu.memory_space<vmem>>
    %dma_start3A_64 = tpu.memref_slice %arg4[%add3A_46] : memref<8000000xf32, #tpu.memory_space<hbm>> -> memref<10000xf32, #tpu.memory_space<hbm>>
    tpu.enqueue_dma source(%dma_start3A_64 : memref<10000xf32, #tpu.memory_space<hbm>>) target(%dma_start3A_63 : memref<10000xf32, #tpu.memory_space<vmem>>) target_semaphore(%arg20 : memref<!tpu.dma_semaphore, #tpu.memory_space<semaphore_mem>>)
    %dma_start3A_65 = arith.constant 10000 : i32
    %dma_start3A_66 = tpu.memref_slice %arg12[%dma_start3A_65] : memref<20000xf32, #tpu.memory_space<vmem>> -> memref<10000xf32, #tpu.memory_space<vmem>>
    %dma_start3A_67 = tpu.memref_slice %arg5[%add3A_46] : memref<8000000xf32, #tpu.memory_space<hbm>> -> memref<10000xf32, #tpu.memory_space<hbm>>
    %dma_start3A_68 = arith.constant 10000 : i32
    %dma_start3A_69 = tpu.memref_slice %arg12[%dma_start3A_68] : memref<20000xf32, #tpu.memory_space<vmem>> -> memref<10000xf32, #tpu.memory_space<vmem>>
    %dma_start3A_70 = tpu.memref_slice %arg5[%add3A_46] : memref<8000000xf32, #tpu.memory_space<hbm>> -> memref<10000xf32, #tpu.memory_space<hbm>>
    tpu.enqueue_dma source(%dma_start3A_70 : memref<10000xf32, #tpu.memory_space<hbm>>) target(%dma_start3A_69 : memref<10000xf32, #tpu.memory_space<vmem>>) target_semaphore(%arg20 : memref<!tpu.dma_semaphore, #tpu.memory_space<semaphore_mem>>)
    %dma_start3A_71 = arith.constant 10000 : i32
    %dma_start3A_72 = tpu.memref_slice %arg13[%dma_start3A_71] : memref<20000xi32, #tpu.memory_space<vmem>> -> memref<10000xi32, #tpu.memory_space<vmem>>
    %dma_start3A_73 = tpu.memref_slice %arg6[%add3A_46] : memref<8000000xi32, #tpu.memory_space<hbm>> -> memref<10000xi32, #tpu.memory_space<hbm>>
    %dma_start3A_74 = arith.constant 10000 : i32
    %dma_start3A_75 = tpu.memref_slice %arg13[%dma_start3A_74] : memref<20000xi32, #tpu.memory_space<vmem>> -> memref<10000xi32, #tpu.memory_space<vmem>>
    %dma_start3A_76 = tpu.memref_slice %arg6[%add3A_46] : memref<8000000xi32, #tpu.memory_space<hbm>> -> memref<10000xi32, #tpu.memory_space<hbm>>
    tpu.enqueue_dma source(%dma_start3A_76 : memref<10000xi32, #tpu.memory_space<hbm>>) target(%dma_start3A_75 : memref<10000xi32, #tpu.memory_space<vmem>>) target_semaphore(%arg20 : memref<!tpu.dma_semaphore, #tpu.memory_space<semaphore_mem>>)
    %scan3A = arith.constant 0 : i32
    %scan3A_77 = arith.constant 11 : i32
    %scan3A_78 = arith.addi %scan3A, %scan3A_77 : i32
    %scan3A_79 = arith.constant 1 : i32
    %scan3A_80 = scf.for %scan3A_265 = %scan3A to %scan3A_78 step %scan3A_79 iter_args(%scan3A_266 = %broadcast_in_dim3A_3) -> (vector<16xf32>)  : i32 {
      %dma_wait3A_267 = arith.constant 0 : i32
      %dma_wait3A_268 = tpu.memref_slice %arg9[%dma_wait3A_267] : memref<20000xf32, #tpu.memory_space<vmem>> -> memref<10000xf32, #tpu.memory_space<vmem>>
      %dma_wait3A_269 = arith.constant 0 : i32
      %dma_wait3A_270 = tpu.memref_slice %arg2[%dma_wait3A_269] : memref<8000000xf32, #tpu.memory_space<hbm>> -> memref<10000xf32, #tpu.memory_space<hbm>>
      %dma_wait3A_271 = arith.constant 0 : i32
      %dma_wait3A_272 = tpu.memref_slice %arg9[%dma_wait3A_271] : memref<20000xf32, #tpu.memory_space<vmem>> -> memref<10000xf32, #tpu.memory_space<vmem>>
      %dma_wait3A_273 = arith.constant 0 : i32
      %dma_wait3A_274 = tpu.memref_slice %arg2[%dma_wait3A_273] : memref<8000000xf32, #tpu.memory_space<hbm>> -> memref<10000xf32, #tpu.memory_space<hbm>>
      tpu.wait_dma2 semaphore(%arg19 : memref<!tpu.dma_semaphore, #tpu.memory_space<semaphore_mem>>) src(%dma_wait3A_274 : memref<10000xf32, #tpu.memory_space<hbm>>) dst(%dma_wait3A_272 : memref<10000xf32, #tpu.memory_space<vmem>>)
      %dma_wait3A_275 = arith.constant 0 : i32
      %dma_wait3A_276 = tpu.memref_slice %arg10[%dma_wait3A_275] : memref<20000xf32, #tpu.memory_space<vmem>> -> memref<10000xf32, #tpu.memory_space<vmem>>
      %dma_wait3A_277 = arith.constant 0 : i32
      %dma_wait3A_278 = tpu.memref_slice %arg3[%dma_wait3A_277] : memref<8000000xf32, #tpu.memory_space<hbm>> -> memref<10000xf32, #tpu.memory_space<hbm>>
      %dma_wait3A_279 = arith.constant 0 : i32
      %dma_wait3A_280 = tpu.memref_slice %arg10[%dma_wait3A_279] : memref<20000xf32, #tpu.memory_space<vmem>> -> memref<10000xf32, #tpu.memory_space<vmem>>
      %dma_wait3A_281 = arith.constant 0 : i32
      %dma_wait3A_282 = tpu.memref_slice %arg3[%dma_wait3A_281] : memref<8000000xf32, #tpu.memory_space<hbm>> -> memref<10000xf32, #tpu.memory_space<hbm>>
      tpu.wait_dma2 semaphore(%arg19 : memref<!tpu.dma_semaphore, #tpu.memory_space<semaphore_mem>>) src(%dma_wait3A_282 : memref<10000xf32, #tpu.memory_space<hbm>>) dst(%dma_wait3A_280 : memref<10000xf32, #tpu.memory_space<vmem>>)
      %dma_wait3A_283 = arith.constant 0 : i32
      %dma_wait3A_284 = tpu.memref_slice %arg11[%dma_wait3A_283] : memref<20000xf32, #tpu.memory_space<vmem>> -> memref<10000xf32, #tpu.memory_space<vmem>>
      %dma_wait3A_285 = arith.constant 0 : i32
      %dma_wait3A_286 = tpu.memref_slice %arg4[%dma_wait3A_285] : memref<8000000xf32, #tpu.memory_space<hbm>> -> memref<10000xf32, #tpu.memory_space<hbm>>
      %dma_wait3A_287 = arith.constant 0 : i32
      %dma_wait3A_288 = tpu.memref_slice %arg11[%dma_wait3A_287] : memref<20000xf32, #tpu.memory_space<vmem>> -> memref<10000xf32, #tpu.memory_space<vmem>>
      %dma_wait3A_289 = arith.constant 0 : i32
      %dma_wait3A_290 = tpu.memref_slice %arg4[%dma_wait3A_289] : memref<8000000xf32, #tpu.memory_space<hbm>> -> memref<10000xf32, #tpu.memory_space<hbm>>
      tpu.wait_dma2 semaphore(%arg19 : memref<!tpu.dma_semaphore, #tpu.memory_space<semaphore_mem>>) src(%dma_wait3A_290 : memref<10000xf32, #tpu.memory_space<hbm>>) dst(%dma_wait3A_288 : memref<10000xf32, #tpu.memory_space<vmem>>)
      %dma_wait3A_291 = arith.constant 0 : i32
      %dma_wait3A_292 = tpu.memref_slice %arg12[%dma_wait3A_291] : memref<20000xf32, #tpu.memory_space<vmem>> -> memref<10000xf32, #tpu.memory_space<vmem>>
      %dma_wait3A_293 = arith.constant 0 : i32
      %dma_wait3A_294 = tpu.memref_slice %arg5[%dma_wait3A_293] : memref<8000000xf32, #tpu.memory_space<hbm>> -> memref<10000xf32, #tpu.memory_space<hbm>>
      %dma_wait3A_295 = arith.constant 0 : i32
      %dma_wait3A_296 = tpu.memref_slice %arg12[%dma_wait3A_295] : memref<20000xf32, #tpu.memory_space<vmem>> -> memref<10000xf32, #tpu.memory_space<vmem>>
      %dma_wait3A_297 = arith.constant 0 : i32
      %dma_wait3A_298 = tpu.memref_slice %arg5[%dma_wait3A_297] : memref<8000000xf32, #tpu.memory_space<hbm>> -> memref<10000xf32, #tpu.memory_space<hbm>>
      tpu.wait_dma2 semaphore(%arg19 : memref<!tpu.dma_semaphore, #tpu.memory_space<semaphore_mem>>) src(%dma_wait3A_298 : memref<10000xf32, #tpu.memory_space<hbm>>) dst(%dma_wait3A_296 : memref<10000xf32, #tpu.memory_space<vmem>>)
      %dma_wait3A_299 = arith.constant 0 : i32
      %dma_wait3A_300 = tpu.memref_slice %arg13[%dma_wait3A_299] : memref<20000xi32, #tpu.memory_space<vmem>> -> memref<10000xi32, #tpu.memory_space<vmem>>
      %dma_wait3A_301 = arith.constant 0 : i32
      %dma_wait3A_302 = tpu.memref_slice %arg6[%dma_wait3A_301] : memref<8000000xi32, #tpu.memory_space<hbm>> -> memref<10000xi32, #tpu.memory_space<hbm>>
      %dma_wait3A_303 = arith.constant 0 : i32
      %dma_wait3A_304 = tpu.memref_slice %arg13[%dma_wait3A_303] : memref<20000xi32, #tpu.memory_space<vmem>> -> memref<10000xi32, #tpu.memory_space<vmem>>
      %dma_wait3A_305 = arith.constant 0 : i32
      %dma_wait3A_306 = tpu.memref_slice %arg6[%dma_wait3A_305] : memref<8000000xi32, #tpu.memory_space<hbm>> -> memref<10000xi32, #tpu.memory_space<hbm>>
      tpu.wait_dma2 semaphore(%arg19 : memref<!tpu.dma_semaphore, #tpu.memory_space<semaphore_mem>>) src(%dma_wait3A_306 : memref<10000xi32, #tpu.memory_space<hbm>>) dst(%dma_wait3A_304 : memref<10000xi32, #tpu.memory_space<vmem>>)
      %scan3A_307 = arith.constant 0 : i32
      %scan3A_308 = arith.constant 125 : i32
      %scan3A_309 = arith.addi %scan3A_307, %scan3A_308 : i32
      %scan3A_310 = arith.constant 1 : i32
      %scan3A_311 = scf.for %scan3A_433 = %scan3A_307 to %scan3A_309 step %scan3A_310 iter_args(%scan3A_434 = %scan3A_266) -> (vector<16xf32>)  : i32 {
        %mul3A_435 = arith.constant 80 : i32
        %mul3A_436 = arith.muli %scan3A_433, %mul3A_435 : i32
        %add3A_437 = arith.constant 0 : i32
        %add3A_438 = arith.addi %add3A_437, %mul3A_436 : i32
        %add3A_439 = arith.constant 0 : i32
        %add3A_440 = arith.addi %add3A_438, %add3A_439 : i32
        %get3A_441 = arith.index_cast %add3A_440 : i32 to index
        %get3A_442 = tpu.vector_load %arg9[%get3A_441] {strides = array<i32>} : memref<20000xf32, #tpu.memory_space<vmem>>, vector<16xf32>,
        %get3A_443 = arith.index_cast %add3A_440 : i32 to index
        %get3A_444 = tpu.vector_load %arg10[%get3A_443] {strides = array<i32>} : memref<20000xf32, #tpu.memory_space<vmem>>, vector<16xf32>,
        %get3A_445 = arith.index_cast %add3A_440 : i32 to index
        %get3A_446 = tpu.vector_load %arg11[%get3A_445] {strides = array<i32>} : memref<20000xf32, #tpu.memory_space<vmem>>, vector<16xf32>,
        %get3A_447 = arith.index_cast %add3A_440 : i32 to index
        %get3A_448 = tpu.vector_load %arg12[%get3A_447] {strides = array<i32>} : memref<20000xf32, #tpu.memory_space<vmem>>, vector<16xf32>,
        %get3A_449 = arith.index_cast %add3A_440 : i32 to index
        %get3A_450 = tpu.vector_load %arg13[%get3A_449] {strides = array<i32>} : memref<20000xi32, #tpu.memory_space<vmem>>, vector<16xi32>,
        %max3A = arith.maximumf %get3A_442, %get3A_444 : vector<16xf32>
        %min3A = arith.minimumf %get3A_442, %get3A_444 : vector<16xf32>
        %sub3A = arith.subf %min3A, %max3A : vector<16xf32>
        %exp3A = math.exp %sub3A : vector<16xf32>
        %add3A_451 = arith.constant 2.000000e+00 : f32
        %add3A_452 = vector.broadcast %add3A_451 : f32 to vector<16xf32>
        %add3A_453 = arith.addf %exp3A, %add3A_452 : vector<16xf32>
        %div3A = arith.divf %exp3A, %add3A_453 : vector<16xf32>
        %mul3A_454 = arith.mulf %div3A, %div3A : vector<16xf32>
        %mul3A_455 = arith.constant 0.222222224 : f32
        %mul3A_456 = vector.broadcast %mul3A_455 : f32 to vector<16xf32>
        %mul3A_457 = arith.mulf %mul3A_454, %mul3A_456 : vector<16xf32>
        %add3A_458 = arith.constant 0.285714298 : f32
        %add3A_459 = vector.broadcast %add3A_458 : f32 to vector<16xf32>
        %add3A_460 = arith.addf %add3A_459, %mul3A_457 : vector<16xf32>
        %mul3A_461 = arith.mulf %mul3A_454, %add3A_460 : vector<16xf32>
        %add3A_462 = arith.constant 4.000000e-01 : f32
        %add3A_463 = vector.broadcast %add3A_462 : f32 to vector<16xf32>
        %add3A_464 = arith.addf %add3A_463, %mul3A_461 : vector<16xf32>
        %mul3A_465 = arith.mulf %mul3A_454, %add3A_464 : vector<16xf32>
        %add3A_466 = arith.constant 0.666666686 : f32
        %add3A_467 = vector.broadcast %add3A_466 : f32 to vector<16xf32>
        %add3A_468 = arith.addf %add3A_467, %mul3A_465 : vector<16xf32>
        %mul3A_469 = arith.mulf %mul3A_454, %add3A_468 : vector<16xf32>
        %add3A_470 = arith.constant 2.000000e+00 : f32
        %add3A_471 = vector.broadcast %add3A_470 : f32 to vector<16xf32>
        %add3A_472 = arith.addf %add3A_471, %mul3A_469 : vector<16xf32>
        %mul3A_473 = arith.mulf %div3A, %add3A_472 : vector<16xf32>
        %add3A_474 = arith.addf %max3A, %mul3A_473 : vector<16xf32>
        %mul3A_475 = arith.mulf %get3A_446, %get3A_9 : vector<16xf32>
        %sub3A_476 = arith.subf %add3A_474, %get3A_442 : vector<16xf32>
        %mul3A_477 = arith.mulf %mul3A_475, %sub3A_476 : vector<16xf32>
        %mul3A_478 = arith.mulf %get3A_448, %get3A_11 : vector<16xf32>
        %sub3A_479 = arith.subf %add3A_474, %get3A_444 : vector<16xf32>
        %mul3A_480 = arith.mulf %mul3A_478, %sub3A_479 : vector<16xf32>
        %add3A_481 = arith.addf %mul3A_477, %mul3A_480 : vector<16xf32>
        %neg3A = arith.constant 0.000000e+00 : f32
        %neg3A_482 = vector.broadcast %neg3A : f32 to vector<16xf32>
        %neg3A_483 = arith.subf %neg3A_482, %get3A_444 : vector<16xf32>
        %exp3A_484 = math.exp %neg3A_483 : vector<16xf32>
        %add3A_485 = arith.constant 1.000000e+00 : f32
        %add3A_486 = vector.broadcast %add3A_485 : f32 to vector<16xf32>
        %add3A_487 = arith.addf %add3A_486, %exp3A_484 : vector<16xf32>
        %div3A_488 = arith.constant 1.000000e+00 : f32
        %div3A_489 = vector.broadcast %div3A_488 : f32 to vector<16xf32>
        %div3A_490 = arith.divf %div3A_489, %add3A_487 : vector<16xf32>
        %mul3A_491 = arith.constant 1.000000e+01 : f32
        %mul3A_492 = vector.broadcast %mul3A_491 : f32 to vector<16xf32>
        %mul3A_493 = arith.mulf %div3A_490, %mul3A_492 : vector<16xf32>
        %convert_element_type3A = arith.fptosi %mul3A_493 : vector<16xf32> to vector<16xi32>
        %min3A_494 = arith.constant 9 : i32
        %min3A_495 = vector.broadcast %min3A_494 : i32 to vector<16xi32>
        %min3A_496 = arith.minsi %convert_element_type3A, %min3A_495 : vector<16xi32>
        %eq3A = arith.constant 1 : i32
        %eq3A_497 = vector.broadcast %eq3A : i32 to vector<16xi32>
        %eq3A_498 = arith.cmpi eq, %get3A_450, %eq3A_497 : vector<16xi32>
        %select_n3A = arith.select %eq3A_498, %broadcast_in_dim3A_13, %broadcast_in_dim3A_3 : vector<16xi1>, vector<16xf32>
        tpu.vector_store_idx %arg15[%min3A_496], %broadcast_in_dim3A_13 {add = true} : memref<16xf32, #tpu.memory_space<vmem>>[vector<16xi32>], vector<16xf32>,
        tpu.vector_store_idx %arg16[%min3A_496], %select_n3A {add = true} : memref<16xf32, #tpu.memory_space<vmem>>[vector<16xi32>], vector<16xf32>,
        tpu.vector_store_idx %arg17[%min3A_496], %div3A_490 {add = true} : memref<16xf32, #tpu.memory_space<vmem>>[vector<16xi32>], vector<16xf32>,
        %add3A_499 = arith.constant 16 : i32
        %add3A_500 = arith.addi %add3A_438, %add3A_499 : i32
        %get3A_501 = arith.index_cast %add3A_500 : i32 to index
        %get3A_502 = tpu.vector_load %arg9[%get3A_501] {strides = array<i32>} : memref<20000xf32, #tpu.memory_space<vmem>>, vector<16xf32>,
        %get3A_503 = arith.index_cast %add3A_500 : i32 to index
        %get3A_504 = tpu.vector_load %arg10[%get3A_503] {strides = array<i32>} : memref<20000xf32, #tpu.memory_space<vmem>>, vector<16xf32>,
        %get3A_505 = arith.index_cast %add3A_500 : i32 to index
        %get3A_506 = tpu.vector_load %arg11[%get3A_505] {strides = array<i32>} : memref<20000xf32, #tpu.memory_space<vmem>>, vector<16xf32>,
        %get3A_507 = arith.index_cast %add3A_500 : i32 to index
        %get3A_508 = tpu.vector_load %arg12[%get3A_507] {strides = array<i32>} : memref<20000xf32, #tpu.memory_space<vmem>>, vector<16xf32>,
        %get3A_509 = arith.index_cast %add3A_500 : i32 to index
        %get3A_510 = tpu.vector_load %arg13[%get3A_509] {strides = array<i32>} : memref<20000xi32, #tpu.memory_space<vmem>>, vector<16xi32>,
        %max3A_511 = arith.maximumf %get3A_502, %get3A_504 : vector<16xf32>
        %min3A_512 = arith.minimumf %get3A_502, %get3A_504 : vector<16xf32>
        %sub3A_513 = arith.subf %min3A_512, %max3A_511 : vector<16xf32>
        %exp3A_514 = math.exp %sub3A_513 : vector<16xf32>
        %add3A_515 = arith.constant 2.000000e+00 : f32
        %add3A_516 = vector.broadcast %add3A_515 : f32 to vector<16xf32>
        %add3A_517 = arith.addf %exp3A_514, %add3A_516 : vector<16xf32>
        %div3A_518 = arith.divf %exp3A_514, %add3A_517 : vector<16xf32>
        %mul3A_519 = arith.mulf %div3A_518, %div3A_518 : vector<16xf32>
        %mul3A_520 = arith.constant 0.222222224 : f32
        %mul3A_521 = vector.broadcast %mul3A_520 : f32 to vector<16xf32>
        %mul3A_522 = arith.mulf %mul3A_519, %mul3A_521 : vector<16xf32>
        %add3A_523 = arith.constant 0.285714298 : f32
        %add3A_524 = vector.broadcast %add3A_523 : f32 to vector<16xf32>
        %add3A_525 = arith.addf %add3A_524, %mul3A_522 : vector<16xf32>
        %mul3A_526 = arith.mulf %mul3A_519, %add3A_525 : vector<16xf32>
        %add3A_527 = arith.constant 4.000000e-01 : f32
        %add3A_528 = vector.broadcast %add3A_527 : f32 to vector<16xf32>
        %add3A_529 = arith.addf %add3A_528, %mul3A_526 : vector<16xf32>
        %mul3A_530 = arith.mulf %mul3A_519, %add3A_529 : vector<16xf32>
        %add3A_531 = arith.constant 0.666666686 : f32
        %add3A_532 = vector.broadcast %add3A_531 : f32 to vector<16xf32>
        %add3A_533 = arith.addf %add3A_532, %mul3A_530 : vector<16xf32>
        %mul3A_534 = arith.mulf %mul3A_519, %add3A_533 : vector<16xf32>
        %add3A_535 = arith.constant 2.000000e+00 : f32
        %add3A_536 = vector.broadcast %add3A_535 : f32 to vector<16xf32>
        %add3A_537 = arith.addf %add3A_536, %mul3A_534 : vector<16xf32>
        %mul3A_538 = arith.mulf %div3A_518, %add3A_537 : vector<16xf32>
        %add3A_539 = arith.addf %max3A_511, %mul3A_538 : vector<16xf32>
        %mul3A_540 = arith.mulf %get3A_506, %get3A_9 : vector<16xf32>
        %sub3A_541 = arith.subf %add3A_539, %get3A_502 : vector<16xf32>
        %mul3A_542 = arith.mulf %mul3A_540, %sub3A_541 : vector<16xf32>
        %mul3A_543 = arith.mulf %get3A_508, %get3A_11 : vector<16xf32>
        %sub3A_544 = arith.subf %add3A_539, %get3A_504 : vector<16xf32>
        %mul3A_545 = arith.mulf %mul3A_543, %sub3A_544 : vector<16xf32>
        %add3A_546 = arith.addf %mul3A_542, %mul3A_545 : vector<16xf32>
        %neg3A_547 = arith.constant 0.000000e+00 : f32
        %neg3A_548 = vector.broadcast %neg3A_547 : f32 to vector<16xf32>
        %neg3A_549 = arith.subf %neg3A_548, %get3A_504 : vector<16xf32>
        %exp3A_550 = math.exp %neg3A_549 : vector<16xf32>
        %add3A_551 = arith.constant 1.000000e+00 : f32
        %add3A_552 = vector.broadcast %add3A_551 : f32 to vector<16xf32>
        %add3A_553 = arith.addf %add3A_552, %exp3A_550 : vector<16xf32>
        %div3A_554 = arith.constant 1.000000e+00 : f32
        %div3A_555 = vector.broadcast %div3A_554 : f32 to vector<16xf32>
        %div3A_556 = arith.divf %div3A_555, %add3A_553 : vector<16xf32>
        %mul3A_557 = arith.constant 1.000000e+01 : f32
        %mul3A_558 = vector.broadcast %mul3A_557 : f32 to vector<16xf32>
        %mul3A_559 = arith.mulf %div3A_556, %mul3A_558 : vector<16xf32>
        %convert_element_type3A_560 = arith.fptosi %mul3A_559 : vector<16xf32> to vector<16xi32>
        %min3A_561 = arith.constant 9 : i32
        %min3A_562 = vector.broadcast %min3A_561 : i32 to vector<16xi32>
        %min3A_563 = arith.minsi %convert_element_type3A_560, %min3A_562 : vector<16xi32>
        %eq3A_564 = arith.constant 1 : i32
        %eq3A_565 = vector.broadcast %eq3A_564 : i32 to vector<16xi32>
        %eq3A_566 = arith.cmpi eq, %get3A_510, %eq3A_565 : vector<16xi32>
        %select_n3A_567 = arith.select %eq3A_566, %broadcast_in_dim3A_13, %broadcast_in_dim3A_3 : vector<16xi1>, vector<16xf32>
        tpu.vector_store_idx %arg15[%min3A_563], %broadcast_in_dim3A_13 {add = true} : memref<16xf32, #tpu.memory_space<vmem>>[vector<16xi32>], vector<16xf32>,
        tpu.vector_store_idx %arg16[%min3A_563], %select_n3A_567 {add = true} : memref<16xf32, #tpu.memory_space<vmem>>[vector<16xi32>], vector<16xf32>,
        tpu.vector_store_idx %arg17[%min3A_563], %div3A_556 {add = true} : memref<16xf32, #tpu.memory_space<vmem>>[vector<16xi32>], vector<16xf32>,
        %add3A_568 = arith.constant 32 : i32
        %add3A_569 = arith.addi %add3A_438, %add3A_568 : i32
        %get3A_570 = arith.index_cast %add3A_569 : i32 to index
        %get3A_571 = tpu.vector_load %arg9[%get3A_570] {strides = array<i32>} : memref<20000xf32, #tpu.memory_space<vmem>>, vector<16xf32>,
        %get3A_572 = arith.index_cast %add3A_569 : i32 to index
        %get3A_573 = tpu.vector_load %arg10[%get3A_572] {strides = array<i32>} : memref<20000xf32, #tpu.memory_space<vmem>>, vector<16xf32>,
        %get3A_574 = arith.index_cast %add3A_569 : i32 to index
        %get3A_575 = tpu.vector_load %arg11[%get3A_574] {strides = array<i32>} : memref<20000xf32, #tpu.memory_space<vmem>>, vector<16xf32>,
        %get3A_576 = arith.index_cast %add3A_569 : i32 to index
        %get3A_577 = tpu.vector_load %arg12[%get3A_576] {strides = array<i32>} : memref<20000xf32, #tpu.memory_space<vmem>>, vector<16xf32>,
        %get3A_578 = arith.index_cast %add3A_569 : i32 to index
        %get3A_579 = tpu.vector_load %arg13[%get3A_578] {strides = array<i32>} : memref<20000xi32, #tpu.memory_space<vmem>>, vector<16xi32>,
        %max3A_580 = arith.maximumf %get3A_571, %get3A_573 : vector<16xf32>
        %min3A_581 = arith.minimumf %get3A_571, %get3A_573 : vector<16xf32>
        %sub3A_582 = arith.subf %min3A_581, %max3A_580 : vector<16xf32>
        %exp3A_583 = math.exp %sub3A_582 : vector<16xf32>
        %add3A_584 = arith.constant 2.000000e+00 : f32
        %add3A_585 = vector.broadcast %add3A_584 : f32 to vector<16xf32>
        %add3A_586 = arith.addf %exp3A_583, %add3A_585 : vector<16xf32>
        %div3A_587 = arith.divf %exp3A_583, %add3A_586 : vector<16xf32>
        %mul3A_588 = arith.mulf %div3A_587, %div3A_587 : vector<16xf32>
        %mul3A_589 = arith.constant 0.222222224 : f32
        %mul3A_590 = vector.broadcast %mul3A_589 : f32 to vector<16xf32>
        %mul3A_591 = arith.mulf %mul3A_588, %mul3A_590 : vector<16xf32>
        %add3A_592 = arith.constant 0.285714298 : f32
        %add3A_593 = vector.broadcast %add3A_592 : f32 to vector<16xf32>
        %add3A_594 = arith.addf %add3A_593, %mul3A_591 : vector<16xf32>
        %mul3A_595 = arith.mulf %mul3A_588, %add3A_594 : vector<16xf32>
        %add3A_596 = arith.constant 4.000000e-01 : f32
        %add3A_597 = vector.broadcast %add3A_596 : f32 to vector<16xf32>
        %add3A_598 = arith.addf %add3A_597, %mul3A_595 : vector<16xf32>
        %mul3A_599 = arith.mulf %mul3A_588, %add3A_598 : vector<16xf32>
        %add3A_600 = arith.constant 0.666666686 : f32
        %add3A_601 = vector.broadcast %add3A_600 : f32 to vector<16xf32>
        %add3A_602 = arith.addf %add3A_601, %mul3A_599 : vector<16xf32>
        %mul3A_603 = arith.mulf %mul3A_588, %add3A_602 : vector<16xf32>
        %add3A_604 = arith.constant 2.000000e+00 : f32
        %add3A_605 = vector.broadcast %add3A_604 : f32 to vector<16xf32>
        %add3A_606 = arith.addf %add3A_605, %mul3A_603 : vector<16xf32>
        %mul3A_607 = arith.mulf %div3A_587, %add3A_606 : vector<16xf32>
        %add3A_608 = arith.addf %max3A_580, %mul3A_607 : vector<16xf32>
        %mul3A_609 = arith.mulf %get3A_575, %get3A_9 : vector<16xf32>
        %sub3A_610 = arith.subf %add3A_608, %get3A_571 : vector<16xf32>
        %mul3A_611 = arith.mulf %mul3A_609, %sub3A_610 : vector<16xf32>
        %mul3A_612 = arith.mulf %get3A_577, %get3A_11 : vector<16xf32>
        %sub3A_613 = arith.subf %add3A_608, %get3A_573 : vector<16xf32>
        %mul3A_614 = arith.mulf %mul3A_612, %sub3A_613 : vector<16xf32>
        %add3A_615 = arith.addf %mul3A_611, %mul3A_614 : vector<16xf32>
        %neg3A_616 = arith.constant 0.000000e+00 : f32
        %neg3A_617 = vector.broadcast %neg3A_616 : f32 to vector<16xf32>
        %neg3A_618 = arith.subf %neg3A_617, %get3A_573 : vector<16xf32>
        %exp3A_619 = math.exp %neg3A_618 : vector<16xf32>
        %add3A_620 = arith.constant 1.000000e+00 : f32
        %add3A_621 = vector.broadcast %add3A_620 : f32 to vector<16xf32>
        %add3A_622 = arith.addf %add3A_621, %exp3A_619 : vector<16xf32>
        %div3A_623 = arith.constant 1.000000e+00 : f32
        %div3A_624 = vector.broadcast %div3A_623 : f32 to vector<16xf32>
        %div3A_625 = arith.divf %div3A_624, %add3A_622 : vector<16xf32>
        %mul3A_626 = arith.constant 1.000000e+01 : f32
        %mul3A_627 = vector.broadcast %mul3A_626 : f32 to vector<16xf32>
        %mul3A_628 = arith.mulf %div3A_625, %mul3A_627 : vector<16xf32>
        %convert_element_type3A_629 = arith.fptosi %mul3A_628 : vector<16xf32> to vector<16xi32>
        %min3A_630 = arith.constant 9 : i32
        %min3A_631 = vector.broadcast %min3A_630 : i32 to vector<16xi32>
        %min3A_632 = arith.minsi %convert_element_type3A_629, %min3A_631 : vector<16xi32>
        %eq3A_633 = arith.constant 1 : i32
        %eq3A_634 = vector.broadcast %eq3A_633 : i32 to vector<16xi32>
        %eq3A_635 = arith.cmpi eq, %get3A_579, %eq3A_634 : vector<16xi32>
        %select_n3A_636 = arith.select %eq3A_635, %broadcast_in_dim3A_13, %broadcast_in_dim3A_3 : vector<16xi1>, vector<16xf32>
        tpu.vector_store_idx %arg15[%min3A_632], %broadcast_in_dim3A_13 {add = true} : memref<16xf32, #tpu.memory_space<vmem>>[vector<16xi32>], vector<16xf32>,
        tpu.vector_store_idx %arg16[%min3A_632], %select_n3A_636 {add = true} : memref<16xf32, #tpu.memory_space<vmem>>[vector<16xi32>], vector<16xf32>,
        tpu.vector_store_idx %arg17[%min3A_632], %div3A_625 {add = true} : memref<16xf32, #tpu.memory_space<vmem>>[vector<16xi32>], vector<16xf32>,
        %add3A_637 = arith.constant 48 : i32
        %add3A_638 = arith.addi %add3A_438, %add3A_637 : i32
        %get3A_639 = arith.index_cast %add3A_638 : i32 to index
        %get3A_640 = tpu.vector_load %arg9[%get3A_639] {strides = array<i32>} : memref<20000xf32, #tpu.memory_space<vmem>>, vector<16xf32>,
        %get3A_641 = arith.index_cast %add3A_638 : i32 to index
        %get3A_642 = tpu.vector_load %arg10[%get3A_641] {strides = array<i32>} : memref<20000xf32, #tpu.memory_space<vmem>>, vector<16xf32>,
        %get3A_643 = arith.index_cast %add3A_638 : i32 to index
        %get3A_644 = tpu.vector_load %arg11[%get3A_643] {strides = array<i32>} : memref<20000xf32, #tpu.memory_space<vmem>>, vector<16xf32>,
        %get3A_645 = arith.index_cast %add3A_638 : i32 to index
        %get3A_646 = tpu.vector_load %arg12[%get3A_645] {strides = array<i32>} : memref<20000xf32, #tpu.memory_space<vmem>>, vector<16xf32>,
        %get3A_647 = arith.index_cast %add3A_638 : i32 to index
        %get3A_648 = tpu.vector_load %arg13[%get3A_647] {strides = array<i32>} : memref<20000xi32, #tpu.memory_space<vmem>>, vector<16xi32>,
        %max3A_649 = arith.maximumf %get3A_640, %get3A_642 : vector<16xf32>
        %min3A_650 = arith.minimumf %get3A_640, %get3A_642 : vector<16xf32>
        %sub3A_651 = arith.subf %min3A_650, %max3A_649 : vector<16xf32>
        %exp3A_652 = math.exp %sub3A_651 : vector<16xf32>
        %add3A_653 = arith.constant 2.000000e+00 : f32
        %add3A_654 = vector.broadcast %add3A_653 : f32 to vector<16xf32>
        %add3A_655 = arith.addf %exp3A_652, %add3A_654 : vector<16xf32>
        %div3A_656 = arith.divf %exp3A_652, %add3A_655 : vector<16xf32>
        %mul3A_657 = arith.mulf %div3A_656, %div3A_656 : vector<16xf32>
        %mul3A_658 = arith.constant 0.222222224 : f32
        %mul3A_659 = vector.broadcast %mul3A_658 : f32 to vector<16xf32>
        %mul3A_660 = arith.mulf %mul3A_657, %mul3A_659 : vector<16xf32>
        %add3A_661 = arith.constant 0.285714298 : f32
        %add3A_662 = vector.broadcast %add3A_661 : f32 to vector<16xf32>
        %add3A_663 = arith.addf %add3A_662, %mul3A_660 : vector<16xf32>
        %mul3A_664 = arith.mulf %mul3A_657, %add3A_663 : vector<16xf32>
        %add3A_665 = arith.constant 4.000000e-01 : f32
        %add3A_666 = vector.broadcast %add3A_665 : f32 to vector<16xf32>
        %add3A_667 = arith.addf %add3A_666, %mul3A_664 : vector<16xf32>
        %mul3A_668 = arith.mulf %mul3A_657, %add3A_667 : vector<16xf32>
        %add3A_669 = arith.constant 0.666666686 : f32
        %add3A_670 = vector.broadcast %add3A_669 : f32 to vector<16xf32>
        %add3A_671 = arith.addf %add3A_670, %mul3A_668 : vector<16xf32>
        %mul3A_672 = arith.mulf %mul3A_657, %add3A_671 : vector<16xf32>
        %add3A_673 = arith.constant 2.000000e+00 : f32
        %add3A_674 = vector.broadcast %add3A_673 : f32 to vector<16xf32>
        %add3A_675 = arith.addf %add3A_674, %mul3A_672 : vector<16xf32>
        %mul3A_676 = arith.mulf %div3A_656, %add3A_675 : vector<16xf32>
        %add3A_677 = arith.addf %max3A_649, %mul3A_676 : vector<16xf32>
        %mul3A_678 = arith.mulf %get3A_644, %get3A_9 : vector<16xf32>
        %sub3A_679 = arith.subf %add3A_677, %get3A_640 : vector<16xf32>
        %mul3A_680 = arith.mulf %mul3A_678, %sub3A_679 : vector<16xf32>
        %mul3A_681 = arith.mulf %get3A_646, %get3A_11 : vector<16xf32>
        %sub3A_682 = arith.subf %add3A_677, %get3A_642 : vector<16xf32>
        %mul3A_683 = arith.mulf %mul3A_681, %sub3A_682 : vector<16xf32>
        %add3A_684 = arith.addf %mul3A_680, %mul3A_683 : vector<16xf32>
        %neg3A_685 = arith.constant 0.000000e+00 : f32
        %neg3A_686 = vector.broadcast %neg3A_685 : f32 to vector<16xf32>
        %neg3A_687 = arith.subf %neg3A_686, %get3A_642 : vector<16xf32>
        %exp3A_688 = math.exp %neg3A_687 : vector<16xf32>
        %add3A_689 = arith.constant 1.000000e+00 : f32
        %add3A_690 = vector.broadcast %add3A_689 : f32 to vector<16xf32>
        %add3A_691 = arith.addf %add3A_690, %exp3A_688 : vector<16xf32>
        %div3A_692 = arith.constant 1.000000e+00 : f32
        %div3A_693 = vector.broadcast %div3A_692 : f32 to vector<16xf32>
        %div3A_694 = arith.divf %div3A_693, %add3A_691 : vector<16xf32>
        %mul3A_695 = arith.constant 1.000000e+01 : f32
        %mul3A_696 = vector.broadcast %mul3A_695 : f32 to vector<16xf32>
        %mul3A_697 = arith.mulf %div3A_694, %mul3A_696 : vector<16xf32>
        %convert_element_type3A_698 = arith.fptosi %mul3A_697 : vector<16xf32> to vector<16xi32>
        %min3A_699 = arith.constant 9 : i32
        %min3A_700 = vector.broadcast %min3A_699 : i32 to vector<16xi32>
        %min3A_701 = arith.minsi %convert_element_type3A_698, %min3A_700 : vector<16xi32>
        %eq3A_702 = arith.constant 1 : i32
        %eq3A_703 = vector.broadcast %eq3A_702 : i32 to vector<16xi32>
        %eq3A_704 = arith.cmpi eq, %get3A_648, %eq3A_703 : vector<16xi32>
        %select_n3A_705 = arith.select %eq3A_704, %broadcast_in_dim3A_13, %broadcast_in_dim3A_3 : vector<16xi1>, vector<16xf32>
        tpu.vector_store_idx %arg15[%min3A_701], %broadcast_in_dim3A_13 {add = true} : memref<16xf32, #tpu.memory_space<vmem>>[vector<16xi32>], vector<16xf32>,
        tpu.vector_store_idx %arg16[%min3A_701], %select_n3A_705 {add = true} : memref<16xf32, #tpu.memory_space<vmem>>[vector<16xi32>], vector<16xf32>,
        tpu.vector_store_idx %arg17[%min3A_701], %div3A_694 {add = true} : memref<16xf32, #tpu.memory_space<vmem>>[vector<16xi32>], vector<16xf32>,
        %add3A_706 = arith.constant 64 : i32
        %add3A_707 = arith.addi %add3A_438, %add3A_706 : i32
        %get3A_708 = arith.index_cast %add3A_707 : i32 to index
        %get3A_709 = tpu.vector_load %arg9[%get3A_708] {strides = array<i32>} : memref<20000xf32, #tpu.memory_space<vmem>>, vector<16xf32>,
        %get3A_710 = arith.index_cast %add3A_707 : i32 to index
        %get3A_711 = tpu.vector_load %arg10[%get3A_710] {strides = array<i32>} : memref<20000xf32, #tpu.memory_space<vmem>>, vector<16xf32>,
        %get3A_712 = arith.index_cast %add3A_707 : i32 to index
        %get3A_713 = tpu.vector_load %arg11[%get3A_712] {strides = array<i32>} : memref<20000xf32, #tpu.memory_space<vmem>>, vector<16xf32>,
        %get3A_714 = arith.index_cast %add3A_707 : i32 to index
        %get3A_715 = tpu.vector_load %arg12[%get3A_714] {strides = array<i32>} : memref<20000xf32, #tpu.memory_space<vmem>>, vector<16xf32>,
        %get3A_716 = arith.index_cast %add3A_707 : i32 to index
        %get3A_717 = tpu.vector_load %arg13[%get3A_716] {strides = array<i32>} : memref<20000xi32, #tpu.memory_space<vmem>>, vector<16xi32>,
        %max3A_718 = arith.maximumf %get3A_709, %get3A_711 : vector<16xf32>
        %min3A_719 = arith.minimumf %get3A_709, %get3A_711 : vector<16xf32>
        %sub3A_720 = arith.subf %min3A_719, %max3A_718 : vector<16xf32>
        %exp3A_721 = math.exp %sub3A_720 : vector<16xf32>
        %add3A_722 = arith.constant 2.000000e+00 : f32
        %add3A_723 = vector.broadcast %add3A_722 : f32 to vector<16xf32>
        %add3A_724 = arith.addf %exp3A_721, %add3A_723 : vector<16xf32>
        %div3A_725 = arith.divf %exp3A_721, %add3A_724 : vector<16xf32>
        %mul3A_726 = arith.mulf %div3A_725, %div3A_725 : vector<16xf32>
        %mul3A_727 = arith.constant 0.222222224 : f32
        %mul3A_728 = vector.broadcast %mul3A_727 : f32 to vector<16xf32>
        %mul3A_729 = arith.mulf %mul3A_726, %mul3A_728 : vector<16xf32>
        %add3A_730 = arith.constant 0.285714298 : f32
        %add3A_731 = vector.broadcast %add3A_730 : f32 to vector<16xf32>
        %add3A_732 = arith.addf %add3A_731, %mul3A_729 : vector<16xf32>
        %mul3A_733 = arith.mulf %mul3A_726, %add3A_732 : vector<16xf32>
        %add3A_734 = arith.constant 4.000000e-01 : f32
        %add3A_735 = vector.broadcast %add3A_734 : f32 to vector<16xf32>
        %add3A_736 = arith.addf %add3A_735, %mul3A_733 : vector<16xf32>
        %mul3A_737 = arith.mulf %mul3A_726, %add3A_736 : vector<16xf32>
        %add3A_738 = arith.constant 0.666666686 : f32
        %add3A_739 = vector.broadcast %add3A_738 : f32 to vector<16xf32>
        %add3A_740 = arith.addf %add3A_739, %mul3A_737 : vector<16xf32>
        %mul3A_741 = arith.mulf %mul3A_726, %add3A_740 : vector<16xf32>
        %add3A_742 = arith.constant 2.000000e+00 : f32
        %add3A_743 = vector.broadcast %add3A_742 : f32 to vector<16xf32>
        %add3A_744 = arith.addf %add3A_743, %mul3A_741 : vector<16xf32>
        %mul3A_745 = arith.mulf %div3A_725, %add3A_744 : vector<16xf32>
        %add3A_746 = arith.addf %max3A_718, %mul3A_745 : vector<16xf32>
        %mul3A_747 = arith.mulf %get3A_713, %get3A_9 : vector<16xf32>
        %sub3A_748 = arith.subf %add3A_746, %get3A_709 : vector<16xf32>
        %mul3A_749 = arith.mulf %mul3A_747, %sub3A_748 : vector<16xf32>
        %mul3A_750 = arith.mulf %get3A_715, %get3A_11 : vector<16xf32>
        %sub3A_751 = arith.subf %add3A_746, %get3A_711 : vector<16xf32>
        %mul3A_752 = arith.mulf %mul3A_750, %sub3A_751 : vector<16xf32>
        %add3A_753 = arith.addf %mul3A_749, %mul3A_752 : vector<16xf32>
        %neg3A_754 = arith.constant 0.000000e+00 : f32
        %neg3A_755 = vector.broadcast %neg3A_754 : f32 to vector<16xf32>
        %neg3A_756 = arith.subf %neg3A_755, %get3A_711 : vector<16xf32>
        %exp3A_757 = math.exp %neg3A_756 : vector<16xf32>
        %add3A_758 = arith.constant 1.000000e+00 : f32
        %add3A_759 = vector.broadcast %add3A_758 : f32 to vector<16xf32>
        %add3A_760 = arith.addf %add3A_759, %exp3A_757 : vector<16xf32>
        %div3A_761 = arith.constant 1.000000e+00 : f32
        %div3A_762 = vector.broadcast %div3A_761 : f32 to vector<16xf32>
        %div3A_763 = arith.divf %div3A_762, %add3A_760 : vector<16xf32>
        %mul3A_764 = arith.constant 1.000000e+01 : f32
        %mul3A_765 = vector.broadcast %mul3A_764 : f32 to vector<16xf32>
        %mul3A_766 = arith.mulf %div3A_763, %mul3A_765 : vector<16xf32>
        %convert_element_type3A_767 = arith.fptosi %mul3A_766 : vector<16xf32> to vector<16xi32>
        %min3A_768 = arith.constant 9 : i32
        %min3A_769 = vector.broadcast %min3A_768 : i32 to vector<16xi32>
        %min3A_770 = arith.minsi %convert_element_type3A_767, %min3A_769 : vector<16xi32>
        %eq3A_771 = arith.constant 1 : i32
        %eq3A_772 = vector.broadcast %eq3A_771 : i32 to vector<16xi32>
        %eq3A_773 = arith.cmpi eq, %get3A_717, %eq3A_772 : vector<16xi32>
        %select_n3A_774 = arith.select %eq3A_773, %broadcast_in_dim3A_13, %broadcast_in_dim3A_3 : vector<16xi1>, vector<16xf32>
        tpu.vector_store_idx %arg15[%min3A_770], %broadcast_in_dim3A_13 {add = true} : memref<16xf32, #tpu.memory_space<vmem>>[vector<16xi32>], vector<16xf32>,
        tpu.vector_store_idx %arg16[%min3A_770], %select_n3A_774 {add = true} : memref<16xf32, #tpu.memory_space<vmem>>[vector<16xi32>], vector<16xf32>,
        tpu.vector_store_idx %arg17[%min3A_770], %div3A_763 {add = true} : memref<16xf32, #tpu.memory_space<vmem>>[vector<16xi32>], vector<16xf32>,
        %add3A_775 = arith.addf %add3A_481, %add3A_546 : vector<16xf32>
        %add3A_776 = arith.addf %add3A_615, %add3A_684 : vector<16xf32>
        %add3A_777 = arith.addf %add3A_775, %add3A_776 : vector<16xf32>
        %add3A_778 = arith.addf %add3A_777, %add3A_753 : vector<16xf32>
        %add3A_779 = arith.addf %scan3A_434, %add3A_778 : vector<16xf32>
        scf.yield %add3A_779 : vector<16xf32>
      }
      %scan3A_312 = arith.constant 125 : i32
      %mul3A_313 = arith.constant 2 : i32
      %mul3A_314 = arith.muli %mul3A_313, %scan3A_265 : i32
      %add3A_315 = arith.constant 2 : i32
      %add3A_316 = arith.addi %mul3A_314, %add3A_315 : i32
      %mul3A_317 = arith.constant 10000 : i32
      %mul3A_318 = arith.muli %add3A_316, %mul3A_317 : i32
      %add3A_319 = arith.addi %mul3A_2, %mul3A_318 : i32
      %dma_start3A_320 = arith.constant 0 : i32
      %dma_start3A_321 = tpu.memref_slice %arg9[%dma_start3A_320] : memref<20000xf32, #tpu.memory_space<vmem>> -> memref<10000xf32, #tpu.memory_space<vmem>>
      %dma_start3A_322 = tpu.memref_slice %arg2[%add3A_319] : memref<8000000xf32, #tpu.memory_space<hbm>> -> memref<10000xf32, #tpu.memory_space<hbm>>
      %dma_start3A_323 = arith.constant 0 : i32
      %dma_start3A_324 = tpu.memref_slice %arg9[%dma_start3A_323] : memref<20000xf32, #tpu.memory_space<vmem>> -> memref<10000xf32, #tpu.memory_space<vmem>>
      %dma_start3A_325 = tpu.memref_slice %arg2[%add3A_319] : memref<8000000xf32, #tpu.memory_space<hbm>> -> memref<10000xf32, #tpu.memory_space<hbm>>
      tpu.enqueue_dma source(%dma_start3A_325 : memref<10000xf32, #tpu.memory_space<hbm>>) target(%dma_start3A_324 : memref<10000xf32, #tpu.memory_space<vmem>>) target_semaphore(%arg19 : memref<!tpu.dma_semaphore, #tpu.memory_space<semaphore_mem>>)
      %dma_start3A_326 = arith.constant 0 : i32
      %dma_start3A_327 = tpu.memref_slice %arg10[%dma_start3A_326] : memref<20000xf32, #tpu.memory_space<vmem>> -> memref<10000xf32, #tpu.memory_space<vmem>>
      %dma_start3A_328 = tpu.memref_slice %arg3[%add3A_319] : memref<8000000xf32, #tpu.memory_space<hbm>> -> memref<10000xf32, #tpu.memory_space<hbm>>
      %dma_start3A_329 = arith.constant 0 : i32
      %dma_start3A_330 = tpu.memref_slice %arg10[%dma_start3A_329] : memref<20000xf32, #tpu.memory_space<vmem>> -> memref<10000xf32, #tpu.memory_space<vmem>>
      %dma_start3A_331 = tpu.memref_slice %arg3[%add3A_319] : memref<8000000xf32, #tpu.memory_space<hbm>> -> memref<10000xf32, #tpu.memory_space<hbm>>
      tpu.enqueue_dma source(%dma_start3A_331 : memref<10000xf32, #tpu.memory_space<hbm>>) target(%dma_start3A_330 : memref<10000xf32, #tpu.memory_space<vmem>>) target_semaphore(%arg19 : memref<!tpu.dma_semaphore, #tpu.memory_space<semaphore_mem>>)
      %dma_start3A_332 = arith.constant 0 : i32
      %dma_start3A_333 = tpu.memref_slice %arg11[%dma_start3A_332] : memref<20000xf32, #tpu.memory_space<vmem>> -> memref<10000xf32, #tpu.memory_space<vmem>>
      %dma_start3A_334 = tpu.memref_slice %arg4[%add3A_319] : memref<8000000xf32, #tpu.memory_space<hbm>> -> memref<10000xf32, #tpu.memory_space<hbm>>
      %dma_start3A_335 = arith.constant 0 : i32
      %dma_start3A_336 = tpu.memref_slice %arg11[%dma_start3A_335] : memref<20000xf32, #tpu.memory_space<vmem>> -> memref<10000xf32, #tpu.memory_space<vmem>>
      %dma_start3A_337 = tpu.memref_slice %arg4[%add3A_319] : memref<8000000xf32, #tpu.memory_space<hbm>> -> memref<10000xf32, #tpu.memory_space<hbm>>
      tpu.enqueue_dma source(%dma_start3A_337 : memref<10000xf32, #tpu.memory_space<hbm>>) target(%dma_start3A_336 : memref<10000xf32, #tpu.memory_space<vmem>>) target_semaphore(%arg19 : memref<!tpu.dma_semaphore, #tpu.memory_space<semaphore_mem>>)
      %dma_start3A_338 = arith.constant 0 : i32
      %dma_start3A_339 = tpu.memref_slice %arg12[%dma_start3A_338] : memref<20000xf32, #tpu.memory_space<vmem>> -> memref<10000xf32, #tpu.memory_space<vmem>>
      %dma_start3A_340 = tpu.memref_slice %arg5[%add3A_319] : memref<8000000xf32, #tpu.memory_space<hbm>> -> memref<10000xf32, #tpu.memory_space<hbm>>
      %dma_start3A_341 = arith.constant 0 : i32
      %dma_start3A_342 = tpu.memref_slice %arg12[%dma_start3A_341] : memref<20000xf32, #tpu.memory_space<vmem>> -> memref<10000xf32, #tpu.memory_space<vmem>>
      %dma_start3A_343 = tpu.memref_slice %arg5[%add3A_319] : memref<8000000xf32, #tpu.memory_space<hbm>> -> memref<10000xf32, #tpu.memory_space<hbm>>
      tpu.enqueue_dma source(%dma_start3A_343 : memref<10000xf32, #tpu.memory_space<hbm>>) target(%dma_start3A_342 : memref<10000xf32, #tpu.memory_space<vmem>>) target_semaphore(%arg19 : memref<!tpu.dma_semaphore, #tpu.memory_space<semaphore_mem>>)
      %dma_start3A_344 = arith.constant 0 : i32
      %dma_start3A_345 = tpu.memref_slice %arg13[%dma_start3A_344] : memref<20000xi32, #tpu.memory_space<vmem>> -> memref<10000xi32, #tpu.memory_space<vmem>>
      %dma_start3A_346 = tpu.memref_slice %arg6[%add3A_319] : memref<8000000xi32, #tpu.memory_space<hbm>> -> memref<10000xi32, #tpu.memory_space<hbm>>
      %dma_start3A_347 = arith.constant 0 : i32
      %dma_start3A_348 = tpu.memref_slice %arg13[%dma_start3A_347] : memref<20000xi32, #tpu.memory_space<vmem>> -> memref<10000xi32, #tpu.memory_space<vmem>>
      %dma_start3A_349 = tpu.memref_slice %arg6[%add3A_319] : memref<8000000xi32, #tpu.memory_space<hbm>> -> memref<10000xi32, #tpu.memory_space<hbm>>
      tpu.enqueue_dma source(%dma_start3A_349 : memref<10000xi32, #tpu.memory_space<hbm>>) target(%dma_start3A_348 : memref<10000xi32, #tpu.memory_space<vmem>>) target_semaphore(%arg19 : memref<!tpu.dma_semaphore, #tpu.memory_space<semaphore_mem>>)
      %dma_wait3A_350 = arith.constant 10000 : i32
      %dma_wait3A_351 = tpu.memref_slice %arg9[%dma_wait3A_350] : memref<20000xf32, #tpu.memory_space<vmem>> -> memref<10000xf32, #tpu.memory_space<vmem>>
      %dma_wait3A_352 = arith.constant 0 : i32
      %dma_wait3A_353 = tpu.memref_slice %arg2[%dma_wait3A_352] : memref<8000000xf32, #tpu.memory_space<hbm>> -> memref<10000xf32, #tpu.memory_space<hbm>>
      %dma_wait3A_354 = arith.constant 10000 : i32
      %dma_wait3A_355 = tpu.memref_slice %arg9[%dma_wait3A_354] : memref<20000xf32, #tpu.memory_space<vmem>> -> memref<10000xf32, #tpu.memory_space<vmem>>
      %dma_wait3A_356 = arith.constant 0 : i32
      %dma_wait3A_357 = tpu.memref_slice %arg2[%dma_wait3A_356] : memref<8000000xf32, #tpu.memory_space<hbm>> -> memref<10000xf32, #tpu.memory_space<hbm>>
      tpu.wait_dma2 semaphore(%arg20 : memref<!tpu.dma_semaphore, #tpu.memory_space<semaphore_mem>>) src(%dma_wait3A_357 : memref<10000xf32, #tpu.memory_space<hbm>>) dst(%dma_wait3A_355 : memref<10000xf32, #tpu.memory_space<vmem>>)
      %dma_wait3A_358 = arith.constant 10000 : i32
      %dma_wait3A_359 = tpu.memref_slice %arg10[%dma_wait3A_358] : memref<20000xf32, #tpu.memory_space<vmem>> -> memref<10000xf32, #tpu.memory_space<vmem>>
      %dma_wait3A_360 = arith.constant 0 : i32
      %dma_wait3A_361 = tpu.memref_slice %arg3[%dma_wait3A_360] : memref<8000000xf32, #tpu.memory_space<hbm>> -> memref<10000xf32, #tpu.memory_space<hbm>>
      %dma_wait3A_362 = arith.constant 10000 : i32
      %dma_wait3A_363 = tpu.memref_slice %arg10[%dma_wait3A_362] : memref<20000xf32, #tpu.memory_space<vmem>> -> memref<10000xf32, #tpu.memory_space<vmem>>
      %dma_wait3A_364 = arith.constant 0 : i32
      %dma_wait3A_365 = tpu.memref_slice %arg3[%dma_wait3A_364] : memref<8000000xf32, #tpu.memory_space<hbm>> -> memref<10000xf32, #tpu.memory_space<hbm>>
      tpu.wait_dma2 semaphore(%arg20 : memref<!tpu.dma_semaphore, #tpu.memory_space<semaphore_mem>>) src(%dma_wait3A_365 : memref<10000xf32, #tpu.memory_space<hbm>>) dst(%dma_wait3A_363 : memref<10000xf32, #tpu.memory_space<vmem>>)
      %dma_wait3A_366 = arith.constant 10000 : i32
      %dma_wait3A_367 = tpu.memref_slice %arg11[%dma_wait3A_366] : memref<20000xf32, #tpu.memory_space<vmem>> -> memref<10000xf32, #tpu.memory_space<vmem>>
      %dma_wait3A_368 = arith.constant 0 : i32
      %dma_wait3A_369 = tpu.memref_slice %arg4[%dma_wait3A_368] : memref<8000000xf32, #tpu.memory_space<hbm>> -> memref<10000xf32, #tpu.memory_space<hbm>>
      %dma_wait3A_370 = arith.constant 10000 : i32
      %dma_wait3A_371 = tpu.memref_slice %arg11[%dma_wait3A_370] : memref<20000xf32, #tpu.memory_space<vmem>> -> memref<10000xf32, #tpu.memory_space<vmem>>
      %dma_wait3A_372 = arith.constant 0 : i32
      %dma_wait3A_373 = tpu.memref_slice %arg4[%dma_wait3A_372] : memref<8000000xf32, #tpu.memory_space<hbm>> -> memref<10000xf32, #tpu.memory_space<hbm>>
      tpu.wait_dma2 semaphore(%arg20 : memref<!tpu.dma_semaphore, #tpu.memory_space<semaphore_mem>>) src(%dma_wait3A_373 : memref<10000xf32, #tpu.memory_space<hbm>>) dst(%dma_wait3A_371 : memref<10000xf32, #tpu.memory_space<vmem>>)
      %dma_wait3A_374 = arith.constant 10000 : i32
      %dma_wait3A_375 = tpu.memref_slice %arg12[%dma_wait3A_374] : memref<20000xf32, #tpu.memory_space<vmem>> -> memref<10000xf32, #tpu.memory_space<vmem>>
      %dma_wait3A_376 = arith.constant 0 : i32
      %dma_wait3A_377 = tpu.memref_slice %arg5[%dma_wait3A_376] : memref<8000000xf32, #tpu.memory_space<hbm>> -> memref<10000xf32, #tpu.memory_space<hbm>>
      %dma_wait3A_378 = arith.constant 10000 : i32
      %dma_wait3A_379 = tpu.memref_slice %arg12[%dma_wait3A_378] : memref<20000xf32, #tpu.memory_space<vmem>> -> memref<10000xf32, #tpu.memory_space<vmem>>
      %dma_wait3A_380 = arith.constant 0 : i32
      %dma_wait3A_381 = tpu.memref_slice %arg5[%dma_wait3A_380] : memref<8000000xf32, #tpu.memory_space<hbm>> -> memref<10000xf32, #tpu.memory_space<hbm>>
      tpu.wait_dma2 semaphore(%arg20 : memref<!tpu.dma_semaphore, #tpu.memory_space<semaphore_mem>>) src(%dma_wait3A_381 : memref<10000xf32, #tpu.memory_space<hbm>>) dst(%dma_wait3A_379 : memref<10000xf32, #tpu.memory_space<vmem>>)
      %dma_wait3A_382 = arith.constant 10000 : i32
      %dma_wait3A_383 = tpu.memref_slice %arg13[%dma_wait3A_382] : memref<20000xi32, #tpu.memory_space<vmem>> -> memref<10000xi32, #tpu.memory_space<vmem>>
      %dma_wait3A_384 = arith.constant 0 : i32
      %dma_wait3A_385 = tpu.memref_slice %arg6[%dma_wait3A_384] : memref<8000000xi32, #tpu.memory_space<hbm>> -> memref<10000xi32, #tpu.memory_space<hbm>>
      %dma_wait3A_386 = arith.constant 10000 : i32
      %dma_wait3A_387 = tpu.memref_slice %arg13[%dma_wait3A_386] : memref<20000xi32, #tpu.memory_space<vmem>> -> memref<10000xi32, #tpu.memory_space<vmem>>
      %dma_wait3A_388 = arith.constant 0 : i32
      %dma_wait3A_389 = tpu.memref_slice %arg6[%dma_wait3A_388] : memref<8000000xi32, #tpu.memory_space<hbm>> -> memref<10000xi32, #tpu.memory_space<hbm>>
      tpu.wait_dma2 semaphore(%arg20 : memref<!tpu.dma_semaphore, #tpu.memory_space<semaphore_mem>>) src(%dma_wait3A_389 : memref<10000xi32, #tpu.memory_space<hbm>>) dst(%dma_wait3A_387 : memref<10000xi32, #tpu.memory_space<vmem>>)
      %scan3A_390 = arith.constant 0 : i32
      %scan3A_391 = arith.constant 125 : i32
      %scan3A_392 = arith.addi %scan3A_390, %scan3A_391 : i32
      %scan3A_393 = arith.constant 1 : i32
      %scan3A_394 = scf.for %scan3A_433 = %scan3A_390 to %scan3A_392 step %scan3A_393 iter_args(%scan3A_434 = %scan3A_311) -> (vector<16xf32>)  : i32 {
        %mul3A_435 = arith.constant 80 : i32
        %mul3A_436 = arith.muli %scan3A_433, %mul3A_435 : i32
        %add3A_437 = arith.constant 10000 : i32
        %add3A_438 = arith.addi %add3A_437, %mul3A_436 : i32
        %add3A_439 = arith.constant 0 : i32
        %add3A_440 = arith.addi %add3A_438, %add3A_439 : i32
        %get3A_441 = arith.index_cast %add3A_440 : i32 to index
        %get3A_442 = tpu.vector_load %arg9[%get3A_441] {strides = array<i32>} : memref<20000xf32, #tpu.memory_space<vmem>>, vector<16xf32>,
        %get3A_443 = arith.index_cast %add3A_440 : i32 to index
        %get3A_444 = tpu.vector_load %arg10[%get3A_443] {strides = array<i32>} : memref<20000xf32, #tpu.memory_space<vmem>>, vector<16xf32>,
        %get3A_445 = arith.index_cast %add3A_440 : i32 to index
        %get3A_446 = tpu.vector_load %arg11[%get3A_445] {strides = array<i32>} : memref<20000xf32, #tpu.memory_space<vmem>>, vector<16xf32>,
        %get3A_447 = arith.index_cast %add3A_440 : i32 to index
        %get3A_448 = tpu.vector_load %arg12[%get3A_447] {strides = array<i32>} : memref<20000xf32, #tpu.memory_space<vmem>>, vector<16xf32>,
        %get3A_449 = arith.index_cast %add3A_440 : i32 to index
        %get3A_450 = tpu.vector_load %arg13[%get3A_449] {strides = array<i32>} : memref<20000xi32, #tpu.memory_space<vmem>>, vector<16xi32>,
        %max3A = arith.maximumf %get3A_442, %get3A_444 : vector<16xf32>
        %min3A = arith.minimumf %get3A_442, %get3A_444 : vector<16xf32>
        %sub3A = arith.subf %min3A, %max3A : vector<16xf32>
        %exp3A = math.exp %sub3A : vector<16xf32>
        %add3A_451 = arith.constant 2.000000e+00 : f32
        %add3A_452 = vector.broadcast %add3A_451 : f32 to vector<16xf32>
        %add3A_453 = arith.addf %exp3A, %add3A_452 : vector<16xf32>
        %div3A = arith.divf %exp3A, %add3A_453 : vector<16xf32>
        %mul3A_454 = arith.mulf %div3A, %div3A : vector<16xf32>
        %mul3A_455 = arith.constant 0.222222224 : f32
        %mul3A_456 = vector.broadcast %mul3A_455 : f32 to vector<16xf32>
        %mul3A_457 = arith.mulf %mul3A_454, %mul3A_456 : vector<16xf32>
        %add3A_458 = arith.constant 0.285714298 : f32
        %add3A_459 = vector.broadcast %add3A_458 : f32 to vector<16xf32>
        %add3A_460 = arith.addf %add3A_459, %mul3A_457 : vector<16xf32>
        %mul3A_461 = arith.mulf %mul3A_454, %add3A_460 : vector<16xf32>
        %add3A_462 = arith.constant 4.000000e-01 : f32
        %add3A_463 = vector.broadcast %add3A_462 : f32 to vector<16xf32>
        %add3A_464 = arith.addf %add3A_463, %mul3A_461 : vector<16xf32>
        %mul3A_465 = arith.mulf %mul3A_454, %add3A_464 : vector<16xf32>
        %add3A_466 = arith.constant 0.666666686 : f32
        %add3A_467 = vector.broadcast %add3A_466 : f32 to vector<16xf32>
        %add3A_468 = arith.addf %add3A_467, %mul3A_465 : vector<16xf32>
        %mul3A_469 = arith.mulf %mul3A_454, %add3A_468 : vector<16xf32>
        %add3A_470 = arith.constant 2.000000e+00 : f32
        %add3A_471 = vector.broadcast %add3A_470 : f32 to vector<16xf32>
        %add3A_472 = arith.addf %add3A_471, %mul3A_469 : vector<16xf32>
        %mul3A_473 = arith.mulf %div3A, %add3A_472 : vector<16xf32>
        %add3A_474 = arith.addf %max3A, %mul3A_473 : vector<16xf32>
        %mul3A_475 = arith.mulf %get3A_446, %get3A_9 : vector<16xf32>
        %sub3A_476 = arith.subf %add3A_474, %get3A_442 : vector<16xf32>
        %mul3A_477 = arith.mulf %mul3A_475, %sub3A_476 : vector<16xf32>
        %mul3A_478 = arith.mulf %get3A_448, %get3A_11 : vector<16xf32>
        %sub3A_479 = arith.subf %add3A_474, %get3A_444 : vector<16xf32>
        %mul3A_480 = arith.mulf %mul3A_478, %sub3A_479 : vector<16xf32>
        %add3A_481 = arith.addf %mul3A_477, %mul3A_480 : vector<16xf32>
        %neg3A = arith.constant 0.000000e+00 : f32
        %neg3A_482 = vector.broadcast %neg3A : f32 to vector<16xf32>
        %neg3A_483 = arith.subf %neg3A_482, %get3A_444 : vector<16xf32>
        %exp3A_484 = math.exp %neg3A_483 : vector<16xf32>
        %add3A_485 = arith.constant 1.000000e+00 : f32
        %add3A_486 = vector.broadcast %add3A_485 : f32 to vector<16xf32>
        %add3A_487 = arith.addf %add3A_486, %exp3A_484 : vector<16xf32>
        %div3A_488 = arith.constant 1.000000e+00 : f32
        %div3A_489 = vector.broadcast %div3A_488 : f32 to vector<16xf32>
        %div3A_490 = arith.divf %div3A_489, %add3A_487 : vector<16xf32>
        %mul3A_491 = arith.constant 1.000000e+01 : f32
        %mul3A_492 = vector.broadcast %mul3A_491 : f32 to vector<16xf32>
        %mul3A_493 = arith.mulf %div3A_490, %mul3A_492 : vector<16xf32>
        %convert_element_type3A = arith.fptosi %mul3A_493 : vector<16xf32> to vector<16xi32>
        %min3A_494 = arith.constant 9 : i32
        %min3A_495 = vector.broadcast %min3A_494 : i32 to vector<16xi32>
        %min3A_496 = arith.minsi %convert_element_type3A, %min3A_495 : vector<16xi32>
        %eq3A = arith.constant 1 : i32
        %eq3A_497 = vector.broadcast %eq3A : i32 to vector<16xi32>
        %eq3A_498 = arith.cmpi eq, %get3A_450, %eq3A_497 : vector<16xi32>
        %select_n3A = arith.select %eq3A_498, %broadcast_in_dim3A_13, %broadcast_in_dim3A_3 : vector<16xi1>, vector<16xf32>
        tpu.vector_store_idx %arg15[%min3A_496], %broadcast_in_dim3A_13 {add = true} : memref<16xf32, #tpu.memory_space<vmem>>[vector<16xi32>], vector<16xf32>,
        tpu.vector_store_idx %arg16[%min3A_496], %select_n3A {add = true} : memref<16xf32, #tpu.memory_space<vmem>>[vector<16xi32>], vector<16xf32>,
        tpu.vector_store_idx %arg17[%min3A_496], %div3A_490 {add = true} : memref<16xf32, #tpu.memory_space<vmem>>[vector<16xi32>], vector<16xf32>,
        %add3A_499 = arith.constant 16 : i32
        %add3A_500 = arith.addi %add3A_438, %add3A_499 : i32
        %get3A_501 = arith.index_cast %add3A_500 : i32 to index
        %get3A_502 = tpu.vector_load %arg9[%get3A_501] {strides = array<i32>} : memref<20000xf32, #tpu.memory_space<vmem>>, vector<16xf32>,
        %get3A_503 = arith.index_cast %add3A_500 : i32 to index
        %get3A_504 = tpu.vector_load %arg10[%get3A_503] {strides = array<i32>} : memref<20000xf32, #tpu.memory_space<vmem>>, vector<16xf32>,
        %get3A_505 = arith.index_cast %add3A_500 : i32 to index
        %get3A_506 = tpu.vector_load %arg11[%get3A_505] {strides = array<i32>} : memref<20000xf32, #tpu.memory_space<vmem>>, vector<16xf32>,
        %get3A_507 = arith.index_cast %add3A_500 : i32 to index
        %get3A_508 = tpu.vector_load %arg12[%get3A_507] {strides = array<i32>} : memref<20000xf32, #tpu.memory_space<vmem>>, vector<16xf32>,
        %get3A_509 = arith.index_cast %add3A_500 : i32 to index
        %get3A_510 = tpu.vector_load %arg13[%get3A_509] {strides = array<i32>} : memref<20000xi32, #tpu.memory_space<vmem>>, vector<16xi32>,
        %max3A_511 = arith.maximumf %get3A_502, %get3A_504 : vector<16xf32>
        %min3A_512 = arith.minimumf %get3A_502, %get3A_504 : vector<16xf32>
        %sub3A_513 = arith.subf %min3A_512, %max3A_511 : vector<16xf32>
        %exp3A_514 = math.exp %sub3A_513 : vector<16xf32>
        %add3A_515 = arith.constant 2.000000e+00 : f32
        %add3A_516 = vector.broadcast %add3A_515 : f32 to vector<16xf32>
        %add3A_517 = arith.addf %exp3A_514, %add3A_516 : vector<16xf32>
        %div3A_518 = arith.divf %exp3A_514, %add3A_517 : vector<16xf32>
        %mul3A_519 = arith.mulf %div3A_518, %div3A_518 : vector<16xf32>
        %mul3A_520 = arith.constant 0.222222224 : f32
        %mul3A_521 = vector.broadcast %mul3A_520 : f32 to vector<16xf32>
        %mul3A_522 = arith.mulf %mul3A_519, %mul3A_521 : vector<16xf32>
        %add3A_523 = arith.constant 0.285714298 : f32
        %add3A_524 = vector.broadcast %add3A_523 : f32 to vector<16xf32>
        %add3A_525 = arith.addf %add3A_524, %mul3A_522 : vector<16xf32>
        %mul3A_526 = arith.mulf %mul3A_519, %add3A_525 : vector<16xf32>
        %add3A_527 = arith.constant 4.000000e-01 : f32
        %add3A_528 = vector.broadcast %add3A_527 : f32 to vector<16xf32>
        %add3A_529 = arith.addf %add3A_528, %mul3A_526 : vector<16xf32>
        %mul3A_530 = arith.mulf %mul3A_519, %add3A_529 : vector<16xf32>
        %add3A_531 = arith.constant 0.666666686 : f32
        %add3A_532 = vector.broadcast %add3A_531 : f32 to vector<16xf32>
        %add3A_533 = arith.addf %add3A_532, %mul3A_530 : vector<16xf32>
        %mul3A_534 = arith.mulf %mul3A_519, %add3A_533 : vector<16xf32>
        %add3A_535 = arith.constant 2.000000e+00 : f32
        %add3A_536 = vector.broadcast %add3A_535 : f32 to vector<16xf32>
        %add3A_537 = arith.addf %add3A_536, %mul3A_534 : vector<16xf32>
        %mul3A_538 = arith.mulf %div3A_518, %add3A_537 : vector<16xf32>
        %add3A_539 = arith.addf %max3A_511, %mul3A_538 : vector<16xf32>
        %mul3A_540 = arith.mulf %get3A_506, %get3A_9 : vector<16xf32>
        %sub3A_541 = arith.subf %add3A_539, %get3A_502 : vector<16xf32>
        %mul3A_542 = arith.mulf %mul3A_540, %sub3A_541 : vector<16xf32>
        %mul3A_543 = arith.mulf %get3A_508, %get3A_11 : vector<16xf32>
        %sub3A_544 = arith.subf %add3A_539, %get3A_504 : vector<16xf32>
        %mul3A_545 = arith.mulf %mul3A_543, %sub3A_544 : vector<16xf32>
        %add3A_546 = arith.addf %mul3A_542, %mul3A_545 : vector<16xf32>
        %neg3A_547 = arith.constant 0.000000e+00 : f32
        %neg3A_548 = vector.broadcast %neg3A_547 : f32 to vector<16xf32>
        %neg3A_549 = arith.subf %neg3A_548, %get3A_504 : vector<16xf32>
        %exp3A_550 = math.exp %neg3A_549 : vector<16xf32>
        %add3A_551 = arith.constant 1.000000e+00 : f32
        %add3A_552 = vector.broadcast %add3A_551 : f32 to vector<16xf32>
        %add3A_553 = arith.addf %add3A_552, %exp3A_550 : vector<16xf32>
        %div3A_554 = arith.constant 1.000000e+00 : f32
        %div3A_555 = vector.broadcast %div3A_554 : f32 to vector<16xf32>
        %div3A_556 = arith.divf %div3A_555, %add3A_553 : vector<16xf32>
        %mul3A_557 = arith.constant 1.000000e+01 : f32
        %mul3A_558 = vector.broadcast %mul3A_557 : f32 to vector<16xf32>
        %mul3A_559 = arith.mulf %div3A_556, %mul3A_558 : vector<16xf32>
        %convert_element_type3A_560 = arith.fptosi %mul3A_559 : vector<16xf32> to vector<16xi32>
        %min3A_561 = arith.constant 9 : i32
        %min3A_562 = vector.broadcast %min3A_561 : i32 to vector<16xi32>
        %min3A_563 = arith.minsi %convert_element_type3A_560, %min3A_562 : vector<16xi32>
        %eq3A_564 = arith.constant 1 : i32
        %eq3A_565 = vector.broadcast %eq3A_564 : i32 to vector<16xi32>
        %eq3A_566 = arith.cmpi eq, %get3A_510, %eq3A_565 : vector<16xi32>
        %select_n3A_567 = arith.select %eq3A_566, %broadcast_in_dim3A_13, %broadcast_in_dim3A_3 : vector<16xi1>, vector<16xf32>
        tpu.vector_store_idx %arg15[%min3A_563], %broadcast_in_dim3A_13 {add = true} : memref<16xf32, #tpu.memory_space<vmem>>[vector<16xi32>], vector<16xf32>,
        tpu.vector_store_idx %arg16[%min3A_563], %select_n3A_567 {add = true} : memref<16xf32, #tpu.memory_space<vmem>>[vector<16xi32>], vector<16xf32>,
        tpu.vector_store_idx %arg17[%min3A_563], %div3A_556 {add = true} : memref<16xf32, #tpu.memory_space<vmem>>[vector<16xi32>], vector<16xf32>,
        %add3A_568 = arith.constant 32 : i32
        %add3A_569 = arith.addi %add3A_438, %add3A_568 : i32
        %get3A_570 = arith.index_cast %add3A_569 : i32 to index
        %get3A_571 = tpu.vector_load %arg9[%get3A_570] {strides = array<i32>} : memref<20000xf32, #tpu.memory_space<vmem>>, vector<16xf32>,
        %get3A_572 = arith.index_cast %add3A_569 : i32 to index
        %get3A_573 = tpu.vector_load %arg10[%get3A_572] {strides = array<i32>} : memref<20000xf32, #tpu.memory_space<vmem>>, vector<16xf32>,
        %get3A_574 = arith.index_cast %add3A_569 : i32 to index
        %get3A_575 = tpu.vector_load %arg11[%get3A_574] {strides = array<i32>} : memref<20000xf32, #tpu.memory_space<vmem>>, vector<16xf32>,
        %get3A_576 = arith.index_cast %add3A_569 : i32 to index
        %get3A_577 = tpu.vector_load %arg12[%get3A_576] {strides = array<i32>} : memref<20000xf32, #tpu.memory_space<vmem>>, vector<16xf32>,
        %get3A_578 = arith.index_cast %add3A_569 : i32 to index
        %get3A_579 = tpu.vector_load %arg13[%get3A_578] {strides = array<i32>} : memref<20000xi32, #tpu.memory_space<vmem>>, vector<16xi32>,
        %max3A_580 = arith.maximumf %get3A_571, %get3A_573 : vector<16xf32>
        %min3A_581 = arith.minimumf %get3A_571, %get3A_573 : vector<16xf32>
        %sub3A_582 = arith.subf %min3A_581, %max3A_580 : vector<16xf32>
        %exp3A_583 = math.exp %sub3A_582 : vector<16xf32>
        %add3A_584 = arith.constant 2.000000e+00 : f32
        %add3A_585 = vector.broadcast %add3A_584 : f32 to vector<16xf32>
        %add3A_586 = arith.addf %exp3A_583, %add3A_585 : vector<16xf32>
        %div3A_587 = arith.divf %exp3A_583, %add3A_586 : vector<16xf32>
        %mul3A_588 = arith.mulf %div3A_587, %div3A_587 : vector<16xf32>
        %mul3A_589 = arith.constant 0.222222224 : f32
        %mul3A_590 = vector.broadcast %mul3A_589 : f32 to vector<16xf32>
        %mul3A_591 = arith.mulf %mul3A_588, %mul3A_590 : vector<16xf32>
        %add3A_592 = arith.constant 0.285714298 : f32
        %add3A_593 = vector.broadcast %add3A_592 : f32 to vector<16xf32>
        %add3A_594 = arith.addf %add3A_593, %mul3A_591 : vector<16xf32>
        %mul3A_595 = arith.mulf %mul3A_588, %add3A_594 : vector<16xf32>
        %add3A_596 = arith.constant 4.000000e-01 : f32
        %add3A_597 = vector.broadcast %add3A_596 : f32 to vector<16xf32>
        %add3A_598 = arith.addf %add3A_597, %mul3A_595 : vector<16xf32>
        %mul3A_599 = arith.mulf %mul3A_588, %add3A_598 : vector<16xf32>
        %add3A_600 = arith.constant 0.666666686 : f32
        %add3A_601 = vector.broadcast %add3A_600 : f32 to vector<16xf32>
        %add3A_602 = arith.addf %add3A_601, %mul3A_599 : vector<16xf32>
        %mul3A_603 = arith.mulf %mul3A_588, %add3A_602 : vector<16xf32>
        %add3A_604 = arith.constant 2.000000e+00 : f32
        %add3A_605 = vector.broadcast %add3A_604 : f32 to vector<16xf32>
        %add3A_606 = arith.addf %add3A_605, %mul3A_603 : vector<16xf32>
        %mul3A_607 = arith.mulf %div3A_587, %add3A_606 : vector<16xf32>
        %add3A_608 = arith.addf %max3A_580, %mul3A_607 : vector<16xf32>
        %mul3A_609 = arith.mulf %get3A_575, %get3A_9 : vector<16xf32>
        %sub3A_610 = arith.subf %add3A_608, %get3A_571 : vector<16xf32>
        %mul3A_611 = arith.mulf %mul3A_609, %sub3A_610 : vector<16xf32>
        %mul3A_612 = arith.mulf %get3A_577, %get3A_11 : vector<16xf32>
        %sub3A_613 = arith.subf %add3A_608, %get3A_573 : vector<16xf32>
        %mul3A_614 = arith.mulf %mul3A_612, %sub3A_613 : vector<16xf32>
        %add3A_615 = arith.addf %mul3A_611, %mul3A_614 : vector<16xf32>
        %neg3A_616 = arith.constant 0.000000e+00 : f32
        %neg3A_617 = vector.broadcast %neg3A_616 : f32 to vector<16xf32>
        %neg3A_618 = arith.subf %neg3A_617, %get3A_573 : vector<16xf32>
        %exp3A_619 = math.exp %neg3A_618 : vector<16xf32>
        %add3A_620 = arith.constant 1.000000e+00 : f32
        %add3A_621 = vector.broadcast %add3A_620 : f32 to vector<16xf32>
        %add3A_622 = arith.addf %add3A_621, %exp3A_619 : vector<16xf32>
        %div3A_623 = arith.constant 1.000000e+00 : f32
        %div3A_624 = vector.broadcast %div3A_623 : f32 to vector<16xf32>
        %div3A_625 = arith.divf %div3A_624, %add3A_622 : vector<16xf32>
        %mul3A_626 = arith.constant 1.000000e+01 : f32
        %mul3A_627 = vector.broadcast %mul3A_626 : f32 to vector<16xf32>
        %mul3A_628 = arith.mulf %div3A_625, %mul3A_627 : vector<16xf32>
        %convert_element_type3A_629 = arith.fptosi %mul3A_628 : vector<16xf32> to vector<16xi32>
        %min3A_630 = arith.constant 9 : i32
        %min3A_631 = vector.broadcast %min3A_630 : i32 to vector<16xi32>
        %min3A_632 = arith.minsi %convert_element_type3A_629, %min3A_631 : vector<16xi32>
        %eq3A_633 = arith.constant 1 : i32
        %eq3A_634 = vector.broadcast %eq3A_633 : i32 to vector<16xi32>
        %eq3A_635 = arith.cmpi eq, %get3A_579, %eq3A_634 : vector<16xi32>
        %select_n3A_636 = arith.select %eq3A_635, %broadcast_in_dim3A_13, %broadcast_in_dim3A_3 : vector<16xi1>, vector<16xf32>
        tpu.vector_store_idx %arg15[%min3A_632], %broadcast_in_dim3A_13 {add = true} : memref<16xf32, #tpu.memory_space<vmem>>[vector<16xi32>], vector<16xf32>,
        tpu.vector_store_idx %arg16[%min3A_632], %select_n3A_636 {add = true} : memref<16xf32, #tpu.memory_space<vmem>>[vector<16xi32>], vector<16xf32>,
        tpu.vector_store_idx %arg17[%min3A_632], %div3A_625 {add = true} : memref<16xf32, #tpu.memory_space<vmem>>[vector<16xi32>], vector<16xf32>,
        %add3A_637 = arith.constant 48 : i32
        %add3A_638 = arith.addi %add3A_438, %add3A_637 : i32
        %get3A_639 = arith.index_cast %add3A_638 : i32 to index
        %get3A_640 = tpu.vector_load %arg9[%get3A_639] {strides = array<i32>} : memref<20000xf32, #tpu.memory_space<vmem>>, vector<16xf32>,
        %get3A_641 = arith.index_cast %add3A_638 : i32 to index
        %get3A_642 = tpu.vector_load %arg10[%get3A_641] {strides = array<i32>} : memref<20000xf32, #tpu.memory_space<vmem>>, vector<16xf32>,
        %get3A_643 = arith.index_cast %add3A_638 : i32 to index
        %get3A_644 = tpu.vector_load %arg11[%get3A_643] {strides = array<i32>} : memref<20000xf32, #tpu.memory_space<vmem>>, vector<16xf32>,
        %get3A_645 = arith.index_cast %add3A_638 : i32 to index
        %get3A_646 = tpu.vector_load %arg12[%get3A_645] {strides = array<i32>} : memref<20000xf32, #tpu.memory_space<vmem>>, vector<16xf32>,
        %get3A_647 = arith.index_cast %add3A_638 : i32 to index
        %get3A_648 = tpu.vector_load %arg13[%get3A_647] {strides = array<i32>} : memref<20000xi32, #tpu.memory_space<vmem>>, vector<16xi32>,
        %max3A_649 = arith.maximumf %get3A_640, %get3A_642 : vector<16xf32>
        %min3A_650 = arith.minimumf %get3A_640, %get3A_642 : vector<16xf32>
        %sub3A_651 = arith.subf %min3A_650, %max3A_649 : vector<16xf32>
        %exp3A_652 = math.exp %sub3A_651 : vector<16xf32>
        %add3A_653 = arith.constant 2.000000e+00 : f32
        %add3A_654 = vector.broadcast %add3A_653 : f32 to vector<16xf32>
        %add3A_655 = arith.addf %exp3A_652, %add3A_654 : vector<16xf32>
        %div3A_656 = arith.divf %exp3A_652, %add3A_655 : vector<16xf32>
        %mul3A_657 = arith.mulf %div3A_656, %div3A_656 : vector<16xf32>
        %mul3A_658 = arith.constant 0.222222224 : f32
        %mul3A_659 = vector.broadcast %mul3A_658 : f32 to vector<16xf32>
        %mul3A_660 = arith.mulf %mul3A_657, %mul3A_659 : vector<16xf32>
        %add3A_661 = arith.constant 0.285714298 : f32
        %add3A_662 = vector.broadcast %add3A_661 : f32 to vector<16xf32>
        %add3A_663 = arith.addf %add3A_662, %mul3A_660 : vector<16xf32>
        %mul3A_664 = arith.mulf %mul3A_657, %add3A_663 : vector<16xf32>
        %add3A_665 = arith.constant 4.000000e-01 : f32
        %add3A_666 = vector.broadcast %add3A_665 : f32 to vector<16xf32>
        %add3A_667 = arith.addf %add3A_666, %mul3A_664 : vector<16xf32>
        %mul3A_668 = arith.mulf %mul3A_657, %add3A_667 : vector<16xf32>
        %add3A_669 = arith.constant 0.666666686 : f32
        %add3A_670 = vector.broadcast %add3A_669 : f32 to vector<16xf32>
        %add3A_671 = arith.addf %add3A_670, %mul3A_668 : vector<16xf32>
        %mul3A_672 = arith.mulf %mul3A_657, %add3A_671 : vector<16xf32>
        %add3A_673 = arith.constant 2.000000e+00 : f32
        %add3A_674 = vector.broadcast %add3A_673 : f32 to vector<16xf32>
        %add3A_675 = arith.addf %add3A_674, %mul3A_672 : vector<16xf32>
        %mul3A_676 = arith.mulf %div3A_656, %add3A_675 : vector<16xf32>
        %add3A_677 = arith.addf %max3A_649, %mul3A_676 : vector<16xf32>
        %mul3A_678 = arith.mulf %get3A_644, %get3A_9 : vector<16xf32>
        %sub3A_679 = arith.subf %add3A_677, %get3A_640 : vector<16xf32>
        %mul3A_680 = arith.mulf %mul3A_678, %sub3A_679 : vector<16xf32>
        %mul3A_681 = arith.mulf %get3A_646, %get3A_11 : vector<16xf32>
        %sub3A_682 = arith.subf %add3A_677, %get3A_642 : vector<16xf32>
        %mul3A_683 = arith.mulf %mul3A_681, %sub3A_682 : vector<16xf32>
        %add3A_684 = arith.addf %mul3A_680, %mul3A_683 : vector<16xf32>
        %neg3A_685 = arith.constant 0.000000e+00 : f32
        %neg3A_686 = vector.broadcast %neg3A_685 : f32 to vector<16xf32>
        %neg3A_687 = arith.subf %neg3A_686, %get3A_642 : vector<16xf32>
        %exp3A_688 = math.exp %neg3A_687 : vector<16xf32>
        %add3A_689 = arith.constant 1.000000e+00 : f32
        %add3A_690 = vector.broadcast %add3A_689 : f32 to vector<16xf32>
        %add3A_691 = arith.addf %add3A_690, %exp3A_688 : vector<16xf32>
        %div3A_692 = arith.constant 1.000000e+00 : f32
        %div3A_693 = vector.broadcast %div3A_692 : f32 to vector<16xf32>
        %div3A_694 = arith.divf %div3A_693, %add3A_691 : vector<16xf32>
        %mul3A_695 = arith.constant 1.000000e+01 : f32
        %mul3A_696 = vector.broadcast %mul3A_695 : f32 to vector<16xf32>
        %mul3A_697 = arith.mulf %div3A_694, %mul3A_696 : vector<16xf32>
        %convert_element_type3A_698 = arith.fptosi %mul3A_697 : vector<16xf32> to vector<16xi32>
        %min3A_699 = arith.constant 9 : i32
        %min3A_700 = vector.broadcast %min3A_699 : i32 to vector<16xi32>
        %min3A_701 = arith.minsi %convert_element_type3A_698, %min3A_700 : vector<16xi32>
        %eq3A_702 = arith.constant 1 : i32
        %eq3A_703 = vector.broadcast %eq3A_702 : i32 to vector<16xi32>
        %eq3A_704 = arith.cmpi eq, %get3A_648, %eq3A_703 : vector<16xi32>
        %select_n3A_705 = arith.select %eq3A_704, %broadcast_in_dim3A_13, %broadcast_in_dim3A_3 : vector<16xi1>, vector<16xf32>
        tpu.vector_store_idx %arg15[%min3A_701], %broadcast_in_dim3A_13 {add = true} : memref<16xf32, #tpu.memory_space<vmem>>[vector<16xi32>], vector<16xf32>,
        tpu.vector_store_idx %arg16[%min3A_701], %select_n3A_705 {add = true} : memref<16xf32, #tpu.memory_space<vmem>>[vector<16xi32>], vector<16xf32>,
        tpu.vector_store_idx %arg17[%min3A_701], %div3A_694 {add = true} : memref<16xf32, #tpu.memory_space<vmem>>[vector<16xi32>], vector<16xf32>,
        %add3A_706 = arith.constant 64 : i32
        %add3A_707 = arith.addi %add3A_438, %add3A_706 : i32
        %get3A_708 = arith.index_cast %add3A_707 : i32 to index
        %get3A_709 = tpu.vector_load %arg9[%get3A_708] {strides = array<i32>} : memref<20000xf32, #tpu.memory_space<vmem>>, vector<16xf32>,
        %get3A_710 = arith.index_cast %add3A_707 : i32 to index
        %get3A_711 = tpu.vector_load %arg10[%get3A_710] {strides = array<i32>} : memref<20000xf32, #tpu.memory_space<vmem>>, vector<16xf32>,
        %get3A_712 = arith.index_cast %add3A_707 : i32 to index
        %get3A_713 = tpu.vector_load %arg11[%get3A_712] {strides = array<i32>} : memref<20000xf32, #tpu.memory_space<vmem>>, vector<16xf32>,
        %get3A_714 = arith.index_cast %add3A_707 : i32 to index
        %get3A_715 = tpu.vector_load %arg12[%get3A_714] {strides = array<i32>} : memref<20000xf32, #tpu.memory_space<vmem>>, vector<16xf32>,
        %get3A_716 = arith.index_cast %add3A_707 : i32 to index
        %get3A_717 = tpu.vector_load %arg13[%get3A_716] {strides = array<i32>} : memref<20000xi32, #tpu.memory_space<vmem>>, vector<16xi32>,
        %max3A_718 = arith.maximumf %get3A_709, %get3A_711 : vector<16xf32>
        %min3A_719 = arith.minimumf %get3A_709, %get3A_711 : vector<16xf32>
        %sub3A_720 = arith.subf %min3A_719, %max3A_718 : vector<16xf32>
        %exp3A_721 = math.exp %sub3A_720 : vector<16xf32>
        %add3A_722 = arith.constant 2.000000e+00 : f32
        %add3A_723 = vector.broadcast %add3A_722 : f32 to vector<16xf32>
        %add3A_724 = arith.addf %exp3A_721, %add3A_723 : vector<16xf32>
        %div3A_725 = arith.divf %exp3A_721, %add3A_724 : vector<16xf32>
        %mul3A_726 = arith.mulf %div3A_725, %div3A_725 : vector<16xf32>
        %mul3A_727 = arith.constant 0.222222224 : f32
        %mul3A_728 = vector.broadcast %mul3A_727 : f32 to vector<16xf32>
        %mul3A_729 = arith.mulf %mul3A_726, %mul3A_728 : vector<16xf32>
        %add3A_730 = arith.constant 0.285714298 : f32
        %add3A_731 = vector.broadcast %add3A_730 : f32 to vector<16xf32>
        %add3A_732 = arith.addf %add3A_731, %mul3A_729 : vector<16xf32>
        %mul3A_733 = arith.mulf %mul3A_726, %add3A_732 : vector<16xf32>
        %add3A_734 = arith.constant 4.000000e-01 : f32
        %add3A_735 = vector.broadcast %add3A_734 : f32 to vector<16xf32>
        %add3A_736 = arith.addf %add3A_735, %mul3A_733 : vector<16xf32>
        %mul3A_737 = arith.mulf %mul3A_726, %add3A_736 : vector<16xf32>
        %add3A_738 = arith.constant 0.666666686 : f32
        %add3A_739 = vector.broadcast %add3A_738 : f32 to vector<16xf32>
        %add3A_740 = arith.addf %add3A_739, %mul3A_737 : vector<16xf32>
        %mul3A_741 = arith.mulf %mul3A_726, %add3A_740 : vector<16xf32>
        %add3A_742 = arith.constant 2.000000e+00 : f32
        %add3A_743 = vector.broadcast %add3A_742 : f32 to vector<16xf32>
        %add3A_744 = arith.addf %add3A_743, %mul3A_741 : vector<16xf32>
        %mul3A_745 = arith.mulf %div3A_725, %add3A_744 : vector<16xf32>
        %add3A_746 = arith.addf %max3A_718, %mul3A_745 : vector<16xf32>
        %mul3A_747 = arith.mulf %get3A_713, %get3A_9 : vector<16xf32>
        %sub3A_748 = arith.subf %add3A_746, %get3A_709 : vector<16xf32>
        %mul3A_749 = arith.mulf %mul3A_747, %sub3A_748 : vector<16xf32>
        %mul3A_750 = arith.mulf %get3A_715, %get3A_11 : vector<16xf32>
        %sub3A_751 = arith.subf %add3A_746, %get3A_711 : vector<16xf32>
        %mul3A_752 = arith.mulf %mul3A_750, %sub3A_751 : vector<16xf32>
        %add3A_753 = arith.addf %mul3A_749, %mul3A_752 : vector<16xf32>
        %neg3A_754 = arith.constant 0.000000e+00 : f32
        %neg3A_755 = vector.broadcast %neg3A_754 : f32 to vector<16xf32>
        %neg3A_756 = arith.subf %neg3A_755, %get3A_711 : vector<16xf32>
        %exp3A_757 = math.exp %neg3A_756 : vector<16xf32>
        %add3A_758 = arith.constant 1.000000e+00 : f32
        %add3A_759 = vector.broadcast %add3A_758 : f32 to vector<16xf32>
        %add3A_760 = arith.addf %add3A_759, %exp3A_757 : vector<16xf32>
        %div3A_761 = arith.constant 1.000000e+00 : f32
        %div3A_762 = vector.broadcast %div3A_761 : f32 to vector<16xf32>
        %div3A_763 = arith.divf %div3A_762, %add3A_760 : vector<16xf32>
        %mul3A_764 = arith.constant 1.000000e+01 : f32
        %mul3A_765 = vector.broadcast %mul3A_764 : f32 to vector<16xf32>
        %mul3A_766 = arith.mulf %div3A_763, %mul3A_765 : vector<16xf32>
        %convert_element_type3A_767 = arith.fptosi %mul3A_766 : vector<16xf32> to vector<16xi32>
        %min3A_768 = arith.constant 9 : i32
        %min3A_769 = vector.broadcast %min3A_768 : i32 to vector<16xi32>
        %min3A_770 = arith.minsi %convert_element_type3A_767, %min3A_769 : vector<16xi32>
        %eq3A_771 = arith.constant 1 : i32
        %eq3A_772 = vector.broadcast %eq3A_771 : i32 to vector<16xi32>
        %eq3A_773 = arith.cmpi eq, %get3A_717, %eq3A_772 : vector<16xi32>
        %select_n3A_774 = arith.select %eq3A_773, %broadcast_in_dim3A_13, %broadcast_in_dim3A_3 : vector<16xi1>, vector<16xf32>
        tpu.vector_store_idx %arg15[%min3A_770], %broadcast_in_dim3A_13 {add = true} : memref<16xf32, #tpu.memory_space<vmem>>[vector<16xi32>], vector<16xf32>,
        tpu.vector_store_idx %arg16[%min3A_770], %select_n3A_774 {add = true} : memref<16xf32, #tpu.memory_space<vmem>>[vector<16xi32>], vector<16xf32>,
        tpu.vector_store_idx %arg17[%min3A_770], %div3A_763 {add = true} : memref<16xf32, #tpu.memory_space<vmem>>[vector<16xi32>], vector<16xf32>,
        %add3A_775 = arith.addf %add3A_481, %add3A_546 : vector<16xf32>
        %add3A_776 = arith.addf %add3A_615, %add3A_684 : vector<16xf32>
        %add3A_777 = arith.addf %add3A_775, %add3A_776 : vector<16xf32>
        %add3A_778 = arith.addf %add3A_777, %add3A_753 : vector<16xf32>
        %add3A_779 = arith.addf %scan3A_434, %add3A_778 : vector<16xf32>
        scf.yield %add3A_779 : vector<16xf32>
      }
      %scan3A_395 = arith.constant 125 : i32
      %mul3A_396 = arith.constant 2 : i32
      %mul3A_397 = arith.muli %mul3A_396, %scan3A_265 : i32
      %add3A_398 = arith.constant 3 : i32
      %add3A_399 = arith.addi %mul3A_397, %add3A_398 : i32
      %mul3A_400 = arith.constant 10000 : i32
      %mul3A_401 = arith.muli %add3A_399, %mul3A_400 : i32
      %add3A_402 = arith.addi %mul3A_2, %mul3A_401 : i32
      %dma_start3A_403 = arith.constant 10000 : i32
      %dma_start3A_404 = tpu.memref_slice %arg9[%dma_start3A_403] : memref<20000xf32, #tpu.memory_space<vmem>> -> memref<10000xf32, #tpu.memory_space<vmem>>
      %dma_start3A_405 = tpu.memref_slice %arg2[%add3A_402] : memref<8000000xf32, #tpu.memory_space<hbm>> -> memref<10000xf32, #tpu.memory_space<hbm>>
      %dma_start3A_406 = arith.constant 10000 : i32
      %dma_start3A_407 = tpu.memref_slice %arg9[%dma_start3A_406] : memref<20000xf32, #tpu.memory_space<vmem>> -> memref<10000xf32, #tpu.memory_space<vmem>>
      %dma_start3A_408 = tpu.memref_slice %arg2[%add3A_402] : memref<8000000xf32, #tpu.memory_space<hbm>> -> memref<10000xf32, #tpu.memory_space<hbm>>
      tpu.enqueue_dma source(%dma_start3A_408 : memref<10000xf32, #tpu.memory_space<hbm>>) target(%dma_start3A_407 : memref<10000xf32, #tpu.memory_space<vmem>>) target_semaphore(%arg20 : memref<!tpu.dma_semaphore, #tpu.memory_space<semaphore_mem>>)
      %dma_start3A_409 = arith.constant 10000 : i32
      %dma_start3A_410 = tpu.memref_slice %arg10[%dma_start3A_409] : memref<20000xf32, #tpu.memory_space<vmem>> -> memref<10000xf32, #tpu.memory_space<vmem>>
      %dma_start3A_411 = tpu.memref_slice %arg3[%add3A_402] : memref<8000000xf32, #tpu.memory_space<hbm>> -> memref<10000xf32, #tpu.memory_space<hbm>>
      %dma_start3A_412 = arith.constant 10000 : i32
      %dma_start3A_413 = tpu.memref_slice %arg10[%dma_start3A_412] : memref<20000xf32, #tpu.memory_space<vmem>> -> memref<10000xf32, #tpu.memory_space<vmem>>
      %dma_start3A_414 = tpu.memref_slice %arg3[%add3A_402] : memref<8000000xf32, #tpu.memory_space<hbm>> -> memref<10000xf32, #tpu.memory_space<hbm>>
      tpu.enqueue_dma source(%dma_start3A_414 : memref<10000xf32, #tpu.memory_space<hbm>>) target(%dma_start3A_413 : memref<10000xf32, #tpu.memory_space<vmem>>) target_semaphore(%arg20 : memref<!tpu.dma_semaphore, #tpu.memory_space<semaphore_mem>>)
      %dma_start3A_415 = arith.constant 10000 : i32
      %dma_start3A_416 = tpu.memref_slice %arg11[%dma_start3A_415] : memref<20000xf32, #tpu.memory_space<vmem>> -> memref<10000xf32, #tpu.memory_space<vmem>>
      %dma_start3A_417 = tpu.memref_slice %arg4[%add3A_402] : memref<8000000xf32, #tpu.memory_space<hbm>> -> memref<10000xf32, #tpu.memory_space<hbm>>
      %dma_start3A_418 = arith.constant 10000 : i32
      %dma_start3A_419 = tpu.memref_slice %arg11[%dma_start3A_418] : memref<20000xf32, #tpu.memory_space<vmem>> -> memref<10000xf32, #tpu.memory_space<vmem>>
      %dma_start3A_420 = tpu.memref_slice %arg4[%add3A_402] : memref<8000000xf32, #tpu.memory_space<hbm>> -> memref<10000xf32, #tpu.memory_space<hbm>>
      tpu.enqueue_dma source(%dma_start3A_420 : memref<10000xf32, #tpu.memory_space<hbm>>) target(%dma_start3A_419 : memref<10000xf32, #tpu.memory_space<vmem>>) target_semaphore(%arg20 : memref<!tpu.dma_semaphore, #tpu.memory_space<semaphore_mem>>)
      %dma_start3A_421 = arith.constant 10000 : i32
      %dma_start3A_422 = tpu.memref_slice %arg12[%dma_start3A_421] : memref<20000xf32, #tpu.memory_space<vmem>> -> memref<10000xf32, #tpu.memory_space<vmem>>
      %dma_start3A_423 = tpu.memref_slice %arg5[%add3A_402] : memref<8000000xf32, #tpu.memory_space<hbm>> -> memref<10000xf32, #tpu.memory_space<hbm>>
      %dma_start3A_424 = arith.constant 10000 : i32
      %dma_start3A_425 = tpu.memref_slice %arg12[%dma_start3A_424] : memref<20000xf32, #tpu.memory_space<vmem>> -> memref<10000xf32, #tpu.memory_space<vmem>>
      %dma_start3A_426 = tpu.memref_slice %arg5[%add3A_402] : memref<8000000xf32, #tpu.memory_space<hbm>> -> memref<10000xf32, #tpu.memory_space<hbm>>
      tpu.enqueue_dma source(%dma_start3A_426 : memref<10000xf32, #tpu.memory_space<hbm>>) target(%dma_start3A_425 : memref<10000xf32, #tpu.memory_space<vmem>>) target_semaphore(%arg20 : memref<!tpu.dma_semaphore, #tpu.memory_space<semaphore_mem>>)
      %dma_start3A_427 = arith.constant 10000 : i32
      %dma_start3A_428 = tpu.memref_slice %arg13[%dma_start3A_427] : memref<20000xi32, #tpu.memory_space<vmem>> -> memref<10000xi32, #tpu.memory_space<vmem>>
      %dma_start3A_429 = tpu.memref_slice %arg6[%add3A_402] : memref<8000000xi32, #tpu.memory_space<hbm>> -> memref<10000xi32, #tpu.memory_space<hbm>>
      %dma_start3A_430 = arith.constant 10000 : i32
      %dma_start3A_431 = tpu.memref_slice %arg13[%dma_start3A_430] : memref<20000xi32, #tpu.memory_space<vmem>> -> memref<10000xi32, #tpu.memory_space<vmem>>
      %dma_start3A_432 = tpu.memref_slice %arg6[%add3A_402] : memref<8000000xi32, #tpu.memory_space<hbm>> -> memref<10000xi32, #tpu.memory_space<hbm>>
      tpu.enqueue_dma source(%dma_start3A_432 : memref<10000xi32, #tpu.memory_space<hbm>>) target(%dma_start3A_431 : memref<10000xi32, #tpu.memory_space<vmem>>) target_semaphore(%arg20 : memref<!tpu.dma_semaphore, #tpu.memory_space<semaphore_mem>>)
      scf.yield %scan3A_394 : vector<16xf32>
    }
    %scan3A_81 = arith.constant 11 : i32
    %dma_wait3A = arith.constant 0 : i32
    %dma_wait3A_82 = tpu.memref_slice %arg9[%dma_wait3A] : memref<20000xf32, #tpu.memory_space<vmem>> -> memref<10000xf32, #tpu.memory_space<vmem>>
    %dma_wait3A_83 = arith.constant 0 : i32
    %dma_wait3A_84 = tpu.memref_slice %arg2[%dma_wait3A_83] : memref<8000000xf32, #tpu.memory_space<hbm>> -> memref<10000xf32, #tpu.memory_space<hbm>>
    %dma_wait3A_85 = arith.constant 0 : i32
    %dma_wait3A_86 = tpu.memref_slice %arg9[%dma_wait3A_85] : memref<20000xf32, #tpu.memory_space<vmem>> -> memref<10000xf32, #tpu.memory_space<vmem>>
    %dma_wait3A_87 = arith.constant 0 : i32
    %dma_wait3A_88 = tpu.memref_slice %arg2[%dma_wait3A_87] : memref<8000000xf32, #tpu.memory_space<hbm>> -> memref<10000xf32, #tpu.memory_space<hbm>>
    tpu.wait_dma2 semaphore(%arg19 : memref<!tpu.dma_semaphore, #tpu.memory_space<semaphore_mem>>) src(%dma_wait3A_88 : memref<10000xf32, #tpu.memory_space<hbm>>) dst(%dma_wait3A_86 : memref<10000xf32, #tpu.memory_space<vmem>>)
    %dma_wait3A_89 = arith.constant 0 : i32
    %dma_wait3A_90 = tpu.memref_slice %arg10[%dma_wait3A_89] : memref<20000xf32, #tpu.memory_space<vmem>> -> memref<10000xf32, #tpu.memory_space<vmem>>
    %dma_wait3A_91 = arith.constant 0 : i32
    %dma_wait3A_92 = tpu.memref_slice %arg3[%dma_wait3A_91] : memref<8000000xf32, #tpu.memory_space<hbm>> -> memref<10000xf32, #tpu.memory_space<hbm>>
    %dma_wait3A_93 = arith.constant 0 : i32
    %dma_wait3A_94 = tpu.memref_slice %arg10[%dma_wait3A_93] : memref<20000xf32, #tpu.memory_space<vmem>> -> memref<10000xf32, #tpu.memory_space<vmem>>
    %dma_wait3A_95 = arith.constant 0 : i32
    %dma_wait3A_96 = tpu.memref_slice %arg3[%dma_wait3A_95] : memref<8000000xf32, #tpu.memory_space<hbm>> -> memref<10000xf32, #tpu.memory_space<hbm>>
    tpu.wait_dma2 semaphore(%arg19 : memref<!tpu.dma_semaphore, #tpu.memory_space<semaphore_mem>>) src(%dma_wait3A_96 : memref<10000xf32, #tpu.memory_space<hbm>>) dst(%dma_wait3A_94 : memref<10000xf32, #tpu.memory_space<vmem>>)
    %dma_wait3A_97 = arith.constant 0 : i32
    %dma_wait3A_98 = tpu.memref_slice %arg11[%dma_wait3A_97] : memref<20000xf32, #tpu.memory_space<vmem>> -> memref<10000xf32, #tpu.memory_space<vmem>>
    %dma_wait3A_99 = arith.constant 0 : i32
    %dma_wait3A_100 = tpu.memref_slice %arg4[%dma_wait3A_99] : memref<8000000xf32, #tpu.memory_space<hbm>> -> memref<10000xf32, #tpu.memory_space<hbm>>
    %dma_wait3A_101 = arith.constant 0 : i32
    %dma_wait3A_102 = tpu.memref_slice %arg11[%dma_wait3A_101] : memref<20000xf32, #tpu.memory_space<vmem>> -> memref<10000xf32, #tpu.memory_space<vmem>>
    %dma_wait3A_103 = arith.constant 0 : i32
    %dma_wait3A_104 = tpu.memref_slice %arg4[%dma_wait3A_103] : memref<8000000xf32, #tpu.memory_space<hbm>> -> memref<10000xf32, #tpu.memory_space<hbm>>
    tpu.wait_dma2 semaphore(%arg19 : memref<!tpu.dma_semaphore, #tpu.memory_space<semaphore_mem>>) src(%dma_wait3A_104 : memref<10000xf32, #tpu.memory_space<hbm>>) dst(%dma_wait3A_102 : memref<10000xf32, #tpu.memory_space<vmem>>)
    %dma_wait3A_105 = arith.constant 0 : i32
    %dma_wait3A_106 = tpu.memref_slice %arg12[%dma_wait3A_105] : memref<20000xf32, #tpu.memory_space<vmem>> -> memref<10000xf32, #tpu.memory_space<vmem>>
    %dma_wait3A_107 = arith.constant 0 : i32
    %dma_wait3A_108 = tpu.memref_slice %arg5[%dma_wait3A_107] : memref<8000000xf32, #tpu.memory_space<hbm>> -> memref<10000xf32, #tpu.memory_space<hbm>>
    %dma_wait3A_109 = arith.constant 0 : i32
    %dma_wait3A_110 = tpu.memref_slice %arg12[%dma_wait3A_109] : memref<20000xf32, #tpu.memory_space<vmem>> -> memref<10000xf32, #tpu.memory_space<vmem>>
    %dma_wait3A_111 = arith.constant 0 : i32
    %dma_wait3A_112 = tpu.memref_slice %arg5[%dma_wait3A_111] : memref<8000000xf32, #tpu.memory_space<hbm>> -> memref<10000xf32, #tpu.memory_space<hbm>>
    tpu.wait_dma2 semaphore(%arg19 : memref<!tpu.dma_semaphore, #tpu.memory_space<semaphore_mem>>) src(%dma_wait3A_112 : memref<10000xf32, #tpu.memory_space<hbm>>) dst(%dma_wait3A_110 : memref<10000xf32, #tpu.memory_space<vmem>>)
    %dma_wait3A_113 = arith.constant 0 : i32
    %dma_wait3A_114 = tpu.memref_slice %arg13[%dma_wait3A_113] : memref<20000xi32, #tpu.memory_space<vmem>> -> memref<10000xi32, #tpu.memory_space<vmem>>
    %dma_wait3A_115 = arith.constant 0 : i32
    %dma_wait3A_116 = tpu.memref_slice %arg6[%dma_wait3A_115] : memref<8000000xi32, #tpu.memory_space<hbm>> -> memref<10000xi32, #tpu.memory_space<hbm>>
    %dma_wait3A_117 = arith.constant 0 : i32
    %dma_wait3A_118 = tpu.memref_slice %arg13[%dma_wait3A_117] : memref<20000xi32, #tpu.memory_space<vmem>> -> memref<10000xi32, #tpu.memory_space<vmem>>
    %dma_wait3A_119 = arith.constant 0 : i32
    %dma_wait3A_120 = tpu.memref_slice %arg6[%dma_wait3A_119] : memref<8000000xi32, #tpu.memory_space<hbm>> -> memref<10000xi32, #tpu.memory_space<hbm>>
    tpu.wait_dma2 semaphore(%arg19 : memref<!tpu.dma_semaphore, #tpu.memory_space<semaphore_mem>>) src(%dma_wait3A_120 : memref<10000xi32, #tpu.memory_space<hbm>>) dst(%dma_wait3A_118 : memref<10000xi32, #tpu.memory_space<vmem>>)
    %scan3A_121 = arith.constant 0 : i32
    %scan3A_122 = arith.constant 125 : i32
    %scan3A_123 = arith.addi %scan3A_121, %scan3A_122 : i32
    %scan3A_124 = arith.constant 1 : i32
    %scan3A_125 = scf.for %scan3A_265 = %scan3A_121 to %scan3A_123 step %scan3A_124 iter_args(%scan3A_266 = %scan3A_80) -> (vector<16xf32>)  : i32 {
      %mul3A_267 = arith.constant 80 : i32
      %mul3A_268 = arith.muli %scan3A_265, %mul3A_267 : i32
      %add3A_269 = arith.constant 0 : i32
      %add3A_270 = arith.addi %add3A_269, %mul3A_268 : i32
      %add3A_271 = arith.constant 0 : i32
      %add3A_272 = arith.addi %add3A_270, %add3A_271 : i32
      %get3A_273 = arith.index_cast %add3A_272 : i32 to index
      %get3A_274 = tpu.vector_load %arg9[%get3A_273] {strides = array<i32>} : memref<20000xf32, #tpu.memory_space<vmem>>, vector<16xf32>,
      %get3A_275 = arith.index_cast %add3A_272 : i32 to index
      %get3A_276 = tpu.vector_load %arg10[%get3A_275] {strides = array<i32>} : memref<20000xf32, #tpu.memory_space<vmem>>, vector<16xf32>,
      %get3A_277 = arith.index_cast %add3A_272 : i32 to index
      %get3A_278 = tpu.vector_load %arg11[%get3A_277] {strides = array<i32>} : memref<20000xf32, #tpu.memory_space<vmem>>, vector<16xf32>,
      %get3A_279 = arith.index_cast %add3A_272 : i32 to index
      %get3A_280 = tpu.vector_load %arg12[%get3A_279] {strides = array<i32>} : memref<20000xf32, #tpu.memory_space<vmem>>, vector<16xf32>,
      %get3A_281 = arith.index_cast %add3A_272 : i32 to index
      %get3A_282 = tpu.vector_load %arg13[%get3A_281] {strides = array<i32>} : memref<20000xi32, #tpu.memory_space<vmem>>, vector<16xi32>,
      %max3A = arith.maximumf %get3A_274, %get3A_276 : vector<16xf32>
      %min3A = arith.minimumf %get3A_274, %get3A_276 : vector<16xf32>
      %sub3A = arith.subf %min3A, %max3A : vector<16xf32>
      %exp3A = math.exp %sub3A : vector<16xf32>
      %add3A_283 = arith.constant 2.000000e+00 : f32
      %add3A_284 = vector.broadcast %add3A_283 : f32 to vector<16xf32>
      %add3A_285 = arith.addf %exp3A, %add3A_284 : vector<16xf32>
      %div3A = arith.divf %exp3A, %add3A_285 : vector<16xf32>
      %mul3A_286 = arith.mulf %div3A, %div3A : vector<16xf32>
      %mul3A_287 = arith.constant 0.222222224 : f32
      %mul3A_288 = vector.broadcast %mul3A_287 : f32 to vector<16xf32>
      %mul3A_289 = arith.mulf %mul3A_286, %mul3A_288 : vector<16xf32>
      %add3A_290 = arith.constant 0.285714298 : f32
      %add3A_291 = vector.broadcast %add3A_290 : f32 to vector<16xf32>
      %add3A_292 = arith.addf %add3A_291, %mul3A_289 : vector<16xf32>
      %mul3A_293 = arith.mulf %mul3A_286, %add3A_292 : vector<16xf32>
      %add3A_294 = arith.constant 4.000000e-01 : f32
      %add3A_295 = vector.broadcast %add3A_294 : f32 to vector<16xf32>
      %add3A_296 = arith.addf %add3A_295, %mul3A_293 : vector<16xf32>
      %mul3A_297 = arith.mulf %mul3A_286, %add3A_296 : vector<16xf32>
      %add3A_298 = arith.constant 0.666666686 : f32
      %add3A_299 = vector.broadcast %add3A_298 : f32 to vector<16xf32>
      %add3A_300 = arith.addf %add3A_299, %mul3A_297 : vector<16xf32>
      %mul3A_301 = arith.mulf %mul3A_286, %add3A_300 : vector<16xf32>
      %add3A_302 = arith.constant 2.000000e+00 : f32
      %add3A_303 = vector.broadcast %add3A_302 : f32 to vector<16xf32>
      %add3A_304 = arith.addf %add3A_303, %mul3A_301 : vector<16xf32>
      %mul3A_305 = arith.mulf %div3A, %add3A_304 : vector<16xf32>
      %add3A_306 = arith.addf %max3A, %mul3A_305 : vector<16xf32>
      %mul3A_307 = arith.mulf %get3A_278, %get3A_9 : vector<16xf32>
      %sub3A_308 = arith.subf %add3A_306, %get3A_274 : vector<16xf32>
      %mul3A_309 = arith.mulf %mul3A_307, %sub3A_308 : vector<16xf32>
      %mul3A_310 = arith.mulf %get3A_280, %get3A_11 : vector<16xf32>
      %sub3A_311 = arith.subf %add3A_306, %get3A_276 : vector<16xf32>
      %mul3A_312 = arith.mulf %mul3A_310, %sub3A_311 : vector<16xf32>
      %add3A_313 = arith.addf %mul3A_309, %mul3A_312 : vector<16xf32>
      %neg3A = arith.constant 0.000000e+00 : f32
      %neg3A_314 = vector.broadcast %neg3A : f32 to vector<16xf32>
      %neg3A_315 = arith.subf %neg3A_314, %get3A_276 : vector<16xf32>
      %exp3A_316 = math.exp %neg3A_315 : vector<16xf32>
      %add3A_317 = arith.constant 1.000000e+00 : f32
      %add3A_318 = vector.broadcast %add3A_317 : f32 to vector<16xf32>
      %add3A_319 = arith.addf %add3A_318, %exp3A_316 : vector<16xf32>
      %div3A_320 = arith.constant 1.000000e+00 : f32
      %div3A_321 = vector.broadcast %div3A_320 : f32 to vector<16xf32>
      %div3A_322 = arith.divf %div3A_321, %add3A_319 : vector<16xf32>
      %mul3A_323 = arith.constant 1.000000e+01 : f32
      %mul3A_324 = vector.broadcast %mul3A_323 : f32 to vector<16xf32>
      %mul3A_325 = arith.mulf %div3A_322, %mul3A_324 : vector<16xf32>
      %convert_element_type3A = arith.fptosi %mul3A_325 : vector<16xf32> to vector<16xi32>
      %min3A_326 = arith.constant 9 : i32
      %min3A_327 = vector.broadcast %min3A_326 : i32 to vector<16xi32>
      %min3A_328 = arith.minsi %convert_element_type3A, %min3A_327 : vector<16xi32>
      %eq3A = arith.constant 1 : i32
      %eq3A_329 = vector.broadcast %eq3A : i32 to vector<16xi32>
      %eq3A_330 = arith.cmpi eq, %get3A_282, %eq3A_329 : vector<16xi32>
      %select_n3A = arith.select %eq3A_330, %broadcast_in_dim3A_13, %broadcast_in_dim3A_3 : vector<16xi1>, vector<16xf32>
      tpu.vector_store_idx %arg15[%min3A_328], %broadcast_in_dim3A_13 {add = true} : memref<16xf32, #tpu.memory_space<vmem>>[vector<16xi32>], vector<16xf32>,
      tpu.vector_store_idx %arg16[%min3A_328], %select_n3A {add = true} : memref<16xf32, #tpu.memory_space<vmem>>[vector<16xi32>], vector<16xf32>,
      tpu.vector_store_idx %arg17[%min3A_328], %div3A_322 {add = true} : memref<16xf32, #tpu.memory_space<vmem>>[vector<16xi32>], vector<16xf32>,
      %add3A_331 = arith.constant 16 : i32
      %add3A_332 = arith.addi %add3A_270, %add3A_331 : i32
      %get3A_333 = arith.index_cast %add3A_332 : i32 to index
      %get3A_334 = tpu.vector_load %arg9[%get3A_333] {strides = array<i32>} : memref<20000xf32, #tpu.memory_space<vmem>>, vector<16xf32>,
      %get3A_335 = arith.index_cast %add3A_332 : i32 to index
      %get3A_336 = tpu.vector_load %arg10[%get3A_335] {strides = array<i32>} : memref<20000xf32, #tpu.memory_space<vmem>>, vector<16xf32>,
      %get3A_337 = arith.index_cast %add3A_332 : i32 to index
      %get3A_338 = tpu.vector_load %arg11[%get3A_337] {strides = array<i32>} : memref<20000xf32, #tpu.memory_space<vmem>>, vector<16xf32>,
      %get3A_339 = arith.index_cast %add3A_332 : i32 to index
      %get3A_340 = tpu.vector_load %arg12[%get3A_339] {strides = array<i32>} : memref<20000xf32, #tpu.memory_space<vmem>>, vector<16xf32>,
      %get3A_341 = arith.index_cast %add3A_332 : i32 to index
      %get3A_342 = tpu.vector_load %arg13[%get3A_341] {strides = array<i32>} : memref<20000xi32, #tpu.memory_space<vmem>>, vector<16xi32>,
      %max3A_343 = arith.maximumf %get3A_334, %get3A_336 : vector<16xf32>
      %min3A_344 = arith.minimumf %get3A_334, %get3A_336 : vector<16xf32>
      %sub3A_345 = arith.subf %min3A_344, %max3A_343 : vector<16xf32>
      %exp3A_346 = math.exp %sub3A_345 : vector<16xf32>
      %add3A_347 = arith.constant 2.000000e+00 : f32
      %add3A_348 = vector.broadcast %add3A_347 : f32 to vector<16xf32>
      %add3A_349 = arith.addf %exp3A_346, %add3A_348 : vector<16xf32>
      %div3A_350 = arith.divf %exp3A_346, %add3A_349 : vector<16xf32>
      %mul3A_351 = arith.mulf %div3A_350, %div3A_350 : vector<16xf32>
      %mul3A_352 = arith.constant 0.222222224 : f32
      %mul3A_353 = vector.broadcast %mul3A_352 : f32 to vector<16xf32>
      %mul3A_354 = arith.mulf %mul3A_351, %mul3A_353 : vector<16xf32>
      %add3A_355 = arith.constant 0.285714298 : f32
      %add3A_356 = vector.broadcast %add3A_355 : f32 to vector<16xf32>
      %add3A_357 = arith.addf %add3A_356, %mul3A_354 : vector<16xf32>
      %mul3A_358 = arith.mulf %mul3A_351, %add3A_357 : vector<16xf32>
      %add3A_359 = arith.constant 4.000000e-01 : f32
      %add3A_360 = vector.broadcast %add3A_359 : f32 to vector<16xf32>
      %add3A_361 = arith.addf %add3A_360, %mul3A_358 : vector<16xf32>
      %mul3A_362 = arith.mulf %mul3A_351, %add3A_361 : vector<16xf32>
      %add3A_363 = arith.constant 0.666666686 : f32
      %add3A_364 = vector.broadcast %add3A_363 : f32 to vector<16xf32>
      %add3A_365 = arith.addf %add3A_364, %mul3A_362 : vector<16xf32>
      %mul3A_366 = arith.mulf %mul3A_351, %add3A_365 : vector<16xf32>
      %add3A_367 = arith.constant 2.000000e+00 : f32
      %add3A_368 = vector.broadcast %add3A_367 : f32 to vector<16xf32>
      %add3A_369 = arith.addf %add3A_368, %mul3A_366 : vector<16xf32>
      %mul3A_370 = arith.mulf %div3A_350, %add3A_369 : vector<16xf32>
      %add3A_371 = arith.addf %max3A_343, %mul3A_370 : vector<16xf32>
      %mul3A_372 = arith.mulf %get3A_338, %get3A_9 : vector<16xf32>
      %sub3A_373 = arith.subf %add3A_371, %get3A_334 : vector<16xf32>
      %mul3A_374 = arith.mulf %mul3A_372, %sub3A_373 : vector<16xf32>
      %mul3A_375 = arith.mulf %get3A_340, %get3A_11 : vector<16xf32>
      %sub3A_376 = arith.subf %add3A_371, %get3A_336 : vector<16xf32>
      %mul3A_377 = arith.mulf %mul3A_375, %sub3A_376 : vector<16xf32>
      %add3A_378 = arith.addf %mul3A_374, %mul3A_377 : vector<16xf32>
      %neg3A_379 = arith.constant 0.000000e+00 : f32
      %neg3A_380 = vector.broadcast %neg3A_379 : f32 to vector<16xf32>
      %neg3A_381 = arith.subf %neg3A_380, %get3A_336 : vector<16xf32>
      %exp3A_382 = math.exp %neg3A_381 : vector<16xf32>
      %add3A_383 = arith.constant 1.000000e+00 : f32
      %add3A_384 = vector.broadcast %add3A_383 : f32 to vector<16xf32>
      %add3A_385 = arith.addf %add3A_384, %exp3A_382 : vector<16xf32>
      %div3A_386 = arith.constant 1.000000e+00 : f32
      %div3A_387 = vector.broadcast %div3A_386 : f32 to vector<16xf32>
      %div3A_388 = arith.divf %div3A_387, %add3A_385 : vector<16xf32>
      %mul3A_389 = arith.constant 1.000000e+01 : f32
      %mul3A_390 = vector.broadcast %mul3A_389 : f32 to vector<16xf32>
      %mul3A_391 = arith.mulf %div3A_388, %mul3A_390 : vector<16xf32>
      %convert_element_type3A_392 = arith.fptosi %mul3A_391 : vector<16xf32> to vector<16xi32>
      %min3A_393 = arith.constant 9 : i32
      %min3A_394 = vector.broadcast %min3A_393 : i32 to vector<16xi32>
      %min3A_395 = arith.minsi %convert_element_type3A_392, %min3A_394 : vector<16xi32>
      %eq3A_396 = arith.constant 1 : i32
      %eq3A_397 = vector.broadcast %eq3A_396 : i32 to vector<16xi32>
      %eq3A_398 = arith.cmpi eq, %get3A_342, %eq3A_397 : vector<16xi32>
      %select_n3A_399 = arith.select %eq3A_398, %broadcast_in_dim3A_13, %broadcast_in_dim3A_3 : vector<16xi1>, vector<16xf32>
      tpu.vector_store_idx %arg15[%min3A_395], %broadcast_in_dim3A_13 {add = true} : memref<16xf32, #tpu.memory_space<vmem>>[vector<16xi32>], vector<16xf32>,
      tpu.vector_store_idx %arg16[%min3A_395], %select_n3A_399 {add = true} : memref<16xf32, #tpu.memory_space<vmem>>[vector<16xi32>], vector<16xf32>,
      tpu.vector_store_idx %arg17[%min3A_395], %div3A_388 {add = true} : memref<16xf32, #tpu.memory_space<vmem>>[vector<16xi32>], vector<16xf32>,
      %add3A_400 = arith.constant 32 : i32
      %add3A_401 = arith.addi %add3A_270, %add3A_400 : i32
      %get3A_402 = arith.index_cast %add3A_401 : i32 to index
      %get3A_403 = tpu.vector_load %arg9[%get3A_402] {strides = array<i32>} : memref<20000xf32, #tpu.memory_space<vmem>>, vector<16xf32>,
      %get3A_404 = arith.index_cast %add3A_401 : i32 to index
      %get3A_405 = tpu.vector_load %arg10[%get3A_404] {strides = array<i32>} : memref<20000xf32, #tpu.memory_space<vmem>>, vector<16xf32>,
      %get3A_406 = arith.index_cast %add3A_401 : i32 to index
      %get3A_407 = tpu.vector_load %arg11[%get3A_406] {strides = array<i32>} : memref<20000xf32, #tpu.memory_space<vmem>>, vector<16xf32>,
      %get3A_408 = arith.index_cast %add3A_401 : i32 to index
      %get3A_409 = tpu.vector_load %arg12[%get3A_408] {strides = array<i32>} : memref<20000xf32, #tpu.memory_space<vmem>>, vector<16xf32>,
      %get3A_410 = arith.index_cast %add3A_401 : i32 to index
      %get3A_411 = tpu.vector_load %arg13[%get3A_410] {strides = array<i32>} : memref<20000xi32, #tpu.memory_space<vmem>>, vector<16xi32>,
      %max3A_412 = arith.maximumf %get3A_403, %get3A_405 : vector<16xf32>
      %min3A_413 = arith.minimumf %get3A_403, %get3A_405 : vector<16xf32>
      %sub3A_414 = arith.subf %min3A_413, %max3A_412 : vector<16xf32>
      %exp3A_415 = math.exp %sub3A_414 : vector<16xf32>
      %add3A_416 = arith.constant 2.000000e+00 : f32
      %add3A_417 = vector.broadcast %add3A_416 : f32 to vector<16xf32>
      %add3A_418 = arith.addf %exp3A_415, %add3A_417 : vector<16xf32>
      %div3A_419 = arith.divf %exp3A_415, %add3A_418 : vector<16xf32>
      %mul3A_420 = arith.mulf %div3A_419, %div3A_419 : vector<16xf32>
      %mul3A_421 = arith.constant 0.222222224 : f32
      %mul3A_422 = vector.broadcast %mul3A_421 : f32 to vector<16xf32>
      %mul3A_423 = arith.mulf %mul3A_420, %mul3A_422 : vector<16xf32>
      %add3A_424 = arith.constant 0.285714298 : f32
      %add3A_425 = vector.broadcast %add3A_424 : f32 to vector<16xf32>
      %add3A_426 = arith.addf %add3A_425, %mul3A_423 : vector<16xf32>
      %mul3A_427 = arith.mulf %mul3A_420, %add3A_426 : vector<16xf32>
      %add3A_428 = arith.constant 4.000000e-01 : f32
      %add3A_429 = vector.broadcast %add3A_428 : f32 to vector<16xf32>
      %add3A_430 = arith.addf %add3A_429, %mul3A_427 : vector<16xf32>
      %mul3A_431 = arith.mulf %mul3A_420, %add3A_430 : vector<16xf32>
      %add3A_432 = arith.constant 0.666666686 : f32
      %add3A_433 = vector.broadcast %add3A_432 : f32 to vector<16xf32>
      %add3A_434 = arith.addf %add3A_433, %mul3A_431 : vector<16xf32>
      %mul3A_435 = arith.mulf %mul3A_420, %add3A_434 : vector<16xf32>
      %add3A_436 = arith.constant 2.000000e+00 : f32
      %add3A_437 = vector.broadcast %add3A_436 : f32 to vector<16xf32>
      %add3A_438 = arith.addf %add3A_437, %mul3A_435 : vector<16xf32>
      %mul3A_439 = arith.mulf %div3A_419, %add3A_438 : vector<16xf32>
      %add3A_440 = arith.addf %max3A_412, %mul3A_439 : vector<16xf32>
      %mul3A_441 = arith.mulf %get3A_407, %get3A_9 : vector<16xf32>
      %sub3A_442 = arith.subf %add3A_440, %get3A_403 : vector<16xf32>
      %mul3A_443 = arith.mulf %mul3A_441, %sub3A_442 : vector<16xf32>
      %mul3A_444 = arith.mulf %get3A_409, %get3A_11 : vector<16xf32>
      %sub3A_445 = arith.subf %add3A_440, %get3A_405 : vector<16xf32>
      %mul3A_446 = arith.mulf %mul3A_444, %sub3A_445 : vector<16xf32>
      %add3A_447 = arith.addf %mul3A_443, %mul3A_446 : vector<16xf32>
      %neg3A_448 = arith.constant 0.000000e+00 : f32
      %neg3A_449 = vector.broadcast %neg3A_448 : f32 to vector<16xf32>
      %neg3A_450 = arith.subf %neg3A_449, %get3A_405 : vector<16xf32>
      %exp3A_451 = math.exp %neg3A_450 : vector<16xf32>
      %add3A_452 = arith.constant 1.000000e+00 : f32
      %add3A_453 = vector.broadcast %add3A_452 : f32 to vector<16xf32>
      %add3A_454 = arith.addf %add3A_453, %exp3A_451 : vector<16xf32>
      %div3A_455 = arith.constant 1.000000e+00 : f32
      %div3A_456 = vector.broadcast %div3A_455 : f32 to vector<16xf32>
      %div3A_457 = arith.divf %div3A_456, %add3A_454 : vector<16xf32>
      %mul3A_458 = arith.constant 1.000000e+01 : f32
      %mul3A_459 = vector.broadcast %mul3A_458 : f32 to vector<16xf32>
      %mul3A_460 = arith.mulf %div3A_457, %mul3A_459 : vector<16xf32>
      %convert_element_type3A_461 = arith.fptosi %mul3A_460 : vector<16xf32> to vector<16xi32>
      %min3A_462 = arith.constant 9 : i32
      %min3A_463 = vector.broadcast %min3A_462 : i32 to vector<16xi32>
      %min3A_464 = arith.minsi %convert_element_type3A_461, %min3A_463 : vector<16xi32>
      %eq3A_465 = arith.constant 1 : i32
      %eq3A_466 = vector.broadcast %eq3A_465 : i32 to vector<16xi32>
      %eq3A_467 = arith.cmpi eq, %get3A_411, %eq3A_466 : vector<16xi32>
      %select_n3A_468 = arith.select %eq3A_467, %broadcast_in_dim3A_13, %broadcast_in_dim3A_3 : vector<16xi1>, vector<16xf32>
      tpu.vector_store_idx %arg15[%min3A_464], %broadcast_in_dim3A_13 {add = true} : memref<16xf32, #tpu.memory_space<vmem>>[vector<16xi32>], vector<16xf32>,
      tpu.vector_store_idx %arg16[%min3A_464], %select_n3A_468 {add = true} : memref<16xf32, #tpu.memory_space<vmem>>[vector<16xi32>], vector<16xf32>,
      tpu.vector_store_idx %arg17[%min3A_464], %div3A_457 {add = true} : memref<16xf32, #tpu.memory_space<vmem>>[vector<16xi32>], vector<16xf32>,
      %add3A_469 = arith.constant 48 : i32
      %add3A_470 = arith.addi %add3A_270, %add3A_469 : i32
      %get3A_471 = arith.index_cast %add3A_470 : i32 to index
      %get3A_472 = tpu.vector_load %arg9[%get3A_471] {strides = array<i32>} : memref<20000xf32, #tpu.memory_space<vmem>>, vector<16xf32>,
      %get3A_473 = arith.index_cast %add3A_470 : i32 to index
      %get3A_474 = tpu.vector_load %arg10[%get3A_473] {strides = array<i32>} : memref<20000xf32, #tpu.memory_space<vmem>>, vector<16xf32>,
      %get3A_475 = arith.index_cast %add3A_470 : i32 to index
      %get3A_476 = tpu.vector_load %arg11[%get3A_475] {strides = array<i32>} : memref<20000xf32, #tpu.memory_space<vmem>>, vector<16xf32>,
      %get3A_477 = arith.index_cast %add3A_470 : i32 to index
      %get3A_478 = tpu.vector_load %arg12[%get3A_477] {strides = array<i32>} : memref<20000xf32, #tpu.memory_space<vmem>>, vector<16xf32>,
      %get3A_479 = arith.index_cast %add3A_470 : i32 to index
      %get3A_480 = tpu.vector_load %arg13[%get3A_479] {strides = array<i32>} : memref<20000xi32, #tpu.memory_space<vmem>>, vector<16xi32>,
      %max3A_481 = arith.maximumf %get3A_472, %get3A_474 : vector<16xf32>
      %min3A_482 = arith.minimumf %get3A_472, %get3A_474 : vector<16xf32>
      %sub3A_483 = arith.subf %min3A_482, %max3A_481 : vector<16xf32>
      %exp3A_484 = math.exp %sub3A_483 : vector<16xf32>
      %add3A_485 = arith.constant 2.000000e+00 : f32
      %add3A_486 = vector.broadcast %add3A_485 : f32 to vector<16xf32>
      %add3A_487 = arith.addf %exp3A_484, %add3A_486 : vector<16xf32>
      %div3A_488 = arith.divf %exp3A_484, %add3A_487 : vector<16xf32>
      %mul3A_489 = arith.mulf %div3A_488, %div3A_488 : vector<16xf32>
      %mul3A_490 = arith.constant 0.222222224 : f32
      %mul3A_491 = vector.broadcast %mul3A_490 : f32 to vector<16xf32>
      %mul3A_492 = arith.mulf %mul3A_489, %mul3A_491 : vector<16xf32>
      %add3A_493 = arith.constant 0.285714298 : f32
      %add3A_494 = vector.broadcast %add3A_493 : f32 to vector<16xf32>
      %add3A_495 = arith.addf %add3A_494, %mul3A_492 : vector<16xf32>
      %mul3A_496 = arith.mulf %mul3A_489, %add3A_495 : vector<16xf32>
      %add3A_497 = arith.constant 4.000000e-01 : f32
      %add3A_498 = vector.broadcast %add3A_497 : f32 to vector<16xf32>
      %add3A_499 = arith.addf %add3A_498, %mul3A_496 : vector<16xf32>
      %mul3A_500 = arith.mulf %mul3A_489, %add3A_499 : vector<16xf32>
      %add3A_501 = arith.constant 0.666666686 : f32
      %add3A_502 = vector.broadcast %add3A_501 : f32 to vector<16xf32>
      %add3A_503 = arith.addf %add3A_502, %mul3A_500 : vector<16xf32>
      %mul3A_504 = arith.mulf %mul3A_489, %add3A_503 : vector<16xf32>
      %add3A_505 = arith.constant 2.000000e+00 : f32
      %add3A_506 = vector.broadcast %add3A_505 : f32 to vector<16xf32>
      %add3A_507 = arith.addf %add3A_506, %mul3A_504 : vector<16xf32>
      %mul3A_508 = arith.mulf %div3A_488, %add3A_507 : vector<16xf32>
      %add3A_509 = arith.addf %max3A_481, %mul3A_508 : vector<16xf32>
      %mul3A_510 = arith.mulf %get3A_476, %get3A_9 : vector<16xf32>
      %sub3A_511 = arith.subf %add3A_509, %get3A_472 : vector<16xf32>
      %mul3A_512 = arith.mulf %mul3A_510, %sub3A_511 : vector<16xf32>
      %mul3A_513 = arith.mulf %get3A_478, %get3A_11 : vector<16xf32>
      %sub3A_514 = arith.subf %add3A_509, %get3A_474 : vector<16xf32>
      %mul3A_515 = arith.mulf %mul3A_513, %sub3A_514 : vector<16xf32>
      %add3A_516 = arith.addf %mul3A_512, %mul3A_515 : vector<16xf32>
      %neg3A_517 = arith.constant 0.000000e+00 : f32
      %neg3A_518 = vector.broadcast %neg3A_517 : f32 to vector<16xf32>
      %neg3A_519 = arith.subf %neg3A_518, %get3A_474 : vector<16xf32>
      %exp3A_520 = math.exp %neg3A_519 : vector<16xf32>
      %add3A_521 = arith.constant 1.000000e+00 : f32
      %add3A_522 = vector.broadcast %add3A_521 : f32 to vector<16xf32>
      %add3A_523 = arith.addf %add3A_522, %exp3A_520 : vector<16xf32>
      %div3A_524 = arith.constant 1.000000e+00 : f32
      %div3A_525 = vector.broadcast %div3A_524 : f32 to vector<16xf32>
      %div3A_526 = arith.divf %div3A_525, %add3A_523 : vector<16xf32>
      %mul3A_527 = arith.constant 1.000000e+01 : f32
      %mul3A_528 = vector.broadcast %mul3A_527 : f32 to vector<16xf32>
      %mul3A_529 = arith.mulf %div3A_526, %mul3A_528 : vector<16xf32>
      %convert_element_type3A_530 = arith.fptosi %mul3A_529 : vector<16xf32> to vector<16xi32>
      %min3A_531 = arith.constant 9 : i32
      %min3A_532 = vector.broadcast %min3A_531 : i32 to vector<16xi32>
      %min3A_533 = arith.minsi %convert_element_type3A_530, %min3A_532 : vector<16xi32>
      %eq3A_534 = arith.constant 1 : i32
      %eq3A_535 = vector.broadcast %eq3A_534 : i32 to vector<16xi32>
      %eq3A_536 = arith.cmpi eq, %get3A_480, %eq3A_535 : vector<16xi32>
      %select_n3A_537 = arith.select %eq3A_536, %broadcast_in_dim3A_13, %broadcast_in_dim3A_3 : vector<16xi1>, vector<16xf32>
      tpu.vector_store_idx %arg15[%min3A_533], %broadcast_in_dim3A_13 {add = true} : memref<16xf32, #tpu.memory_space<vmem>>[vector<16xi32>], vector<16xf32>,
      tpu.vector_store_idx %arg16[%min3A_533], %select_n3A_537 {add = true} : memref<16xf32, #tpu.memory_space<vmem>>[vector<16xi32>], vector<16xf32>,
      tpu.vector_store_idx %arg17[%min3A_533], %div3A_526 {add = true} : memref<16xf32, #tpu.memory_space<vmem>>[vector<16xi32>], vector<16xf32>,
      %add3A_538 = arith.constant 64 : i32
      %add3A_539 = arith.addi %add3A_270, %add3A_538 : i32
      %get3A_540 = arith.index_cast %add3A_539 : i32 to index
      %get3A_541 = tpu.vector_load %arg9[%get3A_540] {strides = array<i32>} : memref<20000xf32, #tpu.memory_space<vmem>>, vector<16xf32>,
      %get3A_542 = arith.index_cast %add3A_539 : i32 to index
      %get3A_543 = tpu.vector_load %arg10[%get3A_542] {strides = array<i32>} : memref<20000xf32, #tpu.memory_space<vmem>>, vector<16xf32>,
      %get3A_544 = arith.index_cast %add3A_539 : i32 to index
      %get3A_545 = tpu.vector_load %arg11[%get3A_544] {strides = array<i32>} : memref<20000xf32, #tpu.memory_space<vmem>>, vector<16xf32>,
      %get3A_546 = arith.index_cast %add3A_539 : i32 to index
      %get3A_547 = tpu.vector_load %arg12[%get3A_546] {strides = array<i32>} : memref<20000xf32, #tpu.memory_space<vmem>>, vector<16xf32>,
      %get3A_548 = arith.index_cast %add3A_539 : i32 to index
      %get3A_549 = tpu.vector_load %arg13[%get3A_548] {strides = array<i32>} : memref<20000xi32, #tpu.memory_space<vmem>>, vector<16xi32>,
      %max3A_550 = arith.maximumf %get3A_541, %get3A_543 : vector<16xf32>
      %min3A_551 = arith.minimumf %get3A_541, %get3A_543 : vector<16xf32>
      %sub3A_552 = arith.subf %min3A_551, %max3A_550 : vector<16xf32>
      %exp3A_553 = math.exp %sub3A_552 : vector<16xf32>
      %add3A_554 = arith.constant 2.000000e+00 : f32
      %add3A_555 = vector.broadcast %add3A_554 : f32 to vector<16xf32>
      %add3A_556 = arith.addf %exp3A_553, %add3A_555 : vector<16xf32>
      %div3A_557 = arith.divf %exp3A_553, %add3A_556 : vector<16xf32>
      %mul3A_558 = arith.mulf %div3A_557, %div3A_557 : vector<16xf32>
      %mul3A_559 = arith.constant 0.222222224 : f32
      %mul3A_560 = vector.broadcast %mul3A_559 : f32 to vector<16xf32>
      %mul3A_561 = arith.mulf %mul3A_558, %mul3A_560 : vector<16xf32>
      %add3A_562 = arith.constant 0.285714298 : f32
      %add3A_563 = vector.broadcast %add3A_562 : f32 to vector<16xf32>
      %add3A_564 = arith.addf %add3A_563, %mul3A_561 : vector<16xf32>
      %mul3A_565 = arith.mulf %mul3A_558, %add3A_564 : vector<16xf32>
      %add3A_566 = arith.constant 4.000000e-01 : f32
      %add3A_567 = vector.broadcast %add3A_566 : f32 to vector<16xf32>
      %add3A_568 = arith.addf %add3A_567, %mul3A_565 : vector<16xf32>
      %mul3A_569 = arith.mulf %mul3A_558, %add3A_568 : vector<16xf32>
      %add3A_570 = arith.constant 0.666666686 : f32
      %add3A_571 = vector.broadcast %add3A_570 : f32 to vector<16xf32>
      %add3A_572 = arith.addf %add3A_571, %mul3A_569 : vector<16xf32>
      %mul3A_573 = arith.mulf %mul3A_558, %add3A_572 : vector<16xf32>
      %add3A_574 = arith.constant 2.000000e+00 : f32
      %add3A_575 = vector.broadcast %add3A_574 : f32 to vector<16xf32>
      %add3A_576 = arith.addf %add3A_575, %mul3A_573 : vector<16xf32>
      %mul3A_577 = arith.mulf %div3A_557, %add3A_576 : vector<16xf32>
      %add3A_578 = arith.addf %max3A_550, %mul3A_577 : vector<16xf32>
      %mul3A_579 = arith.mulf %get3A_545, %get3A_9 : vector<16xf32>
      %sub3A_580 = arith.subf %add3A_578, %get3A_541 : vector<16xf32>
      %mul3A_581 = arith.mulf %mul3A_579, %sub3A_580 : vector<16xf32>
      %mul3A_582 = arith.mulf %get3A_547, %get3A_11 : vector<16xf32>
      %sub3A_583 = arith.subf %add3A_578, %get3A_543 : vector<16xf32>
      %mul3A_584 = arith.mulf %mul3A_582, %sub3A_583 : vector<16xf32>
      %add3A_585 = arith.addf %mul3A_581, %mul3A_584 : vector<16xf32>
      %neg3A_586 = arith.constant 0.000000e+00 : f32
      %neg3A_587 = vector.broadcast %neg3A_586 : f32 to vector<16xf32>
      %neg3A_588 = arith.subf %neg3A_587, %get3A_543 : vector<16xf32>
      %exp3A_589 = math.exp %neg3A_588 : vector<16xf32>
      %add3A_590 = arith.constant 1.000000e+00 : f32
      %add3A_591 = vector.broadcast %add3A_590 : f32 to vector<16xf32>
      %add3A_592 = arith.addf %add3A_591, %exp3A_589 : vector<16xf32>
      %div3A_593 = arith.constant 1.000000e+00 : f32
      %div3A_594 = vector.broadcast %div3A_593 : f32 to vector<16xf32>
      %div3A_595 = arith.divf %div3A_594, %add3A_592 : vector<16xf32>
      %mul3A_596 = arith.constant 1.000000e+01 : f32
      %mul3A_597 = vector.broadcast %mul3A_596 : f32 to vector<16xf32>
      %mul3A_598 = arith.mulf %div3A_595, %mul3A_597 : vector<16xf32>
      %convert_element_type3A_599 = arith.fptosi %mul3A_598 : vector<16xf32> to vector<16xi32>
      %min3A_600 = arith.constant 9 : i32
      %min3A_601 = vector.broadcast %min3A_600 : i32 to vector<16xi32>
      %min3A_602 = arith.minsi %convert_element_type3A_599, %min3A_601 : vector<16xi32>
      %eq3A_603 = arith.constant 1 : i32
      %eq3A_604 = vector.broadcast %eq3A_603 : i32 to vector<16xi32>
      %eq3A_605 = arith.cmpi eq, %get3A_549, %eq3A_604 : vector<16xi32>
      %select_n3A_606 = arith.select %eq3A_605, %broadcast_in_dim3A_13, %broadcast_in_dim3A_3 : vector<16xi1>, vector<16xf32>
      tpu.vector_store_idx %arg15[%min3A_602], %broadcast_in_dim3A_13 {add = true} : memref<16xf32, #tpu.memory_space<vmem>>[vector<16xi32>], vector<16xf32>,
      tpu.vector_store_idx %arg16[%min3A_602], %select_n3A_606 {add = true} : memref<16xf32, #tpu.memory_space<vmem>>[vector<16xi32>], vector<16xf32>,
      tpu.vector_store_idx %arg17[%min3A_602], %div3A_595 {add = true} : memref<16xf32, #tpu.memory_space<vmem>>[vector<16xi32>], vector<16xf32>,
      %add3A_607 = arith.addf %add3A_313, %add3A_378 : vector<16xf32>
      %add3A_608 = arith.addf %add3A_447, %add3A_516 : vector<16xf32>
      %add3A_609 = arith.addf %add3A_607, %add3A_608 : vector<16xf32>
      %add3A_610 = arith.addf %add3A_609, %add3A_585 : vector<16xf32>
      %add3A_611 = arith.addf %scan3A_266, %add3A_610 : vector<16xf32>
      scf.yield %add3A_611 : vector<16xf32>
    }
    %scan3A_126 = arith.constant 125 : i32
    %add3A_127 = arith.constant 240000 : i32
    %add3A_128 = arith.addi %mul3A_2, %add3A_127 : i32
    %dma_start3A_129 = arith.constant 0 : i32
    %dma_start3A_130 = tpu.memref_slice %arg9[%dma_start3A_129] : memref<20000xf32, #tpu.memory_space<vmem>> -> memref<10000xf32, #tpu.memory_space<vmem>>
    %dma_start3A_131 = tpu.memref_slice %arg2[%add3A_128] : memref<8000000xf32, #tpu.memory_space<hbm>> -> memref<10000xf32, #tpu.memory_space<hbm>>
    %dma_start3A_132 = arith.constant 0 : i32
    %dma_start3A_133 = tpu.memref_slice %arg9[%dma_start3A_132] : memref<20000xf32, #tpu.memory_space<vmem>> -> memref<10000xf32, #tpu.memory_space<vmem>>
    %dma_start3A_134 = tpu.memref_slice %arg2[%add3A_128] : memref<8000000xf32, #tpu.memory_space<hbm>> -> memref<10000xf32, #tpu.memory_space<hbm>>
    tpu.enqueue_dma source(%dma_start3A_134 : memref<10000xf32, #tpu.memory_space<hbm>>) target(%dma_start3A_133 : memref<10000xf32, #tpu.memory_space<vmem>>) target_semaphore(%arg19 : memref<!tpu.dma_semaphore, #tpu.memory_space<semaphore_mem>>)
    %dma_start3A_135 = arith.constant 0 : i32
    %dma_start3A_136 = tpu.memref_slice %arg10[%dma_start3A_135] : memref<20000xf32, #tpu.memory_space<vmem>> -> memref<10000xf32, #tpu.memory_space<vmem>>
    %dma_start3A_137 = tpu.memref_slice %arg3[%add3A_128] : memref<8000000xf32, #tpu.memory_space<hbm>> -> memref<10000xf32, #tpu.memory_space<hbm>>
    %dma_start3A_138 = arith.constant 0 : i32
    %dma_start3A_139 = tpu.memref_slice %arg10[%dma_start3A_138] : memref<20000xf32, #tpu.memory_space<vmem>> -> memref<10000xf32, #tpu.memory_space<vmem>>
    %dma_start3A_140 = tpu.memref_slice %arg3[%add3A_128] : memref<8000000xf32, #tpu.memory_space<hbm>> -> memref<10000xf32, #tpu.memory_space<hbm>>
    tpu.enqueue_dma source(%dma_start3A_140 : memref<10000xf32, #tpu.memory_space<hbm>>) target(%dma_start3A_139 : memref<10000xf32, #tpu.memory_space<vmem>>) target_semaphore(%arg19 : memref<!tpu.dma_semaphore, #tpu.memory_space<semaphore_mem>>)
    %dma_start3A_141 = arith.constant 0 : i32
    %dma_start3A_142 = tpu.memref_slice %arg11[%dma_start3A_141] : memref<20000xf32, #tpu.memory_space<vmem>> -> memref<10000xf32, #tpu.memory_space<vmem>>
    %dma_start3A_143 = tpu.memref_slice %arg4[%add3A_128] : memref<8000000xf32, #tpu.memory_space<hbm>> -> memref<10000xf32, #tpu.memory_space<hbm>>
    %dma_start3A_144 = arith.constant 0 : i32
    %dma_start3A_145 = tpu.memref_slice %arg11[%dma_start3A_144] : memref<20000xf32, #tpu.memory_space<vmem>> -> memref<10000xf32, #tpu.memory_space<vmem>>
    %dma_start3A_146 = tpu.memref_slice %arg4[%add3A_128] : memref<8000000xf32, #tpu.memory_space<hbm>> -> memref<10000xf32, #tpu.memory_space<hbm>>
    tpu.enqueue_dma source(%dma_start3A_146 : memref<10000xf32, #tpu.memory_space<hbm>>) target(%dma_start3A_145 : memref<10000xf32, #tpu.memory_space<vmem>>) target_semaphore(%arg19 : memref<!tpu.dma_semaphore, #tpu.memory_space<semaphore_mem>>)
    %dma_start3A_147 = arith.constant 0 : i32
    %dma_start3A_148 = tpu.memref_slice %arg12[%dma_start3A_147] : memref<20000xf32, #tpu.memory_space<vmem>> -> memref<10000xf32, #tpu.memory_space<vmem>>
    %dma_start3A_149 = tpu.memref_slice %arg5[%add3A_128] : memref<8000000xf32, #tpu.memory_space<hbm>> -> memref<10000xf32, #tpu.memory_space<hbm>>
    %dma_start3A_150 = arith.constant 0 : i32
    %dma_start3A_151 = tpu.memref_slice %arg12[%dma_start3A_150] : memref<20000xf32, #tpu.memory_space<vmem>> -> memref<10000xf32, #tpu.memory_space<vmem>>
    %dma_start3A_152 = tpu.memref_slice %arg5[%add3A_128] : memref<8000000xf32, #tpu.memory_space<hbm>> -> memref<10000xf32, #tpu.memory_space<hbm>>
    tpu.enqueue_dma source(%dma_start3A_152 : memref<10000xf32, #tpu.memory_space<hbm>>) target(%dma_start3A_151 : memref<10000xf32, #tpu.memory_space<vmem>>) target_semaphore(%arg19 : memref<!tpu.dma_semaphore, #tpu.memory_space<semaphore_mem>>)
    %dma_start3A_153 = arith.constant 0 : i32
    %dma_start3A_154 = tpu.memref_slice %arg13[%dma_start3A_153] : memref<20000xi32, #tpu.memory_space<vmem>> -> memref<10000xi32, #tpu.memory_space<vmem>>
    %dma_start3A_155 = tpu.memref_slice %arg6[%add3A_128] : memref<8000000xi32, #tpu.memory_space<hbm>> -> memref<10000xi32, #tpu.memory_space<hbm>>
    %dma_start3A_156 = arith.constant 0 : i32
    %dma_start3A_157 = tpu.memref_slice %arg13[%dma_start3A_156] : memref<20000xi32, #tpu.memory_space<vmem>> -> memref<10000xi32, #tpu.memory_space<vmem>>
    %dma_start3A_158 = tpu.memref_slice %arg6[%add3A_128] : memref<8000000xi32, #tpu.memory_space<hbm>> -> memref<10000xi32, #tpu.memory_space<hbm>>
    tpu.enqueue_dma source(%dma_start3A_158 : memref<10000xi32, #tpu.memory_space<hbm>>) target(%dma_start3A_157 : memref<10000xi32, #tpu.memory_space<vmem>>) target_semaphore(%arg19 : memref<!tpu.dma_semaphore, #tpu.memory_space<semaphore_mem>>)
    %dma_wait3A_159 = arith.constant 10000 : i32
    %dma_wait3A_160 = tpu.memref_slice %arg9[%dma_wait3A_159] : memref<20000xf32, #tpu.memory_space<vmem>> -> memref<10000xf32, #tpu.memory_space<vmem>>
    %dma_wait3A_161 = arith.constant 0 : i32
    %dma_wait3A_162 = tpu.memref_slice %arg2[%dma_wait3A_161] : memref<8000000xf32, #tpu.memory_space<hbm>> -> memref<10000xf32, #tpu.memory_space<hbm>>
    %dma_wait3A_163 = arith.constant 10000 : i32
    %dma_wait3A_164 = tpu.memref_slice %arg9[%dma_wait3A_163] : memref<20000xf32, #tpu.memory_space<vmem>> -> memref<10000xf32, #tpu.memory_space<vmem>>
    %dma_wait3A_165 = arith.constant 0 : i32
    %dma_wait3A_166 = tpu.memref_slice %arg2[%dma_wait3A_165] : memref<8000000xf32, #tpu.memory_space<hbm>> -> memref<10000xf32, #tpu.memory_space<hbm>>
    tpu.wait_dma2 semaphore(%arg20 : memref<!tpu.dma_semaphore, #tpu.memory_space<semaphore_mem>>) src(%dma_wait3A_166 : memref<10000xf32, #tpu.memory_space<hbm>>) dst(%dma_wait3A_164 : memref<10000xf32, #tpu.memory_space<vmem>>)
    %dma_wait3A_167 = arith.constant 10000 : i32
    %dma_wait3A_168 = tpu.memref_slice %arg10[%dma_wait3A_167] : memref<20000xf32, #tpu.memory_space<vmem>> -> memref<10000xf32, #tpu.memory_space<vmem>>
    %dma_wait3A_169 = arith.constant 0 : i32
    %dma_wait3A_170 = tpu.memref_slice %arg3[%dma_wait3A_169] : memref<8000000xf32, #tpu.memory_space<hbm>> -> memref<10000xf32, #tpu.memory_space<hbm>>
    %dma_wait3A_171 = arith.constant 10000 : i32
    %dma_wait3A_172 = tpu.memref_slice %arg10[%dma_wait3A_171] : memref<20000xf32, #tpu.memory_space<vmem>> -> memref<10000xf32, #tpu.memory_space<vmem>>
    %dma_wait3A_173 = arith.constant 0 : i32
    %dma_wait3A_174 = tpu.memref_slice %arg3[%dma_wait3A_173] : memref<8000000xf32, #tpu.memory_space<hbm>> -> memref<10000xf32, #tpu.memory_space<hbm>>
    tpu.wait_dma2 semaphore(%arg20 : memref<!tpu.dma_semaphore, #tpu.memory_space<semaphore_mem>>) src(%dma_wait3A_174 : memref<10000xf32, #tpu.memory_space<hbm>>) dst(%dma_wait3A_172 : memref<10000xf32, #tpu.memory_space<vmem>>)
    %dma_wait3A_175 = arith.constant 10000 : i32
    %dma_wait3A_176 = tpu.memref_slice %arg11[%dma_wait3A_175] : memref<20000xf32, #tpu.memory_space<vmem>> -> memref<10000xf32, #tpu.memory_space<vmem>>
    %dma_wait3A_177 = arith.constant 0 : i32
    %dma_wait3A_178 = tpu.memref_slice %arg4[%dma_wait3A_177] : memref<8000000xf32, #tpu.memory_space<hbm>> -> memref<10000xf32, #tpu.memory_space<hbm>>
    %dma_wait3A_179 = arith.constant 10000 : i32
    %dma_wait3A_180 = tpu.memref_slice %arg11[%dma_wait3A_179] : memref<20000xf32, #tpu.memory_space<vmem>> -> memref<10000xf32, #tpu.memory_space<vmem>>
    %dma_wait3A_181 = arith.constant 0 : i32
    %dma_wait3A_182 = tpu.memref_slice %arg4[%dma_wait3A_181] : memref<8000000xf32, #tpu.memory_space<hbm>> -> memref<10000xf32, #tpu.memory_space<hbm>>
    tpu.wait_dma2 semaphore(%arg20 : memref<!tpu.dma_semaphore, #tpu.memory_space<semaphore_mem>>) src(%dma_wait3A_182 : memref<10000xf32, #tpu.memory_space<hbm>>) dst(%dma_wait3A_180 : memref<10000xf32, #tpu.memory_space<vmem>>)
    %dma_wait3A_183 = arith.constant 10000 : i32
    %dma_wait3A_184 = tpu.memref_slice %arg12[%dma_wait3A_183] : memref<20000xf32, #tpu.memory_space<vmem>> -> memref<10000xf32, #tpu.memory_space<vmem>>
    %dma_wait3A_185 = arith.constant 0 : i32
    %dma_wait3A_186 = tpu.memref_slice %arg5[%dma_wait3A_185] : memref<8000000xf32, #tpu.memory_space<hbm>> -> memref<10000xf32, #tpu.memory_space<hbm>>
    %dma_wait3A_187 = arith.constant 10000 : i32
    %dma_wait3A_188 = tpu.memref_slice %arg12[%dma_wait3A_187] : memref<20000xf32, #tpu.memory_space<vmem>> -> memref<10000xf32, #tpu.memory_space<vmem>>
    %dma_wait3A_189 = arith.constant 0 : i32
    %dma_wait3A_190 = tpu.memref_slice %arg5[%dma_wait3A_189] : memref<8000000xf32, #tpu.memory_space<hbm>> -> memref<10000xf32, #tpu.memory_space<hbm>>
    tpu.wait_dma2 semaphore(%arg20 : memref<!tpu.dma_semaphore, #tpu.memory_space<semaphore_mem>>) src(%dma_wait3A_190 : memref<10000xf32, #tpu.memory_space<hbm>>) dst(%dma_wait3A_188 : memref<10000xf32, #tpu.memory_space<vmem>>)
    %dma_wait3A_191 = arith.constant 10000 : i32
    %dma_wait3A_192 = tpu.memref_slice %arg13[%dma_wait3A_191] : memref<20000xi32, #tpu.memory_space<vmem>> -> memref<10000xi32, #tpu.memory_space<vmem>>
    %dma_wait3A_193 = arith.constant 0 : i32
    %dma_wait3A_194 = tpu.memref_slice %arg6[%dma_wait3A_193] : memref<8000000xi32, #tpu.memory_space<hbm>> -> memref<10000xi32, #tpu.memory_space<hbm>>
    %dma_wait3A_195 = arith.constant 10000 : i32
    %dma_wait3A_196 = tpu.memref_slice %arg13[%dma_wait3A_195] : memref<20000xi32, #tpu.memory_space<vmem>> -> memref<10000xi32, #tpu.memory_space<vmem>>
    %dma_wait3A_197 = arith.constant 0 : i32
    %dma_wait3A_198 = tpu.memref_slice %arg6[%dma_wait3A_197] : memref<8000000xi32, #tpu.memory_space<hbm>> -> memref<10000xi32, #tpu.memory_space<hbm>>
    tpu.wait_dma2 semaphore(%arg20 : memref<!tpu.dma_semaphore, #tpu.memory_space<semaphore_mem>>) src(%dma_wait3A_198 : memref<10000xi32, #tpu.memory_space<hbm>>) dst(%dma_wait3A_196 : memref<10000xi32, #tpu.memory_space<vmem>>)
    %scan3A_199 = arith.constant 0 : i32
    %scan3A_200 = arith.constant 125 : i32
    %scan3A_201 = arith.addi %scan3A_199, %scan3A_200 : i32
    %scan3A_202 = arith.constant 1 : i32
    %scan3A_203 = scf.for %scan3A_265 = %scan3A_199 to %scan3A_201 step %scan3A_202 iter_args(%scan3A_266 = %scan3A_125) -> (vector<16xf32>)  : i32 {
      %mul3A_267 = arith.constant 80 : i32
      %mul3A_268 = arith.muli %scan3A_265, %mul3A_267 : i32
      %add3A_269 = arith.constant 10000 : i32
      %add3A_270 = arith.addi %add3A_269, %mul3A_268 : i32
      %add3A_271 = arith.constant 0 : i32
      %add3A_272 = arith.addi %add3A_270, %add3A_271 : i32
      %get3A_273 = arith.index_cast %add3A_272 : i32 to index
      %get3A_274 = tpu.vector_load %arg9[%get3A_273] {strides = array<i32>} : memref<20000xf32, #tpu.memory_space<vmem>>, vector<16xf32>,
      %get3A_275 = arith.index_cast %add3A_272 : i32 to index
      %get3A_276 = tpu.vector_load %arg10[%get3A_275] {strides = array<i32>} : memref<20000xf32, #tpu.memory_space<vmem>>, vector<16xf32>,
      %get3A_277 = arith.index_cast %add3A_272 : i32 to index
      %get3A_278 = tpu.vector_load %arg11[%get3A_277] {strides = array<i32>} : memref<20000xf32, #tpu.memory_space<vmem>>, vector<16xf32>,
      %get3A_279 = arith.index_cast %add3A_272 : i32 to index
      %get3A_280 = tpu.vector_load %arg12[%get3A_279] {strides = array<i32>} : memref<20000xf32, #tpu.memory_space<vmem>>, vector<16xf32>,
      %get3A_281 = arith.index_cast %add3A_272 : i32 to index
      %get3A_282 = tpu.vector_load %arg13[%get3A_281] {strides = array<i32>} : memref<20000xi32, #tpu.memory_space<vmem>>, vector<16xi32>,
      %max3A = arith.maximumf %get3A_274, %get3A_276 : vector<16xf32>
      %min3A = arith.minimumf %get3A_274, %get3A_276 : vector<16xf32>
      %sub3A = arith.subf %min3A, %max3A : vector<16xf32>
      %exp3A = math.exp %sub3A : vector<16xf32>
      %add3A_283 = arith.constant 2.000000e+00 : f32
      %add3A_284 = vector.broadcast %add3A_283 : f32 to vector<16xf32>
      %add3A_285 = arith.addf %exp3A, %add3A_284 : vector<16xf32>
      %div3A = arith.divf %exp3A, %add3A_285 : vector<16xf32>
      %mul3A_286 = arith.mulf %div3A, %div3A : vector<16xf32>
      %mul3A_287 = arith.constant 0.222222224 : f32
      %mul3A_288 = vector.broadcast %mul3A_287 : f32 to vector<16xf32>
      %mul3A_289 = arith.mulf %mul3A_286, %mul3A_288 : vector<16xf32>
      %add3A_290 = arith.constant 0.285714298 : f32
      %add3A_291 = vector.broadcast %add3A_290 : f32 to vector<16xf32>
      %add3A_292 = arith.addf %add3A_291, %mul3A_289 : vector<16xf32>
      %mul3A_293 = arith.mulf %mul3A_286, %add3A_292 : vector<16xf32>
      %add3A_294 = arith.constant 4.000000e-01 : f32
      %add3A_295 = vector.broadcast %add3A_294 : f32 to vector<16xf32>
      %add3A_296 = arith.addf %add3A_295, %mul3A_293 : vector<16xf32>
      %mul3A_297 = arith.mulf %mul3A_286, %add3A_296 : vector<16xf32>
      %add3A_298 = arith.constant 0.666666686 : f32
      %add3A_299 = vector.broadcast %add3A_298 : f32 to vector<16xf32>
      %add3A_300 = arith.addf %add3A_299, %mul3A_297 : vector<16xf32>
      %mul3A_301 = arith.mulf %mul3A_286, %add3A_300 : vector<16xf32>
      %add3A_302 = arith.constant 2.000000e+00 : f32
      %add3A_303 = vector.broadcast %add3A_302 : f32 to vector<16xf32>
      %add3A_304 = arith.addf %add3A_303, %mul3A_301 : vector<16xf32>
      %mul3A_305 = arith.mulf %div3A, %add3A_304 : vector<16xf32>
      %add3A_306 = arith.addf %max3A, %mul3A_305 : vector<16xf32>
      %mul3A_307 = arith.mulf %get3A_278, %get3A_9 : vector<16xf32>
      %sub3A_308 = arith.subf %add3A_306, %get3A_274 : vector<16xf32>
      %mul3A_309 = arith.mulf %mul3A_307, %sub3A_308 : vector<16xf32>
      %mul3A_310 = arith.mulf %get3A_280, %get3A_11 : vector<16xf32>
      %sub3A_311 = arith.subf %add3A_306, %get3A_276 : vector<16xf32>
      %mul3A_312 = arith.mulf %mul3A_310, %sub3A_311 : vector<16xf32>
      %add3A_313 = arith.addf %mul3A_309, %mul3A_312 : vector<16xf32>
      %neg3A = arith.constant 0.000000e+00 : f32
      %neg3A_314 = vector.broadcast %neg3A : f32 to vector<16xf32>
      %neg3A_315 = arith.subf %neg3A_314, %get3A_276 : vector<16xf32>
      %exp3A_316 = math.exp %neg3A_315 : vector<16xf32>
      %add3A_317 = arith.constant 1.000000e+00 : f32
      %add3A_318 = vector.broadcast %add3A_317 : f32 to vector<16xf32>
      %add3A_319 = arith.addf %add3A_318, %exp3A_316 : vector<16xf32>
      %div3A_320 = arith.constant 1.000000e+00 : f32
      %div3A_321 = vector.broadcast %div3A_320 : f32 to vector<16xf32>
      %div3A_322 = arith.divf %div3A_321, %add3A_319 : vector<16xf32>
      %mul3A_323 = arith.constant 1.000000e+01 : f32
      %mul3A_324 = vector.broadcast %mul3A_323 : f32 to vector<16xf32>
      %mul3A_325 = arith.mulf %div3A_322, %mul3A_324 : vector<16xf32>
      %convert_element_type3A = arith.fptosi %mul3A_325 : vector<16xf32> to vector<16xi32>
      %min3A_326 = arith.constant 9 : i32
      %min3A_327 = vector.broadcast %min3A_326 : i32 to vector<16xi32>
      %min3A_328 = arith.minsi %convert_element_type3A, %min3A_327 : vector<16xi32>
      %eq3A = arith.constant 1 : i32
      %eq3A_329 = vector.broadcast %eq3A : i32 to vector<16xi32>
      %eq3A_330 = arith.cmpi eq, %get3A_282, %eq3A_329 : vector<16xi32>
      %select_n3A = arith.select %eq3A_330, %broadcast_in_dim3A_13, %broadcast_in_dim3A_3 : vector<16xi1>, vector<16xf32>
      tpu.vector_store_idx %arg15[%min3A_328], %broadcast_in_dim3A_13 {add = true} : memref<16xf32, #tpu.memory_space<vmem>>[vector<16xi32>], vector<16xf32>,
      tpu.vector_store_idx %arg16[%min3A_328], %select_n3A {add = true} : memref<16xf32, #tpu.memory_space<vmem>>[vector<16xi32>], vector<16xf32>,
      tpu.vector_store_idx %arg17[%min3A_328], %div3A_322 {add = true} : memref<16xf32, #tpu.memory_space<vmem>>[vector<16xi32>], vector<16xf32>,
      %add3A_331 = arith.constant 16 : i32
      %add3A_332 = arith.addi %add3A_270, %add3A_331 : i32
      %get3A_333 = arith.index_cast %add3A_332 : i32 to index
      %get3A_334 = tpu.vector_load %arg9[%get3A_333] {strides = array<i32>} : memref<20000xf32, #tpu.memory_space<vmem>>, vector<16xf32>,
      %get3A_335 = arith.index_cast %add3A_332 : i32 to index
      %get3A_336 = tpu.vector_load %arg10[%get3A_335] {strides = array<i32>} : memref<20000xf32, #tpu.memory_space<vmem>>, vector<16xf32>,
      %get3A_337 = arith.index_cast %add3A_332 : i32 to index
      %get3A_338 = tpu.vector_load %arg11[%get3A_337] {strides = array<i32>} : memref<20000xf32, #tpu.memory_space<vmem>>, vector<16xf32>,
      %get3A_339 = arith.index_cast %add3A_332 : i32 to index
      %get3A_340 = tpu.vector_load %arg12[%get3A_339] {strides = array<i32>} : memref<20000xf32, #tpu.memory_space<vmem>>, vector<16xf32>,
      %get3A_341 = arith.index_cast %add3A_332 : i32 to index
      %get3A_342 = tpu.vector_load %arg13[%get3A_341] {strides = array<i32>} : memref<20000xi32, #tpu.memory_space<vmem>>, vector<16xi32>,
      %max3A_343 = arith.maximumf %get3A_334, %get3A_336 : vector<16xf32>
      %min3A_344 = arith.minimumf %get3A_334, %get3A_336 : vector<16xf32>
      %sub3A_345 = arith.subf %min3A_344, %max3A_343 : vector<16xf32>
      %exp3A_346 = math.exp %sub3A_345 : vector<16xf32>
      %add3A_347 = arith.constant 2.000000e+00 : f32
      %add3A_348 = vector.broadcast %add3A_347 : f32 to vector<16xf32>
      %add3A_349 = arith.addf %exp3A_346, %add3A_348 : vector<16xf32>
      %div3A_350 = arith.divf %exp3A_346, %add3A_349 : vector<16xf32>
      %mul3A_351 = arith.mulf %div3A_350, %div3A_350 : vector<16xf32>
      %mul3A_352 = arith.constant 0.222222224 : f32
      %mul3A_353 = vector.broadcast %mul3A_352 : f32 to vector<16xf32>
      %mul3A_354 = arith.mulf %mul3A_351, %mul3A_353 : vector<16xf32>
      %add3A_355 = arith.constant 0.285714298 : f32
      %add3A_356 = vector.broadcast %add3A_355 : f32 to vector<16xf32>
      %add3A_357 = arith.addf %add3A_356, %mul3A_354 : vector<16xf32>
      %mul3A_358 = arith.mulf %mul3A_351, %add3A_357 : vector<16xf32>
      %add3A_359 = arith.constant 4.000000e-01 : f32
      %add3A_360 = vector.broadcast %add3A_359 : f32 to vector<16xf32>
      %add3A_361 = arith.addf %add3A_360, %mul3A_358 : vector<16xf32>
      %mul3A_362 = arith.mulf %mul3A_351, %add3A_361 : vector<16xf32>
      %add3A_363 = arith.constant 0.666666686 : f32
      %add3A_364 = vector.broadcast %add3A_363 : f32 to vector<16xf32>
      %add3A_365 = arith.addf %add3A_364, %mul3A_362 : vector<16xf32>
      %mul3A_366 = arith.mulf %mul3A_351, %add3A_365 : vector<16xf32>
      %add3A_367 = arith.constant 2.000000e+00 : f32
      %add3A_368 = vector.broadcast %add3A_367 : f32 to vector<16xf32>
      %add3A_369 = arith.addf %add3A_368, %mul3A_366 : vector<16xf32>
      %mul3A_370 = arith.mulf %div3A_350, %add3A_369 : vector<16xf32>
      %add3A_371 = arith.addf %max3A_343, %mul3A_370 : vector<16xf32>
      %mul3A_372 = arith.mulf %get3A_338, %get3A_9 : vector<16xf32>
      %sub3A_373 = arith.subf %add3A_371, %get3A_334 : vector<16xf32>
      %mul3A_374 = arith.mulf %mul3A_372, %sub3A_373 : vector<16xf32>
      %mul3A_375 = arith.mulf %get3A_340, %get3A_11 : vector<16xf32>
      %sub3A_376 = arith.subf %add3A_371, %get3A_336 : vector<16xf32>
      %mul3A_377 = arith.mulf %mul3A_375, %sub3A_376 : vector<16xf32>
      %add3A_378 = arith.addf %mul3A_374, %mul3A_377 : vector<16xf32>
      %neg3A_379 = arith.constant 0.000000e+00 : f32
      %neg3A_380 = vector.broadcast %neg3A_379 : f32 to vector<16xf32>
      %neg3A_381 = arith.subf %neg3A_380, %get3A_336 : vector<16xf32>
      %exp3A_382 = math.exp %neg3A_381 : vector<16xf32>
      %add3A_383 = arith.constant 1.000000e+00 : f32
      %add3A_384 = vector.broadcast %add3A_383 : f32 to vector<16xf32>
      %add3A_385 = arith.addf %add3A_384, %exp3A_382 : vector<16xf32>
      %div3A_386 = arith.constant 1.000000e+00 : f32
      %div3A_387 = vector.broadcast %div3A_386 : f32 to vector<16xf32>
      %div3A_388 = arith.divf %div3A_387, %add3A_385 : vector<16xf32>
      %mul3A_389 = arith.constant 1.000000e+01 : f32
      %mul3A_390 = vector.broadcast %mul3A_389 : f32 to vector<16xf32>
      %mul3A_391 = arith.mulf %div3A_388, %mul3A_390 : vector<16xf32>
      %convert_element_type3A_392 = arith.fptosi %mul3A_391 : vector<16xf32> to vector<16xi32>
      %min3A_393 = arith.constant 9 : i32
      %min3A_394 = vector.broadcast %min3A_393 : i32 to vector<16xi32>
      %min3A_395 = arith.minsi %convert_element_type3A_392, %min3A_394 : vector<16xi32>
      %eq3A_396 = arith.constant 1 : i32
      %eq3A_397 = vector.broadcast %eq3A_396 : i32 to vector<16xi32>
      %eq3A_398 = arith.cmpi eq, %get3A_342, %eq3A_397 : vector<16xi32>
      %select_n3A_399 = arith.select %eq3A_398, %broadcast_in_dim3A_13, %broadcast_in_dim3A_3 : vector<16xi1>, vector<16xf32>
      tpu.vector_store_idx %arg15[%min3A_395], %broadcast_in_dim3A_13 {add = true} : memref<16xf32, #tpu.memory_space<vmem>>[vector<16xi32>], vector<16xf32>,
      tpu.vector_store_idx %arg16[%min3A_395], %select_n3A_399 {add = true} : memref<16xf32, #tpu.memory_space<vmem>>[vector<16xi32>], vector<16xf32>,
      tpu.vector_store_idx %arg17[%min3A_395], %div3A_388 {add = true} : memref<16xf32, #tpu.memory_space<vmem>>[vector<16xi32>], vector<16xf32>,
      %add3A_400 = arith.constant 32 : i32
      %add3A_401 = arith.addi %add3A_270, %add3A_400 : i32
      %get3A_402 = arith.index_cast %add3A_401 : i32 to index
      %get3A_403 = tpu.vector_load %arg9[%get3A_402] {strides = array<i32>} : memref<20000xf32, #tpu.memory_space<vmem>>, vector<16xf32>,
      %get3A_404 = arith.index_cast %add3A_401 : i32 to index
      %get3A_405 = tpu.vector_load %arg10[%get3A_404] {strides = array<i32>} : memref<20000xf32, #tpu.memory_space<vmem>>, vector<16xf32>,
      %get3A_406 = arith.index_cast %add3A_401 : i32 to index
      %get3A_407 = tpu.vector_load %arg11[%get3A_406] {strides = array<i32>} : memref<20000xf32, #tpu.memory_space<vmem>>, vector<16xf32>,
      %get3A_408 = arith.index_cast %add3A_401 : i32 to index
      %get3A_409 = tpu.vector_load %arg12[%get3A_408] {strides = array<i32>} : memref<20000xf32, #tpu.memory_space<vmem>>, vector<16xf32>,
      %get3A_410 = arith.index_cast %add3A_401 : i32 to index
      %get3A_411 = tpu.vector_load %arg13[%get3A_410] {strides = array<i32>} : memref<20000xi32, #tpu.memory_space<vmem>>, vector<16xi32>,
      %max3A_412 = arith.maximumf %get3A_403, %get3A_405 : vector<16xf32>
      %min3A_413 = arith.minimumf %get3A_403, %get3A_405 : vector<16xf32>
      %sub3A_414 = arith.subf %min3A_413, %max3A_412 : vector<16xf32>
      %exp3A_415 = math.exp %sub3A_414 : vector<16xf32>
      %add3A_416 = arith.constant 2.000000e+00 : f32
      %add3A_417 = vector.broadcast %add3A_416 : f32 to vector<16xf32>
      %add3A_418 = arith.addf %exp3A_415, %add3A_417 : vector<16xf32>
      %div3A_419 = arith.divf %exp3A_415, %add3A_418 : vector<16xf32>
      %mul3A_420 = arith.mulf %div3A_419, %div3A_419 : vector<16xf32>
      %mul3A_421 = arith.constant 0.222222224 : f32
      %mul3A_422 = vector.broadcast %mul3A_421 : f32 to vector<16xf32>
      %mul3A_423 = arith.mulf %mul3A_420, %mul3A_422 : vector<16xf32>
      %add3A_424 = arith.constant 0.285714298 : f32
      %add3A_425 = vector.broadcast %add3A_424 : f32 to vector<16xf32>
      %add3A_426 = arith.addf %add3A_425, %mul3A_423 : vector<16xf32>
      %mul3A_427 = arith.mulf %mul3A_420, %add3A_426 : vector<16xf32>
      %add3A_428 = arith.constant 4.000000e-01 : f32
      %add3A_429 = vector.broadcast %add3A_428 : f32 to vector<16xf32>
      %add3A_430 = arith.addf %add3A_429, %mul3A_427 : vector<16xf32>
      %mul3A_431 = arith.mulf %mul3A_420, %add3A_430 : vector<16xf32>
      %add3A_432 = arith.constant 0.666666686 : f32
      %add3A_433 = vector.broadcast %add3A_432 : f32 to vector<16xf32>
      %add3A_434 = arith.addf %add3A_433, %mul3A_431 : vector<16xf32>
      %mul3A_435 = arith.mulf %mul3A_420, %add3A_434 : vector<16xf32>
      %add3A_436 = arith.constant 2.000000e+00 : f32
      %add3A_437 = vector.broadcast %add3A_436 : f32 to vector<16xf32>
      %add3A_438 = arith.addf %add3A_437, %mul3A_435 : vector<16xf32>
      %mul3A_439 = arith.mulf %div3A_419, %add3A_438 : vector<16xf32>
      %add3A_440 = arith.addf %max3A_412, %mul3A_439 : vector<16xf32>
      %mul3A_441 = arith.mulf %get3A_407, %get3A_9 : vector<16xf32>
      %sub3A_442 = arith.subf %add3A_440, %get3A_403 : vector<16xf32>
      %mul3A_443 = arith.mulf %mul3A_441, %sub3A_442 : vector<16xf32>
      %mul3A_444 = arith.mulf %get3A_409, %get3A_11 : vector<16xf32>
      %sub3A_445 = arith.subf %add3A_440, %get3A_405 : vector<16xf32>
      %mul3A_446 = arith.mulf %mul3A_444, %sub3A_445 : vector<16xf32>
      %add3A_447 = arith.addf %mul3A_443, %mul3A_446 : vector<16xf32>
      %neg3A_448 = arith.constant 0.000000e+00 : f32
      %neg3A_449 = vector.broadcast %neg3A_448 : f32 to vector<16xf32>
      %neg3A_450 = arith.subf %neg3A_449, %get3A_405 : vector<16xf32>
      %exp3A_451 = math.exp %neg3A_450 : vector<16xf32>
      %add3A_452 = arith.constant 1.000000e+00 : f32
      %add3A_453 = vector.broadcast %add3A_452 : f32 to vector<16xf32>
      %add3A_454 = arith.addf %add3A_453, %exp3A_451 : vector<16xf32>
      %div3A_455 = arith.constant 1.000000e+00 : f32
      %div3A_456 = vector.broadcast %div3A_455 : f32 to vector<16xf32>
      %div3A_457 = arith.divf %div3A_456, %add3A_454 : vector<16xf32>
      %mul3A_458 = arith.constant 1.000000e+01 : f32
      %mul3A_459 = vector.broadcast %mul3A_458 : f32 to vector<16xf32>
      %mul3A_460 = arith.mulf %div3A_457, %mul3A_459 : vector<16xf32>
      %convert_element_type3A_461 = arith.fptosi %mul3A_460 : vector<16xf32> to vector<16xi32>
      %min3A_462 = arith.constant 9 : i32
      %min3A_463 = vector.broadcast %min3A_462 : i32 to vector<16xi32>
      %min3A_464 = arith.minsi %convert_element_type3A_461, %min3A_463 : vector<16xi32>
      %eq3A_465 = arith.constant 1 : i32
      %eq3A_466 = vector.broadcast %eq3A_465 : i32 to vector<16xi32>
      %eq3A_467 = arith.cmpi eq, %get3A_411, %eq3A_466 : vector<16xi32>
      %select_n3A_468 = arith.select %eq3A_467, %broadcast_in_dim3A_13, %broadcast_in_dim3A_3 : vector<16xi1>, vector<16xf32>
      tpu.vector_store_idx %arg15[%min3A_464], %broadcast_in_dim3A_13 {add = true} : memref<16xf32, #tpu.memory_space<vmem>>[vector<16xi32>], vector<16xf32>,
      tpu.vector_store_idx %arg16[%min3A_464], %select_n3A_468 {add = true} : memref<16xf32, #tpu.memory_space<vmem>>[vector<16xi32>], vector<16xf32>,
      tpu.vector_store_idx %arg17[%min3A_464], %div3A_457 {add = true} : memref<16xf32, #tpu.memory_space<vmem>>[vector<16xi32>], vector<16xf32>,
      %add3A_469 = arith.constant 48 : i32
      %add3A_470 = arith.addi %add3A_270, %add3A_469 : i32
      %get3A_471 = arith.index_cast %add3A_470 : i32 to index
      %get3A_472 = tpu.vector_load %arg9[%get3A_471] {strides = array<i32>} : memref<20000xf32, #tpu.memory_space<vmem>>, vector<16xf32>,
      %get3A_473 = arith.index_cast %add3A_470 : i32 to index
      %get3A_474 = tpu.vector_load %arg10[%get3A_473] {strides = array<i32>} : memref<20000xf32, #tpu.memory_space<vmem>>, vector<16xf32>,
      %get3A_475 = arith.index_cast %add3A_470 : i32 to index
      %get3A_476 = tpu.vector_load %arg11[%get3A_475] {strides = array<i32>} : memref<20000xf32, #tpu.memory_space<vmem>>, vector<16xf32>,
      %get3A_477 = arith.index_cast %add3A_470 : i32 to index
      %get3A_478 = tpu.vector_load %arg12[%get3A_477] {strides = array<i32>} : memref<20000xf32, #tpu.memory_space<vmem>>, vector<16xf32>,
      %get3A_479 = arith.index_cast %add3A_470 : i32 to index
      %get3A_480 = tpu.vector_load %arg13[%get3A_479] {strides = array<i32>} : memref<20000xi32, #tpu.memory_space<vmem>>, vector<16xi32>,
      %max3A_481 = arith.maximumf %get3A_472, %get3A_474 : vector<16xf32>
      %min3A_482 = arith.minimumf %get3A_472, %get3A_474 : vector<16xf32>
      %sub3A_483 = arith.subf %min3A_482, %max3A_481 : vector<16xf32>
      %exp3A_484 = math.exp %sub3A_483 : vector<16xf32>
      %add3A_485 = arith.constant 2.000000e+00 : f32
      %add3A_486 = vector.broadcast %add3A_485 : f32 to vector<16xf32>
      %add3A_487 = arith.addf %exp3A_484, %add3A_486 : vector<16xf32>
      %div3A_488 = arith.divf %exp3A_484, %add3A_487 : vector<16xf32>
      %mul3A_489 = arith.mulf %div3A_488, %div3A_488 : vector<16xf32>
      %mul3A_490 = arith.constant 0.222222224 : f32
      %mul3A_491 = vector.broadcast %mul3A_490 : f32 to vector<16xf32>
      %mul3A_492 = arith.mulf %mul3A_489, %mul3A_491 : vector<16xf32>
      %add3A_493 = arith.constant 0.285714298 : f32
      %add3A_494 = vector.broadcast %add3A_493 : f32 to vector<16xf32>
      %add3A_495 = arith.addf %add3A_494, %mul3A_492 : vector<16xf32>
      %mul3A_496 = arith.mulf %mul3A_489, %add3A_495 : vector<16xf32>
      %add3A_497 = arith.constant 4.000000e-01 : f32
      %add3A_498 = vector.broadcast %add3A_497 : f32 to vector<16xf32>
      %add3A_499 = arith.addf %add3A_498, %mul3A_496 : vector<16xf32>
      %mul3A_500 = arith.mulf %mul3A_489, %add3A_499 : vector<16xf32>
      %add3A_501 = arith.constant 0.666666686 : f32
      %add3A_502 = vector.broadcast %add3A_501 : f32 to vector<16xf32>
      %add3A_503 = arith.addf %add3A_502, %mul3A_500 : vector<16xf32>
      %mul3A_504 = arith.mulf %mul3A_489, %add3A_503 : vector<16xf32>
      %add3A_505 = arith.constant 2.000000e+00 : f32
      %add3A_506 = vector.broadcast %add3A_505 : f32 to vector<16xf32>
      %add3A_507 = arith.addf %add3A_506, %mul3A_504 : vector<16xf32>
      %mul3A_508 = arith.mulf %div3A_488, %add3A_507 : vector<16xf32>
      %add3A_509 = arith.addf %max3A_481, %mul3A_508 : vector<16xf32>
      %mul3A_510 = arith.mulf %get3A_476, %get3A_9 : vector<16xf32>
      %sub3A_511 = arith.subf %add3A_509, %get3A_472 : vector<16xf32>
      %mul3A_512 = arith.mulf %mul3A_510, %sub3A_511 : vector<16xf32>
      %mul3A_513 = arith.mulf %get3A_478, %get3A_11 : vector<16xf32>
      %sub3A_514 = arith.subf %add3A_509, %get3A_474 : vector<16xf32>
      %mul3A_515 = arith.mulf %mul3A_513, %sub3A_514 : vector<16xf32>
      %add3A_516 = arith.addf %mul3A_512, %mul3A_515 : vector<16xf32>
      %neg3A_517 = arith.constant 0.000000e+00 : f32
      %neg3A_518 = vector.broadcast %neg3A_517 : f32 to vector<16xf32>
      %neg3A_519 = arith.subf %neg3A_518, %get3A_474 : vector<16xf32>
      %exp3A_520 = math.exp %neg3A_519 : vector<16xf32>
      %add3A_521 = arith.constant 1.000000e+00 : f32
      %add3A_522 = vector.broadcast %add3A_521 : f32 to vector<16xf32>
      %add3A_523 = arith.addf %add3A_522, %exp3A_520 : vector<16xf32>
      %div3A_524 = arith.constant 1.000000e+00 : f32
      %div3A_525 = vector.broadcast %div3A_524 : f32 to vector<16xf32>
      %div3A_526 = arith.divf %div3A_525, %add3A_523 : vector<16xf32>
      %mul3A_527 = arith.constant 1.000000e+01 : f32
      %mul3A_528 = vector.broadcast %mul3A_527 : f32 to vector<16xf32>
      %mul3A_529 = arith.mulf %div3A_526, %mul3A_528 : vector<16xf32>
      %convert_element_type3A_530 = arith.fptosi %mul3A_529 : vector<16xf32> to vector<16xi32>
      %min3A_531 = arith.constant 9 : i32
      %min3A_532 = vector.broadcast %min3A_531 : i32 to vector<16xi32>
      %min3A_533 = arith.minsi %convert_element_type3A_530, %min3A_532 : vector<16xi32>
      %eq3A_534 = arith.constant 1 : i32
      %eq3A_535 = vector.broadcast %eq3A_534 : i32 to vector<16xi32>
      %eq3A_536 = arith.cmpi eq, %get3A_480, %eq3A_535 : vector<16xi32>
      %select_n3A_537 = arith.select %eq3A_536, %broadcast_in_dim3A_13, %broadcast_in_dim3A_3 : vector<16xi1>, vector<16xf32>
      tpu.vector_store_idx %arg15[%min3A_533], %broadcast_in_dim3A_13 {add = true} : memref<16xf32, #tpu.memory_space<vmem>>[vector<16xi32>], vector<16xf32>,
      tpu.vector_store_idx %arg16[%min3A_533], %select_n3A_537 {add = true} : memref<16xf32, #tpu.memory_space<vmem>>[vector<16xi32>], vector<16xf32>,
      tpu.vector_store_idx %arg17[%min3A_533], %div3A_526 {add = true} : memref<16xf32, #tpu.memory_space<vmem>>[vector<16xi32>], vector<16xf32>,
      %add3A_538 = arith.constant 64 : i32
      %add3A_539 = arith.addi %add3A_270, %add3A_538 : i32
      %get3A_540 = arith.index_cast %add3A_539 : i32 to index
      %get3A_541 = tpu.vector_load %arg9[%get3A_540] {strides = array<i32>} : memref<20000xf32, #tpu.memory_space<vmem>>, vector<16xf32>,
      %get3A_542 = arith.index_cast %add3A_539 : i32 to index
      %get3A_543 = tpu.vector_load %arg10[%get3A_542] {strides = array<i32>} : memref<20000xf32, #tpu.memory_space<vmem>>, vector<16xf32>,
      %get3A_544 = arith.index_cast %add3A_539 : i32 to index
      %get3A_545 = tpu.vector_load %arg11[%get3A_544] {strides = array<i32>} : memref<20000xf32, #tpu.memory_space<vmem>>, vector<16xf32>,
      %get3A_546 = arith.index_cast %add3A_539 : i32 to index
      %get3A_547 = tpu.vector_load %arg12[%get3A_546] {strides = array<i32>} : memref<20000xf32, #tpu.memory_space<vmem>>, vector<16xf32>,
      %get3A_548 = arith.index_cast %add3A_539 : i32 to index
      %get3A_549 = tpu.vector_load %arg13[%get3A_548] {strides = array<i32>} : memref<20000xi32, #tpu.memory_space<vmem>>, vector<16xi32>,
      %max3A_550 = arith.maximumf %get3A_541, %get3A_543 : vector<16xf32>
      %min3A_551 = arith.minimumf %get3A_541, %get3A_543 : vector<16xf32>
      %sub3A_552 = arith.subf %min3A_551, %max3A_550 : vector<16xf32>
      %exp3A_553 = math.exp %sub3A_552 : vector<16xf32>
      %add3A_554 = arith.constant 2.000000e+00 : f32
      %add3A_555 = vector.broadcast %add3A_554 : f32 to vector<16xf32>
      %add3A_556 = arith.addf %exp3A_553, %add3A_555 : vector<16xf32>
      %div3A_557 = arith.divf %exp3A_553, %add3A_556 : vector<16xf32>
      %mul3A_558 = arith.mulf %div3A_557, %div3A_557 : vector<16xf32>
      %mul3A_559 = arith.constant 0.222222224 : f32
      %mul3A_560 = vector.broadcast %mul3A_559 : f32 to vector<16xf32>
      %mul3A_561 = arith.mulf %mul3A_558, %mul3A_560 : vector<16xf32>
      %add3A_562 = arith.constant 0.285714298 : f32
      %add3A_563 = vector.broadcast %add3A_562 : f32 to vector<16xf32>
      %add3A_564 = arith.addf %add3A_563, %mul3A_561 : vector<16xf32>
      %mul3A_565 = arith.mulf %mul3A_558, %add3A_564 : vector<16xf32>
      %add3A_566 = arith.constant 4.000000e-01 : f32
      %add3A_567 = vector.broadcast %add3A_566 : f32 to vector<16xf32>
      %add3A_568 = arith.addf %add3A_567, %mul3A_565 : vector<16xf32>
      %mul3A_569 = arith.mulf %mul3A_558, %add3A_568 : vector<16xf32>
      %add3A_570 = arith.constant 0.666666686 : f32
      %add3A_571 = vector.broadcast %add3A_570 : f32 to vector<16xf32>
      %add3A_572 = arith.addf %add3A_571, %mul3A_569 : vector<16xf32>
      %mul3A_573 = arith.mulf %mul3A_558, %add3A_572 : vector<16xf32>
      %add3A_574 = arith.constant 2.000000e+00 : f32
      %add3A_575 = vector.broadcast %add3A_574 : f32 to vector<16xf32>
      %add3A_576 = arith.addf %add3A_575, %mul3A_573 : vector<16xf32>
      %mul3A_577 = arith.mulf %div3A_557, %add3A_576 : vector<16xf32>
      %add3A_578 = arith.addf %max3A_550, %mul3A_577 : vector<16xf32>
      %mul3A_579 = arith.mulf %get3A_545, %get3A_9 : vector<16xf32>
      %sub3A_580 = arith.subf %add3A_578, %get3A_541 : vector<16xf32>
      %mul3A_581 = arith.mulf %mul3A_579, %sub3A_580 : vector<16xf32>
      %mul3A_582 = arith.mulf %get3A_547, %get3A_11 : vector<16xf32>
      %sub3A_583 = arith.subf %add3A_578, %get3A_543 : vector<16xf32>
      %mul3A_584 = arith.mulf %mul3A_582, %sub3A_583 : vector<16xf32>
      %add3A_585 = arith.addf %mul3A_581, %mul3A_584 : vector<16xf32>
      %neg3A_586 = arith.constant 0.000000e+00 : f32
      %neg3A_587 = vector.broadcast %neg3A_586 : f32 to vector<16xf32>
      %neg3A_588 = arith.subf %neg3A_587, %get3A_543 : vector<16xf32>
      %exp3A_589 = math.exp %neg3A_588 : vector<16xf32>
      %add3A_590 = arith.constant 1.000000e+00 : f32
      %add3A_591 = vector.broadcast %add3A_590 : f32 to vector<16xf32>
      %add3A_592 = arith.addf %add3A_591, %exp3A_589 : vector<16xf32>
      %div3A_593 = arith.constant 1.000000e+00 : f32
      %div3A_594 = vector.broadcast %div3A_593 : f32 to vector<16xf32>
      %div3A_595 = arith.divf %div3A_594, %add3A_592 : vector<16xf32>
      %mul3A_596 = arith.constant 1.000000e+01 : f32
      %mul3A_597 = vector.broadcast %mul3A_596 : f32 to vector<16xf32>
      %mul3A_598 = arith.mulf %div3A_595, %mul3A_597 : vector<16xf32>
      %convert_element_type3A_599 = arith.fptosi %mul3A_598 : vector<16xf32> to vector<16xi32>
      %min3A_600 = arith.constant 9 : i32
      %min3A_601 = vector.broadcast %min3A_600 : i32 to vector<16xi32>
      %min3A_602 = arith.minsi %convert_element_type3A_599, %min3A_601 : vector<16xi32>
      %eq3A_603 = arith.constant 1 : i32
      %eq3A_604 = vector.broadcast %eq3A_603 : i32 to vector<16xi32>
      %eq3A_605 = arith.cmpi eq, %get3A_549, %eq3A_604 : vector<16xi32>
      %select_n3A_606 = arith.select %eq3A_605, %broadcast_in_dim3A_13, %broadcast_in_dim3A_3 : vector<16xi1>, vector<16xf32>
      tpu.vector_store_idx %arg15[%min3A_602], %broadcast_in_dim3A_13 {add = true} : memref<16xf32, #tpu.memory_space<vmem>>[vector<16xi32>], vector<16xf32>,
      tpu.vector_store_idx %arg16[%min3A_602], %select_n3A_606 {add = true} : memref<16xf32, #tpu.memory_space<vmem>>[vector<16xi32>], vector<16xf32>,
      tpu.vector_store_idx %arg17[%min3A_602], %div3A_595 {add = true} : memref<16xf32, #tpu.memory_space<vmem>>[vector<16xi32>], vector<16xf32>,
      %add3A_607 = arith.addf %add3A_313, %add3A_378 : vector<16xf32>
      %add3A_608 = arith.addf %add3A_447, %add3A_516 : vector<16xf32>
      %add3A_609 = arith.addf %add3A_607, %add3A_608 : vector<16xf32>
      %add3A_610 = arith.addf %add3A_609, %add3A_585 : vector<16xf32>
      %add3A_611 = arith.addf %scan3A_266, %add3A_610 : vector<16xf32>
      scf.yield %add3A_611 : vector<16xf32>
    }
    %scan3A_204 = arith.constant 125 : i32
    %dma_wait3A_205 = arith.constant 0 : i32
    %dma_wait3A_206 = tpu.memref_slice %arg9[%dma_wait3A_205] : memref<20000xf32, #tpu.memory_space<vmem>> -> memref<10000xf32, #tpu.memory_space<vmem>>
    %dma_wait3A_207 = arith.constant 0 : i32
    %dma_wait3A_208 = tpu.memref_slice %arg2[%dma_wait3A_207] : memref<8000000xf32, #tpu.memory_space<hbm>> -> memref<10000xf32, #tpu.memory_space<hbm>>
    %dma_wait3A_209 = arith.constant 0 : i32
    %dma_wait3A_210 = tpu.memref_slice %arg9[%dma_wait3A_209] : memref<20000xf32, #tpu.memory_space<vmem>> -> memref<10000xf32, #tpu.memory_space<vmem>>
    %dma_wait3A_211 = arith.constant 0 : i32
    %dma_wait3A_212 = tpu.memref_slice %arg2[%dma_wait3A_211] : memref<8000000xf32, #tpu.memory_space<hbm>> -> memref<10000xf32, #tpu.memory_space<hbm>>
    tpu.wait_dma2 semaphore(%arg19 : memref<!tpu.dma_semaphore, #tpu.memory_space<semaphore_mem>>) src(%dma_wait3A_212 : memref<10000xf32, #tpu.memory_space<hbm>>) dst(%dma_wait3A_210 : memref<10000xf32, #tpu.memory_space<vmem>>)
    %dma_wait3A_213 = arith.constant 0 : i32
    %dma_wait3A_214 = tpu.memref_slice %arg10[%dma_wait3A_213] : memref<20000xf32, #tpu.memory_space<vmem>> -> memref<10000xf32, #tpu.memory_space<vmem>>
    %dma_wait3A_215 = arith.constant 0 : i32
    %dma_wait3A_216 = tpu.memref_slice %arg3[%dma_wait3A_215] : memref<8000000xf32, #tpu.memory_space<hbm>> -> memref<10000xf32, #tpu.memory_space<hbm>>
    %dma_wait3A_217 = arith.constant 0 : i32
    %dma_wait3A_218 = tpu.memref_slice %arg10[%dma_wait3A_217] : memref<20000xf32, #tpu.memory_space<vmem>> -> memref<10000xf32, #tpu.memory_space<vmem>>
    %dma_wait3A_219 = arith.constant 0 : i32
    %dma_wait3A_220 = tpu.memref_slice %arg3[%dma_wait3A_219] : memref<8000000xf32, #tpu.memory_space<hbm>> -> memref<10000xf32, #tpu.memory_space<hbm>>
    tpu.wait_dma2 semaphore(%arg19 : memref<!tpu.dma_semaphore, #tpu.memory_space<semaphore_mem>>) src(%dma_wait3A_220 : memref<10000xf32, #tpu.memory_space<hbm>>) dst(%dma_wait3A_218 : memref<10000xf32, #tpu.memory_space<vmem>>)
    %dma_wait3A_221 = arith.constant 0 : i32
    %dma_wait3A_222 = tpu.memref_slice %arg11[%dma_wait3A_221] : memref<20000xf32, #tpu.memory_space<vmem>> -> memref<10000xf32, #tpu.memory_space<vmem>>
    %dma_wait3A_223 = arith.constant 0 : i32
    %dma_wait3A_224 = tpu.memref_slice %arg4[%dma_wait3A_223] : memref<8000000xf32, #tpu.memory_space<hbm>> -> memref<10000xf32, #tpu.memory_space<hbm>>
    %dma_wait3A_225 = arith.constant 0 : i32
    %dma_wait3A_226 = tpu.memref_slice %arg11[%dma_wait3A_225] : memref<20000xf32, #tpu.memory_space<vmem>> -> memref<10000xf32, #tpu.memory_space<vmem>>
    %dma_wait3A_227 = arith.constant 0 : i32
    %dma_wait3A_228 = tpu.memref_slice %arg4[%dma_wait3A_227] : memref<8000000xf32, #tpu.memory_space<hbm>> -> memref<10000xf32, #tpu.memory_space<hbm>>
    tpu.wait_dma2 semaphore(%arg19 : memref<!tpu.dma_semaphore, #tpu.memory_space<semaphore_mem>>) src(%dma_wait3A_228 : memref<10000xf32, #tpu.memory_space<hbm>>) dst(%dma_wait3A_226 : memref<10000xf32, #tpu.memory_space<vmem>>)
    %dma_wait3A_229 = arith.constant 0 : i32
    %dma_wait3A_230 = tpu.memref_slice %arg12[%dma_wait3A_229] : memref<20000xf32, #tpu.memory_space<vmem>> -> memref<10000xf32, #tpu.memory_space<vmem>>
    %dma_wait3A_231 = arith.constant 0 : i32
    %dma_wait3A_232 = tpu.memref_slice %arg5[%dma_wait3A_231] : memref<8000000xf32, #tpu.memory_space<hbm>> -> memref<10000xf32, #tpu.memory_space<hbm>>
    %dma_wait3A_233 = arith.constant 0 : i32
    %dma_wait3A_234 = tpu.memref_slice %arg12[%dma_wait3A_233] : memref<20000xf32, #tpu.memory_space<vmem>> -> memref<10000xf32, #tpu.memory_space<vmem>>
    %dma_wait3A_235 = arith.constant 0 : i32
    %dma_wait3A_236 = tpu.memref_slice %arg5[%dma_wait3A_235] : memref<8000000xf32, #tpu.memory_space<hbm>> -> memref<10000xf32, #tpu.memory_space<hbm>>
    tpu.wait_dma2 semaphore(%arg19 : memref<!tpu.dma_semaphore, #tpu.memory_space<semaphore_mem>>) src(%dma_wait3A_236 : memref<10000xf32, #tpu.memory_space<hbm>>) dst(%dma_wait3A_234 : memref<10000xf32, #tpu.memory_space<vmem>>)
    %dma_wait3A_237 = arith.constant 0 : i32
    %dma_wait3A_238 = tpu.memref_slice %arg13[%dma_wait3A_237] : memref<20000xi32, #tpu.memory_space<vmem>> -> memref<10000xi32, #tpu.memory_space<vmem>>
    %dma_wait3A_239 = arith.constant 0 : i32
    %dma_wait3A_240 = tpu.memref_slice %arg6[%dma_wait3A_239] : memref<8000000xi32, #tpu.memory_space<hbm>> -> memref<10000xi32, #tpu.memory_space<hbm>>
    %dma_wait3A_241 = arith.constant 0 : i32
    %dma_wait3A_242 = tpu.memref_slice %arg13[%dma_wait3A_241] : memref<20000xi32, #tpu.memory_space<vmem>> -> memref<10000xi32, #tpu.memory_space<vmem>>
    %dma_wait3A_243 = arith.constant 0 : i32
    %dma_wait3A_244 = tpu.memref_slice %arg6[%dma_wait3A_243] : memref<8000000xi32, #tpu.memory_space<hbm>> -> memref<10000xi32, #tpu.memory_space<hbm>>
    tpu.wait_dma2 semaphore(%arg19 : memref<!tpu.dma_semaphore, #tpu.memory_space<semaphore_mem>>) src(%dma_wait3A_244 : memref<10000xi32, #tpu.memory_space<hbm>>) dst(%dma_wait3A_242 : memref<10000xi32, #tpu.memory_space<vmem>>)
    %scan3A_245 = arith.constant 0 : i32
    %scan3A_246 = arith.constant 125 : i32
    %scan3A_247 = arith.addi %scan3A_245, %scan3A_246 : i32
    %scan3A_248 = arith.constant 1 : i32
    %scan3A_249 = scf.for %scan3A_265 = %scan3A_245 to %scan3A_247 step %scan3A_248 iter_args(%scan3A_266 = %scan3A_203) -> (vector<16xf32>)  : i32 {
      %mul3A_267 = arith.constant 80 : i32
      %mul3A_268 = arith.muli %scan3A_265, %mul3A_267 : i32
      %add3A_269 = arith.constant 0 : i32
      %add3A_270 = arith.addi %add3A_269, %mul3A_268 : i32
      %add3A_271 = arith.constant 0 : i32
      %add3A_272 = arith.addi %add3A_270, %add3A_271 : i32
      %get3A_273 = arith.index_cast %add3A_272 : i32 to index
      %get3A_274 = tpu.vector_load %arg9[%get3A_273] {strides = array<i32>} : memref<20000xf32, #tpu.memory_space<vmem>>, vector<16xf32>,
      %get3A_275 = arith.index_cast %add3A_272 : i32 to index
      %get3A_276 = tpu.vector_load %arg10[%get3A_275] {strides = array<i32>} : memref<20000xf32, #tpu.memory_space<vmem>>, vector<16xf32>,
      %get3A_277 = arith.index_cast %add3A_272 : i32 to index
      %get3A_278 = tpu.vector_load %arg11[%get3A_277] {strides = array<i32>} : memref<20000xf32, #tpu.memory_space<vmem>>, vector<16xf32>,
      %get3A_279 = arith.index_cast %add3A_272 : i32 to index
      %get3A_280 = tpu.vector_load %arg12[%get3A_279] {strides = array<i32>} : memref<20000xf32, #tpu.memory_space<vmem>>, vector<16xf32>,
      %get3A_281 = arith.index_cast %add3A_272 : i32 to index
      %get3A_282 = tpu.vector_load %arg13[%get3A_281] {strides = array<i32>} : memref<20000xi32, #tpu.memory_space<vmem>>, vector<16xi32>,
      %max3A = arith.maximumf %get3A_274, %get3A_276 : vector<16xf32>
      %min3A = arith.minimumf %get3A_274, %get3A_276 : vector<16xf32>
      %sub3A = arith.subf %min3A, %max3A : vector<16xf32>
      %exp3A = math.exp %sub3A : vector<16xf32>
      %add3A_283 = arith.constant 2.000000e+00 : f32
      %add3A_284 = vector.broadcast %add3A_283 : f32 to vector<16xf32>
      %add3A_285 = arith.addf %exp3A, %add3A_284 : vector<16xf32>
      %div3A = arith.divf %exp3A, %add3A_285 : vector<16xf32>
      %mul3A_286 = arith.mulf %div3A, %div3A : vector<16xf32>
      %mul3A_287 = arith.constant 0.222222224 : f32
      %mul3A_288 = vector.broadcast %mul3A_287 : f32 to vector<16xf32>
      %mul3A_289 = arith.mulf %mul3A_286, %mul3A_288 : vector<16xf32>
      %add3A_290 = arith.constant 0.285714298 : f32
      %add3A_291 = vector.broadcast %add3A_290 : f32 to vector<16xf32>
      %add3A_292 = arith.addf %add3A_291, %mul3A_289 : vector<16xf32>
      %mul3A_293 = arith.mulf %mul3A_286, %add3A_292 : vector<16xf32>
      %add3A_294 = arith.constant 4.000000e-01 : f32
      %add3A_295 = vector.broadcast %add3A_294 : f32 to vector<16xf32>
      %add3A_296 = arith.addf %add3A_295, %mul3A_293 : vector<16xf32>
      %mul3A_297 = arith.mulf %mul3A_286, %add3A_296 : vector<16xf32>
      %add3A_298 = arith.constant 0.666666686 : f32
      %add3A_299 = vector.broadcast %add3A_298 : f32 to vector<16xf32>
      %add3A_300 = arith.addf %add3A_299, %mul3A_297 : vector<16xf32>
      %mul3A_301 = arith.mulf %mul3A_286, %add3A_300 : vector<16xf32>
      %add3A_302 = arith.constant 2.000000e+00 : f32
      %add3A_303 = vector.broadcast %add3A_302 : f32 to vector<16xf32>
      %add3A_304 = arith.addf %add3A_303, %mul3A_301 : vector<16xf32>
      %mul3A_305 = arith.mulf %div3A, %add3A_304 : vector<16xf32>
      %add3A_306 = arith.addf %max3A, %mul3A_305 : vector<16xf32>
      %mul3A_307 = arith.mulf %get3A_278, %get3A_9 : vector<16xf32>
      %sub3A_308 = arith.subf %add3A_306, %get3A_274 : vector<16xf32>
      %mul3A_309 = arith.mulf %mul3A_307, %sub3A_308 : vector<16xf32>
      %mul3A_310 = arith.mulf %get3A_280, %get3A_11 : vector<16xf32>
      %sub3A_311 = arith.subf %add3A_306, %get3A_276 : vector<16xf32>
      %mul3A_312 = arith.mulf %mul3A_310, %sub3A_311 : vector<16xf32>
      %add3A_313 = arith.addf %mul3A_309, %mul3A_312 : vector<16xf32>
      %neg3A = arith.constant 0.000000e+00 : f32
      %neg3A_314 = vector.broadcast %neg3A : f32 to vector<16xf32>
      %neg3A_315 = arith.subf %neg3A_314, %get3A_276 : vector<16xf32>
      %exp3A_316 = math.exp %neg3A_315 : vector<16xf32>
      %add3A_317 = arith.constant 1.000000e+00 : f32
      %add3A_318 = vector.broadcast %add3A_317 : f32 to vector<16xf32>
      %add3A_319 = arith.addf %add3A_318, %exp3A_316 : vector<16xf32>
      %div3A_320 = arith.constant 1.000000e+00 : f32
      %div3A_321 = vector.broadcast %div3A_320 : f32 to vector<16xf32>
      %div3A_322 = arith.divf %div3A_321, %add3A_319 : vector<16xf32>
      %mul3A_323 = arith.constant 1.000000e+01 : f32
      %mul3A_324 = vector.broadcast %mul3A_323 : f32 to vector<16xf32>
      %mul3A_325 = arith.mulf %div3A_322, %mul3A_324 : vector<16xf32>
      %convert_element_type3A = arith.fptosi %mul3A_325 : vector<16xf32> to vector<16xi32>
      %min3A_326 = arith.constant 9 : i32
      %min3A_327 = vector.broadcast %min3A_326 : i32 to vector<16xi32>
      %min3A_328 = arith.minsi %convert_element_type3A, %min3A_327 : vector<16xi32>
      %eq3A = arith.constant 1 : i32
      %eq3A_329 = vector.broadcast %eq3A : i32 to vector<16xi32>
      %eq3A_330 = arith.cmpi eq, %get3A_282, %eq3A_329 : vector<16xi32>
      %select_n3A = arith.select %eq3A_330, %broadcast_in_dim3A_13, %broadcast_in_dim3A_3 : vector<16xi1>, vector<16xf32>
      tpu.vector_store_idx %arg15[%min3A_328], %broadcast_in_dim3A_13 {add = true} : memref<16xf32, #tpu.memory_space<vmem>>[vector<16xi32>], vector<16xf32>,
      tpu.vector_store_idx %arg16[%min3A_328], %select_n3A {add = true} : memref<16xf32, #tpu.memory_space<vmem>>[vector<16xi32>], vector<16xf32>,
      tpu.vector_store_idx %arg17[%min3A_328], %div3A_322 {add = true} : memref<16xf32, #tpu.memory_space<vmem>>[vector<16xi32>], vector<16xf32>,
      %add3A_331 = arith.constant 16 : i32
      %add3A_332 = arith.addi %add3A_270, %add3A_331 : i32
      %get3A_333 = arith.index_cast %add3A_332 : i32 to index
      %get3A_334 = tpu.vector_load %arg9[%get3A_333] {strides = array<i32>} : memref<20000xf32, #tpu.memory_space<vmem>>, vector<16xf32>,
      %get3A_335 = arith.index_cast %add3A_332 : i32 to index
      %get3A_336 = tpu.vector_load %arg10[%get3A_335] {strides = array<i32>} : memref<20000xf32, #tpu.memory_space<vmem>>, vector<16xf32>,
      %get3A_337 = arith.index_cast %add3A_332 : i32 to index
      %get3A_338 = tpu.vector_load %arg11[%get3A_337] {strides = array<i32>} : memref<20000xf32, #tpu.memory_space<vmem>>, vector<16xf32>,
      %get3A_339 = arith.index_cast %add3A_332 : i32 to index
      %get3A_340 = tpu.vector_load %arg12[%get3A_339] {strides = array<i32>} : memref<20000xf32, #tpu.memory_space<vmem>>, vector<16xf32>,
      %get3A_341 = arith.index_cast %add3A_332 : i32 to index
      %get3A_342 = tpu.vector_load %arg13[%get3A_341] {strides = array<i32>} : memref<20000xi32, #tpu.memory_space<vmem>>, vector<16xi32>,
      %max3A_343 = arith.maximumf %get3A_334, %get3A_336 : vector<16xf32>
      %min3A_344 = arith.minimumf %get3A_334, %get3A_336 : vector<16xf32>
      %sub3A_345 = arith.subf %min3A_344, %max3A_343 : vector<16xf32>
      %exp3A_346 = math.exp %sub3A_345 : vector<16xf32>
      %add3A_347 = arith.constant 2.000000e+00 : f32
      %add3A_348 = vector.broadcast %add3A_347 : f32 to vector<16xf32>
      %add3A_349 = arith.addf %exp3A_346, %add3A_348 : vector<16xf32>
      %div3A_350 = arith.divf %exp3A_346, %add3A_349 : vector<16xf32>
      %mul3A_351 = arith.mulf %div3A_350, %div3A_350 : vector<16xf32>
      %mul3A_352 = arith.constant 0.222222224 : f32
      %mul3A_353 = vector.broadcast %mul3A_352 : f32 to vector<16xf32>
      %mul3A_354 = arith.mulf %mul3A_351, %mul3A_353 : vector<16xf32>
      %add3A_355 = arith.constant 0.285714298 : f32
      %add3A_356 = vector.broadcast %add3A_355 : f32 to vector<16xf32>
      %add3A_357 = arith.addf %add3A_356, %mul3A_354 : vector<16xf32>
      %mul3A_358 = arith.mulf %mul3A_351, %add3A_357 : vector<16xf32>
      %add3A_359 = arith.constant 4.000000e-01 : f32
      %add3A_360 = vector.broadcast %add3A_359 : f32 to vector<16xf32>
      %add3A_361 = arith.addf %add3A_360, %mul3A_358 : vector<16xf32>
      %mul3A_362 = arith.mulf %mul3A_351, %add3A_361 : vector<16xf32>
      %add3A_363 = arith.constant 0.666666686 : f32
      %add3A_364 = vector.broadcast %add3A_363 : f32 to vector<16xf32>
      %add3A_365 = arith.addf %add3A_364, %mul3A_362 : vector<16xf32>
      %mul3A_366 = arith.mulf %mul3A_351, %add3A_365 : vector<16xf32>
      %add3A_367 = arith.constant 2.000000e+00 : f32
      %add3A_368 = vector.broadcast %add3A_367 : f32 to vector<16xf32>
      %add3A_369 = arith.addf %add3A_368, %mul3A_366 : vector<16xf32>
      %mul3A_370 = arith.mulf %div3A_350, %add3A_369 : vector<16xf32>
      %add3A_371 = arith.addf %max3A_343, %mul3A_370 : vector<16xf32>
      %mul3A_372 = arith.mulf %get3A_338, %get3A_9 : vector<16xf32>
      %sub3A_373 = arith.subf %add3A_371, %get3A_334 : vector<16xf32>
      %mul3A_374 = arith.mulf %mul3A_372, %sub3A_373 : vector<16xf32>
      %mul3A_375 = arith.mulf %get3A_340, %get3A_11 : vector<16xf32>
      %sub3A_376 = arith.subf %add3A_371, %get3A_336 : vector<16xf32>
      %mul3A_377 = arith.mulf %mul3A_375, %sub3A_376 : vector<16xf32>
      %add3A_378 = arith.addf %mul3A_374, %mul3A_377 : vector<16xf32>
      %neg3A_379 = arith.constant 0.000000e+00 : f32
      %neg3A_380 = vector.broadcast %neg3A_379 : f32 to vector<16xf32>
      %neg3A_381 = arith.subf %neg3A_380, %get3A_336 : vector<16xf32>
      %exp3A_382 = math.exp %neg3A_381 : vector<16xf32>
      %add3A_383 = arith.constant 1.000000e+00 : f32
      %add3A_384 = vector.broadcast %add3A_383 : f32 to vector<16xf32>
      %add3A_385 = arith.addf %add3A_384, %exp3A_382 : vector<16xf32>
      %div3A_386 = arith.constant 1.000000e+00 : f32
      %div3A_387 = vector.broadcast %div3A_386 : f32 to vector<16xf32>
      %div3A_388 = arith.divf %div3A_387, %add3A_385 : vector<16xf32>
      %mul3A_389 = arith.constant 1.000000e+01 : f32
      %mul3A_390 = vector.broadcast %mul3A_389 : f32 to vector<16xf32>
      %mul3A_391 = arith.mulf %div3A_388, %mul3A_390 : vector<16xf32>
      %convert_element_type3A_392 = arith.fptosi %mul3A_391 : vector<16xf32> to vector<16xi32>
      %min3A_393 = arith.constant 9 : i32
      %min3A_394 = vector.broadcast %min3A_393 : i32 to vector<16xi32>
      %min3A_395 = arith.minsi %convert_element_type3A_392, %min3A_394 : vector<16xi32>
      %eq3A_396 = arith.constant 1 : i32
      %eq3A_397 = vector.broadcast %eq3A_396 : i32 to vector<16xi32>
      %eq3A_398 = arith.cmpi eq, %get3A_342, %eq3A_397 : vector<16xi32>
      %select_n3A_399 = arith.select %eq3A_398, %broadcast_in_dim3A_13, %broadcast_in_dim3A_3 : vector<16xi1>, vector<16xf32>
      tpu.vector_store_idx %arg15[%min3A_395], %broadcast_in_dim3A_13 {add = true} : memref<16xf32, #tpu.memory_space<vmem>>[vector<16xi32>], vector<16xf32>,
      tpu.vector_store_idx %arg16[%min3A_395], %select_n3A_399 {add = true} : memref<16xf32, #tpu.memory_space<vmem>>[vector<16xi32>], vector<16xf32>,
      tpu.vector_store_idx %arg17[%min3A_395], %div3A_388 {add = true} : memref<16xf32, #tpu.memory_space<vmem>>[vector<16xi32>], vector<16xf32>,
      %add3A_400 = arith.constant 32 : i32
      %add3A_401 = arith.addi %add3A_270, %add3A_400 : i32
      %get3A_402 = arith.index_cast %add3A_401 : i32 to index
      %get3A_403 = tpu.vector_load %arg9[%get3A_402] {strides = array<i32>} : memref<20000xf32, #tpu.memory_space<vmem>>, vector<16xf32>,
      %get3A_404 = arith.index_cast %add3A_401 : i32 to index
      %get3A_405 = tpu.vector_load %arg10[%get3A_404] {strides = array<i32>} : memref<20000xf32, #tpu.memory_space<vmem>>, vector<16xf32>,
      %get3A_406 = arith.index_cast %add3A_401 : i32 to index
      %get3A_407 = tpu.vector_load %arg11[%get3A_406] {strides = array<i32>} : memref<20000xf32, #tpu.memory_space<vmem>>, vector<16xf32>,
      %get3A_408 = arith.index_cast %add3A_401 : i32 to index
      %get3A_409 = tpu.vector_load %arg12[%get3A_408] {strides = array<i32>} : memref<20000xf32, #tpu.memory_space<vmem>>, vector<16xf32>,
      %get3A_410 = arith.index_cast %add3A_401 : i32 to index
      %get3A_411 = tpu.vector_load %arg13[%get3A_410] {strides = array<i32>} : memref<20000xi32, #tpu.memory_space<vmem>>, vector<16xi32>,
      %max3A_412 = arith.maximumf %get3A_403, %get3A_405 : vector<16xf32>
      %min3A_413 = arith.minimumf %get3A_403, %get3A_405 : vector<16xf32>
      %sub3A_414 = arith.subf %min3A_413, %max3A_412 : vector<16xf32>
      %exp3A_415 = math.exp %sub3A_414 : vector<16xf32>
      %add3A_416 = arith.constant 2.000000e+00 : f32
      %add3A_417 = vector.broadcast %add3A_416 : f32 to vector<16xf32>
      %add3A_418 = arith.addf %exp3A_415, %add3A_417 : vector<16xf32>
      %div3A_419 = arith.divf %exp3A_415, %add3A_418 : vector<16xf32>
      %mul3A_420 = arith.mulf %div3A_419, %div3A_419 : vector<16xf32>
      %mul3A_421 = arith.constant 0.222222224 : f32
      %mul3A_422 = vector.broadcast %mul3A_421 : f32 to vector<16xf32>
      %mul3A_423 = arith.mulf %mul3A_420, %mul3A_422 : vector<16xf32>
      %add3A_424 = arith.constant 0.285714298 : f32
      %add3A_425 = vector.broadcast %add3A_424 : f32 to vector<16xf32>
      %add3A_426 = arith.addf %add3A_425, %mul3A_423 : vector<16xf32>
      %mul3A_427 = arith.mulf %mul3A_420, %add3A_426 : vector<16xf32>
      %add3A_428 = arith.constant 4.000000e-01 : f32
      %add3A_429 = vector.broadcast %add3A_428 : f32 to vector<16xf32>
      %add3A_430 = arith.addf %add3A_429, %mul3A_427 : vector<16xf32>
      %mul3A_431 = arith.mulf %mul3A_420, %add3A_430 : vector<16xf32>
      %add3A_432 = arith.constant 0.666666686 : f32
      %add3A_433 = vector.broadcast %add3A_432 : f32 to vector<16xf32>
      %add3A_434 = arith.addf %add3A_433, %mul3A_431 : vector<16xf32>
      %mul3A_435 = arith.mulf %mul3A_420, %add3A_434 : vector<16xf32>
      %add3A_436 = arith.constant 2.000000e+00 : f32
      %add3A_437 = vector.broadcast %add3A_436 : f32 to vector<16xf32>
      %add3A_438 = arith.addf %add3A_437, %mul3A_435 : vector<16xf32>
      %mul3A_439 = arith.mulf %div3A_419, %add3A_438 : vector<16xf32>
      %add3A_440 = arith.addf %max3A_412, %mul3A_439 : vector<16xf32>
      %mul3A_441 = arith.mulf %get3A_407, %get3A_9 : vector<16xf32>
      %sub3A_442 = arith.subf %add3A_440, %get3A_403 : vector<16xf32>
      %mul3A_443 = arith.mulf %mul3A_441, %sub3A_442 : vector<16xf32>
      %mul3A_444 = arith.mulf %get3A_409, %get3A_11 : vector<16xf32>
      %sub3A_445 = arith.subf %add3A_440, %get3A_405 : vector<16xf32>
      %mul3A_446 = arith.mulf %mul3A_444, %sub3A_445 : vector<16xf32>
      %add3A_447 = arith.addf %mul3A_443, %mul3A_446 : vector<16xf32>
      %neg3A_448 = arith.constant 0.000000e+00 : f32
      %neg3A_449 = vector.broadcast %neg3A_448 : f32 to vector<16xf32>
      %neg3A_450 = arith.subf %neg3A_449, %get3A_405 : vector<16xf32>
      %exp3A_451 = math.exp %neg3A_450 : vector<16xf32>
      %add3A_452 = arith.constant 1.000000e+00 : f32
      %add3A_453 = vector.broadcast %add3A_452 : f32 to vector<16xf32>
      %add3A_454 = arith.addf %add3A_453, %exp3A_451 : vector<16xf32>
      %div3A_455 = arith.constant 1.000000e+00 : f32
      %div3A_456 = vector.broadcast %div3A_455 : f32 to vector<16xf32>
      %div3A_457 = arith.divf %div3A_456, %add3A_454 : vector<16xf32>
      %mul3A_458 = arith.constant 1.000000e+01 : f32
      %mul3A_459 = vector.broadcast %mul3A_458 : f32 to vector<16xf32>
      %mul3A_460 = arith.mulf %div3A_457, %mul3A_459 : vector<16xf32>
      %convert_element_type3A_461 = arith.fptosi %mul3A_460 : vector<16xf32> to vector<16xi32>
      %min3A_462 = arith.constant 9 : i32
      %min3A_463 = vector.broadcast %min3A_462 : i32 to vector<16xi32>
      %min3A_464 = arith.minsi %convert_element_type3A_461, %min3A_463 : vector<16xi32>
      %eq3A_465 = arith.constant 1 : i32
      %eq3A_466 = vector.broadcast %eq3A_465 : i32 to vector<16xi32>
      %eq3A_467 = arith.cmpi eq, %get3A_411, %eq3A_466 : vector<16xi32>
      %select_n3A_468 = arith.select %eq3A_467, %broadcast_in_dim3A_13, %broadcast_in_dim3A_3 : vector<16xi1>, vector<16xf32>
      tpu.vector_store_idx %arg15[%min3A_464], %broadcast_in_dim3A_13 {add = true} : memref<16xf32, #tpu.memory_space<vmem>>[vector<16xi32>], vector<16xf32>,
      tpu.vector_store_idx %arg16[%min3A_464], %select_n3A_468 {add = true} : memref<16xf32, #tpu.memory_space<vmem>>[vector<16xi32>], vector<16xf32>,
      tpu.vector_store_idx %arg17[%min3A_464], %div3A_457 {add = true} : memref<16xf32, #tpu.memory_space<vmem>>[vector<16xi32>], vector<16xf32>,
      %add3A_469 = arith.constant 48 : i32
      %add3A_470 = arith.addi %add3A_270, %add3A_469 : i32
      %get3A_471 = arith.index_cast %add3A_470 : i32 to index
      %get3A_472 = tpu.vector_load %arg9[%get3A_471] {strides = array<i32>} : memref<20000xf32, #tpu.memory_space<vmem>>, vector<16xf32>,
      %get3A_473 = arith.index_cast %add3A_470 : i32 to index
      %get3A_474 = tpu.vector_load %arg10[%get3A_473] {strides = array<i32>} : memref<20000xf32, #tpu.memory_space<vmem>>, vector<16xf32>,
      %get3A_475 = arith.index_cast %add3A_470 : i32 to index
      %get3A_476 = tpu.vector_load %arg11[%get3A_475] {strides = array<i32>} : memref<20000xf32, #tpu.memory_space<vmem>>, vector<16xf32>,
      %get3A_477 = arith.index_cast %add3A_470 : i32 to index
      %get3A_478 = tpu.vector_load %arg12[%get3A_477] {strides = array<i32>} : memref<20000xf32, #tpu.memory_space<vmem>>, vector<16xf32>,
      %get3A_479 = arith.index_cast %add3A_470 : i32 to index
      %get3A_480 = tpu.vector_load %arg13[%get3A_479] {strides = array<i32>} : memref<20000xi32, #tpu.memory_space<vmem>>, vector<16xi32>,
      %max3A_481 = arith.maximumf %get3A_472, %get3A_474 : vector<16xf32>
      %min3A_482 = arith.minimumf %get3A_472, %get3A_474 : vector<16xf32>
      %sub3A_483 = arith.subf %min3A_482, %max3A_481 : vector<16xf32>
      %exp3A_484 = math.exp %sub3A_483 : vector<16xf32>
      %add3A_485 = arith.constant 2.000000e+00 : f32
      %add3A_486 = vector.broadcast %add3A_485 : f32 to vector<16xf32>
      %add3A_487 = arith.addf %exp3A_484, %add3A_486 : vector<16xf32>
      %div3A_488 = arith.divf %exp3A_484, %add3A_487 : vector<16xf32>
      %mul3A_489 = arith.mulf %div3A_488, %div3A_488 : vector<16xf32>
      %mul3A_490 = arith.constant 0.222222224 : f32
      %mul3A_491 = vector.broadcast %mul3A_490 : f32 to vector<16xf32>
      %mul3A_492 = arith.mulf %mul3A_489, %mul3A_491 : vector<16xf32>
      %add3A_493 = arith.constant 0.285714298 : f32
      %add3A_494 = vector.broadcast %add3A_493 : f32 to vector<16xf32>
      %add3A_495 = arith.addf %add3A_494, %mul3A_492 : vector<16xf32>
      %mul3A_496 = arith.mulf %mul3A_489, %add3A_495 : vector<16xf32>
      %add3A_497 = arith.constant 4.000000e-01 : f32
      %add3A_498 = vector.broadcast %add3A_497 : f32 to vector<16xf32>
      %add3A_499 = arith.addf %add3A_498, %mul3A_496 : vector<16xf32>
      %mul3A_500 = arith.mulf %mul3A_489, %add3A_499 : vector<16xf32>
      %add3A_501 = arith.constant 0.666666686 : f32
      %add3A_502 = vector.broadcast %add3A_501 : f32 to vector<16xf32>
      %add3A_503 = arith.addf %add3A_502, %mul3A_500 : vector<16xf32>
      %mul3A_504 = arith.mulf %mul3A_489, %add3A_503 : vector<16xf32>
      %add3A_505 = arith.constant 2.000000e+00 : f32
      %add3A_506 = vector.broadcast %add3A_505 : f32 to vector<16xf32>
      %add3A_507 = arith.addf %add3A_506, %mul3A_504 : vector<16xf32>
      %mul3A_508 = arith.mulf %div3A_488, %add3A_507 : vector<16xf32>
      %add3A_509 = arith.addf %max3A_481, %mul3A_508 : vector<16xf32>
      %mul3A_510 = arith.mulf %get3A_476, %get3A_9 : vector<16xf32>
      %sub3A_511 = arith.subf %add3A_509, %get3A_472 : vector<16xf32>
      %mul3A_512 = arith.mulf %mul3A_510, %sub3A_511 : vector<16xf32>
      %mul3A_513 = arith.mulf %get3A_478, %get3A_11 : vector<16xf32>
      %sub3A_514 = arith.subf %add3A_509, %get3A_474 : vector<16xf32>
      %mul3A_515 = arith.mulf %mul3A_513, %sub3A_514 : vector<16xf32>
      %add3A_516 = arith.addf %mul3A_512, %mul3A_515 : vector<16xf32>
      %neg3A_517 = arith.constant 0.000000e+00 : f32
      %neg3A_518 = vector.broadcast %neg3A_517 : f32 to vector<16xf32>
      %neg3A_519 = arith.subf %neg3A_518, %get3A_474 : vector<16xf32>
      %exp3A_520 = math.exp %neg3A_519 : vector<16xf32>
      %add3A_521 = arith.constant 1.000000e+00 : f32
      %add3A_522 = vector.broadcast %add3A_521 : f32 to vector<16xf32>
      %add3A_523 = arith.addf %add3A_522, %exp3A_520 : vector<16xf32>
      %div3A_524 = arith.constant 1.000000e+00 : f32
      %div3A_525 = vector.broadcast %div3A_524 : f32 to vector<16xf32>
      %div3A_526 = arith.divf %div3A_525, %add3A_523 : vector<16xf32>
      %mul3A_527 = arith.constant 1.000000e+01 : f32
      %mul3A_528 = vector.broadcast %mul3A_527 : f32 to vector<16xf32>
      %mul3A_529 = arith.mulf %div3A_526, %mul3A_528 : vector<16xf32>
      %convert_element_type3A_530 = arith.fptosi %mul3A_529 : vector<16xf32> to vector<16xi32>
      %min3A_531 = arith.constant 9 : i32
      %min3A_532 = vector.broadcast %min3A_531 : i32 to vector<16xi32>
      %min3A_533 = arith.minsi %convert_element_type3A_530, %min3A_532 : vector<16xi32>
      %eq3A_534 = arith.constant 1 : i32
      %eq3A_535 = vector.broadcast %eq3A_534 : i32 to vector<16xi32>
      %eq3A_536 = arith.cmpi eq, %get3A_480, %eq3A_535 : vector<16xi32>
      %select_n3A_537 = arith.select %eq3A_536, %broadcast_in_dim3A_13, %broadcast_in_dim3A_3 : vector<16xi1>, vector<16xf32>
      tpu.vector_store_idx %arg15[%min3A_533], %broadcast_in_dim3A_13 {add = true} : memref<16xf32, #tpu.memory_space<vmem>>[vector<16xi32>], vector<16xf32>,
      tpu.vector_store_idx %arg16[%min3A_533], %select_n3A_537 {add = true} : memref<16xf32, #tpu.memory_space<vmem>>[vector<16xi32>], vector<16xf32>,
      tpu.vector_store_idx %arg17[%min3A_533], %div3A_526 {add = true} : memref<16xf32, #tpu.memory_space<vmem>>[vector<16xi32>], vector<16xf32>,
      %add3A_538 = arith.constant 64 : i32
      %add3A_539 = arith.addi %add3A_270, %add3A_538 : i32
      %get3A_540 = arith.index_cast %add3A_539 : i32 to index
      %get3A_541 = tpu.vector_load %arg9[%get3A_540] {strides = array<i32>} : memref<20000xf32, #tpu.memory_space<vmem>>, vector<16xf32>,
      %get3A_542 = arith.index_cast %add3A_539 : i32 to index
      %get3A_543 = tpu.vector_load %arg10[%get3A_542] {strides = array<i32>} : memref<20000xf32, #tpu.memory_space<vmem>>, vector<16xf32>,
      %get3A_544 = arith.index_cast %add3A_539 : i32 to index
      %get3A_545 = tpu.vector_load %arg11[%get3A_544] {strides = array<i32>} : memref<20000xf32, #tpu.memory_space<vmem>>, vector<16xf32>,
      %get3A_546 = arith.index_cast %add3A_539 : i32 to index
      %get3A_547 = tpu.vector_load %arg12[%get3A_546] {strides = array<i32>} : memref<20000xf32, #tpu.memory_space<vmem>>, vector<16xf32>,
      %get3A_548 = arith.index_cast %add3A_539 : i32 to index
      %get3A_549 = tpu.vector_load %arg13[%get3A_548] {strides = array<i32>} : memref<20000xi32, #tpu.memory_space<vmem>>, vector<16xi32>,
      %max3A_550 = arith.maximumf %get3A_541, %get3A_543 : vector<16xf32>
      %min3A_551 = arith.minimumf %get3A_541, %get3A_543 : vector<16xf32>
      %sub3A_552 = arith.subf %min3A_551, %max3A_550 : vector<16xf32>
      %exp3A_553 = math.exp %sub3A_552 : vector<16xf32>
      %add3A_554 = arith.constant 2.000000e+00 : f32
      %add3A_555 = vector.broadcast %add3A_554 : f32 to vector<16xf32>
      %add3A_556 = arith.addf %exp3A_553, %add3A_555 : vector<16xf32>
      %div3A_557 = arith.divf %exp3A_553, %add3A_556 : vector<16xf32>
      %mul3A_558 = arith.mulf %div3A_557, %div3A_557 : vector<16xf32>
      %mul3A_559 = arith.constant 0.222222224 : f32
      %mul3A_560 = vector.broadcast %mul3A_559 : f32 to vector<16xf32>
      %mul3A_561 = arith.mulf %mul3A_558, %mul3A_560 : vector<16xf32>
      %add3A_562 = arith.constant 0.285714298 : f32
      %add3A_563 = vector.broadcast %add3A_562 : f32 to vector<16xf32>
      %add3A_564 = arith.addf %add3A_563, %mul3A_561 : vector<16xf32>
      %mul3A_565 = arith.mulf %mul3A_558, %add3A_564 : vector<16xf32>
      %add3A_566 = arith.constant 4.000000e-01 : f32
      %add3A_567 = vector.broadcast %add3A_566 : f32 to vector<16xf32>
      %add3A_568 = arith.addf %add3A_567, %mul3A_565 : vector<16xf32>
      %mul3A_569 = arith.mulf %mul3A_558, %add3A_568 : vector<16xf32>
      %add3A_570 = arith.constant 0.666666686 : f32
      %add3A_571 = vector.broadcast %add3A_570 : f32 to vector<16xf32>
      %add3A_572 = arith.addf %add3A_571, %mul3A_569 : vector<16xf32>
      %mul3A_573 = arith.mulf %mul3A_558, %add3A_572 : vector<16xf32>
      %add3A_574 = arith.constant 2.000000e+00 : f32
      %add3A_575 = vector.broadcast %add3A_574 : f32 to vector<16xf32>
      %add3A_576 = arith.addf %add3A_575, %mul3A_573 : vector<16xf32>
      %mul3A_577 = arith.mulf %div3A_557, %add3A_576 : vector<16xf32>
      %add3A_578 = arith.addf %max3A_550, %mul3A_577 : vector<16xf32>
      %mul3A_579 = arith.mulf %get3A_545, %get3A_9 : vector<16xf32>
      %sub3A_580 = arith.subf %add3A_578, %get3A_541 : vector<16xf32>
      %mul3A_581 = arith.mulf %mul3A_579, %sub3A_580 : vector<16xf32>
      %mul3A_582 = arith.mulf %get3A_547, %get3A_11 : vector<16xf32>
      %sub3A_583 = arith.subf %add3A_578, %get3A_543 : vector<16xf32>
      %mul3A_584 = arith.mulf %mul3A_582, %sub3A_583 : vector<16xf32>
      %add3A_585 = arith.addf %mul3A_581, %mul3A_584 : vector<16xf32>
      %neg3A_586 = arith.constant 0.000000e+00 : f32
      %neg3A_587 = vector.broadcast %neg3A_586 : f32 to vector<16xf32>
      %neg3A_588 = arith.subf %neg3A_587, %get3A_543 : vector<16xf32>
      %exp3A_589 = math.exp %neg3A_588 : vector<16xf32>
      %add3A_590 = arith.constant 1.000000e+00 : f32
      %add3A_591 = vector.broadcast %add3A_590 : f32 to vector<16xf32>
      %add3A_592 = arith.addf %add3A_591, %exp3A_589 : vector<16xf32>
      %div3A_593 = arith.constant 1.000000e+00 : f32
      %div3A_594 = vector.broadcast %div3A_593 : f32 to vector<16xf32>
      %div3A_595 = arith.divf %div3A_594, %add3A_592 : vector<16xf32>
      %mul3A_596 = arith.constant 1.000000e+01 : f32
      %mul3A_597 = vector.broadcast %mul3A_596 : f32 to vector<16xf32>
      %mul3A_598 = arith.mulf %div3A_595, %mul3A_597 : vector<16xf32>
      %convert_element_type3A_599 = arith.fptosi %mul3A_598 : vector<16xf32> to vector<16xi32>
      %min3A_600 = arith.constant 9 : i32
      %min3A_601 = vector.broadcast %min3A_600 : i32 to vector<16xi32>
      %min3A_602 = arith.minsi %convert_element_type3A_599, %min3A_601 : vector<16xi32>
      %eq3A_603 = arith.constant 1 : i32
      %eq3A_604 = vector.broadcast %eq3A_603 : i32 to vector<16xi32>
      %eq3A_605 = arith.cmpi eq, %get3A_549, %eq3A_604 : vector<16xi32>
      %select_n3A_606 = arith.select %eq3A_605, %broadcast_in_dim3A_13, %broadcast_in_dim3A_3 : vector<16xi1>, vector<16xf32>
      tpu.vector_store_idx %arg15[%min3A_602], %broadcast_in_dim3A_13 {add = true} : memref<16xf32, #tpu.memory_space<vmem>>[vector<16xi32>], vector<16xf32>,
      tpu.vector_store_idx %arg16[%min3A_602], %select_n3A_606 {add = true} : memref<16xf32, #tpu.memory_space<vmem>>[vector<16xi32>], vector<16xf32>,
      tpu.vector_store_idx %arg17[%min3A_602], %div3A_595 {add = true} : memref<16xf32, #tpu.memory_space<vmem>>[vector<16xi32>], vector<16xf32>,
      %add3A_607 = arith.addf %add3A_313, %add3A_378 : vector<16xf32>
      %add3A_608 = arith.addf %add3A_447, %add3A_516 : vector<16xf32>
      %add3A_609 = arith.addf %add3A_607, %add3A_608 : vector<16xf32>
      %add3A_610 = arith.addf %add3A_609, %add3A_585 : vector<16xf32>
      %add3A_611 = arith.addf %scan3A_266, %add3A_610 : vector<16xf32>
      scf.yield %add3A_611 : vector<16xf32>
    }
    %scan3A_250 = arith.constant 125 : i32
    %swap3A_251 = arith.constant 0 : index
    %swap3A_252 = tpu.vector_load %arg18[%swap3A_251] {strides = array<i32>} : memref<64xf32, #tpu.memory_space<vmem>>, vector<16xf32>,
    tpu.vector_store %arg18[%swap3A_251], %scan3A_249 {strides = array<i32>} : memref<64xf32, #tpu.memory_space<vmem>>, vector<16xf32>,
    %get3A_253 = arith.constant 0 : index
    %get3A_254 = tpu.vector_load %arg15[%get3A_253] {strides = array<i32>} : memref<16xf32, #tpu.memory_space<vmem>>, vector<16xf32>,
    %swap3A_255 = arith.constant 16 : index
    %swap3A_256 = tpu.vector_load %arg18[%swap3A_255] {strides = array<i32>} : memref<64xf32, #tpu.memory_space<vmem>>, vector<16xf32>,
    tpu.vector_store %arg18[%swap3A_255], %get3A_254 {strides = array<i32>} : memref<64xf32, #tpu.memory_space<vmem>>, vector<16xf32>,
    %get3A_257 = arith.constant 0 : index
    %get3A_258 = tpu.vector_load %arg16[%get3A_257] {strides = array<i32>} : memref<16xf32, #tpu.memory_space<vmem>>, vector<16xf32>,
    %swap3A_259 = arith.constant 32 : index
    %swap3A_260 = tpu.vector_load %arg18[%swap3A_259] {strides = array<i32>} : memref<64xf32, #tpu.memory_space<vmem>>, vector<16xf32>,
    tpu.vector_store %arg18[%swap3A_259], %get3A_258 {strides = array<i32>} : memref<64xf32, #tpu.memory_space<vmem>>, vector<16xf32>,
    %get3A_261 = arith.constant 0 : index
    %get3A_262 = tpu.vector_load %arg17[%get3A_261] {strides = array<i32>} : memref<16xf32, #tpu.memory_space<vmem>>, vector<16xf32>,
    %swap3A_263 = arith.constant 48 : index
    %swap3A_264 = tpu.vector_load %arg18[%swap3A_263] {strides = array<i32>} : memref<64xf32, #tpu.memory_space<vmem>>, vector<16xf32>,
    tpu.vector_store %arg18[%swap3A_263], %get3A_262 {strides = array<i32>} : memref<64xf32, #tpu.memory_space<vmem>>, vector<16xf32>,
    "tpu.region"() ({
      %run_scoped3A = tpu.sem_alloc : memref<!tpu.dma_semaphore, #tpu.memory_space<semaphore_mem>>
      %dma_start3A_265 = arith.constant 0 : i32
      %dma_start3A_266 = tpu.memref_slice %arg8[%add3A, %dma_start3A_265] : memref<32x64xf32, #tpu.memory_space<hbm>> -> memref<1x64xf32, #tpu.memory_space<hbm>>
      %dma_start3A_267 = tpu.memref_squeeze %dma_start3A_266 : memref<1x64xf32, #tpu.memory_space<hbm>> -> memref<64xf32, #tpu.memory_space<hbm>>
      %dma_start3A_268 = arith.constant 0 : i32
      %dma_start3A_269 = tpu.memref_slice %arg8[%add3A, %dma_start3A_268] : memref<32x64xf32, #tpu.memory_space<hbm>> -> memref<1x64xf32, #tpu.memory_space<hbm>>
      %dma_start3A_270 = tpu.memref_squeeze %dma_start3A_269 : memref<1x64xf32, #tpu.memory_space<hbm>> -> memref<64xf32, #tpu.memory_space<hbm>>
      tpu.enqueue_dma source(%arg18 : memref<64xf32, #tpu.memory_space<vmem>>) target(%dma_start3A_270 : memref<64xf32, #tpu.memory_space<hbm>>) target_semaphore(%run_scoped3A : memref<!tpu.dma_semaphore, #tpu.memory_space<semaphore_mem>>)
      %dma_wait3A_271 = arith.constant 0 : i32
      %dma_wait3A_272 = tpu.memref_slice %arg8[%add3A, %dma_wait3A_271] : memref<32x64xf32, #tpu.memory_space<hbm>> -> memref<1x64xf32, #tpu.memory_space<hbm>>
      %dma_wait3A_273 = tpu.memref_squeeze %dma_wait3A_272 : memref<1x64xf32, #tpu.memory_space<hbm>> -> memref<64xf32, #tpu.memory_space<hbm>>
      %dma_wait3A_274 = arith.constant 0 : i32
      %dma_wait3A_275 = tpu.memref_slice %arg8[%add3A, %dma_wait3A_274] : memref<32x64xf32, #tpu.memory_space<hbm>> -> memref<1x64xf32, #tpu.memory_space<hbm>>
      %dma_wait3A_276 = tpu.memref_squeeze %dma_wait3A_275 : memref<1x64xf32, #tpu.memory_space<hbm>> -> memref<64xf32, #tpu.memory_space<hbm>>
      tpu.wait_dma2 semaphore(%run_scoped3A : memref<!tpu.dma_semaphore, #tpu.memory_space<semaphore_mem>>) src(%arg18 : memref<64xf32, #tpu.memory_space<vmem>>) dst(%dma_wait3A_276 : memref<64xf32, #tpu.memory_space<hbm>>)
      tpu.yield
    }) : () -> ()
    return
  }
}

</mosaic_0001>

<sc_bundles>
// kernel: kernel.4.cloned.1.call-start
scs
__scs_entry_jumppad:
0x0: {  	(pc) =	sbr.rel $0x88, $3  }
0x1: {  	(tag) =	ssettag $0x0;
	lr =	simm.s32 $0x1  }
0x2: {  	[smem:$0x3F9D] =	sst lr;
	_ =	strace $0xD0000000  }
0x3: {  	_ = 	snop  }
0x4: {  	_ = 	snop  }
0x5: {  	_ = 	snop  }
0x6: {  	_ = 	snop  }
0x7: {  	_ = 	snop  }
__scs_overlays_trampoline_lowered:
0x8: {  	[smem:$0x3FAC] =	sst s0  }
0x9: {  	[smem:$0x3FAD] =	sst s1  }
0xa: {  	[smem:$0x3FAE] =	sst s2  }
0xb: {  	[smem:$0x3FAF] =	sst s3  }
0xc: {  	[smem:$0x3FB0] =	sst s4  }
0xd: {  	[smem:$0x3FB1] =	sst s5  }
0xe: {  	[smem:$0x3FB2] =	sst s6  }
0xf: {  	[smem:$0x3FB3] =	sst s7  }
0x10: {  	[smem:$0x3FB4] =	sst s8  }
0x11: {  	[smem:$0x3FB5] =	sst s9;
	s0 =	simm.s32 @!p0 $0x0  }
0x12: {  	s1 =	sld [smem:$0x3F9B];
	s0 =	simm.s32 @p0 $0x1  }
0x13: {  	[smem:$0x3FB6] =	sst s0;
	s0 =	simm.s32 @!p1 $0x0  }
0x14: {  	s2 =	sld [smem:$0x3F9A];
	s0 =	simm.s32 @p1 $0x1  }
0x15: {  	[smem:$0x3FB7] =	sst s0;
	s0 =	simm.s32 @!p2 $0x0  }
0x16: {  	s3 =	sld [smem:$0x3FDB];
	s0 =	simm.s32 @p2 $0x1  }
0x17: {  	s4 =	simm.s32 $0x1BF5;
	[smem:$0x3FB9] =	sst s0  }
0x18: {  	s0 =	sld [smem:$0x3F9C];
	_ =	swait.ge [sflag:s4], $0x0  }
0x19: {  	s7 =	sld [smem:$0x3F9D]  }
0x1a: {  	s8 =	sadd.s32 $0xFFFFE003, lr  }
0x1b: {  	s9 =	sadd.s32 $0xFFFFFEF7, lr;
	s5 =	simm.s32 $0xFFFFFFFF;
	p2 =	slt.u32 s8, $0xFFFFF086  }
0x1c: {  	p1 =	slt.u32 s9, $0xF7A;
	s5 =	simm.s32 @!p2 $0x0  }
0x1d: {  	s5 =	simm.s32 @p1 $0x1;
	p0 =	seq.s32 s7, s2  }
0x1e: {  	s7 =	smul.u32 @!p0 $0xF7A, s2;
	p2 =	seq.s32 @!p0 s5, $0x0  }
0x1f: {  	s9 =	smul.u32 $0xF7A, s1;
	s8 =	simm.s32 @!p0 $0x1BF5;
	p2 =	por !p2, p0  }
0x20: {  	[sflag:s8] =	ssyncset.s32 @!p0 $0xFFFFF086;
	s6 =	sadd.s32 @!p0 s3, s7;
	s7 =	simm.s32 @!p0 $0x108  }
0x21: {  	s3 =	sadd.s32 s3, s9;
	s6 =	sadd.s32 @!p0 $0x88, s6;
	s7 =	simm.s32 @p2 $0x1082  }
0x22: {  	[simem:s7], [sflag:s8] =	dma.local @!p0 [hbm:s6], $0xF7A  }
0x23: {  	s9 =	sor.u32 $0xD0000000, s2;
	s6 =	simm.s32 $0x108;
	_ =	swait.ge @!p0 [sflag:s8], $0x0  }
0x24: {  	s3 =	sadd.s32 $0x88, s3;
	s6 =	simm.s32 @!p1 $0x1082;
	[sflag:s4] =	ssyncset.s32 $0xFFFFF086  }
0x25: {  	[simem:s6], [sflag:s4] =	dma.local [hbm:s3], $0xF7A  }
0x26: {  	[smem:$0x3F9D] =	sst s1;
	(tag) =	ssettag s2;
	_ =	strace s9  }
0x27: {  	s1 =	sld [smem:$0x3FAD]  }
0x28: {  	s2 =	sld [smem:$0x3FAE]  }
0x29: {  	s4 =	sld [smem:$0x3FB0]  }
0x2a: {  	p0 =	seq.s32 s5, $0x0;
	s5 =	sld [smem:$0x3FB1]  }
0x2b: {  	s6 =	sld [smem:$0x3FB2]  }
0x2c: {  	s7 =	sld [smem:$0x3FB3]  }
0x2d: {  	s3 =	simm.s32 $0x108;
	s8 =	sld [smem:$0x3FB4]  }
0x2e: {  	s3 =	simm.s32 @!p0 $0x1082;
	s9 =	sld [smem:$0x3FB5]  }
0x2f: {  	lr =	sadd.s32 s0, s3;
	s0 =	sld [smem:$0x3FAC]  }
0x30: {  	s3 =	sld [smem:$0x3FAF]  }
0x31: {  	[smem:$0x3FB8] =	sst s10  }
0x32: {  	s10 =	sld [smem:$0x3FB6];
	_ =	sdelay $0x3  }
0x33: {  	p0 =	seq.s32 s10, $0x1;
	s10 =	sld [smem:$0x3FB8];
	_ =	sdelay $0x3  }
0x34: {  	[smem:$0x3FB8] =	sst s10  }
0x35: {  	s10 =	sld [smem:$0x3FB7];
	_ =	sdelay $0x3  }
0x36: {  	p1 =	seq.s32 s10, $0x1;
	s10 =	sld [smem:$0x3FB8];
	_ =	sdelay $0x3  }
0x37: {  	[smem:$0x3FB8] =	sst s10  }
0x38: {  	s10 =	sld [smem:$0x3FB9]  }
0x39: {  	_ = 	snop;
	(pc) =	sbr.ind lr, $3  }
0x3a: {  	_ = 	snop  }
0x3b: {  	_ = 	snop  }
0x3c: {  	p2 =	seq.s32 s10, $0x1;
	s10 =	sld [smem:$0x3FB8]  }
0x3d: {  	_ =	shalt  }
0x3e: {  	_ =	shalt  }
0x3f: {  	_ =	shalt  }
0x40: {  	_ =	shalt  }
0x41: {  	_ =	shalt  }
0x42: {  	_ =	shalt  }
0x43: {  	_ =	shalt  }
0x44: {  	_ =	shalt  }
0x45: {  	_ =	shalt  }
0x46: {  	_ =	shalt  }
0x47: {  	_ =	shalt  }
0x48: {  	_ =	shalt  }
0x49: {  	_ =	shalt  }
0x4a: {  	_ =	shalt  }
0x4b: {  	_ =	shalt  }
0x4c: {  	_ =	shalt  }
0x4d: {  	_ =	shalt  }
0x4e: {  	_ =	shalt  }
0x4f: {  	_ =	shalt  }
0x50: {  	_ =	shalt  }
0x51: {  	_ =	shalt  }
0x52: {  	_ =	shalt  }
0x53: {  	_ =	shalt  }
0x54: {  	_ =	shalt  }
0x55: {  	_ =	shalt  }
0x56: {  	_ =	shalt  }
0x57: {  	_ =	shalt  }
0x58: {  	_ =	shalt  }
0x59: {  	_ =	shalt  }
0x5a: {  	_ =	shalt  }
0x5b: {  	_ =	shalt  }
0x5c: {  	_ =	shalt  }
0x5d: {  	_ =	shalt  }
0x5e: {  	_ =	shalt  }
0x5f: {  	_ =	shalt  }
0x60: {  	_ =	shalt  }
0x61: {  	_ =	shalt  }
0x62: {  	_ =	shalt  }
0x63: {  	_ =	shalt  }
0x64: {  	_ =	shalt  }
0x65: {  	_ =	shalt  }
0x66: {  	_ =	shalt  }
0x67: {  	_ =	shalt  }
0x68: {  	_ =	shalt  }
0x69: {  	_ =	shalt  }
0x6a: {  	_ =	shalt  }
0x6b: {  	_ =	shalt  }
0x6c: {  	_ =	shalt  }
0x6d: {  	_ =	shalt  }
0x6e: {  	_ =	shalt  }
0x6f: {  	_ =	shalt  }
0x70: {  	_ =	shalt  }
0x71: {  	_ =	shalt  }
0x72: {  	_ =	shalt  }
0x73: {  	_ =	shalt  }
0x74: {  	_ =	shalt  }
0x75: {  	_ =	shalt  }
0x76: {  	_ =	shalt  }
0x77: {  	_ =	shalt  }
0x78: {  	_ =	shalt  }
0x79: {  	_ =	shalt  }
0x7a: {  	_ =	shalt  }
0x7b: {  	_ =	shalt  }
0x7c: {  	_ =	shalt  }
0x7d: {  	_ =	shalt  }
0x7e: {  	_ =	shalt  }
0x7f: {  	_ =	shalt  }
0x80: {  	_ =	shalt  }
0x81: {  	_ =	shalt  }
0x82: {  	_ =	shalt  }
0x83: {  	_ =	shalt  }
0x84: {  	_ =	shalt  }
0x85: {  	_ =	shalt  }
0x86: {  	_ =	shalt  }
0x87: {  	_ =	shalt  }
.Lfunc_end0:
.L_simem_size_0:
called_computation_lowered:
.L_overlay_start_0:
0x88: {  	s2 =	sld [smem:$0x3FD9]  }
0x89: {  	s3 =	sld [smem:$0x3FFE];
	_ =	sdelay $0x1  }
0x8a: {  	s1 =	srdreg.scid  }
0x8b: {  	s0 =	sand.u32 $0x1, s1  }
0x8c: {  	s17 =	sshll.u32 s0, $0xA;
	s2 =	sadd.s32 s3, s2  }
0x8d: {  	s2 =	sadd.s32 s2, s17  }
0x8e: {  	[smem:$0x3FC4] =	sst s2  }
0x8f: {  	_ = 	snop  }
0x90: {  	s2 =	sld [smem:$0x3FC7]  }
0x91: {  	s18 =	sld [smem:$0x3FD0];
	(tm) =	ssettm $0x1  }
0x92: {  	s4 =	sld [smem:$0x3FFB];
	_ =	sdelay $0x3  }
0x93: {  	_ =	strace s4  }
0x94: {  	s4 =	sld [smem:$0x3FFC];
	_ =	sdelay $0x3  }
0x95: {  	_ =	strace s4  }
0x96: {  	s4 =	sld [smem:$0x3FFD];
	_ =	sdelay $0x3  }
0x97: {  	_ =	strace s4  }
0x98: {  	_ =	strace $0x8FFFFFFF  }
0x99: {  	s19 =	sld [smem:$0x3FDB];
	_ =	sdelay $0x1  }
0x9a: {  	s5 =	simm.s32 $_scs_section_size  }
0x9b: {  	s6 =	simm.s32 $_size__tile_overlayer_lowered;
	s7 =	simm.s32 $_tile_overlayer_lowered  }
0x9c: {  	s22 =	simm.s32 $0x1BFF;
	s21 =	sshll.u32 s7, $0x1;
	s4 =	sadd.s32 s5, s19  }
0x9d: {  	s8 =	simm.s32 $0x0;
	s20 =	sshll.u32 s6, $0x1;
	s6 =	sadd.s32 s21, s4  }
0x9e: {  	[timem:s8], [sflag:s22] =	dma.local [hbm:s6], s20  }
0x9f: {  	_ =	swait.ge [sflag:s22], s20  }
0xa0: {  	s5 =	ssub.s32 $0x0, s20;
	[sflag:s22] =	ssyncset.done $0x0  }
0xa1: {  	[sflag:s22] =	ssyncadd.s32 s5;
	_ =	sdelay $0x1  }
0xa2: {  	s23 =	simm.s32 $0x1B8B  }
0xa3: {  	_ =	swait.ge [sflag:s23], $0x1  }
0xa4: {  	[sflag:s23] =	ssyncset.done $0x0  }
0xa5: {  	s25 =	simm.s32 $0x1B8E;
	s24 =	sld [smem:$0x3FFE];
	[sflag:s23] =	ssyncadd.s32 $0xFFFFFFFF  }
0xa6: {  	s26 =	simm.s32 $execute0_lowered;
	[smem:$0x3FD2] =	sst s25  }
0xa7: {  	s6 =	sshll.u32 s26, $0x1;
	_ =	strace $0x80000046;
	[dreg:$0x1] =	wrdreg $0xFFFFFFFF  }
0xa8: {  	s28 =	simm.s32 $_size_execute0_lowered;
	s4 =	sadd.s32 s4, s6;
	[dreg:$0x0] =	wrdreg $0x0  }
0xa9: {  	s6 =	sshll.u32 s28, $0x1;
	[dreg:$0x2] =	wrdreg s4  }
0xaa: {  	[dreg:$0x3] =	wrdreg s6  }
0xab: {  	[dreg:$0x4] =	wrdreg $0xC0  }
0xac: {  	_ =	task [dreg:s8], $0x5FFFF  }
0xad: {  	[dreg:$0x1] =	wrdreg $0xFFFFFFFF  }
0xae: {  	[dreg:$0x0] =	wrdreg $0x60  }
0xaf: {  	[dreg:$0x2] =	wrdreg s24  }
0xb0: {  	[dreg:$0x3] =	wrdreg s2  }
0xb1: {  	[dreg:$0x4] =	wrdreg s18  }
0xb2: {  	[dreg:$0x5] =	wrdreg $0x9  }
0xb3: {  	_ =	task.clear_ibuf [dreg:s8], $0x6FFFF;
	_ =	strace $0x90000046  }
0xb4: {  	s29 =	simm.s32 $0x9;
	_ =	strace $0x80000048  }
0xb5: {  	_ =	swait.ge [sflag:s29], $0x1  }
0xb6: {  	[sflag:s29] =	ssyncadd.s32 $0xFFFFFFFF  }
0xb7: {  	_ =	strace $0x90000048  }
0xb8: {  	_ =	sfence  }
0xb9: {  	s30 =	sld [smem:$0x0];
	_ =	sdelay $0x2  }
0xba: {  	s31 =	sshll.u32 s1, $0xD;
	s1 =	sshrl.u32 s1, $0x2  }
0xbb: {  	s3 =	sand.u32 $0x4000, s31;
	s1 =	sadd.s32 s1, s30  }
0xbc: {  	s0 =	sor.u32 s3, s0;
	s1 =	sshll.u32 s1, $0x11  }
0xbd: {  	s0 =	sor.u32 s1, s0  }
0xbe: {  	s0 =	sadd.s32 $0x8F2B, s0  }
0xbf: {  	[sflag:s0] =	ssyncadd.remote.s32 $0x1  }
0xc0: {  	_ =	sfence.sel $0xFFFF  }
0xc1: {  	[dreg:$0x0] =	wrdreg $0xFFFFFFFF;
	(pc) =	sbr.abs _section_cstart, $3  }
0xc2: {  	[dreg:$0x1] =	wrdreg $0xFFFFFFFF  }
0xc3: {  	_ =	task.clear_ibuf [dreg:s8], $0x2FFFF;
	_ =	strace $0x9FFFFFFF  }
0xc4: {  	(tm) =	ssettm $0x7FFFFFFF  }
0xc5: {  	_ =	shalt  }
tec
execute0_lowered:
.L_overlay_start_1:
0x0: {  	(tag) =	ssettag $0x1  }
0x1: {  	s1 =	rddreg [dreg:$0x0]  }
0x2: {  	s2 =	rddreg [dreg:$0x1];
	s5 =	simm.s32 $0x0  }
0x3: {  	s0 =	srdreg.scid;
	s3 =	stileid.u32;
	s31 =	simm.s32 $0x4E20  }
0x4: {  	s29 =	simm.s32 $0x2710;
	s0 =	sand.u32 $0x1, s0;
	s3 =	sshll.u32 s3, $0x1  }
0x5: {  	s12 =	simm.s32 $0x15F90;
	[smem:$0x7FF] =	sst s5;
	s3 =	sor.u32 s0, s3  }
0x6: {  	s6 =	sadd.s32 $0xF4400, s1;
	s7 =	sadd.s32 $0x2DCC00, s1;
	s4 =	smul.u32 $0x3D090, s3  }
0x7: {  	s30 =	simm.s32 $0x3;
	s8 =	sadd.s32 $0x1E8800, s1;
	_ =	strace $0x80000047  }
0x8: {  	s0 =	ssub.s32 $0x2, s0;
	s3 =	sshll.u32 s3, $0x3;
	s13 =	sshrl.u32 s4, $0x3  }
0x9: {  	s9 =	sshrl.u32 s0, $0x1;
	s3 =	sadd.s32 s3, s1;
	s10 =	sadd.s32 s6, s13  }
0xa: {  	s0 =	ssub.s32 s0, s9;
	s14 =	sadd.s32 s1, s13;
	[dreg:$0x4] =	wrdreg s10  }
0xb: {  	s28 =	smax.u32 s0, $0x1;
	s15 =	sadd.s32 s7, s13;
	[dreg:$0x5] =	wrdreg s14  }
0xc: {  	s0 =	simm.s32 $0x9C40;
	s16 =	sadd.s32 s8, s13;
	[dreg:$0x6] =	wrdreg s15  }
0xd: {  	s17 =	sadd.s32 s2, s13;
	s18 =	sadd.s32 $0x4E2, s13;
	[dreg:$0x7] =	wrdreg s16  }
0xe: {  	s9 =	sadd.s32 $0x7530, s13;
	[dreg:$0x8] =	wrdreg s17;
	s11 =	sadd.s32 s6, s18  }
0xf: {  	s13 =	simm.s32 $0x1;
	s19 =	sadd.s32 s1, s18;
	[dreg:$0x9] =	wrdreg s11  }
0x10: {  	s20 =	sadd.s32 s7, s18;
	s21 =	sadd.s32 s8, s18;
	[dreg:$0xa] =	wrdreg s19  }
0x11: {  	s10 =	sadd.s32 s2, s18;
	s22 =	sadd.s32 s6, s9;
	[dreg:$0xb] =	wrdreg s20  }
0x12: {  	s23 =	sadd.s32 s1, s9;
	s24 =	sadd.s32 s7, s9;
	[dreg:$0xc] =	wrdreg s21  }
0x13: {  	s25 =	sadd.s32 s8, s9;
	s26 =	sadd.s32 s2, s9;
	[dreg:$0xd] =	wrdreg s10  }
0x14: {  	s9 =	simm.s32 $0x7530;
	s14 =	simm.s32 $0x186C0;
	[dreg:$0xe] =	wrdreg s22  }
0x15: {  	s15 =	simm.s32 $0x186D0;
	s16 =	simm.s32 $0x186E0;
	[dreg:$0xf] =	wrdreg s23  }
0x16: {  	s17 =	simm.s32 $0x2;
	s18 =	simm.s32 $0x0;
	[dreg:$0x10] =	wrdreg s24  }
0x17: {  	s19 =	sadd.s32 $0x4E20, s4;
	s20 =	sadd.s32 $0x7530, s4;
	[dreg:$0x11] =	wrdreg s25  }
0x18: {  	[dreg:$0x12] =	wrdreg s26;
	s26 =	sadd.s32 $0x3D1000, s3;
	s3 =	simm.s32 $0xEA60  }
0x19: {  	v0 =	vimm.f32 $0.0e+00;
	v1 =	vimm.f32 $1.000000000e+00;
	s4 =	simm.s32 $0x13880;
	s10 =	simm.s32 $0xC350;
	s11 =	simm.s32 $0x11170  }
.LBB2_1:
0x1a: {  	s21 =	rddreg [dreg:$0x2];
	s22 =	simm.s32 $0x186A0  }
0x1b: {  	[tilespmem:s22], [sflag:$0x3] =	stream.linear.gather [hbm4b:s21+s5], $0x20, $0x38;
	[tilespmem:$0x18730] =	vst v63  }
0x1c: {  	_ =	swait.ge [sflag:s30], $0x20  }
0x1d: {  	[sflag:s30] =	ssyncset.done $0x0  }
0x1e: {  	[sflag:s30] =	ssyncadd.s32 $0xFFFFFFE0  }
0x1f: {  	[tilespmem:$0x186C0] =	vst v0  }
0x20: {  	[tilespmem:$0x186D0] =	vst v0  }
0x21: {  	s24 =	rddreg [dreg:$0x4];
	v2 =	vld [tilespmem:$0x186A0];
	[tilespmem:$0x186E0] =	vst v0  }
0x22: {  	v3 =	vld [tilespmem:$0x186B0];
	[tilespmem:s5], [sflag:$0x1] =	stream.linear.gather [hbm4b:s24+s5], $0x2710, $0x38  }
0x23: {  	s25 =	rddreg [dreg:$0x5]  }
0x24: {  	[tilespmem:s31], [sflag:$0x1] =	stream.linear.gather [hbm4b:s25+s5], $0x2710, $0x38;
	[tilespmem:$0x18730] =	vst v63  }
0x25: {  	s22 =	rddreg [dreg:$0x6]  }
0x26: {  	[tilespmem:s0], [sflag:$0x1] =	stream.linear.gather [hbm4b:s22+s5], $0x2710, $0x38;
	[tilespmem:$0x18730] =	vst v63  }
0x27: {  	s23 =	rddreg [dreg:$0x7]  }
0x28: {  	[tilespmem:s3], [sflag:$0x1] =	stream.linear.gather [hbm4b:s23+s5], $0x2710, $0x38;
	[tilespmem:$0x18730] =	vst v63  }
0x29: {  	s24 =	rddreg [dreg:$0x8]  }
0x2a: {  	[tilespmem:s4], [sflag:$0x1] =	stream.linear.gather [hbm4b:s24+s5], $0x2710, $0x38;
	[tilespmem:$0x18730] =	vst v63  }
0x2b: {  	s25 =	rddreg [dreg:$0x9]  }
0x2c: {  	[tilespmem:s29], [sflag:$0x2] =	stream.linear.gather [hbm4b:s25+s5], $0x2710, $0x38;
	[tilespmem:$0x18730] =	vst v63  }
0x2d: {  	s22 =	rddreg [dreg:$0xa]  }
0x2e: {  	[tilespmem:s9], [sflag:$0x2] =	stream.linear.gather [hbm4b:s22+s5], $0x2710, $0x38;
	[tilespmem:$0x18730] =	vst v63  }
0x2f: {  	s23 =	rddreg [dreg:$0xb]  }
0x30: {  	[tilespmem:s10], [sflag:$0x2] =	stream.linear.gather [hbm4b:s23+s5], $0x2710, $0x38;
	[tilespmem:$0x18730] =	vst v63  }
0x31: {  	s24 =	rddreg [dreg:$0xc]  }
0x32: {  	[tilespmem:s11], [sflag:$0x2] =	stream.linear.gather [hbm4b:s24+s5], $0x2710, $0x38;
	[tilespmem:$0x18730] =	vst v63  }
0x33: {  	s21 =	simm.s32 $0x0;
	s25 =	rddreg [dreg:$0xd]  }
0x34: {  	v4 =	vimm.f32 $0.0e+00;
	[tilespmem:s12], [sflag:$0x2] =	stream.linear.gather [hbm4b:s25+s5], $0x2710, $0x38;
	[tilespmem:$0x18730] =	vst v63  }
.LBB2_2:
0x35: {  	_ =	swait.ge [sflag:s13], $0x2710  }
0x36: {  	[sflag:s13] =	ssyncset.done $0x0  }
0x37: {  	[sflag:s13] =	ssyncadd.s32 $0xFFFFD8F0  }
0x38: {  	_ =	swait.ge [sflag:s13], $0x2710  }
0x39: {  	[sflag:s13] =	ssyncset.done $0x0  }
0x3a: {  	[sflag:s13] =	ssyncadd.s32 $0xFFFFD8F0  }
0x3b: {  	_ =	swait.ge [sflag:s13], $0x2710  }
0x3c: {  	[sflag:s13] =	ssyncset.done $0x0  }
0x3d: {  	[sflag:s13] =	ssyncadd.s32 $0xFFFFD8F0  }
0x3e: {  	_ =	swait.ge [sflag:s13], $0x2710  }
0x3f: {  	[sflag:s13] =	ssyncset.done $0x0  }
0x40: {  	[sflag:s13] =	ssyncadd.s32 $0xFFFFD8F0  }
0x41: {  	_ =	swait.ge [sflag:s13], $0x2710  }
0x42: {  	[sflag:s13] =	ssyncset.done $0x0  }
0x43: {  	s22 =	simm.s32 $0x0;
	[sflag:s13] =	ssyncadd.s32 $0xFFFFD8F0  }
0x44: {  	v6 =	vld [tilespmem:s22+$0x4E20];
	_ =	sdelay $0x4  }
0x45: {  	v5 =	vsub.f32 $0.0e+00, v6;
	_ =	sdelay $0x1  }
0x46: {  	v5 =	vmul.f32 $1.442695020e+00, v5;
	_ =	sdelay $0x1  }
0x47: {  	(erf) = vpow2.f32 v5;
	_ =	sdelay $0x8  }
0x48: {  	v5 =	vpop (erf)  }
0x49: {  	v5 =	vadd.f32 $1.000000000e+00, v5;
	_ =	sdelay $0x1  }
0x4a: {  	(erf) = vrcp.f32 v5;
	_ =	sdelay $0x8  }
0x4b: {  	v5 =	vpop (erf)  }
0x4c: {  	v7 =	vmul.f32 $1.000000000e+01, v5;
	_ =	sdelay $0x1  }
0x4d: {  	v7 =	vtrunc.f32 v7  }
0x4e: {  	v7 =	vcvt.f32.s32 v7;
	_ =	sdelay $0x1  }
0x4f: {  	v8 =	vld [tilespmem:s22+$0x13880];
	vm0 =	vlt.s32 v7, $0x9  }
0x50: {  	v9 =	vnsel vm0, $0x9, v7;
	_ =	sdelay $0x1  }
0x51: {  	v10 =	vld [tilespmem:s22+$0x9C40]  }
0x52: {  	v13 =	vld [tilespmem:s22+$0x0]  }
0x53: {  	vm7 =	veq.s32 v8, $0x1;
	v7 =	vld [tilespmem:s22+$0xEA60]  }
0x54: {  	v8 =	vsel vm7, $0x3F800000, v0;
	[tilespmem:v9+s14+$0x0] =	vst.idx.add.f32.msk $0xffff, v1  }
0x55: {  	[tilespmem:v9+s15+$0x0] =	vst.idx.add.f32.msk $0xffff, v8  }
0x56: {  	[tilespmem:v9+s16+$0x0] =	vst.idx.add.f32.msk $0xffff, v5  }
0x57: {  	v5 =	vld [tilespmem:s22+$0x4E30];
	_ =	sdelay $0x2  }
0x58: {  	v18 =	vmax.f32 v13, v6;
	v8 =	vmin.f32 v13, v6  }
0x59: {  	v8 =	vsub.f32 v8, v18  }
0x5a: {  	v35 =	vsub.f32 $0.0e+00, v5  }
0x5b: {  	v8 =	vmul.f32 $1.442695020e+00, v8  }
0x5c: {  	v9 =	vmul.f32 $1.442695020e+00, v35  }
0x5d: {  	(erf) = vpow2.f32 v8  }
0x5e: {  	(erf) = vpow2.f32 v9;
	_ =	sdelay $0x7  }
0x5f: {  	v21 =	vpop (erf)  }
0x60: {  	v8 =	vadd.f32 $2.000000000e+00, v21;
	v9 =	vpop (erf)  }
0x61: {  	v9 =	vadd.f32 $1.000000000e+00, v9  }
0x62: {  	(erf) = vrcp.f32 v8  }
0x63: {  	(erf) = vrcp.f32 v9;
	_ =	sdelay $0x7  }
0x64: {  	v22 =	vpop (erf)  }
0x65: {  	v9 =	vpop (erf)  }
0x66: {  	v8 =	vmul.f32 $1.000000000e+01, v9;
	_ =	sdelay $0x1  }
0x67: {  	v8 =	vtrunc.f32 v8  }
0x68: {  	v8 =	vcvt.f32.s32 v8;
	_ =	sdelay $0x1  }
0x69: {  	v14 =	vld [tilespmem:s22+$0x13890];
	vm8 =	vlt.s32 v8, $0x9  }
0x6a: {  	v15 =	vnsel vm8, $0x9, v8;
	_ =	sdelay $0x1  }
0x6b: {  	v11 =	vld [tilespmem:s22+$0x9C50]  }
0x6c: {  	v12 =	vld [tilespmem:s22+$0x10]  }
0x6d: {  	vm9 =	veq.s32 v14, $0x1;
	v8 =	vld [tilespmem:s22+$0xEA70]  }
0x6e: {  	v14 =	vsel vm9, $0x3F800000, v0;
	[tilespmem:v15+s14+$0x0] =	vst.idx.add.f32.msk $0xffff, v1  }
0x6f: {  	[tilespmem:v15+s15+$0x0] =	vst.idx.add.f32.msk $0xffff, v14  }
0x70: {  	[tilespmem:v15+s16+$0x0] =	vst.idx.add.f32.msk $0xffff, v9  }
0x71: {  	v9 =	vld [tilespmem:s22+$0x4E40];
	_ =	sdelay $0x2  }
0x72: {  	v17 =	vmax.f32 v12, v5;
	v36 =	vmin.f32 v12, v5  }
0x73: {  	v14 =	vsub.f32 v36, v17  }
0x74: {  	v37 =	vsub.f32 $0.0e+00, v9  }
0x75: {  	v14 =	vmul.f32 $1.442695020e+00, v14  }
0x76: {  	v15 =	vmul.f32 $1.442695020e+00, v37  }
0x77: {  	(erf) = vpow2.f32 v14  }
0x78: {  	(erf) = vpow2.f32 v15;
	_ =	sdelay $0x7  }
0x79: {  	v23 =	vpop (erf)  }
0x7a: {  	v38 =	vadd.f32 $2.000000000e+00, v23;
	v15 =	vpop (erf)  }
0x7b: {  	v15 =	vadd.f32 $1.000000000e+00, v15  }
0x7c: {  	(erf) = vrcp.f32 v38  }
0x7d: {  	(erf) = vrcp.f32 v15;
	_ =	sdelay $0x7  }
0x7e: {  	v24 =	vpop (erf)  }
0x7f: {  	v39 =	vpop (erf)  }
0x80: {  	v40 =	vmul.f32 $1.000000000e+01, v39;
	_ =	sdelay $0x1  }
0x81: {  	v15 =	vtrunc.f32 v40  }
0x82: {  	v15 =	vcvt.f32.s32 v15;
	_ =	sdelay $0x1  }
0x83: {  	v19 =	vld [tilespmem:s22+$0x138A0];
	vm10 =	vlt.s32 v15, $0x9  }
0x84: {  	v25 =	vnsel vm10, $0x9, v15;
	_ =	sdelay $0x1  }
0x85: {  	v16 =	vld [tilespmem:s22+$0x9C60]  }
0x86: {  	v20 =	vld [tilespmem:s22+$0x20]  }
0x87: {  	vm11 =	veq.s32 v19, $0x1;
	v15 =	vld [tilespmem:s22+$0xEA80]  }
0x88: {  	v19 =	vsel vm11, $0x3F800000, v0;
	[tilespmem:v25+s14+$0x0] =	vst.idx.add.f32.msk $0xffff, v1  }
0x89: {  	[tilespmem:v25+s15+$0x0] =	vst.idx.add.f32.msk $0xffff, v19  }
0x8a: {  	[tilespmem:v25+s16+$0x0] =	vst.idx.add.f32.msk $0xffff, v39  }
0x8b: {  	v14 =	vld [tilespmem:s22+$0x4E50];
	_ =	sdelay $0x2  }
0x8c: {  	v41 =	vmin.f32 v20, v9;
	v25 =	vmax.f32 v20, v9  }
0x8d: {  	v19 =	vsub.f32 v41, v25  }
0x8e: {  	v26 =	vsub.f32 $0.0e+00, v14  }
0x8f: {  	v19 =	vmul.f32 $1.442695020e+00, v19  }
0x90: {  	v26 =	vmul.f32 $1.442695020e+00, v26  }
0x91: {  	(erf) = vpow2.f32 v19  }
0x92: {  	v19 =	vld [tilespmem:s22+$0x30];
	(erf) = vpow2.f32 v26;
	_ =	sdelay $0x4  }
0x93: {  	v26 =	vmax.f32 v19, v14;
	v27 =	vmin.f32 v19, v14  }
0x94: {  	v27 =	vsub.f32 v27, v26;
	_ =	sdelay $0x1  }
0x95: {  	v27 =	vmul.f32 $1.442695020e+00, v27;
	v28 =	vpop (erf)  }
0x96: {  	v29 =	vadd.f32 $2.000000000e+00, v28;
	v30 =	vpop (erf)  }
0x97: {  	(erf) = vpow2.f32 v27;
	v42 =	vadd.f32 $1.000000000e+00, v30  }
0x98: {  	(erf) = vrcp.f32 v29  }
0x99: {  	(erf) = vrcp.f32 v42;
	_ =	sdelay $0x6  }
0x9a: {  	v43 =	vpop (erf)  }
0x9b: {  	v29 =	vpop (erf)  }
0x9c: {  	v44 =	vpop (erf)  }
0x9d: {  	v31 =	vmul.f32 $1.000000000e+01, v44;
	_ =	sdelay $0x1  }
0x9e: {  	v31 =	vtrunc.f32 v31  }
0x9f: {  	v31 =	vcvt.f32.s32 v31;
	_ =	sdelay $0x1  }
0xa0: {  	v32 =	vld [tilespmem:s22+$0x138B0];
	vm12 =	vlt.s32 v31, $0x9  }
0xa1: {  	v31 =	vnsel vm12, $0x9, v31;
	_ =	sdelay $0x2  }
0xa2: {  	v33 =	vld [tilespmem:s22+$0x9C70]  }
0xa3: {  	v34 =	vld [tilespmem:s22+$0xEA90];
	vm13 =	veq.s32 v32, $0x1  }
0xa4: {  	v32 =	vsel vm13, $0x3F800000, v0;
	[tilespmem:v31+s14+$0x0] =	vst.idx.add.f32.msk $0xffff, v1  }
0xa5: {  	[tilespmem:v31+s15+$0x0] =	vst.idx.add.f32.msk $0xffff, v32  }
0xa6: {  	[tilespmem:v31+s16+$0x0] =	vst.idx.add.f32.msk $0xffff, v44  }
0xa7: {  	v30 =	vld [tilespmem:s22+$0x40]  }
0xa8: {  	v31 =	vld [tilespmem:s22+$0x4E60];
	_ =	sdelay $0x4  }
0xa9: {  	v32 =	vmax.f32 v30, v31;
	v35 =	vmin.f32 v30, v31;
	v36 =	vsub.f32 $0.0e+00, v31  }
0xaa: {  	v37 =	vadd.f32 $2.000000000e+00, v43;
	v35 =	vsub.f32 v35, v32  }
0xab: {  	v21 =	vmul.f32 v22, v21;
	v45 =	vmul.f32 $1.442695020e+00, v36  }
0xac: {  	(erf) = vrcp.f32 v37;
	v35 =	vmul.f32 $1.442695020e+00, v35  }
0xad: {  	(erf) = vpow2.f32 v45  }
0xae: {  	v46 =	vmul.f32 v21, v21;
	(erf) = vpow2.f32 v35;
	_ =	sdelay $0x1  }
0xaf: {  	v47 =	vmul.f32 $2.222222240e-01, v46;
	_ =	sdelay $0x1  }
0xb0: {  	v35 =	vadd.f32 $2.857142980e-01, v47  }
0xb1: {  	v28 =	vmul.f32 v29, v28  }
0xb2: {  	v35 =	vmul.f32 v35, v46  }
0xb3: {  	v23 =	vmul.f32 v24, v23;
	v53 =	vmul.f32 v28, v28;
	v48 =	vpop (erf)  }
0xb4: {  	v35 =	vadd.f32 $4.000000060e-01, v35;
	v49 =	vpop (erf)  }
0xb5: {  	v38 =	vmul.f32 v23, v23;
	v55 =	vmul.f32 $2.222222240e-01, v53;
	v24 =	vadd.f32 $1.000000000e+00, v49;
	v50 =	vpop (erf)  }
0xb6: {  	v35 =	vmul.f32 v35, v46;
	v39 =	vadd.f32 $2.000000000e+00, v50  }
0xb7: {  	v52 =	vmul.f32 $2.222222240e-01, v38;
	v29 =	vadd.f32 $2.857142980e-01, v55;
	(erf) = vrcp.f32 v24  }
0xb8: {  	v27 =	vmul.f32 v48, v43;
	v51 =	vadd.f32 $6.666666860e-01, v35;
	(erf) = vrcp.f32 v39  }
0xb9: {  	v54 =	vadd.f32 $2.857142980e-01, v52;
	v57 =	vmul.f32 v29, v53  }
0xba: {  	v36 =	vmul.f32 v27, v27;
	v22 =	vmul.f32 v51, v46  }
0xbb: {  	v24 =	vmul.f32 v54, v38  }
0xbc: {  	v61 =	vadd.f32 $4.000000060e-01, v57;
	v58 =	vmul.f32 $2.222222240e-01, v36;
	v22 =	vadd.f32 $2.000000000e+00, v22  }
0xbd: {  	v56 =	vadd.f32 $4.000000060e-01, v24  }
0xbe: {  	v29 =	vadd.f32 $2.857142980e-01, v58;
	v21 =	vmul.f32 v22, v21;
	v22 =	vmul.f32 v61, v53  }
0xbf: {  	v60 =	vmul.f32 v56, v38  }
0xc0: {  	v7 =	vmul.f32 v7, v3;
	v63 =	vmul.f32 v29, v36;
	v22 =	vadd.f32 $6.666666860e-01, v22;
	v59 =	vpop (erf)  }
0xc1: {  	v18 =	vadd.f32 v21, v18;
	v21 =	vadd.f32 $6.666666860e-01, v60;
	v62 =	vpop (erf);
	v43 =	vmul.f32 $1.000000000e+01, v59  }
0xc2: {  	v41 =	vmul.f32 v22, v53;
	v24 =	vmul.f32 v62, v50  }
0xc3: {  	v13 =	vsub.f32 v18, v13;
	v21 =	vmul.f32 v21, v38;
	v45 =	vtrunc.f32 v43  }
0xc4: {  	v6 =	vsub.f32 v18, v6;
	v37 =	vmul.f32 v24, v24;
	v22 =	vcvt.f32.s32 v45  }
0xc5: {  	v10 =	vmul.f32 v10, v2;
	v38 =	vadd.f32 $4.000000060e-01, v63;
	v40 =	vadd.f32 $2.000000000e+00, v21  }
0xc6: {  	v49 =	vld [tilespmem:s22+$0x138C0];
	v6 =	vmul.f32 v6, v7;
	v42 =	vmul.f32 $2.222222240e-01, v37;
	vm14 =	vlt.s32 v22, $0x9  }
0xc7: {  	v21 =	vadd.f32 $2.000000000e+00, v41;
	v7 =	vmul.f32 v40, v23;
	v48 =	vnsel vm14, $0x9, v22  }
0xc8: {  	v10 =	vmul.f32 v13, v10;
	v13 =	vmul.f32 v38, v36;
	v44 =	vadd.f32 $2.857142980e-01, v42  }
0xc9: {  	v8 =	vmul.f32 v8, v3;
	v21 =	vmul.f32 v21, v28;
	v7 =	vadd.f32 v7, v17  }
0xca: {  	v15 =	vmul.f32 v15, v3;
	v52 =	vld [tilespmem:s22+$0x9C80];
	v13 =	vadd.f32 $6.666666860e-01, v13;
	v18 =	vmul.f32 v44, v37  }
0xcb: {  	vm15 =	veq.s32 v49, $0x1;
	v53 =	vld [tilespmem:s22+$0xEAA0];
	v47 =	vadd.f32 v21, v25;
	v5 =	vsub.f32 v7, v5  }
0xcc: {  	v55 =	vsel vm15, $0x3F800000, v0;
	v13 =	vmul.f32 v13, v36;
	v46 =	vadd.f32 $4.000000060e-01, v18;
	[tilespmem:v48+s14+$0x0] =	vst.idx.add.f32.msk $0xffff, v1  }
0xcd: {  	v8 =	vmul.f32 v5, v8;
	v5 =	vsub.f32 v47, v9;
	[tilespmem:v48+s15+$0x0] =	vst.idx.add.f32.msk $0xffff, v55  }
0xce: {  	s23 =	simm.s32 $0x50;
	v17 =	vmul.f32 v46, v37;
	[tilespmem:v48+s16+$0x0] =	vst.idx.add.f32.msk $0xffff, v59  }
0xcf: {  	v13 =	vadd.f32 $2.000000000e+00, v13;
	v57 =	vmul.f32 v5, v15;
	v5 =	vld [tilespmem:s23+$0x4E20]  }
0xd0: {  	v11 =	vmul.f32 v11, v2;
	v51 =	vadd.f32 $6.666666860e-01, v17  }
0xd1: {  	v16 =	vmul.f32 v16, v2;
	v12 =	vsub.f32 v7, v12;
	v7 =	vmul.f32 v13, v27  }
0xd2: {  	v54 =	vmul.f32 v34, v3;
	v13 =	vmul.f32 v51, v37  }
0xd3: {  	v56 =	vmul.f32 v33, v2;
	v50 =	vsub.f32 v47, v20;
	v7 =	vadd.f32 v7, v26  }
0xd4: {  	v11 =	vmul.f32 v12, v11;
	v13 =	vadd.f32 $2.000000000e+00, v13;
	v61 =	vsub.f32 $0.0e+00, v5  }
0xd5: {  	v12 =	vmul.f32 v50, v16;
	v19 =	vsub.f32 v7, v19;
	v7 =	vsub.f32 v7, v14  }
0xd6: {  	v13 =	vmul.f32 v13, v24;
	v63 =	vmul.f32 $1.442695020e+00, v61  }
0xd7: {  	v6 =	vadd.f32 v6, v10;
	v58 =	vmul.f32 v19, v56;
	v7 =	vmul.f32 v7, v54  }
0xd8: {  	v8 =	vadd.f32 v8, v11;
	v59 =	vadd.f32 v13, v32;
	(erf) = vpow2.f32 v63  }
0xd9: {  	v60 =	vmul.f32 v53, v3;
	v12 =	vadd.f32 v57, v12;
	v7 =	vadd.f32 v7, v58  }
0xda: {  	v9 =	vmul.f32 v52, v2;
	v13 =	vsub.f32 v59, v30;
	v11 =	vsub.f32 v59, v31  }
0xdb: {  	v6 =	vadd.f32 v8, v6  }
0xdc: {  	v7 =	vadd.f32 v7, v12;
	v8 =	vmul.f32 v13, v9;
	v62 =	vmul.f32 v11, v60;
	_ =	sdelay $0x1  }
0xdd: {  	v6 =	vadd.f32 v7, v6;
	v7 =	vadd.f32 v62, v8;
	_ =	sdelay $0x1  }
0xde: {  	s22 =	simm.s32 $0x280;
	v6 =	vadd.f32 v7, v6  }
.LBB2_3:
0xdf: {  	p0 =	sne.s32 s22, $0x9B00;
	v7 =	vpop (erf);
	s24 =	smov.u32 s22;
	s22 =	sadd.s32 $0x140, s22  }
0xe0: {  	v7 =	vadd.f32 $1.000000000e+00, v7;
	v4 =	vadd.f32 v6, v4;
	_ =	sdelay $0x1  }
0xe1: {  	(erf) = vrcp.f32 v7;
	_ =	sdelay $0x8  }
0xe2: {  	v6 =	vpop (erf)  }
0xe3: {  	v7 =	vmul.f32 $1.000000000e+01, v6;
	_ =	sdelay $0x1  }
0xe4: {  	v7 =	vtrunc.f32 v7  }
0xe5: {  	v7 =	vcvt.f32.s32 v7;
	_ =	sdelay $0x1  }
0xe6: {  	v8 =	vld [tilespmem:s23+$0x13880];
	vm0 =	vlt.s32 v7, $0x9  }
0xe7: {  	v7 =	vnsel vm0, $0x9, v7;
	_ =	sdelay $0x1  }
0xe8: {  	v9 =	vld [tilespmem:s23+$0xEA60]  }
0xe9: {  	v10 =	vld [tilespmem:s23+$0x9C40]  }
0xea: {  	v11 =	vld [tilespmem:s23+$0x0];
	vm0 =	veq.s32 v8, $0x1  }
0xeb: {  	v8 =	vsel vm0, $0x3F800000, v0;
	[tilespmem:v7+s14+$0x0] =	vst.idx.add.f32.msk $0xffff, v1  }
0xec: {  	[tilespmem:v7+s15+$0x0] =	vst.idx.add.f32.msk $0xffff, v8  }
0xed: {  	[tilespmem:v7+s16+$0x0] =	vst.idx.add.f32.msk $0xffff, v6  }
0xee: {  	v8 =	vld [tilespmem:s23+$0x4E30]  }
0xef: {  	v6 =	vmax.f32 v11, v5;
	v7 =	vmin.f32 v11, v5  }
0xf0: {  	v7 =	vsub.f32 v7, v6;
	_ =	sdelay $0x1  }
0xf1: {  	v7 =	vmul.f32 $1.442695020e+00, v7  }
0xf2: {  	v12 =	vsub.f32 $0.0e+00, v8  }
0xf3: {  	(erf) = vpow2.f32 v7  }
0xf4: {  	v7 =	vmul.f32 $1.442695020e+00, v12;
	_ =	sdelay $0x1  }
0xf5: {  	(erf) = vpow2.f32 v7;
	_ =	sdelay $0x5  }
0xf6: {  	v7 =	vpop (erf)  }
0xf7: {  	v13 =	vadd.f32 $2.000000000e+00, v7;
	_ =	sdelay $0x1  }
0xf8: {  	(erf) = vrcp.f32 v13;
	v12 =	vpop (erf)  }
0xf9: {  	v12 =	vadd.f32 $1.000000000e+00, v12;
	_ =	sdelay $0x1  }
0xfa: {  	(erf) = vrcp.f32 v12;
	_ =	sdelay $0x5  }
0xfb: {  	v12 =	vpop (erf)  }
0xfc: {  	v12 =	vmul.f32 v12, v7;
	_ =	sdelay $0x1  }
0xfd: {  	v7 =	vmul.f32 v12, v12;
	v14 =	vpop (erf)  }
0xfe: {  	v13 =	vmul.f32 $1.000000000e+01, v14  }
0xff: {  	v15 =	vmul.f32 $2.222222240e-01, v7  }
0x100: {  	v13 =	vtrunc.f32 v13  }
0x101: {  	v15 =	vadd.f32 $2.857142980e-01, v15;
	v13 =	vcvt.f32.s32 v13;
	_ =	sdelay $0x1  }
0x102: {  	v15 =	vmul.f32 v15, v7;
	v16 =	vld [tilespmem:s23+$0x13890];
	vm0 =	vlt.s32 v13, $0x9  }
0x103: {  	v18 =	vnsel vm0, $0x9, v13  }
0x104: {  	v15 =	vadd.f32 $4.000000060e-01, v15  }
0x105: {  	v13 =	vld [tilespmem:s23+$0xEA70]  }
0x106: {  	v19 =	vmul.f32 v15, v7;
	v15 =	vld [tilespmem:s23+$0x9C50]  }
0x107: {  	v17 =	vld [tilespmem:s23+$0x10];
	vm0 =	veq.s32 v16, $0x1  }
0x108: {  	v16 =	vadd.f32 $6.666666860e-01, v19;
	v19 =	vsel vm0, $0x3F800000, v0;
	[tilespmem:v18+s14+$0x0] =	vst.idx.add.f32.msk $0xffff, v1  }
0x109: {  	[tilespmem:v18+s15+$0x0] =	vst.idx.add.f32.msk $0xffff, v19  }
0x10a: {  	v16 =	vmul.f32 v16, v7;
	[tilespmem:v18+s16+$0x0] =	vst.idx.add.f32.msk $0xffff, v14  }
0x10b: {  	v7 =	vld [tilespmem:s23+$0x4E40]  }
0x10c: {  	v14 =	vadd.f32 $2.000000000e+00, v16;
	v18 =	vmax.f32 v17, v8;
	v16 =	vmin.f32 v17, v8  }
0x10d: {  	v16 =	vsub.f32 v16, v18  }
0x10e: {  	v12 =	vmul.f32 v14, v12  }
0x10f: {  	v14 =	vmul.f32 $1.442695020e+00, v16  }
0x110: {  	v6 =	vadd.f32 v12, v6;
	v12 =	vsub.f32 $0.0e+00, v7  }
0x111: {  	v10 =	vmul.f32 v10, v2;
	(erf) = vpow2.f32 v14  }
0x112: {  	v11 =	vsub.f32 v6, v11;
	v5 =	vsub.f32 v6, v5;
	v6 =	vmul.f32 $1.442695020e+00, v12  }
0x113: {  	v9 =	vmul.f32 v9, v3  }
0x114: {  	v10 =	vmul.f32 v11, v10;
	(erf) = vpow2.f32 v6  }
0x115: {  	v5 =	vmul.f32 v5, v9;
	_ =	sdelay $0x1  }
0x116: {  	v6 =	vadd.f32 v5, v10;
	_ =	sdelay $0x2  }
0x117: {  	v5 =	vpop (erf)  }
0x118: {  	v10 =	vadd.f32 $2.000000000e+00, v5;
	_ =	sdelay $0x1  }
0x119: {  	(erf) = vrcp.f32 v10;
	v9 =	vpop (erf)  }
0x11a: {  	v9 =	vadd.f32 $1.000000000e+00, v9;
	_ =	sdelay $0x1  }
0x11b: {  	(erf) = vrcp.f32 v9;
	_ =	sdelay $0x5  }
0x11c: {  	v9 =	vpop (erf)  }
0x11d: {  	v14 =	vmul.f32 v9, v5;
	_ =	sdelay $0x1  }
0x11e: {  	v10 =	vmul.f32 v14, v14;
	v12 =	vpop (erf)  }
0x11f: {  	v5 =	vmul.f32 $1.000000000e+01, v12  }
0x120: {  	v9 =	vmul.f32 $2.222222240e-01, v10  }
0x121: {  	v5 =	vtrunc.f32 v5  }
0x122: {  	v9 =	vadd.f32 $2.857142980e-01, v9;
	v5 =	vcvt.f32.s32 v5;
	_ =	sdelay $0x1  }
0x123: {  	v9 =	vmul.f32 v9, v10;
	v16 =	vld [tilespmem:s23+$0x138A0];
	vm0 =	vlt.s32 v5, $0x9  }
0x124: {  	v19 =	vnsel vm0, $0x9, v5  }
0x125: {  	v5 =	vadd.f32 $4.000000060e-01, v9  }
0x126: {  	v9 =	vld [tilespmem:s23+$0xEA80]  }
0x127: {  	v20 =	vmul.f32 v5, v10;
	v5 =	vld [tilespmem:s23+$0x9C60]  }
0x128: {  	v11 =	vld [tilespmem:s23+$0x20];
	vm0 =	veq.s32 v16, $0x1  }
0x129: {  	v16 =	vadd.f32 $6.666666860e-01, v20;
	v20 =	vsel vm0, $0x3F800000, v0;
	[tilespmem:v19+s14+$0x0] =	vst.idx.add.f32.msk $0xffff, v1  }
0x12a: {  	[tilespmem:v19+s15+$0x0] =	vst.idx.add.f32.msk $0xffff, v20  }
0x12b: {  	v16 =	vmul.f32 v16, v10;
	[tilespmem:v19+s16+$0x0] =	vst.idx.add.f32.msk $0xffff, v12  }
0x12c: {  	v10 =	vld [tilespmem:s23+$0x4E50]  }
0x12d: {  	v16 =	vadd.f32 $2.000000000e+00, v16;
	v19 =	vmax.f32 v11, v7;
	v12 =	vmin.f32 v11, v7;
	v20 =	vld [tilespmem:s23+$0x138B0]  }
0x12e: {  	v21 =	vsub.f32 v12, v19;
	v12 =	vld [tilespmem:s23+$0x30]  }
0x12f: {  	v22 =	vmul.f32 v16, v14;
	v14 =	vld [tilespmem:s23+$0x9C70]  }
0x130: {  	v21 =	vmul.f32 $1.442695020e+00, v21;
	v16 =	vld [tilespmem:s23+$0xEA90]  }
0x131: {  	v18 =	vadd.f32 v22, v18;
	v22 =	vsub.f32 $0.0e+00, v10  }
0x132: {  	vm0 =	veq.s32 v20, $0x1;
	(erf) = vpow2.f32 v21  }
0x133: {  	v20 =	vmax.f32 v12, v10;
	v21 =	vmin.f32 v12, v10;
	v22 =	vmul.f32 $1.442695020e+00, v22  }
0x134: {  	v15 =	vmul.f32 v15, v2;
	v17 =	vsub.f32 v18, v17;
	v21 =	vsub.f32 v21, v20  }
0x135: {  	v13 =	vmul.f32 v13, v3;
	v8 =	vsub.f32 v18, v8;
	(erf) = vpow2.f32 v22  }
0x136: {  	v15 =	vmul.f32 v17, v15;
	v17 =	vmul.f32 $1.442695020e+00, v21  }
0x137: {  	v8 =	vmul.f32 v8, v13  }
0x138: {  	(erf) = vpow2.f32 v17  }
0x139: {  	v8 =	vadd.f32 v8, v15;
	_ =	sdelay $0x1  }
0x13a: {  	v13 =	vpop (erf)  }
0x13b: {  	v17 =	vadd.f32 $2.000000000e+00, v13;
	_ =	sdelay $0x1  }
0x13c: {  	(erf) = vrcp.f32 v17;
	v15 =	vpop (erf)  }
0x13d: {  	v15 =	vadd.f32 $1.000000000e+00, v15;
	_ =	sdelay $0x1  }
0x13e: {  	v17 =	vpop (erf);
	(erf) = vrcp.f32 v15  }
0x13f: {  	v15 =	vadd.f32 $2.000000000e+00, v17;
	_ =	sdelay $0x1  }
0x140: {  	(erf) = vrcp.f32 v15;
	_ =	sdelay $0x2  }
0x141: {  	v15 =	vpop (erf)  }
0x142: {  	v15 =	vmul.f32 v15, v13;
	_ =	sdelay $0x1  }
0x143: {  	v13 =	vmul.f32 v15, v15;
	v18 =	vpop (erf)  }
0x144: {  	v21 =	vmul.f32 $1.000000000e+01, v18  }
0x145: {  	v22 =	vmul.f32 $2.222222240e-01, v13  }
0x146: {  	v21 =	vtrunc.f32 v21;
	v23 =	vpop (erf)  }
0x147: {  	v22 =	vadd.f32 $2.857142980e-01, v22;
	v17 =	vmul.f32 v23, v17;
	v21 =	vcvt.f32.s32 v21;
	_ =	sdelay $0x1  }
0x148: {  	v22 =	vmul.f32 v22, v13;
	v23 =	vmul.f32 v17, v17;
	vm1 =	vlt.s32 v21, $0x9  }
0x149: {  	v21 =	vnsel vm1, $0x9, v21  }
0x14a: {  	v22 =	vadd.f32 $4.000000060e-01, v22;
	v24 =	vmul.f32 $2.222222240e-01, v23;
	_ =	sdelay $0x1  }
0x14b: {  	v22 =	vmul.f32 v22, v13;
	v24 =	vadd.f32 $2.857142980e-01, v24;
	_ =	sdelay $0x1  }
0x14c: {  	v25 =	vsel vm0, $0x3F800000, v0;
	v22 =	vadd.f32 $6.666666860e-01, v22;
	v24 =	vmul.f32 v24, v23;
	[tilespmem:v21+s14+$0x0] =	vst.idx.add.f32.msk $0xffff, v1  }
0x14d: {  	[tilespmem:v21+s15+$0x0] =	vst.idx.add.f32.msk $0xffff, v25  }
0x14e: {  	v22 =	vmul.f32 v22, v13;
	v24 =	vadd.f32 $4.000000060e-01, v24;
	[tilespmem:v21+s16+$0x0] =	vst.idx.add.f32.msk $0xffff, v18  }
0x14f: {  	v13 =	vld [tilespmem:s23+$0x40]  }
0x150: {  	v18 =	vadd.f32 $2.000000000e+00, v22;
	v21 =	vmul.f32 v24, v23;
	v22 =	vld [tilespmem:s23+$0x4E60]  }
0x151: {  	v24 =	vld [tilespmem:s23+$0x138C0]  }
0x152: {  	v15 =	vmul.f32 v18, v15;
	v18 =	vadd.f32 $6.666666860e-01, v21;
	v21 =	vld [tilespmem:s23+$0x9C80]  }
0x153: {  	v25 =	vld [tilespmem:s23+$0xEAA0]  }
0x154: {  	v15 =	vadd.f32 v15, v19;
	v18 =	vmul.f32 v18, v23  }
0x155: {  	v19 =	vmax.f32 v13, v22;
	v23 =	vmin.f32 v13, v22;
	v26 =	vsub.f32 $0.0e+00, v22  }
0x156: {  	v18 =	vadd.f32 $2.000000000e+00, v18;
	v23 =	vsub.f32 v23, v19;
	vm0 =	veq.s32 v24, $0x1  }
0x157: {  	v11 =	vsub.f32 v15, v11;
	v7 =	vsub.f32 v15, v7;
	v15 =	vmul.f32 $1.442695020e+00, v26  }
0x158: {  	v17 =	vmul.f32 v18, v17;
	v18 =	vmul.f32 $1.442695020e+00, v23  }
0x159: {  	(erf) = vpow2.f32 v15  }
0x15a: {  	v9 =	vmul.f32 v9, v3;
	v15 =	vadd.f32 v17, v20;
	(erf) = vpow2.f32 v18  }
0x15b: {  	v5 =	vmul.f32 v5, v2;
	v16 =	vmul.f32 v16, v3  }
0x15c: {  	v14 =	vmul.f32 v14, v2;
	v12 =	vsub.f32 v15, v12;
	v10 =	vsub.f32 v15, v10  }
0x15d: {  	v5 =	vmul.f32 v11, v5;
	v7 =	vmul.f32 v7, v9  }
0x15e: {  	v9 =	vmul.f32 v12, v14;
	v10 =	vmul.f32 v10, v16;
	_ =	sdelay $0x1  }
0x15f: {  	v11 =	vadd.f32 v7, v5;
	v7 =	vadd.f32 v10, v9;
	_ =	sdelay $0x1  }
0x160: {  	v7 =	vadd.f32 v7, v11;
	v5 =	vpop (erf)  }
0x161: {  	v5 =	vadd.f32 $1.000000000e+00, v5;
	v9 =	vpop (erf)  }
0x162: {  	v10 =	vadd.f32 $2.000000000e+00, v9  }
0x163: {  	(erf) = vrcp.f32 v5  }
0x164: {  	(erf) = vrcp.f32 v10;
	_ =	sdelay $0x7  }
0x165: {  	v5 =	vpop (erf)  }
0x166: {  	v10 =	vmul.f32 $1.000000000e+01, v5;
	v11 =	vpop (erf)  }
0x167: {  	v9 =	vmul.f32 v11, v9  }
0x168: {  	v10 =	vtrunc.f32 v10  }
0x169: {  	v11 =	vmul.f32 v9, v9;
	v10 =	vcvt.f32.s32 v10;
	_ =	sdelay $0x1  }
0x16a: {  	v12 =	vmul.f32 $2.222222240e-01, v11;
	vm1 =	vlt.s32 v10, $0x9  }
0x16b: {  	v10 =	vnsel vm1, $0x9, v10  }
0x16c: {  	v12 =	vadd.f32 $2.857142980e-01, v12;
	_ =	sdelay $0x1  }
0x16d: {  	v12 =	vmul.f32 v12, v11;
	_ =	sdelay $0x1  }
0x16e: {  	v14 =	vsel vm0, $0x3F800000, v0;
	v12 =	vadd.f32 $4.000000060e-01, v12;
	[tilespmem:v10+s14+$0x0] =	vst.idx.add.f32.msk $0xffff, v1  }
0x16f: {  	[tilespmem:v10+s15+$0x0] =	vst.idx.add.f32.msk $0xffff, v14  }
0x170: {  	s23 =	sshra.s32 s24, $0x2;
	v12 =	vmul.f32 v12, v11;
	[tilespmem:v10+s16+$0x0] =	vst.idx.add.f32.msk $0xffff, v5  }
0x171: {  	v5 =	vld [tilespmem:s23+$0x4E20]  }
0x172: {  	v10 =	vadd.f32 $6.666666860e-01, v12;
	_ =	sdelay $0x1  }
0x173: {  	v10 =	vmul.f32 v10, v11;
	_ =	sdelay $0x1  }
0x174: {  	v11 =	vsub.f32 $0.0e+00, v5;
	v10 =	vadd.f32 $2.000000000e+00, v10;
	_ =	sdelay $0x1  }
0x175: {  	v11 =	vmul.f32 $1.442695020e+00, v11;
	v9 =	vmul.f32 v10, v9;
	_ =	sdelay $0x1  }
0x176: {  	(erf) = vpow2.f32 v11;
	v9 =	vadd.f32 v9, v19  }
0x177: {  	v10 =	vmul.f32 v21, v2;
	v11 =	vmul.f32 v25, v3  }
0x178: {  	v12 =	vsub.f32 v9, v13;
	v9 =	vsub.f32 v9, v22  }
0x179: {  	v6 =	vadd.f32 v8, v6  }
.Ltmp0:
0x17a: {  	v8 =	vmul.f32 v12, v10;
	v9 =	vmul.f32 v9, v11;
	(pc) =	sbr.rel @p0 .LBB2_3-.Ltmp0, $3  }
0x17b: {  	v6 =	vadd.f32 v7, v6  }
0x17c: {  	v7 =	vadd.f32 v9, v8;
	_ =	sdelay $0x1  }
0x17d: {  	v6 =	vadd.f32 v7, v6  }
0x17e: {  	v7 =	vpop (erf)  }
0x17f: {  	v7 =	vadd.f32 $1.000000000e+00, v7;
	_ =	sdelay $0x1  }
0x180: {  	(erf) = vrcp.f32 v7;
	_ =	sdelay $0x8  }
0x181: {  	v7 =	vpop (erf)  }
0x182: {  	v8 =	vmul.f32 $1.000000000e+01, v7;
	_ =	sdelay $0x1  }
0x183: {  	v8 =	vtrunc.f32 v8  }
0x184: {  	v8 =	vcvt.f32.s32 v8;
	_ =	sdelay $0x1  }
0x185: {  	v11 =	vld [tilespmem:s23+$0x13880];
	vm0 =	vlt.s32 v8, $0x9  }
0x186: {  	v8 =	vnsel vm0, $0x9, v8;
	_ =	sdelay $0x1  }
0x187: {  	v9 =	vld [tilespmem:s23+$0xEA60]  }
0x188: {  	v19 =	vld [tilespmem:s23+$0x9C40]  }
0x189: {  	v21 =	vld [tilespmem:s23+$0x0];
	vm9 =	veq.s32 v11, $0x1  }
0x18a: {  	v11 =	vsel vm9, $0x3F800000, v0;
	[tilespmem:v8+s14+$0x0] =	vst.idx.add.f32.msk $0xffff, v1  }
0x18b: {  	[tilespmem:v8+s15+$0x0] =	vst.idx.add.f32.msk $0xffff, v11  }
0x18c: {  	[tilespmem:v8+s16+$0x0] =	vst.idx.add.f32.msk $0xffff, v7  }
0x18d: {  	v18 =	vld [tilespmem:s23+$0x4E30];
	_ =	sdelay $0x2  }
0x18e: {  	v30 =	vmax.f32 v21, v5;
	v8 =	vmin.f32 v21, v5  }
0x18f: {  	v8 =	vsub.f32 v8, v30  }
0x190: {  	v20 =	vsub.f32 $0.0e+00, v18  }
0x191: {  	v8 =	vmul.f32 $1.442695020e+00, v8  }
0x192: {  	v11 =	vmul.f32 $1.442695020e+00, v20  }
0x193: {  	(erf) = vpow2.f32 v8  }
0x194: {  	(erf) = vpow2.f32 v11;
	_ =	sdelay $0x7  }
0x195: {  	v39 =	vpop (erf)  }
0x196: {  	v8 =	vadd.f32 $2.000000000e+00, v39;
	v11 =	vpop (erf)  }
0x197: {  	v11 =	vadd.f32 $1.000000000e+00, v11  }
0x198: {  	(erf) = vrcp.f32 v8  }
0x199: {  	(erf) = vrcp.f32 v11;
	_ =	sdelay $0x7  }
0x19a: {  	v43 =	vpop (erf)  }
0x19b: {  	v8 =	vpop (erf)  }
0x19c: {  	v22 =	vmul.f32 $1.000000000e+01, v8;
	_ =	sdelay $0x1  }
0x19d: {  	v11 =	vtrunc.f32 v22  }
0x19e: {  	v11 =	vcvt.f32.s32 v11  }
0x19f: {  	v7 =	vld [tilespmem:s23+$0xEA70]  }
0x1a0: {  	v13 =	vld [tilespmem:s23+$0x13890];
	vm10 =	vlt.s32 v11, $0x9  }
0x1a1: {  	v11 =	vnsel vm10, $0x9, v11;
	_ =	sdelay $0x2  }
0x1a2: {  	[tilespmem:$0x1FFC0] =	vst v7;
	v7 =	vld [tilespmem:s23+$0x9C50]  }
0x1a3: {  	vm11 =	veq.s32 v13, $0x1;
	v20 =	vld [tilespmem:s23+$0x10]  }
0x1a4: {  	v13 =	vsel vm11, $0x3F800000, v0;
	[tilespmem:v11+s14+$0x0] =	vst.idx.add.f32.msk $0xffff, v1  }
0x1a5: {  	[tilespmem:v11+s15+$0x0] =	vst.idx.add.f32.msk $0xffff, v13  }
0x1a6: {  	[tilespmem:v11+s16+$0x0] =	vst.idx.add.f32.msk $0xffff, v8  }
0x1a7: {  	v16 =	vld [tilespmem:s23+$0x4E40];
	_ =	sdelay $0x2  }
0x1a8: {  	v25 =	vmax.f32 v20, v18;
	v23 =	vmin.f32 v20, v18  }
0x1a9: {  	v11 =	vsub.f32 v23, v25  }
0x1aa: {  	v24 =	vsub.f32 $0.0e+00, v16  }
0x1ab: {  	v11 =	vmul.f32 $1.442695020e+00, v11  }
0x1ac: {  	v13 =	vmul.f32 $1.442695020e+00, v24  }
0x1ad: {  	(erf) = vpow2.f32 v11  }
0x1ae: {  	(erf) = vpow2.f32 v13;
	_ =	sdelay $0x7  }
0x1af: {  	v49 =	vpop (erf)  }
0x1b0: {  	v26 =	vadd.f32 $2.000000000e+00, v49;
	v13 =	vpop (erf)  }
0x1b1: {  	v13 =	vadd.f32 $1.000000000e+00, v13  }
0x1b2: {  	(erf) = vrcp.f32 v26  }
0x1b3: {  	(erf) = vrcp.f32 v13;
	_ =	sdelay $0x7  }
0x1b4: {  	v50 =	vpop (erf)  }
0x1b5: {  	v27 =	vpop (erf)  }
0x1b6: {  	v28 =	vmul.f32 $1.000000000e+01, v27;
	_ =	sdelay $0x1  }
0x1b7: {  	v13 =	vtrunc.f32 v28  }
0x1b8: {  	v13 =	vcvt.f32.s32 v13  }
0x1b9: {  	v17 =	vld [tilespmem:s23+$0x138A0]  }
0x1ba: {  	[tilespmem:$0x1FFB0] =	vst v7;
	v7 =	vld [tilespmem:s23+$0xEA80];
	vm12 =	vlt.s32 v13, $0x9  }
0x1bb: {  	v13 =	vnsel vm12, $0x9, v13;
	_ =	sdelay $0x2  }
0x1bc: {  	[tilespmem:$0x1FF90] =	vst v19;
	v19 =	vld [tilespmem:s23+$0x20]  }
0x1bd: {  	[tilespmem:$0x1FFE0] =	vst v7;
	v7 =	vld [tilespmem:s23+$0x9C60];
	vm13 =	veq.s32 v17, $0x1  }
0x1be: {  	v17 =	vsel vm13, $0x3F800000, v0;
	[tilespmem:v13+s14+$0x0] =	vst.idx.add.f32.msk $0xffff, v1  }
0x1bf: {  	[tilespmem:v13+s15+$0x0] =	vst.idx.add.f32.msk $0xffff, v17  }
0x1c0: {  	[tilespmem:v13+s16+$0x0] =	vst.idx.add.f32.msk $0xffff, v27  }
0x1c1: {  	v13 =	vld [tilespmem:s23+$0x4E50];
	_ =	sdelay $0x2  }
0x1c2: {  	v29 =	vmin.f32 v19, v16;
	v26 =	vmax.f32 v19, v16  }
0x1c3: {  	v11 =	vsub.f32 v29, v26  }
0x1c4: {  	v31 =	vsub.f32 $0.0e+00, v13  }
0x1c5: {  	v11 =	vmul.f32 $1.442695020e+00, v11  }
0x1c6: {  	v17 =	vmul.f32 $1.442695020e+00, v31  }
0x1c7: {  	(erf) = vpow2.f32 v11  }
0x1c8: {  	v22 =	vld [tilespmem:s23+$0x30];
	(erf) = vpow2.f32 v17;
	_ =	sdelay $0x4  }
0x1c9: {  	v24 =	vmax.f32 v22, v13;
	v32 =	vmin.f32 v22, v13  }
0x1ca: {  	v11 =	vsub.f32 v32, v24;
	_ =	sdelay $0x1  }
0x1cb: {  	v54 =	vpop (erf);
	v11 =	vmul.f32 $1.442695020e+00, v11  }
0x1cc: {  	v33 =	vadd.f32 $2.000000000e+00, v54;
	v23 =	vpop (erf)  }
0x1cd: {  	(erf) = vpow2.f32 v11;
	v34 =	vadd.f32 $1.000000000e+00, v23  }
0x1ce: {  	(erf) = vrcp.f32 v33  }
0x1cf: {  	(erf) = vrcp.f32 v34;
	_ =	sdelay $0x6  }
0x1d0: {  	v55 =	vpop (erf)  }
0x1d1: {  	v56 =	vpop (erf)  }
0x1d2: {  	v11 =	vpop (erf)  }
0x1d3: {  	v35 =	vmul.f32 $1.000000000e+01, v11;
	_ =	sdelay $0x1  }
0x1d4: {  	v17 =	vtrunc.f32 v35  }
0x1d5: {  	v17 =	vcvt.f32.s32 v17;
	_ =	sdelay $0x1  }
0x1d6: {  	v36 =	vld [tilespmem:s23+$0x138B0];
	vm14 =	vlt.s32 v17, $0x9  }
0x1d7: {  	v17 =	vnsel vm14, $0x9, v17;
	_ =	sdelay $0x2  }
0x1d8: {  	[tilespmem:$0x1FFD0] =	vst v7;
	v7 =	vld [tilespmem:s23+$0xEA90]  }
0x1d9: {  	vm15 =	veq.s32 v36, $0x1;
	v32 =	vld [tilespmem:s23+$0x9C70]  }
0x1da: {  	v23 =	vsel vm15, $0x3F800000, v0;
	[tilespmem:v17+s14+$0x0] =	vst.idx.add.f32.msk $0xffff, v1  }
0x1db: {  	[tilespmem:v17+s15+$0x0] =	vst.idx.add.f32.msk $0xffff, v23  }
0x1dc: {  	[tilespmem:v17+s16+$0x0] =	vst.idx.add.f32.msk $0xffff, v11  }
0x1dd: {  	v14 =	vld [tilespmem:s23+$0x4E60];
	_ =	sdelay $0x4  }
0x1de: {  	v37 =	vsub.f32 $0.0e+00, v14  }
0x1df: {  	v38 =	vadd.f32 $2.000000000e+00, v55  }
0x1e0: {  	v17 =	vmul.f32 $1.442695020e+00, v37  }
0x1e1: {  	(erf) = vrcp.f32 v38  }
0x1e2: {  	(erf) = vpow2.f32 v17  }
0x1e3: {  	v17 =	vld [tilespmem:s23+$0x40];
	_ =	sdelay $0x4  }
0x1e4: {  	v23 =	vmax.f32 v17, v14;
	v27 =	vmin.f32 v17, v14  }
0x1e5: {  	v27 =	vsub.f32 v27, v23  }
0x1e6: {  	v58 =	vpop (erf)  }
0x1e7: {  	v27 =	vmul.f32 $1.442695020e+00, v27;
	v28 =	vpop (erf)  }
0x1e8: {  	v28 =	vadd.f32 $1.000000000e+00, v28  }
0x1e9: {  	(erf) = vpow2.f32 v27  }
0x1ea: {  	(erf) = vrcp.f32 v28;
	_ =	sdelay $0x7  }
0x1eb: {  	v51 =	vpop (erf)  }
0x1ec: {  	v29 =	vpop (erf)  }
0x1ed: {  	v40 =	vmul.f32 $1.000000000e+01, v29;
	_ =	sdelay $0x1  }
0x1ee: {  	v27 =	vtrunc.f32 v40  }
0x1ef: {  	v27 =	vcvt.f32.s32 v27;
	_ =	sdelay $0x1  }
0x1f0: {  	v31 =	vld [tilespmem:s23+$0x138C0];
	vm4 =	vlt.s32 v27, $0x9  }
0x1f1: {  	v33 =	vnsel vm4, $0x9, v27;
	_ =	sdelay $0x2  }
0x1f2: {  	s22 =	smul.u32 $0x4E20, s21;
	v28 =	vld [tilespmem:s23+$0xEAA0]  }
0x1f3: {  	vm5 =	veq.s32 v31, $0x1;
	v27 =	vld [tilespmem:s23+$0x9C80]  }
0x1f4: {  	s24 =	sadd.s32 s22, s19;
	v34 =	vsel vm5, $0x3F800000, v0;
	v41 =	vadd.f32 $2.000000000e+00, v51;
	[tilespmem:v33+s14+$0x0] =	vst.idx.add.f32.msk $0xffff, v1  }
0x1f5: {  	s23 =	sshrl.u32 s24, $0x3;
	[tilespmem:v33+s15+$0x0] =	vst.idx.add.f32.msk $0xffff, v34  }
0x1f6: {  	s25 =	simm.s32 $0x0;
	(erf) = vrcp.f32 v41;
	s24 =	sadd.s32 s6, s23;
	[tilespmem:v33+s16+$0x0] =	vst.idx.add.f32.msk $0xffff, v29  }
0x1f7: {  	[tilespmem:s25], [sflag:$0x1] =	stream.linear.gather [hbm4b:s24+s25], $0x2710, $0x38;
	[tilespmem:$0x18730] =	vst v63  }
0x1f8: {  	s24 =	sadd.s32 s1, s23  }
0x1f9: {  	[tilespmem:s31], [sflag:$0x1] =	stream.linear.gather [hbm4b:s24+s25], $0x2710, $0x38;
	[tilespmem:$0x18730] =	vst v63  }
0x1fa: {  	s24 =	sadd.s32 s7, s23  }
0x1fb: {  	[tilespmem:s0], [sflag:$0x1] =	stream.linear.gather [hbm4b:s24+s25], $0x2710, $0x38;
	[tilespmem:$0x18730] =	vst v63  }
0x1fc: {  	[tilespmem:$0x1FFA0] =	vst v9;
	s24 =	sadd.s32 s8, s23  }
0x1fd: {  	[tilespmem:s3], [sflag:$0x1] =	stream.linear.gather [hbm4b:s24+s25], $0x2710, $0x38;
	[tilespmem:$0x18730] =	vst v63  }
0x1fe: {  	[tilespmem:$0x1FFF0] =	vst v7;
	s23 =	sadd.s32 s2, s23  }
0x1ff: {  	v57 =	vpop (erf);
	[tilespmem:s4], [sflag:$0x1] =	stream.linear.gather [hbm4b:s23+s25], $0x2710, $0x38;
	[tilespmem:$0x18730] =	vst v63  }
0x200: {  	_ =	swait.ge [sflag:s17], $0x2710  }
0x201: {  	[sflag:s17] =	ssyncset.done $0x0  }
0x202: {  	[sflag:s17] =	ssyncadd.s32 $0xFFFFD8F0  }
0x203: {  	_ =	swait.ge [sflag:s17], $0x2710  }
0x204: {  	[sflag:s17] =	ssyncset.done $0x0  }
0x205: {  	[sflag:s17] =	ssyncadd.s32 $0xFFFFD8F0  }
0x206: {  	_ =	swait.ge [sflag:s17], $0x2710  }
0x207: {  	[sflag:s17] =	ssyncset.done $0x0  }
0x208: {  	[sflag:s17] =	ssyncadd.s32 $0xFFFFD8F0  }
0x209: {  	_ =	swait.ge [sflag:s17], $0x2710  }
0x20a: {  	[sflag:s17] =	ssyncset.done $0x0  }
0x20b: {  	[sflag:s17] =	ssyncadd.s32 $0xFFFFD8F0  }
0x20c: {  	_ =	swait.ge [sflag:s17], $0x2710  }
0x20d: {  	[sflag:s17] =	ssyncset.done $0x0  }
0x20e: {  	s25 =	simm.s32 $0x0;
	[sflag:s17] =	ssyncadd.s32 $0xFFFFD8F0  }
0x20f: {  	v31 =	vld [tilespmem:s25+$0x7530];
	_ =	sdelay $0x4  }
0x210: {  	v42 =	vsub.f32 $0.0e+00, v31;
	_ =	sdelay $0x1  }
0x211: {  	v29 =	vmul.f32 $1.442695020e+00, v42;
	_ =	sdelay $0x1  }
0x212: {  	(erf) = vpow2.f32 v29;
	_ =	sdelay $0x8  }
0x213: {  	v29 =	vpop (erf)  }
0x214: {  	v29 =	vadd.f32 $1.000000000e+00, v29;
	_ =	sdelay $0x1  }
0x215: {  	(erf) = vrcp.f32 v29;
	_ =	sdelay $0x8  }
0x216: {  	v44 =	vpop (erf)  }
0x217: {  	v45 =	vmul.f32 $1.000000000e+01, v44;
	_ =	sdelay $0x1  }
0x218: {  	v29 =	vtrunc.f32 v45  }
0x219: {  	v29 =	vcvt.f32.s32 v29;
	_ =	sdelay $0x1  }
0x21a: {  	v46 =	vld [tilespmem:s25+$0x15F90];
	vm6 =	vlt.s32 v29, $0x9  }
0x21b: {  	v37 =	vnsel vm6, $0x9, v29;
	_ =	sdelay $0x1  }
0x21c: {  	v35 =	vld [tilespmem:s25+$0xC350]  }
0x21d: {  	v36 =	vld [tilespmem:s25+$0x2710]  }
0x21e: {  	vm7 =	veq.s32 v46, $0x1;
	v29 =	vld [tilespmem:s25+$0x11170]  }
0x21f: {  	v34 =	vsel vm7, $0x3F800000, v0;
	[tilespmem:v37+s14+$0x0] =	vst.idx.add.f32.msk $0xffff, v1  }
0x220: {  	[tilespmem:v37+s15+$0x0] =	vst.idx.add.f32.msk $0xffff, v34  }
0x221: {  	[tilespmem:v37+s16+$0x0] =	vst.idx.add.f32.msk $0xffff, v44  }
0x222: {  	v33 =	vld [tilespmem:s25+$0x7540];
	_ =	sdelay $0x2  }
0x223: {  	v41 =	vmax.f32 v36, v31;
	v47 =	vmin.f32 v36, v31  }
0x224: {  	v34 =	vsub.f32 v47, v41  }
0x225: {  	v48 =	vsub.f32 $0.0e+00, v33  }
0x226: {  	v34 =	vmul.f32 $1.442695020e+00, v34  }
0x227: {  	v37 =	vmul.f32 $1.442695020e+00, v48  }
0x228: {  	(erf) = vpow2.f32 v34  }
0x229: {  	(erf) = vpow2.f32 v37;
	_ =	sdelay $0x7  }
0x22a: {  	v59 =	vpop (erf)  }
0x22b: {  	v52 =	vadd.f32 $2.000000000e+00, v59;
	v37 =	vpop (erf)  }
0x22c: {  	v37 =	vadd.f32 $1.000000000e+00, v37  }
0x22d: {  	(erf) = vrcp.f32 v52  }
0x22e: {  	(erf) = vrcp.f32 v37;
	_ =	sdelay $0x7  }
0x22f: {  	v60 =	vpop (erf)  }
0x230: {  	v53 =	vpop (erf)  }
0x231: {  	v61 =	vmul.f32 $1.000000000e+01, v53;
	_ =	sdelay $0x1  }
0x232: {  	v37 =	vtrunc.f32 v61  }
0x233: {  	v37 =	vcvt.f32.s32 v37;
	_ =	sdelay $0x1  }
0x234: {  	v40 =	vld [tilespmem:s25+$0x15FA0];
	vm8 =	vlt.s32 v37, $0x9  }
0x235: {  	v44 =	vnsel vm8, $0x9, v37;
	_ =	sdelay $0x1  }
0x236: {  	v38 =	vld [tilespmem:s25+$0xC360]  }
0x237: {  	v42 =	vld [tilespmem:s25+$0x2720]  }
0x238: {  	vm9 =	veq.s32 v40, $0x1;
	v37 =	vld [tilespmem:s25+$0x11180]  }
0x239: {  	v40 =	vsel vm9, $0x3F800000, v0;
	[tilespmem:v44+s14+$0x0] =	vst.idx.add.f32.msk $0xffff, v1  }
0x23a: {  	[tilespmem:v44+s15+$0x0] =	vst.idx.add.f32.msk $0xffff, v40  }
0x23b: {  	[tilespmem:v44+s16+$0x0] =	vst.idx.add.f32.msk $0xffff, v53  }
0x23c: {  	v34 =	vld [tilespmem:s25+$0x7550];
	_ =	sdelay $0x2  }
0x23d: {  	v62 =	vmin.f32 v42, v33;
	v48 =	vmax.f32 v42, v33  }
0x23e: {  	v40 =	vsub.f32 v62, v48  }
0x23f: {  	v63 =	vsub.f32 $0.0e+00, v34  }
0x240: {  	v40 =	vmul.f32 $1.442695020e+00, v40  }
0x241: {  	v44 =	vmul.f32 $1.442695020e+00, v63  }
0x242: {  	(erf) = vpow2.f32 v40  }
0x243: {  	(erf) = vpow2.f32 v44;
	_ =	sdelay $0x7  }
0x244: {  	v61 =	vpop (erf)  }
0x245: {  	v9 =	vadd.f32 $2.000000000e+00, v61;
	v44 =	vpop (erf)  }
0x246: {  	v44 =	vadd.f32 $1.000000000e+00, v44  }
0x247: {  	(erf) = vrcp.f32 v9  }
0x248: {  	(erf) = vrcp.f32 v44;
	_ =	sdelay $0x7  }
0x249: {  	v62 =	vpop (erf)  }
0x24a: {  	v44 =	vpop (erf)  }
0x24b: {  	v10 =	vmul.f32 $1.000000000e+01, v44;
	_ =	sdelay $0x1  }
0x24c: {  	v40 =	vtrunc.f32 v10  }
0x24d: {  	v40 =	vcvt.f32.s32 v40;
	_ =	sdelay $0x1  }
0x24e: {  	v47 =	vld [tilespmem:s25+$0x15FB0];
	vm10 =	vlt.s32 v40, $0x9  }
0x24f: {  	v52 =	vnsel vm10, $0x9, v40;
	_ =	sdelay $0x1  }
0x250: {  	v45 =	vld [tilespmem:s25+$0xC370]  }
0x251: {  	v46 =	vld [tilespmem:s25+$0x2730]  }
0x252: {  	vm11 =	veq.s32 v47, $0x1;
	v40 =	vld [tilespmem:s25+$0x11190]  }
0x253: {  	v47 =	vsel vm11, $0x3F800000, v0;
	[tilespmem:v52+s14+$0x0] =	vst.idx.add.f32.msk $0xffff, v1  }
0x254: {  	[tilespmem:v52+s15+$0x0] =	vst.idx.add.f32.msk $0xffff, v47  }
0x255: {  	[tilespmem:v52+s16+$0x0] =	vst.idx.add.f32.msk $0xffff, v44  }
0x256: {  	v44 =	vld [tilespmem:s25+$0x7560];
	_ =	sdelay $0x2  }
0x257: {  	v11 =	vmin.f32 v46, v34;
	v52 =	vmax.f32 v46, v34  }
0x258: {  	v47 =	vsub.f32 v11, v52  }
0x259: {  	v53 =	vsub.f32 $0.0e+00, v44  }
0x25a: {  	v47 =	vmul.f32 $1.442695020e+00, v47  }
0x25b: {  	v53 =	vmul.f32 $1.442695020e+00, v53  }
0x25c: {  	(erf) = vpow2.f32 v47  }
0x25d: {  	v47 =	vld [tilespmem:s25+$0x2740];
	(erf) = vpow2.f32 v53;
	_ =	sdelay $0x4  }
0x25e: {  	v53 =	vmax.f32 v47, v44;
	v63 =	vmin.f32 v47, v44  }
0x25f: {  	v9 =	vmul.f32 v43, v39;
	v63 =	vsub.f32 v63, v53;
	_ =	sdelay $0x1  }
0x260: {  	v12 =	vmul.f32 $1.442695020e+00, v63;
	v63 =	vmul.f32 v9, v9;
	v39 =	vpop (erf)  }
0x261: {  	v8 =	vadd.f32 $2.000000000e+00, v39;
	v7 =	vpop (erf)  }
0x262: {  	(erf) = vpow2.f32 v12;
	v15 =	vmul.f32 $2.222222240e-01, v63;
	v7 =	vadd.f32 $1.000000000e+00, v7  }
0x263: {  	(erf) = vrcp.f32 v8  }
0x264: {  	v12 =	vmul.f32 v50, v49;
	(erf) = vrcp.f32 v7;
	v7 =	vadd.f32 $2.857142980e-01, v15;
	_ =	sdelay $0x1  }
0x265: {  	v49 =	vmul.f32 v12, v12;
	v7 =	vmul.f32 v7, v63;
	_ =	sdelay $0x1  }
0x266: {  	v10 =	vmul.f32 $2.222222240e-01, v49;
	v7 =	vadd.f32 $4.000000060e-01, v7;
	_ =	sdelay $0x1  }
0x267: {  	v11 =	vadd.f32 $2.857142980e-01, v10;
	v7 =	vmul.f32 v7, v63;
	_ =	sdelay $0x1  }
0x268: {  	v54 =	vmul.f32 v56, v54;
	v50 =	vmul.f32 v11, v49;
	v43 =	vpop (erf);
	v7 =	vadd.f32 $6.666666860e-01, v7  }
0x269: {  	v55 =	vmul.f32 v58, v55;
	v15 =	vpop (erf)  }
0x26a: {  	v58 =	vmul.f32 v54, v54;
	v50 =	vadd.f32 $4.000000060e-01, v50;
	v11 =	vpop (erf);
	v7 =	vmul.f32 v7, v63  }
0x26b: {  	v10 =	vmul.f32 $1.000000000e+01, v11  }
0x26c: {  	v50 =	vmul.f32 v50, v49;
	v63 =	vmul.f32 $2.222222240e-01, v58;
	v8 =	vadd.f32 $2.000000000e+00, v7  }
0x26d: {  	v56 =	vtrunc.f32 v10;
	v7 =	vmul.f32 v55, v55  }
0x26e: {  	v56 =	vcvt.f32.s32 v56;
	v8 =	vmul.f32 v8, v9;
	v9 =	vadd.f32 $6.666666860e-01, v50  }
0x26f: {  	v50 =	vadd.f32 $2.857142980e-01, v63;
	v63 =	vmul.f32 $2.222222240e-01, v7  }
0x270: {  	v10 =	vld [tilespmem:s25+$0x15FC0];
	vm12 =	vlt.s32 v56, $0x9;
	v9 =	vmul.f32 v9, v49  }
0x271: {  	v49 =	vnsel vm12, $0x9, v56;
	v8 =	vadd.f32 v8, v30;
	v63 =	vadd.f32 $2.857142980e-01, v63  }
0x272: {  	v30 =	vmul.f32 v50, v58  }
0x273: {  	v9 =	vadd.f32 $2.000000000e+00, v9;
	v56 =	vsub.f32 v8, v21;
	v50 =	vmul.f32 v63, v7;
	v21 =	vld [tilespmem:s25+$0xC380]  }
0x274: {  	v8 =	vsub.f32 v8, v5;
	v5 =	vld [tilespmem:s25+$0x111A0]  }
0x275: {  	vm13 =	veq.s32 v10, $0x1;
	v9 =	vmul.f32 v9, v12;
	v12 =	vadd.f32 $4.000000060e-01, v50;
	v50 =	vld [tilespmem:$0x1FF90]  }
0x276: {  	v63 =	vsel vm13, $0x3F800000, v0;
	[tilespmem:v49+s14+$0x0] =	vst.idx.add.f32.msk $0xffff, v1  }
0x277: {  	[tilespmem:v49+s15+$0x0] =	vst.idx.add.f32.msk $0xffff, v63  }
0x278: {  	v30 =	vadd.f32 $4.000000060e-01, v30;
	v63 =	vld [tilespmem:$0x1FFA0];
	_ =	sdelay $0x1  }
0x279: {  	v10 =	vmul.f32 v30, v58  }
0x27a: {  	[tilespmem:v49+s16+$0x0] =	vst.idx.add.f32.msk $0xffff, v11;
	v30 =	vmul.f32 v50, v2  }
0x27b: {  	v10 =	vadd.f32 $6.666666860e-01, v10;
	v12 =	vmul.f32 v12, v7;
	v49 =	vadd.f32 v9, v25;
	v9 =	vld [tilespmem:s25+$0x2750]  }
0x27c: {  	v50 =	vmul.f32 v63, v3;
	v25 =	vmul.f32 v56, v30;
	v56 =	vld [tilespmem:$0x1FFC0]  }
0x27d: {  	v12 =	vadd.f32 $6.666666860e-01, v12;
	v63 =	vmul.f32 v10, v58;
	v10 =	vld [tilespmem:s25+$0x7570]  }
0x27e: {  	v8 =	vmul.f32 v8, v50;
	v50 =	vld [tilespmem:$0x1FFB0]  }
0x27f: {  	v7 =	vmul.f32 v12, v7  }
0x280: {  	v20 =	vsub.f32 v49, v20  }
0x281: {  	v11 =	vsub.f32 v49, v18;
	v58 =	vadd.f32 $2.000000000e+00, v7;
	v49 =	vmul.f32 v56, v3  }
0x282: {  	v12 =	vmul.f32 v57, v51;
	v30 =	vadd.f32 $2.000000000e+00, v63;
	v57 =	vsub.f32 $0.0e+00, v10  }
0x283: {  	v7 =	vmax.f32 v9, v10;
	v18 =	vmul.f32 v50, v2;
	v11 =	vmul.f32 v11, v49  }
0x284: {  	v63 =	vmin.f32 v9, v10;
	v49 =	vmul.f32 v12, v12;
	v51 =	vmul.f32 $1.442695020e+00, v57  }
0x285: {  	v50 =	vsub.f32 v63, v7;
	v18 =	vmul.f32 v20, v18;
	v20 =	vmul.f32 v30, v54  }
0x286: {  	v30 =	vmul.f32 v58, v55;
	v63 =	vmul.f32 $2.222222240e-01, v49  }
0x287: {  	v58 =	vadd.f32 $2.000000000e+00, v43;
	v57 =	vmul.f32 $1.442695020e+00, v50;
	v50 =	vmul.f32 v60, v59;
	v59 =	vld [tilespmem:$0x1FFD0]  }
0x288: {  	v55 =	vld [tilespmem:$0x1FFE0]  }
0x289: {  	v15 =	vmul.f32 v15, v39;
	(erf) = vrcp.f32 v58;
	v58 =	vadd.f32 $2.857142980e-01, v63  }
0x28a: {  	v20 =	vadd.f32 v20, v26;
	(erf) = vpow2.f32 v51;
	v51 =	vmul.f32 v50, v50  }
0x28b: {  	v63 =	vadd.f32 v30, v24;
	(erf) = vpow2.f32 v57;
	v60 =	vmul.f32 v58, v49  }
0x28c: {  	v19 =	vsub.f32 v20, v19;
	v16 =	vsub.f32 v20, v16;
	v56 =	vmul.f32 $2.222222240e-01, v51  }
0x28d: {  	v54 =	vmul.f32 v59, v2;
	v24 =	vmul.f32 v55, v3;
	v26 =	vadd.f32 $4.000000060e-01, v60;
	v60 =	vld [tilespmem:$0x1FFF0]  }
0x28e: {  	v30 =	vmul.f32 v62, v61;
	v57 =	vmul.f32 v32, v2;
	v59 =	vadd.f32 $2.857142980e-01, v56  }
0x28f: {  	v19 =	vmul.f32 v19, v54;
	v16 =	vmul.f32 v16, v24  }
0x290: {  	v8 =	vadd.f32 v8, v25;
	v58 =	vmul.f32 v26, v49;
	v32 =	vmul.f32 v59, v51  }
0x291: {  	v22 =	vsub.f32 v63, v22;
	v16 =	vadd.f32 v16, v19;
	v19 =	vmul.f32 v30, v30  }
0x292: {  	v13 =	vsub.f32 v63, v13;
	v63 =	vadd.f32 $6.666666860e-01, v58;
	v20 =	vmul.f32 v60, v3;
	v26 =	vpop (erf)  }
0x293: {  	v22 =	vmul.f32 v22, v57;
	v25 =	vadd.f32 $4.000000060e-01, v32;
	v55 =	vmul.f32 $2.222222240e-01, v19;
	v54 =	vpop (erf)  }
0x294: {  	v24 =	vmul.f32 v63, v49;
	v13 =	vmul.f32 v13, v20;
	v20 =	vadd.f32 $1.000000000e+00, v54;
	v32 =	vpop (erf)  }
0x295: {  	v58 =	vmul.f32 v25, v51;
	v59 =	vadd.f32 $2.857142980e-01, v55;
	v56 =	vadd.f32 $2.000000000e+00, v32  }
0x296: {  	v57 =	vadd.f32 $2.000000000e+00, v24;
	v24 =	vmul.f32 v15, v15;
	(erf) = vrcp.f32 v20  }
0x297: {  	v13 =	vadd.f32 v13, v22;
	v60 =	vadd.f32 $6.666666860e-01, v58;
	v61 =	vmul.f32 v59, v19  }
0x298: {  	v11 =	vadd.f32 v11, v18;
	(erf) = vrcp.f32 v56;
	v63 =	vmul.f32 $2.222222240e-01, v24  }
0x299: {  	v12 =	vmul.f32 v57, v12;
	v13 =	vadd.f32 v13, v16;
	v62 =	vmul.f32 v60, v51  }
0x29a: {  	v22 =	vmul.f32 v26, v43;
	v16 =	vadd.f32 $4.000000060e-01, v61;
	v20 =	vadd.f32 $2.857142980e-01, v63  }
0x29b: {  	v12 =	vadd.f32 v12, v23;
	v54 =	vadd.f32 $2.000000000e+00, v62  }
0x29c: {  	v8 =	vadd.f32 v11, v8;
	v51 =	vmul.f32 v22, v22;
	v55 =	vmul.f32 v20, v24  }
0x29d: {  	v49 =	vmul.f32 v16, v19;
	v17 =	vsub.f32 v12, v17;
	v11 =	vmul.f32 v54, v50  }
0x29e: {  	v12 =	vsub.f32 v12, v14;
	v18 =	vadd.f32 $4.000000060e-01, v55  }
0x29f: {  	v56 =	vmul.f32 $2.222222240e-01, v51;
	v14 =	vadd.f32 $6.666666860e-01, v49;
	v11 =	vadd.f32 v11, v41  }
0x2a0: {  	v39 =	vmul.f32 v27, v2;
	v8 =	vadd.f32 v13, v8;
	v59 =	vmul.f32 v18, v24  }
0x2a1: {  	v20 =	vadd.f32 $2.857142980e-01, v56;
	v14 =	vmul.f32 v14, v19;
	v57 =	vpop (erf);
	v63 =	vsub.f32 v11, v36  }
0x2a2: {  	v58 =	vpop (erf);
	v11 =	vsub.f32 v11, v31;
	v31 =	vmul.f32 $1.000000000e+01, v57;
	v13 =	vadd.f32 $6.666666860e-01, v59  }
0x2a3: {  	v60 =	vmul.f32 v20, v51;
	v19 =	vmul.f32 v58, v32  }
0x2a4: {  	v4 =	vadd.f32 v6, v4;
	v13 =	vmul.f32 v13, v24;
	v24 =	vtrunc.f32 v31  }
0x2a5: {  	v14 =	vadd.f32 $2.000000000e+00, v14;
	v61 =	vmul.f32 v19, v19;
	v24 =	vcvt.f32.s32 v24  }
0x2a6: {  	v43 =	vmul.f32 v28, v3;
	v17 =	vmul.f32 v17, v39;
	v18 =	vadd.f32 $4.000000060e-01, v60  }
0x2a7: {  	v39 =	vld [tilespmem:s25+$0x15FD0];
	v14 =	vmul.f32 v14, v30;
	v30 =	vmul.f32 $2.222222240e-01, v61;
	vm14 =	vlt.s32 v24, $0x9  }
0x2a8: {  	v21 =	vmul.f32 v21, v2;
	v18 =	vmul.f32 v18, v51;
	v24 =	vnsel vm14, $0x9, v24  }
0x2a9: {  	v62 =	vmul.f32 v35, v2;
	v12 =	vmul.f32 v12, v43;
	v32 =	vadd.f32 $2.857142980e-01, v30  }
0x2aa: {  	v54 =	vmul.f32 v45, v2;
	v56 =	vmul.f32 v40, v3;
	v18 =	vadd.f32 $6.666666860e-01, v18  }
0x2ab: {  	v50 =	vld [tilespmem:s25+$0xC390];
	v43 =	vmul.f32 v38, v2;
	v12 =	vadd.f32 v12, v17;
	v26 =	vmul.f32 v32, v61  }
0x2ac: {  	v58 =	vmul.f32 v5, v3;
	vm15 =	veq.s32 v39, $0x1;
	v36 =	vmul.f32 v18, v51;
	v51 =	vld [tilespmem:s25+$0x111B0]  }
0x2ad: {  	v55 =	vsel vm15, $0x3F800000, v0;
	v13 =	vadd.f32 $2.000000000e+00, v13;
	v41 =	vadd.f32 $4.000000060e-01, v26;
	[tilespmem:v24+s14+$0x0] =	vst.idx.add.f32.msk $0xffff, v1  }
0x2ae: {  	v25 =	vmul.f32 v63, v62;
	v14 =	vadd.f32 v14, v48;
	[tilespmem:v24+s15+$0x0] =	vst.idx.add.f32.msk $0xffff, v55  }
0x2af: {  	s23 =	simm.s32 $0x50;
	v13 =	vmul.f32 v13, v15;
	v18 =	vmul.f32 v41, v61;
	[tilespmem:v24+s16+$0x0] =	vst.idx.add.f32.msk $0xffff, v57  }
0x2b0: {  	v35 =	vsub.f32 v14, v42;
	v42 =	vmul.f32 v29, v3;
	v15 =	vadd.f32 $2.000000000e+00, v36;
	v5 =	vld [tilespmem:s23+$0x7530]  }
0x2b1: {  	v48 =	vmul.f32 v37, v3;
	v13 =	vadd.f32 v13, v52;
	v18 =	vadd.f32 $6.666666860e-01, v18  }
0x2b2: {  	v14 =	vsub.f32 v14, v33;
	v11 =	vmul.f32 v11, v42;
	v15 =	vmul.f32 v15, v22  }
0x2b3: {  	v49 =	vmul.f32 v35, v43;
	v52 =	vsub.f32 v13, v46;
	v18 =	vmul.f32 v18, v61  }
0x2b4: {  	v14 =	vmul.f32 v14, v48;
	v13 =	vsub.f32 v13, v34;
	v15 =	vadd.f32 v15, v53  }
0x2b5: {  	v27 =	vmul.f32 v52, v54;
	v18 =	vadd.f32 $2.000000000e+00, v18;
	v63 =	vsub.f32 $0.0e+00, v5  }
0x2b6: {  	v13 =	vmul.f32 v13, v56;
	v57 =	vsub.f32 v15, v47;
	v15 =	vsub.f32 v15, v44  }
0x2b7: {  	v6 =	vadd.f32 v12, v8;
	v59 =	vmul.f32 v18, v19;
	v8 =	vmul.f32 $1.442695020e+00, v63  }
0x2b8: {  	v11 =	vadd.f32 v11, v25;
	v60 =	vmul.f32 v57, v21;
	v15 =	vmul.f32 v15, v58  }
0x2b9: {  	v14 =	vadd.f32 v14, v49;
	v7 =	vadd.f32 v59, v7;
	(erf) = vpow2.f32 v8  }
0x2ba: {  	v16 =	vmul.f32 v51, v3;
	v13 =	vadd.f32 v13, v27;
	v15 =	vadd.f32 v15, v60  }
0x2bb: {  	v61 =	vmul.f32 v50, v2;
	v9 =	vsub.f32 v7, v9;
	v7 =	vsub.f32 v7, v10  }
0x2bc: {  	v11 =	vadd.f32 v14, v11  }
0x2bd: {  	v62 =	vadd.f32 v15, v13;
	v9 =	vmul.f32 v9, v61;
	v7 =	vmul.f32 v7, v16;
	_ =	sdelay $0x1  }
0x2be: {  	v10 =	vadd.f32 v62, v11;
	v7 =	vadd.f32 v7, v9;
	_ =	sdelay $0x1  }
0x2bf: {  	s24 =	simm.s32 $0x280;
	v4 =	vadd.f32 v6, v4;
	v6 =	vadd.f32 v7, v10  }
.LBB2_5:
0x2c0: {  	p0 =	sne.s32 s24, $0x9B00;
	v7 =	vpop (erf);
	s25 =	smov.u32 s24;
	s24 =	sadd.s32 $0x140, s24  }
0x2c1: {  	v7 =	vadd.f32 $1.000000000e+00, v7;
	v4 =	vadd.f32 v6, v4;
	_ =	sdelay $0x1  }
0x2c2: {  	(erf) = vrcp.f32 v7;
	_ =	sdelay $0x8  }
0x2c3: {  	v6 =	vpop (erf)  }
0x2c4: {  	v7 =	vmul.f32 $1.000000000e+01, v6;
	_ =	sdelay $0x1  }
0x2c5: {  	v7 =	vtrunc.f32 v7  }
0x2c6: {  	v7 =	vcvt.f32.s32 v7;
	_ =	sdelay $0x1  }
0x2c7: {  	v8 =	vld [tilespmem:s23+$0x15F90];
	vm0 =	vlt.s32 v7, $0x9  }
0x2c8: {  	v7 =	vnsel vm0, $0x9, v7;
	_ =	sdelay $0x1  }
0x2c9: {  	v9 =	vld [tilespmem:s23+$0x11170]  }
0x2ca: {  	v10 =	vld [tilespmem:s23+$0xC350]  }
0x2cb: {  	v11 =	vld [tilespmem:s23+$0x2710];
	vm0 =	veq.s32 v8, $0x1  }
0x2cc: {  	v8 =	vsel vm0, $0x3F800000, v0;
	[tilespmem:v7+s14+$0x0] =	vst.idx.add.f32.msk $0xffff, v1  }
0x2cd: {  	[tilespmem:v7+s15+$0x0] =	vst.idx.add.f32.msk $0xffff, v8  }
0x2ce: {  	[tilespmem:v7+s16+$0x0] =	vst.idx.add.f32.msk $0xffff, v6  }
0x2cf: {  	v8 =	vld [tilespmem:s23+$0x7540]  }
0x2d0: {  	v6 =	vmax.f32 v11, v5;
	v7 =	vmin.f32 v11, v5  }
0x2d1: {  	v7 =	vsub.f32 v7, v6;
	_ =	sdelay $0x1  }
0x2d2: {  	v7 =	vmul.f32 $1.442695020e+00, v7  }
0x2d3: {  	v12 =	vsub.f32 $0.0e+00, v8  }
0x2d4: {  	(erf) = vpow2.f32 v7  }
0x2d5: {  	v7 =	vmul.f32 $1.442695020e+00, v12;
	_ =	sdelay $0x1  }
0x2d6: {  	(erf) = vpow2.f32 v7;
	_ =	sdelay $0x5  }
0x2d7: {  	v7 =	vpop (erf)  }
0x2d8: {  	v13 =	vadd.f32 $2.000000000e+00, v7;
	_ =	sdelay $0x1  }
0x2d9: {  	(erf) = vrcp.f32 v13;
	v12 =	vpop (erf)  }
0x2da: {  	v12 =	vadd.f32 $1.000000000e+00, v12;
	_ =	sdelay $0x1  }
0x2db: {  	(erf) = vrcp.f32 v12;
	_ =	sdelay $0x5  }
0x2dc: {  	v12 =	vpop (erf)  }
0x2dd: {  	v12 =	vmul.f32 v12, v7;
	_ =	sdelay $0x1  }
0x2de: {  	v7 =	vmul.f32 v12, v12;
	v14 =	vpop (erf)  }
0x2df: {  	v13 =	vmul.f32 $1.000000000e+01, v14  }
0x2e0: {  	v15 =	vmul.f32 $2.222222240e-01, v7  }
0x2e1: {  	v13 =	vtrunc.f32 v13  }
0x2e2: {  	v15 =	vadd.f32 $2.857142980e-01, v15;
	v13 =	vcvt.f32.s32 v13;
	_ =	sdelay $0x1  }
0x2e3: {  	v15 =	vmul.f32 v15, v7;
	v16 =	vld [tilespmem:s23+$0x15FA0];
	vm0 =	vlt.s32 v13, $0x9  }
0x2e4: {  	v18 =	vnsel vm0, $0x9, v13  }
0x2e5: {  	v15 =	vadd.f32 $4.000000060e-01, v15  }
0x2e6: {  	v13 =	vld [tilespmem:s23+$0x11180]  }
0x2e7: {  	v19 =	vmul.f32 v15, v7;
	v15 =	vld [tilespmem:s23+$0xC360]  }
0x2e8: {  	v17 =	vld [tilespmem:s23+$0x2720];
	vm0 =	veq.s32 v16, $0x1  }
0x2e9: {  	v16 =	vadd.f32 $6.666666860e-01, v19;
	v19 =	vsel vm0, $0x3F800000, v0;
	[tilespmem:v18+s14+$0x0] =	vst.idx.add.f32.msk $0xffff, v1  }
0x2ea: {  	[tilespmem:v18+s15+$0x0] =	vst.idx.add.f32.msk $0xffff, v19  }
0x2eb: {  	v16 =	vmul.f32 v16, v7;
	[tilespmem:v18+s16+$0x0] =	vst.idx.add.f32.msk $0xffff, v14  }
0x2ec: {  	v7 =	vld [tilespmem:s23+$0x7550]  }
0x2ed: {  	v14 =	vadd.f32 $2.000000000e+00, v16;
	v18 =	vmax.f32 v17, v8;
	v16 =	vmin.f32 v17, v8  }
0x2ee: {  	v16 =	vsub.f32 v16, v18  }
0x2ef: {  	v12 =	vmul.f32 v14, v12  }
0x2f0: {  	v14 =	vmul.f32 $1.442695020e+00, v16  }
0x2f1: {  	v6 =	vadd.f32 v12, v6;
	v12 =	vsub.f32 $0.0e+00, v7  }
0x2f2: {  	v10 =	vmul.f32 v10, v2;
	(erf) = vpow2.f32 v14  }
0x2f3: {  	v11 =	vsub.f32 v6, v11;
	v5 =	vsub.f32 v6, v5;
	v6 =	vmul.f32 $1.442695020e+00, v12  }
0x2f4: {  	v9 =	vmul.f32 v9, v3  }
0x2f5: {  	v10 =	vmul.f32 v11, v10;
	(erf) = vpow2.f32 v6  }
0x2f6: {  	v5 =	vmul.f32 v5, v9;
	_ =	sdelay $0x1  }
0x2f7: {  	v6 =	vadd.f32 v5, v10;
	_ =	sdelay $0x2  }
0x2f8: {  	v5 =	vpop (erf)  }
0x2f9: {  	v10 =	vadd.f32 $2.000000000e+00, v5;
	_ =	sdelay $0x1  }
0x2fa: {  	(erf) = vrcp.f32 v10;
	v9 =	vpop (erf)  }
0x2fb: {  	v9 =	vadd.f32 $1.000000000e+00, v9;
	_ =	sdelay $0x1  }
0x2fc: {  	(erf) = vrcp.f32 v9;
	_ =	sdelay $0x5  }
0x2fd: {  	v9 =	vpop (erf)  }
0x2fe: {  	v14 =	vmul.f32 v9, v5;
	_ =	sdelay $0x1  }
0x2ff: {  	v10 =	vmul.f32 v14, v14;
	v12 =	vpop (erf)  }
0x300: {  	v5 =	vmul.f32 $1.000000000e+01, v12  }
0x301: {  	v9 =	vmul.f32 $2.222222240e-01, v10  }
0x302: {  	v5 =	vtrunc.f32 v5  }
0x303: {  	v9 =	vadd.f32 $2.857142980e-01, v9;
	v5 =	vcvt.f32.s32 v5;
	_ =	sdelay $0x1  }
0x304: {  	v9 =	vmul.f32 v9, v10;
	v16 =	vld [tilespmem:s23+$0x15FB0];
	vm0 =	vlt.s32 v5, $0x9  }
0x305: {  	v19 =	vnsel vm0, $0x9, v5  }
0x306: {  	v5 =	vadd.f32 $4.000000060e-01, v9  }
0x307: {  	v9 =	vld [tilespmem:s23+$0x11190]  }
0x308: {  	v20 =	vmul.f32 v5, v10;
	v5 =	vld [tilespmem:s23+$0xC370]  }
0x309: {  	v11 =	vld [tilespmem:s23+$0x2730];
	vm0 =	veq.s32 v16, $0x1  }
0x30a: {  	v16 =	vadd.f32 $6.666666860e-01, v20;
	v20 =	vsel vm0, $0x3F800000, v0;
	[tilespmem:v19+s14+$0x0] =	vst.idx.add.f32.msk $0xffff, v1  }
0x30b: {  	[tilespmem:v19+s15+$0x0] =	vst.idx.add.f32.msk $0xffff, v20  }
0x30c: {  	v16 =	vmul.f32 v16, v10;
	[tilespmem:v19+s16+$0x0] =	vst.idx.add.f32.msk $0xffff, v12  }
0x30d: {  	v10 =	vld [tilespmem:s23+$0x7560]  }
0x30e: {  	v16 =	vadd.f32 $2.000000000e+00, v16;
	v19 =	vmax.f32 v11, v7;
	v12 =	vmin.f32 v11, v7;
	v20 =	vld [tilespmem:s23+$0x15FC0]  }
0x30f: {  	v21 =	vsub.f32 v12, v19;
	v12 =	vld [tilespmem:s23+$0x2740]  }
0x310: {  	v22 =	vmul.f32 v16, v14;
	v14 =	vld [tilespmem:s23+$0xC380]  }
0x311: {  	v21 =	vmul.f32 $1.442695020e+00, v21;
	v16 =	vld [tilespmem:s23+$0x111A0]  }
0x312: {  	v18 =	vadd.f32 v22, v18;
	v22 =	vsub.f32 $0.0e+00, v10  }
0x313: {  	vm0 =	veq.s32 v20, $0x1;
	(erf) = vpow2.f32 v21  }
0x314: {  	v20 =	vmax.f32 v12, v10;
	v21 =	vmin.f32 v12, v10;
	v22 =	vmul.f32 $1.442695020e+00, v22  }
0x315: {  	v15 =	vmul.f32 v15, v2;
	v17 =	vsub.f32 v18, v17;
	v21 =	vsub.f32 v21, v20  }
0x316: {  	v13 =	vmul.f32 v13, v3;
	v8 =	vsub.f32 v18, v8;
	(erf) = vpow2.f32 v22  }
0x317: {  	v15 =	vmul.f32 v17, v15;
	v17 =	vmul.f32 $1.442695020e+00, v21  }
0x318: {  	v8 =	vmul.f32 v8, v13  }
0x319: {  	(erf) = vpow2.f32 v17  }
0x31a: {  	v8 =	vadd.f32 v8, v15;
	_ =	sdelay $0x1  }
0x31b: {  	v13 =	vpop (erf)  }
0x31c: {  	v17 =	vadd.f32 $2.000000000e+00, v13;
	_ =	sdelay $0x1  }
0x31d: {  	(erf) = vrcp.f32 v17;
	v15 =	vpop (erf)  }
0x31e: {  	v15 =	vadd.f32 $1.000000000e+00, v15;
	_ =	sdelay $0x1  }
0x31f: {  	v17 =	vpop (erf);
	(erf) = vrcp.f32 v15  }
0x320: {  	v15 =	vadd.f32 $2.000000000e+00, v17;
	_ =	sdelay $0x1  }
0x321: {  	(erf) = vrcp.f32 v15;
	_ =	sdelay $0x2  }
0x322: {  	v15 =	vpop (erf)  }
0x323: {  	v15 =	vmul.f32 v15, v13;
	_ =	sdelay $0x1  }
0x324: {  	v13 =	vmul.f32 v15, v15;
	v18 =	vpop (erf)  }
0x325: {  	v21 =	vmul.f32 $1.000000000e+01, v18  }
0x326: {  	v22 =	vmul.f32 $2.222222240e-01, v13  }
0x327: {  	v21 =	vtrunc.f32 v21;
	v23 =	vpop (erf)  }
0x328: {  	v22 =	vadd.f32 $2.857142980e-01, v22;
	v17 =	vmul.f32 v23, v17;
	v21 =	vcvt.f32.s32 v21;
	_ =	sdelay $0x1  }
0x329: {  	v22 =	vmul.f32 v22, v13;
	v23 =	vmul.f32 v17, v17;
	vm1 =	vlt.s32 v21, $0x9  }
0x32a: {  	v21 =	vnsel vm1, $0x9, v21  }
0x32b: {  	v22 =	vadd.f32 $4.000000060e-01, v22;
	v24 =	vmul.f32 $2.222222240e-01, v23;
	_ =	sdelay $0x1  }
0x32c: {  	v22 =	vmul.f32 v22, v13;
	v24 =	vadd.f32 $2.857142980e-01, v24;
	_ =	sdelay $0x1  }
0x32d: {  	v25 =	vsel vm0, $0x3F800000, v0;
	v22 =	vadd.f32 $6.666666860e-01, v22;
	v24 =	vmul.f32 v24, v23;
	[tilespmem:v21+s14+$0x0] =	vst.idx.add.f32.msk $0xffff, v1  }
0x32e: {  	[tilespmem:v21+s15+$0x0] =	vst.idx.add.f32.msk $0xffff, v25  }
0x32f: {  	v22 =	vmul.f32 v22, v13;
	v24 =	vadd.f32 $4.000000060e-01, v24;
	[tilespmem:v21+s16+$0x0] =	vst.idx.add.f32.msk $0xffff, v18  }
0x330: {  	v13 =	vld [tilespmem:s23+$0x2750]  }
0x331: {  	v18 =	vadd.f32 $2.000000000e+00, v22;
	v21 =	vmul.f32 v24, v23;
	v22 =	vld [tilespmem:s23+$0x7570]  }
0x332: {  	v24 =	vld [tilespmem:s23+$0x15FD0]  }
0x333: {  	v15 =	vmul.f32 v18, v15;
	v18 =	vadd.f32 $6.666666860e-01, v21;
	v21 =	vld [tilespmem:s23+$0xC390]  }
0x334: {  	v25 =	vld [tilespmem:s23+$0x111B0]  }
0x335: {  	v15 =	vadd.f32 v15, v19;
	v18 =	vmul.f32 v18, v23  }
0x336: {  	v19 =	vmax.f32 v13, v22;
	v23 =	vmin.f32 v13, v22;
	v26 =	vsub.f32 $0.0e+00, v22  }
0x337: {  	v18 =	vadd.f32 $2.000000000e+00, v18;
	v23 =	vsub.f32 v23, v19;
	vm0 =	veq.s32 v24, $0x1  }
0x338: {  	v11 =	vsub.f32 v15, v11;
	v7 =	vsub.f32 v15, v7;
	v15 =	vmul.f32 $1.442695020e+00, v26  }
0x339: {  	v17 =	vmul.f32 v18, v17;
	v18 =	vmul.f32 $1.442695020e+00, v23  }
0x33a: {  	(erf) = vpow2.f32 v15  }
0x33b: {  	v9 =	vmul.f32 v9, v3;
	v15 =	vadd.f32 v17, v20;
	(erf) = vpow2.f32 v18  }
0x33c: {  	v5 =	vmul.f32 v5, v2;
	v16 =	vmul.f32 v16, v3  }
0x33d: {  	v14 =	vmul.f32 v14, v2;
	v12 =	vsub.f32 v15, v12;
	v10 =	vsub.f32 v15, v10  }
0x33e: {  	v5 =	vmul.f32 v11, v5;
	v7 =	vmul.f32 v7, v9  }
0x33f: {  	v9 =	vmul.f32 v12, v14;
	v10 =	vmul.f32 v10, v16;
	_ =	sdelay $0x1  }
0x340: {  	v11 =	vadd.f32 v7, v5;
	v7 =	vadd.f32 v10, v9;
	_ =	sdelay $0x1  }
0x341: {  	v7 =	vadd.f32 v7, v11;
	v5 =	vpop (erf)  }
0x342: {  	v5 =	vadd.f32 $1.000000000e+00, v5;
	v9 =	vpop (erf)  }
0x343: {  	v10 =	vadd.f32 $2.000000000e+00, v9  }
0x344: {  	(erf) = vrcp.f32 v5  }
0x345: {  	(erf) = vrcp.f32 v10;
	_ =	sdelay $0x7  }
0x346: {  	v5 =	vpop (erf)  }
0x347: {  	v10 =	vmul.f32 $1.000000000e+01, v5;
	v11 =	vpop (erf)  }
0x348: {  	v9 =	vmul.f32 v11, v9  }
0x349: {  	v10 =	vtrunc.f32 v10  }
0x34a: {  	v11 =	vmul.f32 v9, v9;
	v10 =	vcvt.f32.s32 v10;
	_ =	sdelay $0x1  }
0x34b: {  	v12 =	vmul.f32 $2.222222240e-01, v11;
	vm1 =	vlt.s32 v10, $0x9  }
0x34c: {  	v10 =	vnsel vm1, $0x9, v10  }
0x34d: {  	v12 =	vadd.f32 $2.857142980e-01, v12;
	_ =	sdelay $0x1  }
0x34e: {  	v12 =	vmul.f32 v12, v11;
	_ =	sdelay $0x1  }
0x34f: {  	v14 =	vsel vm0, $0x3F800000, v0;
	v12 =	vadd.f32 $4.000000060e-01, v12;
	[tilespmem:v10+s14+$0x0] =	vst.idx.add.f32.msk $0xffff, v1  }
0x350: {  	[tilespmem:v10+s15+$0x0] =	vst.idx.add.f32.msk $0xffff, v14  }
0x351: {  	s23 =	sshra.s32 s25, $0x2;
	v12 =	vmul.f32 v12, v11;
	[tilespmem:v10+s16+$0x0] =	vst.idx.add.f32.msk $0xffff, v5  }
0x352: {  	v5 =	vld [tilespmem:s23+$0x7530]  }
0x353: {  	v10 =	vadd.f32 $6.666666860e-01, v12;
	_ =	sdelay $0x1  }
0x354: {  	v10 =	vmul.f32 v10, v11;
	_ =	sdelay $0x1  }
0x355: {  	v11 =	vsub.f32 $0.0e+00, v5;
	v10 =	vadd.f32 $2.000000000e+00, v10;
	_ =	sdelay $0x1  }
0x356: {  	v11 =	vmul.f32 $1.442695020e+00, v11;
	v9 =	vmul.f32 v10, v9;
	_ =	sdelay $0x1  }
0x357: {  	(erf) = vpow2.f32 v11;
	v9 =	vadd.f32 v9, v19  }
0x358: {  	v10 =	vmul.f32 v21, v2;
	v11 =	vmul.f32 v25, v3  }
0x359: {  	v12 =	vsub.f32 v9, v13;
	v9 =	vsub.f32 v9, v22  }
0x35a: {  	v6 =	vadd.f32 v8, v6  }
.Ltmp1:
0x35b: {  	v8 =	vmul.f32 v12, v10;
	v9 =	vmul.f32 v9, v11;
	(pc) =	sbr.rel @p0 .LBB2_5-.Ltmp1, $3  }
0x35c: {  	v6 =	vadd.f32 v7, v6  }
0x35d: {  	v7 =	vadd.f32 v9, v8;
	_ =	sdelay $0x1  }
0x35e: {  	v6 =	vadd.f32 v7, v6  }
0x35f: {  	v7 =	vpop (erf)  }
0x360: {  	v7 =	vadd.f32 $1.000000000e+00, v7;
	_ =	sdelay $0x1  }
0x361: {  	(erf) = vrcp.f32 v7;
	_ =	sdelay $0x8  }
0x362: {  	v7 =	vpop (erf)  }
0x363: {  	v8 =	vmul.f32 $1.000000000e+01, v7;
	_ =	sdelay $0x1  }
0x364: {  	v8 =	vtrunc.f32 v8  }
0x365: {  	v8 =	vcvt.f32.s32 v8;
	_ =	sdelay $0x1  }
0x366: {  	v10 =	vld [tilespmem:s23+$0x15F90];
	vm0 =	vlt.s32 v8, $0x9  }
0x367: {  	v8 =	vnsel vm0, $0x9, v8;
	_ =	sdelay $0x1  }
0x368: {  	v9 =	vld [tilespmem:s23+$0x11170]  }
0x369: {  	v12 =	vld [tilespmem:s23+$0xC350]  }
0x36a: {  	v11 =	vld [tilespmem:s23+$0x2710];
	vm7 =	veq.s32 v10, $0x1  }
0x36b: {  	v10 =	vsel vm7, $0x3F800000, v0;
	[tilespmem:v8+s14+$0x0] =	vst.idx.add.f32.msk $0xffff, v1  }
0x36c: {  	[tilespmem:v8+s15+$0x0] =	vst.idx.add.f32.msk $0xffff, v10  }
0x36d: {  	[tilespmem:v8+s16+$0x0] =	vst.idx.add.f32.msk $0xffff, v7  }
0x36e: {  	v7 =	vld [tilespmem:s23+$0x7540];
	_ =	sdelay $0x2  }
0x36f: {  	v16 =	vmax.f32 v11, v5;
	v33 =	vmin.f32 v11, v5  }
0x370: {  	v8 =	vsub.f32 v33, v16  }
0x371: {  	v34 =	vsub.f32 $0.0e+00, v7  }
0x372: {  	v8 =	vmul.f32 $1.442695020e+00, v8  }
0x373: {  	v10 =	vmul.f32 $1.442695020e+00, v34  }
0x374: {  	(erf) = vpow2.f32 v8  }
0x375: {  	(erf) = vpow2.f32 v10;
	_ =	sdelay $0x7  }
0x376: {  	v24 =	vpop (erf)  }
0x377: {  	v35 =	vadd.f32 $2.000000000e+00, v24;
	v10 =	vpop (erf)  }
0x378: {  	v10 =	vadd.f32 $1.000000000e+00, v10  }
0x379: {  	(erf) = vrcp.f32 v35  }
0x37a: {  	(erf) = vrcp.f32 v10;
	_ =	sdelay $0x7  }
0x37b: {  	v25 =	vpop (erf)  }
0x37c: {  	v10 =	vpop (erf)  }
0x37d: {  	v36 =	vmul.f32 $1.000000000e+01, v10;
	_ =	sdelay $0x1  }
0x37e: {  	v8 =	vtrunc.f32 v36  }
0x37f: {  	v8 =	vcvt.f32.s32 v8;
	_ =	sdelay $0x1  }
0x380: {  	v14 =	vld [tilespmem:s23+$0x15FA0];
	vm8 =	vlt.s32 v8, $0x9  }
0x381: {  	v17 =	vnsel vm8, $0x9, v8;
	_ =	sdelay $0x1  }
0x382: {  	v13 =	vld [tilespmem:s23+$0xC360]  }
0x383: {  	v15 =	vld [tilespmem:s23+$0x2720]  }
0x384: {  	vm9 =	veq.s32 v14, $0x1;
	v8 =	vld [tilespmem:s23+$0x11180]  }
0x385: {  	v14 =	vsel vm9, $0x3F800000, v0;
	[tilespmem:v17+s14+$0x0] =	vst.idx.add.f32.msk $0xffff, v1  }
0x386: {  	[tilespmem:v17+s15+$0x0] =	vst.idx.add.f32.msk $0xffff, v14  }
0x387: {  	[tilespmem:v17+s16+$0x0] =	vst.idx.add.f32.msk $0xffff, v10  }
0x388: {  	v10 =	vld [tilespmem:s23+$0x7550];
	_ =	sdelay $0x2  }
0x389: {  	v20 =	vmax.f32 v15, v7;
	v37 =	vmin.f32 v15, v7  }
0x38a: {  	v14 =	vsub.f32 v37, v20  }
0x38b: {  	v38 =	vsub.f32 $0.0e+00, v10  }
0x38c: {  	v14 =	vmul.f32 $1.442695020e+00, v14  }
0x38d: {  	v17 =	vmul.f32 $1.442695020e+00, v38  }
0x38e: {  	(erf) = vpow2.f32 v14  }
0x38f: {  	(erf) = vpow2.f32 v17;
	_ =	sdelay $0x7  }
0x390: {  	v26 =	vpop (erf)  }
0x391: {  	v39 =	vadd.f32 $2.000000000e+00, v26;
	v17 =	vpop (erf)  }
0x392: {  	v17 =	vadd.f32 $1.000000000e+00, v17  }
0x393: {  	(erf) = vrcp.f32 v39  }
0x394: {  	(erf) = vrcp.f32 v17;
	_ =	sdelay $0x7  }
0x395: {  	v27 =	vpop (erf)  }
0x396: {  	v19 =	vpop (erf)  }
0x397: {  	v40 =	vmul.f32 $1.000000000e+01, v19;
	_ =	sdelay $0x1  }
0x398: {  	v14 =	vtrunc.f32 v40  }
0x399: {  	v14 =	vcvt.f32.s32 v14;
	_ =	sdelay $0x1  }
0x39a: {  	v21 =	vld [tilespmem:s23+$0x15FB0];
	vm10 =	vlt.s32 v14, $0x9  }
0x39b: {  	v22 =	vnsel vm10, $0x9, v14;
	_ =	sdelay $0x1  }
0x39c: {  	v18 =	vld [tilespmem:s23+$0x2730]  }
0x39d: {  	v17 =	vld [tilespmem:s23+$0xC370]  }
0x39e: {  	vm11 =	veq.s32 v21, $0x1;
	v14 =	vld [tilespmem:s23+$0x11190]  }
0x39f: {  	v21 =	vsel vm11, $0x3F800000, v0;
	[tilespmem:v22+s14+$0x0] =	vst.idx.add.f32.msk $0xffff, v1  }
0x3a0: {  	[tilespmem:v22+s15+$0x0] =	vst.idx.add.f32.msk $0xffff, v21  }
0x3a1: {  	[tilespmem:v22+s16+$0x0] =	vst.idx.add.f32.msk $0xffff, v19  }
0x3a2: {  	v19 =	vld [tilespmem:s23+$0x7560];
	_ =	sdelay $0x2  }
0x3a3: {  	v28 =	vmax.f32 v18, v10;
	v41 =	vmin.f32 v18, v10  }
0x3a4: {  	v21 =	vsub.f32 v41, v28  }
0x3a5: {  	v42 =	vsub.f32 $0.0e+00, v19  }
0x3a6: {  	v21 =	vmul.f32 $1.442695020e+00, v21  }
0x3a7: {  	v22 =	vmul.f32 $1.442695020e+00, v42  }
0x3a8: {  	(erf) = vpow2.f32 v21  }
0x3a9: {  	v23 =	vld [tilespmem:s23+$0x2740];
	(erf) = vpow2.f32 v22;
	_ =	sdelay $0x4  }
0x3aa: {  	v29 =	vmax.f32 v23, v19;
	v43 =	vmin.f32 v23, v19  }
0x3ab: {  	v21 =	vsub.f32 v43, v29;
	_ =	sdelay $0x1  }
0x3ac: {  	v21 =	vmul.f32 $1.442695020e+00, v21;
	v30 =	vpop (erf)  }
0x3ad: {  	v44 =	vadd.f32 $2.000000000e+00, v30;
	v31 =	vpop (erf)  }
0x3ae: {  	(erf) = vpow2.f32 v21;
	v45 =	vadd.f32 $1.000000000e+00, v31  }
0x3af: {  	(erf) = vrcp.f32 v44  }
0x3b0: {  	(erf) = vrcp.f32 v45;
	_ =	sdelay $0x6  }
0x3b1: {  	v46 =	vpop (erf)  }
0x3b2: {  	v32 =	vpop (erf)  }
0x3b3: {  	v21 =	vpop (erf)  }
0x3b4: {  	v47 =	vmul.f32 $1.000000000e+01, v21;
	_ =	sdelay $0x1  }
0x3b5: {  	v22 =	vtrunc.f32 v47  }
0x3b6: {  	v22 =	vcvt.f32.s32 v22;
	_ =	sdelay $0x1  }
0x3b7: {  	v33 =	vld [tilespmem:s23+$0x15FC0];
	vm12 =	vlt.s32 v22, $0x9  }
0x3b8: {  	v22 =	vnsel vm12, $0x9, v22;
	_ =	sdelay $0x2  }
0x3b9: {  	v34 =	vld [tilespmem:s23+$0xC380]  }
0x3ba: {  	v35 =	vld [tilespmem:s23+$0x111A0];
	vm13 =	veq.s32 v33, $0x1  }
0x3bb: {  	v33 =	vsel vm13, $0x3F800000, v0;
	[tilespmem:v22+s14+$0x0] =	vst.idx.add.f32.msk $0xffff, v1  }
0x3bc: {  	[tilespmem:v22+s15+$0x0] =	vst.idx.add.f32.msk $0xffff, v33  }
0x3bd: {  	[tilespmem:v22+s16+$0x0] =	vst.idx.add.f32.msk $0xffff, v21  }
0x3be: {  	v21 =	vld [tilespmem:s23+$0x2750]  }
0x3bf: {  	v22 =	vld [tilespmem:s23+$0x7570];
	_ =	sdelay $0x4  }
0x3c0: {  	v33 =	vmax.f32 v21, v22;
	v36 =	vmin.f32 v21, v22;
	v37 =	vsub.f32 $0.0e+00, v22  }
0x3c1: {  	v38 =	vadd.f32 $2.000000000e+00, v46;
	v36 =	vsub.f32 v36, v33  }
0x3c2: {  	v37 =	vmul.f32 $1.442695020e+00, v37  }
0x3c3: {  	(erf) = vrcp.f32 v38;
	v36 =	vmul.f32 $1.442695020e+00, v36  }
0x3c4: {  	(erf) = vpow2.f32 v37  }
0x3c5: {  	(erf) = vpow2.f32 v36;
	_ =	sdelay $0x2  }
0x3c6: {  	v24 =	vmul.f32 v25, v24;
	_ =	sdelay $0x1  }
0x3c7: {  	v25 =	vmul.f32 v24, v24  }
0x3c8: {  	v26 =	vmul.f32 v27, v26  }
0x3c9: {  	v48 =	vmul.f32 $2.222222240e-01, v25;
	v49 =	vpop (erf)  }
0x3ca: {  	v50 =	vmul.f32 v26, v26;
	v37 =	vpop (erf)  }
0x3cb: {  	v36 =	vadd.f32 $2.857142980e-01, v48;
	v37 =	vadd.f32 $1.000000000e+00, v37;
	v39 =	vpop (erf)  }
0x3cc: {  	v41 =	vmul.f32 $2.222222240e-01, v50;
	v40 =	vadd.f32 $2.000000000e+00, v39  }
0x3cd: {  	v36 =	vmul.f32 v36, v25;
	(erf) = vrcp.f32 v37  }
0x3ce: {  	v51 =	vadd.f32 $2.857142980e-01, v41;
	(erf) = vrcp.f32 v40  }
0x3cf: {  	v36 =	vadd.f32 $4.000000060e-01, v36  }
0x3d0: {  	v53 =	vmul.f32 v51, v50  }
0x3d1: {  	v30 =	vmul.f32 v32, v30;
	v36 =	vmul.f32 v36, v25  }
0x3d2: {  	v12 =	vmul.f32 v12, v2;
	v31 =	vadd.f32 $4.000000060e-01, v53;
	v27 =	vmul.f32 v49, v46  }
0x3d3: {  	v9 =	vmul.f32 v9, v3;
	v54 =	vmul.f32 v30, v30;
	v52 =	vadd.f32 $6.666666860e-01, v36  }
0x3d4: {  	v31 =	vmul.f32 v31, v50;
	v55 =	vmul.f32 v27, v27  }
0x3d5: {  	v56 =	vmul.f32 $2.222222240e-01, v54;
	v25 =	vmul.f32 v52, v25  }
0x3d6: {  	v13 =	vmul.f32 v13, v2;
	v31 =	vadd.f32 $6.666666860e-01, v31;
	v57 =	vmul.f32 $2.222222240e-01, v55;
	v59 =	vpop (erf)  }
0x3d7: {  	v8 =	vmul.f32 v8, v3;
	v37 =	vadd.f32 $2.857142980e-01, v56;
	v25 =	vadd.f32 $2.000000000e+00, v25;
	v60 =	vpop (erf)  }
0x3d8: {  	v31 =	vmul.f32 v31, v50;
	v58 =	vadd.f32 $2.857142980e-01, v57;
	v61 =	vmul.f32 v60, v39  }
0x3d9: {  	v37 =	vmul.f32 v37, v54;
	v24 =	vmul.f32 v25, v24  }
0x3da: {  	v31 =	vadd.f32 $2.000000000e+00, v31;
	v25 =	vmul.f32 v58, v55;
	v62 =	vmul.f32 v61, v61  }
0x3db: {  	v14 =	vmul.f32 v14, v3;
	v37 =	vadd.f32 $4.000000060e-01, v37;
	v16 =	vadd.f32 v24, v16  }
0x3dc: {  	v51 =	vmul.f32 v17, v2;
	v25 =	vadd.f32 $4.000000060e-01, v25;
	v39 =	vmul.f32 $2.222222240e-01, v62  }
0x3dd: {  	v41 =	vmul.f32 v31, v26;
	v37 =	vmul.f32 v37, v54;
	v11 =	vsub.f32 v16, v11  }
0x3de: {  	v57 =	vmul.f32 v35, v3;
	v63 =	vmul.f32 v25, v55;
	v44 =	vadd.f32 $2.857142980e-01, v39  }
0x3df: {  	v48 =	vld [tilespmem:s23+$0x15FD0];
	v5 =	vsub.f32 v16, v5;
	v42 =	vadd.f32 $6.666666860e-01, v37;
	v11 =	vmul.f32 v11, v12  }
0x3e0: {  	v43 =	vadd.f32 $6.666666860e-01, v63;
	v46 =	vmul.f32 $1.000000000e+01, v59;
	v16 =	vmul.f32 v44, v62  }
0x3e1: {  	v5 =	vmul.f32 v5, v9;
	v45 =	vmul.f32 v42, v54  }
0x3e2: {  	v9 =	vmul.f32 v43, v55;
	v25 =	vtrunc.f32 v46;
	v16 =	vadd.f32 $4.000000060e-01, v16  }
0x3e3: {  	v12 =	vadd.f32 v41, v20;
	v20 =	vadd.f32 $2.000000000e+00, v45;
	v25 =	vcvt.f32.s32 v25  }
0x3e4: {  	vm15 =	veq.s32 v48, $0x1;
	v9 =	vadd.f32 $2.000000000e+00, v9;
	v16 =	vmul.f32 v16, v62  }
0x3e5: {  	v15 =	vsub.f32 v12, v15;
	v47 =	vmul.f32 v20, v30;
	vm14 =	vlt.s32 v25, $0x9  }
0x3e6: {  	v9 =	vmul.f32 v9, v27;
	v25 =	vnsel vm14, $0x9, v25;
	v49 =	vadd.f32 $6.666666860e-01, v16  }
0x3e7: {  	v58 =	vmul.f32 v34, v2;
	v7 =	vsub.f32 v12, v7;
	v12 =	vadd.f32 v47, v28  }
0x3e8: {  	v5 =	vadd.f32 v5, v11;
	v9 =	vadd.f32 v9, v29;
	v52 =	vmul.f32 v49, v62  }
0x3e9: {  	v53 =	vld [tilespmem:s23+$0xC390];
	v13 =	vmul.f32 v15, v13;
	v50 =	vsub.f32 v12, v18;
	v10 =	vsub.f32 v12, v10  }
0x3ea: {  	v55 =	vld [tilespmem:s23+$0x111B0];
	v7 =	vmul.f32 v7, v8;
	v54 =	vsub.f32 v9, v23;
	v12 =	vadd.f32 $2.000000000e+00, v52  }
0x3eb: {  	v56 =	vsel vm15, $0x3F800000, v0;
	v9 =	vsub.f32 v9, v19;
	v8 =	vmul.f32 v50, v51;
	[tilespmem:v25+s14+$0x0] =	vst.idx.add.f32.msk $0xffff, v1  }
0x3ec: {  	s22 =	sadd.s32 s22, s20;
	v10 =	vmul.f32 v10, v14;
	[tilespmem:v25+s15+$0x0] =	vst.idx.add.f32.msk $0xffff, v56;
	v12 =	vmul.f32 v12, v61  }
0x3ed: {  	s22 =	sshrl.u32 s22, $0x3;
	v9 =	vmul.f32 v9, v57;
	[tilespmem:v25+s16+$0x0] =	vst.idx.add.f32.msk $0xffff, v59;
	v59 =	vmul.f32 v54, v58  }
0x3ee: {  	s24 =	sadd.s32 s6, s22;
	v7 =	vadd.f32 v7, v13;
	v12 =	vadd.f32 v12, v33  }
0x3ef: {  	v60 =	vmul.f32 v53, v2;
	v8 =	vadd.f32 v10, v8;
	[tilespmem:s29], [sflag:$0x2] =	stream.linear.gather [hbm4b:s24+s5], $0x2710, $0x38;
	v9 =	vadd.f32 v9, v59;
	[tilespmem:$0x18730] =	vst v63  }
0x3f0: {  	s21 =	sadd.s32 $0x1, s21;
	s25 =	sadd.s32 s1, s22;
	v61 =	vmul.f32 v55, v3;
	v62 =	vsub.f32 v12, v21;
	v12 =	vsub.f32 v12, v22  }
0x3f1: {  	v5 =	vadd.f32 v7, v5;
	[tilespmem:s9], [sflag:$0x2] =	stream.linear.gather [hbm4b:s25+s5], $0x2710, $0x38;
	[tilespmem:$0x18730] =	vst v63  }
0x3f2: {  	p0 =	sne.s32 s21, $0xB;
	s24 =	sadd.s32 s7, s22;
	v8 =	vadd.f32 v9, v8;
	v7 =	vmul.f32 v62, v60;
	v63 =	vmul.f32 v12, v61  }
0x3f3: {  	[tilespmem:s10], [sflag:$0x2] =	stream.linear.gather [hbm4b:s24+s5], $0x2710, $0x38;
	[tilespmem:$0x18730] =	vst v63  }
.Ltmp2:
0x3f4: {  	v5 =	vadd.f32 v8, v5;
	v7 =	vadd.f32 v63, v7;
	(pc) =	sbr.rel @p0 .LBB2_2-.Ltmp2, $4  }
0x3f5: {  	s25 =	sadd.s32 s8, s22  }
0x3f6: {  	v4 =	vadd.f32 v6, v4;
	[tilespmem:s11], [sflag:$0x2] =	stream.linear.gather [hbm4b:s25+s5], $0x2710, $0x38;
	v5 =	vadd.f32 v7, v5;
	[tilespmem:$0x18730] =	vst v63  }
0x3f7: {  	s22 =	sadd.s32 s2, s22  }
0x3f8: {  	[tilespmem:s12], [sflag:$0x2] =	stream.linear.gather [hbm4b:s22+s5], $0x2710, $0x38;
	v4 =	vadd.f32 v5, v4;
	[tilespmem:$0x18730] =	vst v63  }
0x3f9: {  	_ =	swait.ge [sflag:s13], $0x2710  }
0x3fa: {  	[sflag:s13] =	ssyncset.done $0x0  }
0x3fb: {  	[sflag:s13] =	ssyncadd.s32 $0xFFFFD8F0  }
0x3fc: {  	_ =	swait.ge [sflag:s13], $0x2710  }
0x3fd: {  	[sflag:s13] =	ssyncset.done $0x0  }
0x3fe: {  	[sflag:s13] =	ssyncadd.s32 $0xFFFFD8F0  }
0x3ff: {  	_ =	swait.ge [sflag:s13], $0x2710  }
0x400: {  	[sflag:s13] =	ssyncset.done $0x0  }
0x401: {  	[sflag:s13] =	ssyncadd.s32 $0xFFFFD8F0  }
0x402: {  	_ =	swait.ge [sflag:s13], $0x2710  }
0x403: {  	[sflag:s13] =	ssyncset.done $0x0  }
0x404: {  	[sflag:s13] =	ssyncadd.s32 $0xFFFFD8F0  }
0x405: {  	_ =	swait.ge [sflag:s13], $0x2710  }
0x406: {  	[sflag:s13] =	ssyncset.done $0x0  }
0x407: {  	s21 =	simm.s32 $0x0;
	[sflag:s13] =	ssyncadd.s32 $0xFFFFD8F0  }
0x408: {  	v6 =	vld [tilespmem:s21+$0x4E20];
	_ =	sdelay $0x4  }
0x409: {  	v5 =	vsub.f32 $0.0e+00, v6;
	_ =	sdelay $0x1  }
0x40a: {  	v5 =	vmul.f32 $1.442695020e+00, v5;
	_ =	sdelay $0x1  }
0x40b: {  	(erf) = vpow2.f32 v5;
	_ =	sdelay $0x8  }
0x40c: {  	v5 =	vpop (erf)  }
0x40d: {  	v5 =	vadd.f32 $1.000000000e+00, v5;
	_ =	sdelay $0x1  }
0x40e: {  	(erf) = vrcp.f32 v5;
	_ =	sdelay $0x8  }
0x40f: {  	v5 =	vpop (erf)  }
0x410: {  	v7 =	vmul.f32 $1.000000000e+01, v5;
	_ =	sdelay $0x1  }
0x411: {  	v7 =	vtrunc.f32 v7  }
0x412: {  	v7 =	vcvt.f32.s32 v7;
	_ =	sdelay $0x1  }
0x413: {  	v8 =	vld [tilespmem:s21+$0x13880];
	vm0 =	vlt.s32 v7, $0x9  }
0x414: {  	v9 =	vnsel vm0, $0x9, v7;
	_ =	sdelay $0x1  }
0x415: {  	v10 =	vld [tilespmem:s21+$0x9C40]  }
0x416: {  	v13 =	vld [tilespmem:s21+$0x0]  }
0x417: {  	vm7 =	veq.s32 v8, $0x1;
	v7 =	vld [tilespmem:s21+$0xEA60]  }
0x418: {  	v8 =	vsel vm7, $0x3F800000, v0;
	[tilespmem:v9+s14+$0x0] =	vst.idx.add.f32.msk $0xffff, v1  }
0x419: {  	[tilespmem:v9+s15+$0x0] =	vst.idx.add.f32.msk $0xffff, v8  }
0x41a: {  	[tilespmem:v9+s16+$0x0] =	vst.idx.add.f32.msk $0xffff, v5  }
0x41b: {  	v5 =	vld [tilespmem:s21+$0x4E30];
	_ =	sdelay $0x2  }
0x41c: {  	v18 =	vmax.f32 v13, v6;
	v8 =	vmin.f32 v13, v6  }
0x41d: {  	v8 =	vsub.f32 v8, v18  }
0x41e: {  	v35 =	vsub.f32 $0.0e+00, v5  }
0x41f: {  	v8 =	vmul.f32 $1.442695020e+00, v8  }
0x420: {  	v9 =	vmul.f32 $1.442695020e+00, v35  }
0x421: {  	(erf) = vpow2.f32 v8  }
0x422: {  	(erf) = vpow2.f32 v9;
	_ =	sdelay $0x7  }
0x423: {  	v21 =	vpop (erf)  }
0x424: {  	v8 =	vadd.f32 $2.000000000e+00, v21;
	v9 =	vpop (erf)  }
0x425: {  	v9 =	vadd.f32 $1.000000000e+00, v9  }
0x426: {  	(erf) = vrcp.f32 v8  }
0x427: {  	(erf) = vrcp.f32 v9;
	_ =	sdelay $0x7  }
0x428: {  	v22 =	vpop (erf)  }
0x429: {  	v9 =	vpop (erf)  }
0x42a: {  	v8 =	vmul.f32 $1.000000000e+01, v9;
	_ =	sdelay $0x1  }
0x42b: {  	v8 =	vtrunc.f32 v8  }
0x42c: {  	v8 =	vcvt.f32.s32 v8;
	_ =	sdelay $0x1  }
0x42d: {  	v14 =	vld [tilespmem:s21+$0x13890];
	vm8 =	vlt.s32 v8, $0x9  }
0x42e: {  	v15 =	vnsel vm8, $0x9, v8;
	_ =	sdelay $0x1  }
0x42f: {  	v11 =	vld [tilespmem:s21+$0x9C50]  }
0x430: {  	v12 =	vld [tilespmem:s21+$0x10]  }
0x431: {  	vm9 =	veq.s32 v14, $0x1;
	v8 =	vld [tilespmem:s21+$0xEA70]  }
0x432: {  	v14 =	vsel vm9, $0x3F800000, v0;
	[tilespmem:v15+s14+$0x0] =	vst.idx.add.f32.msk $0xffff, v1  }
0x433: {  	[tilespmem:v15+s15+$0x0] =	vst.idx.add.f32.msk $0xffff, v14  }
0x434: {  	[tilespmem:v15+s16+$0x0] =	vst.idx.add.f32.msk $0xffff, v9  }
0x435: {  	v9 =	vld [tilespmem:s21+$0x4E40];
	_ =	sdelay $0x2  }
0x436: {  	v17 =	vmax.f32 v12, v5;
	v36 =	vmin.f32 v12, v5  }
0x437: {  	v14 =	vsub.f32 v36, v17  }
0x438: {  	v37 =	vsub.f32 $0.0e+00, v9  }
0x439: {  	v14 =	vmul.f32 $1.442695020e+00, v14  }
0x43a: {  	v15 =	vmul.f32 $1.442695020e+00, v37  }
0x43b: {  	(erf) = vpow2.f32 v14  }
0x43c: {  	(erf) = vpow2.f32 v15;
	_ =	sdelay $0x7  }
0x43d: {  	v23 =	vpop (erf)  }
0x43e: {  	v38 =	vadd.f32 $2.000000000e+00, v23;
	v15 =	vpop (erf)  }
0x43f: {  	v15 =	vadd.f32 $1.000000000e+00, v15  }
0x440: {  	(erf) = vrcp.f32 v38  }
0x441: {  	(erf) = vrcp.f32 v15;
	_ =	sdelay $0x7  }
0x442: {  	v24 =	vpop (erf)  }
0x443: {  	v39 =	vpop (erf)  }
0x444: {  	v40 =	vmul.f32 $1.000000000e+01, v39;
	_ =	sdelay $0x1  }
0x445: {  	v15 =	vtrunc.f32 v40  }
0x446: {  	v15 =	vcvt.f32.s32 v15;
	_ =	sdelay $0x1  }
0x447: {  	v19 =	vld [tilespmem:s21+$0x138A0];
	vm10 =	vlt.s32 v15, $0x9  }
0x448: {  	v25 =	vnsel vm10, $0x9, v15;
	_ =	sdelay $0x1  }
0x449: {  	v16 =	vld [tilespmem:s21+$0x9C60]  }
0x44a: {  	v20 =	vld [tilespmem:s21+$0x20]  }
0x44b: {  	vm11 =	veq.s32 v19, $0x1;
	v15 =	vld [tilespmem:s21+$0xEA80]  }
0x44c: {  	v19 =	vsel vm11, $0x3F800000, v0;
	[tilespmem:v25+s14+$0x0] =	vst.idx.add.f32.msk $0xffff, v1  }
0x44d: {  	[tilespmem:v25+s15+$0x0] =	vst.idx.add.f32.msk $0xffff, v19  }
0x44e: {  	[tilespmem:v25+s16+$0x0] =	vst.idx.add.f32.msk $0xffff, v39  }
0x44f: {  	v14 =	vld [tilespmem:s21+$0x4E50];
	_ =	sdelay $0x2  }
0x450: {  	v41 =	vmin.f32 v20, v9;
	v25 =	vmax.f32 v20, v9  }
0x451: {  	v19 =	vsub.f32 v41, v25  }
0x452: {  	v26 =	vsub.f32 $0.0e+00, v14  }
0x453: {  	v19 =	vmul.f32 $1.442695020e+00, v19  }
0x454: {  	v26 =	vmul.f32 $1.442695020e+00, v26  }
0x455: {  	(erf) = vpow2.f32 v19  }
0x456: {  	v19 =	vld [tilespmem:s21+$0x30];
	(erf) = vpow2.f32 v26;
	_ =	sdelay $0x4  }
0x457: {  	v26 =	vmax.f32 v19, v14;
	v27 =	vmin.f32 v19, v14  }
0x458: {  	v27 =	vsub.f32 v27, v26;
	_ =	sdelay $0x1  }
0x459: {  	v27 =	vmul.f32 $1.442695020e+00, v27;
	v28 =	vpop (erf)  }
0x45a: {  	v29 =	vadd.f32 $2.000000000e+00, v28;
	v30 =	vpop (erf)  }
0x45b: {  	(erf) = vpow2.f32 v27;
	v42 =	vadd.f32 $1.000000000e+00, v30  }
0x45c: {  	(erf) = vrcp.f32 v29  }
0x45d: {  	(erf) = vrcp.f32 v42;
	_ =	sdelay $0x6  }
0x45e: {  	v43 =	vpop (erf)  }
0x45f: {  	v29 =	vpop (erf)  }
0x460: {  	v44 =	vpop (erf)  }
0x461: {  	v31 =	vmul.f32 $1.000000000e+01, v44;
	_ =	sdelay $0x1  }
0x462: {  	v31 =	vtrunc.f32 v31  }
0x463: {  	v31 =	vcvt.f32.s32 v31;
	_ =	sdelay $0x1  }
0x464: {  	v32 =	vld [tilespmem:s21+$0x138B0];
	vm12 =	vlt.s32 v31, $0x9  }
0x465: {  	v31 =	vnsel vm12, $0x9, v31;
	_ =	sdelay $0x2  }
0x466: {  	v33 =	vld [tilespmem:s21+$0x9C70]  }
0x467: {  	v34 =	vld [tilespmem:s21+$0xEA90];
	vm13 =	veq.s32 v32, $0x1  }
0x468: {  	v32 =	vsel vm13, $0x3F800000, v0;
	[tilespmem:v31+s14+$0x0] =	vst.idx.add.f32.msk $0xffff, v1  }
0x469: {  	[tilespmem:v31+s15+$0x0] =	vst.idx.add.f32.msk $0xffff, v32  }
0x46a: {  	[tilespmem:v31+s16+$0x0] =	vst.idx.add.f32.msk $0xffff, v44  }
0x46b: {  	v30 =	vld [tilespmem:s21+$0x40]  }
0x46c: {  	v31 =	vld [tilespmem:s21+$0x4E60];
	_ =	sdelay $0x4  }
0x46d: {  	v32 =	vmax.f32 v30, v31;
	v35 =	vmin.f32 v30, v31;
	v36 =	vsub.f32 $0.0e+00, v31  }
0x46e: {  	v37 =	vadd.f32 $2.000000000e+00, v43;
	v35 =	vsub.f32 v35, v32  }
0x46f: {  	v21 =	vmul.f32 v22, v21;
	v45 =	vmul.f32 $1.442695020e+00, v36  }
0x470: {  	(erf) = vrcp.f32 v37;
	v35 =	vmul.f32 $1.442695020e+00, v35  }
0x471: {  	(erf) = vpow2.f32 v45  }
0x472: {  	v46 =	vmul.f32 v21, v21;
	(erf) = vpow2.f32 v35;
	_ =	sdelay $0x1  }
0x473: {  	v47 =	vmul.f32 $2.222222240e-01, v46;
	_ =	sdelay $0x1  }
0x474: {  	v35 =	vadd.f32 $2.857142980e-01, v47  }
0x475: {  	v28 =	vmul.f32 v29, v28  }
0x476: {  	v35 =	vmul.f32 v35, v46  }
0x477: {  	v23 =	vmul.f32 v24, v23;
	v53 =	vmul.f32 v28, v28;
	v48 =	vpop (erf)  }
0x478: {  	v35 =	vadd.f32 $4.000000060e-01, v35;
	v49 =	vpop (erf)  }
0x479: {  	v38 =	vmul.f32 v23, v23;
	v55 =	vmul.f32 $2.222222240e-01, v53;
	v24 =	vadd.f32 $1.000000000e+00, v49;
	v50 =	vpop (erf)  }
0x47a: {  	v35 =	vmul.f32 v35, v46;
	v39 =	vadd.f32 $2.000000000e+00, v50  }
0x47b: {  	v52 =	vmul.f32 $2.222222240e-01, v38;
	v29 =	vadd.f32 $2.857142980e-01, v55;
	(erf) = vrcp.f32 v24  }
0x47c: {  	v27 =	vmul.f32 v48, v43;
	v51 =	vadd.f32 $6.666666860e-01, v35;
	(erf) = vrcp.f32 v39  }
0x47d: {  	v54 =	vadd.f32 $2.857142980e-01, v52;
	v57 =	vmul.f32 v29, v53  }
0x47e: {  	v36 =	vmul.f32 v27, v27;
	v22 =	vmul.f32 v51, v46  }
0x47f: {  	v24 =	vmul.f32 v54, v38  }
0x480: {  	v61 =	vadd.f32 $4.000000060e-01, v57;
	v58 =	vmul.f32 $2.222222240e-01, v36;
	v22 =	vadd.f32 $2.000000000e+00, v22  }
0x481: {  	v56 =	vadd.f32 $4.000000060e-01, v24  }
0x482: {  	v29 =	vadd.f32 $2.857142980e-01, v58;
	v21 =	vmul.f32 v22, v21;
	v22 =	vmul.f32 v61, v53  }
0x483: {  	v60 =	vmul.f32 v56, v38  }
0x484: {  	v7 =	vmul.f32 v7, v3;
	v63 =	vmul.f32 v29, v36;
	v22 =	vadd.f32 $6.666666860e-01, v22;
	v59 =	vpop (erf)  }
0x485: {  	v18 =	vadd.f32 v21, v18;
	v21 =	vadd.f32 $6.666666860e-01, v60;
	v62 =	vpop (erf);
	v43 =	vmul.f32 $1.000000000e+01, v59  }
0x486: {  	v41 =	vmul.f32 v22, v53;
	v24 =	vmul.f32 v62, v50  }
0x487: {  	v13 =	vsub.f32 v18, v13;
	v21 =	vmul.f32 v21, v38;
	v45 =	vtrunc.f32 v43  }
0x488: {  	v6 =	vsub.f32 v18, v6;
	v37 =	vmul.f32 v24, v24;
	v22 =	vcvt.f32.s32 v45  }
0x489: {  	v10 =	vmul.f32 v10, v2;
	v38 =	vadd.f32 $4.000000060e-01, v63;
	v40 =	vadd.f32 $2.000000000e+00, v21  }
0x48a: {  	v49 =	vld [tilespmem:s21+$0x138C0];
	v6 =	vmul.f32 v6, v7;
	v42 =	vmul.f32 $2.222222240e-01, v37;
	vm14 =	vlt.s32 v22, $0x9  }
0x48b: {  	v21 =	vadd.f32 $2.000000000e+00, v41;
	v7 =	vmul.f32 v40, v23;
	v48 =	vnsel vm14, $0x9, v22  }
0x48c: {  	v10 =	vmul.f32 v13, v10;
	v13 =	vmul.f32 v38, v36;
	v44 =	vadd.f32 $2.857142980e-01, v42  }
0x48d: {  	v8 =	vmul.f32 v8, v3;
	v21 =	vmul.f32 v21, v28;
	v7 =	vadd.f32 v7, v17  }
0x48e: {  	v15 =	vmul.f32 v15, v3;
	v52 =	vld [tilespmem:s21+$0x9C80];
	v13 =	vadd.f32 $6.666666860e-01, v13;
	v18 =	vmul.f32 v44, v37  }
0x48f: {  	vm15 =	veq.s32 v49, $0x1;
	v53 =	vld [tilespmem:s21+$0xEAA0];
	v47 =	vadd.f32 v21, v25;
	v5 =	vsub.f32 v7, v5  }
0x490: {  	v55 =	vsel vm15, $0x3F800000, v0;
	v13 =	vmul.f32 v13, v36;
	v46 =	vadd.f32 $4.000000060e-01, v18;
	[tilespmem:v48+s14+$0x0] =	vst.idx.add.f32.msk $0xffff, v1  }
0x491: {  	v8 =	vmul.f32 v5, v8;
	v5 =	vsub.f32 v47, v9;
	[tilespmem:v48+s15+$0x0] =	vst.idx.add.f32.msk $0xffff, v55  }
0x492: {  	s21 =	simm.s32 $0x50;
	v17 =	vmul.f32 v46, v37;
	[tilespmem:v48+s16+$0x0] =	vst.idx.add.f32.msk $0xffff, v59  }
0x493: {  	v13 =	vadd.f32 $2.000000000e+00, v13;
	v57 =	vmul.f32 v5, v15;
	v5 =	vld [tilespmem:s21+$0x4E20]  }
0x494: {  	v11 =	vmul.f32 v11, v2;
	v51 =	vadd.f32 $6.666666860e-01, v17  }
0x495: {  	v16 =	vmul.f32 v16, v2;
	v12 =	vsub.f32 v7, v12;
	v7 =	vmul.f32 v13, v27  }
0x496: {  	v54 =	vmul.f32 v34, v3;
	v13 =	vmul.f32 v51, v37  }
0x497: {  	v56 =	vmul.f32 v33, v2;
	v50 =	vsub.f32 v47, v20;
	v7 =	vadd.f32 v7, v26  }
0x498: {  	v11 =	vmul.f32 v12, v11;
	v13 =	vadd.f32 $2.000000000e+00, v13;
	v61 =	vsub.f32 $0.0e+00, v5  }
0x499: {  	v12 =	vmul.f32 v50, v16;
	v19 =	vsub.f32 v7, v19;
	v7 =	vsub.f32 v7, v14  }
0x49a: {  	v13 =	vmul.f32 v13, v24;
	v63 =	vmul.f32 $1.442695020e+00, v61  }
0x49b: {  	v6 =	vadd.f32 v6, v10;
	v58 =	vmul.f32 v19, v56;
	v7 =	vmul.f32 v7, v54  }
0x49c: {  	v8 =	vadd.f32 v8, v11;
	v59 =	vadd.f32 v13, v32;
	(erf) = vpow2.f32 v63  }
0x49d: {  	v60 =	vmul.f32 v53, v3;
	v12 =	vadd.f32 v57, v12;
	v7 =	vadd.f32 v7, v58  }
0x49e: {  	v9 =	vmul.f32 v52, v2;
	v13 =	vsub.f32 v59, v30;
	v11 =	vsub.f32 v59, v31  }
0x49f: {  	v6 =	vadd.f32 v8, v6  }
0x4a0: {  	v7 =	vadd.f32 v7, v12;
	v8 =	vmul.f32 v13, v9;
	v62 =	vmul.f32 v11, v60;
	_ =	sdelay $0x1  }
0x4a1: {  	v6 =	vadd.f32 v7, v6;
	v7 =	vadd.f32 v62, v8;
	_ =	sdelay $0x1  }
0x4a2: {  	s22 =	simm.s32 $0x280;
	v6 =	vadd.f32 v7, v6  }
.LBB2_8:
0x4a3: {  	p0 =	sne.s32 s22, $0x9B00;
	v7 =	vpop (erf);
	s23 =	smov.u32 s22;
	s22 =	sadd.s32 $0x140, s22  }
0x4a4: {  	v7 =	vadd.f32 $1.000000000e+00, v7;
	v4 =	vadd.f32 v6, v4;
	_ =	sdelay $0x1  }
0x4a5: {  	(erf) = vrcp.f32 v7;
	_ =	sdelay $0x8  }
0x4a6: {  	v6 =	vpop (erf)  }
0x4a7: {  	v7 =	vmul.f32 $1.000000000e+01, v6;
	_ =	sdelay $0x1  }
0x4a8: {  	v7 =	vtrunc.f32 v7  }
0x4a9: {  	v7 =	vcvt.f32.s32 v7;
	_ =	sdelay $0x1  }
0x4aa: {  	v8 =	vld [tilespmem:s21+$0x13880];
	vm0 =	vlt.s32 v7, $0x9  }
0x4ab: {  	v7 =	vnsel vm0, $0x9, v7;
	_ =	sdelay $0x1  }
0x4ac: {  	v9 =	vld [tilespmem:s21+$0xEA60]  }
0x4ad: {  	v10 =	vld [tilespmem:s21+$0x9C40]  }
0x4ae: {  	v11 =	vld [tilespmem:s21+$0x0];
	vm0 =	veq.s32 v8, $0x1  }
0x4af: {  	v8 =	vsel vm0, $0x3F800000, v0;
	[tilespmem:v7+s14+$0x0] =	vst.idx.add.f32.msk $0xffff, v1  }
0x4b0: {  	[tilespmem:v7+s15+$0x0] =	vst.idx.add.f32.msk $0xffff, v8  }
0x4b1: {  	[tilespmem:v7+s16+$0x0] =	vst.idx.add.f32.msk $0xffff, v6  }
0x4b2: {  	v8 =	vld [tilespmem:s21+$0x4E30]  }
0x4b3: {  	v6 =	vmax.f32 v11, v5;
	v7 =	vmin.f32 v11, v5  }
0x4b4: {  	v7 =	vsub.f32 v7, v6;
	_ =	sdelay $0x1  }
0x4b5: {  	v7 =	vmul.f32 $1.442695020e+00, v7  }
0x4b6: {  	v12 =	vsub.f32 $0.0e+00, v8  }
0x4b7: {  	(erf) = vpow2.f32 v7  }
0x4b8: {  	v7 =	vmul.f32 $1.442695020e+00, v12;
	_ =	sdelay $0x1  }
0x4b9: {  	(erf) = vpow2.f32 v7;
	_ =	sdelay $0x5  }
0x4ba: {  	v7 =	vpop (erf)  }
0x4bb: {  	v13 =	vadd.f32 $2.000000000e+00, v7;
	_ =	sdelay $0x1  }
0x4bc: {  	(erf) = vrcp.f32 v13;
	v12 =	vpop (erf)  }
0x4bd: {  	v12 =	vadd.f32 $1.000000000e+00, v12;
	_ =	sdelay $0x1  }
0x4be: {  	(erf) = vrcp.f32 v12;
	_ =	sdelay $0x5  }
0x4bf: {  	v12 =	vpop (erf)  }
0x4c0: {  	v12 =	vmul.f32 v12, v7;
	_ =	sdelay $0x1  }
0x4c1: {  	v7 =	vmul.f32 v12, v12;
	v14 =	vpop (erf)  }
0x4c2: {  	v13 =	vmul.f32 $1.000000000e+01, v14  }
0x4c3: {  	v15 =	vmul.f32 $2.222222240e-01, v7  }
0x4c4: {  	v13 =	vtrunc.f32 v13  }
0x4c5: {  	v15 =	vadd.f32 $2.857142980e-01, v15;
	v13 =	vcvt.f32.s32 v13;
	_ =	sdelay $0x1  }
0x4c6: {  	v15 =	vmul.f32 v15, v7;
	v16 =	vld [tilespmem:s21+$0x13890];
	vm0 =	vlt.s32 v13, $0x9  }
0x4c7: {  	v18 =	vnsel vm0, $0x9, v13  }
0x4c8: {  	v15 =	vadd.f32 $4.000000060e-01, v15  }
0x4c9: {  	v13 =	vld [tilespmem:s21+$0xEA70]  }
0x4ca: {  	v19 =	vmul.f32 v15, v7;
	v15 =	vld [tilespmem:s21+$0x9C50]  }
0x4cb: {  	v17 =	vld [tilespmem:s21+$0x10];
	vm0 =	veq.s32 v16, $0x1  }
0x4cc: {  	v16 =	vadd.f32 $6.666666860e-01, v19;
	v19 =	vsel vm0, $0x3F800000, v0;
	[tilespmem:v18+s14+$0x0] =	vst.idx.add.f32.msk $0xffff, v1  }
0x4cd: {  	[tilespmem:v18+s15+$0x0] =	vst.idx.add.f32.msk $0xffff, v19  }
0x4ce: {  	v16 =	vmul.f32 v16, v7;
	[tilespmem:v18+s16+$0x0] =	vst.idx.add.f32.msk $0xffff, v14  }
0x4cf: {  	v7 =	vld [tilespmem:s21+$0x4E40]  }
0x4d0: {  	v14 =	vadd.f32 $2.000000000e+00, v16;
	v18 =	vmax.f32 v17, v8;
	v16 =	vmin.f32 v17, v8  }
0x4d1: {  	v16 =	vsub.f32 v16, v18  }
0x4d2: {  	v12 =	vmul.f32 v14, v12  }
0x4d3: {  	v14 =	vmul.f32 $1.442695020e+00, v16  }
0x4d4: {  	v6 =	vadd.f32 v12, v6;
	v12 =	vsub.f32 $0.0e+00, v7  }
0x4d5: {  	v10 =	vmul.f32 v10, v2;
	(erf) = vpow2.f32 v14  }
0x4d6: {  	v11 =	vsub.f32 v6, v11;
	v5 =	vsub.f32 v6, v5;
	v6 =	vmul.f32 $1.442695020e+00, v12  }
0x4d7: {  	v9 =	vmul.f32 v9, v3  }
0x4d8: {  	v10 =	vmul.f32 v11, v10;
	(erf) = vpow2.f32 v6  }
0x4d9: {  	v5 =	vmul.f32 v5, v9;
	_ =	sdelay $0x1  }
0x4da: {  	v6 =	vadd.f32 v5, v10;
	_ =	sdelay $0x2  }
0x4db: {  	v5 =	vpop (erf)  }
0x4dc: {  	v10 =	vadd.f32 $2.000000000e+00, v5;
	_ =	sdelay $0x1  }
0x4dd: {  	(erf) = vrcp.f32 v10;
	v9 =	vpop (erf)  }
0x4de: {  	v9 =	vadd.f32 $1.000000000e+00, v9;
	_ =	sdelay $0x1  }
0x4df: {  	(erf) = vrcp.f32 v9;
	_ =	sdelay $0x5  }
0x4e0: {  	v9 =	vpop (erf)  }
0x4e1: {  	v14 =	vmul.f32 v9, v5;
	_ =	sdelay $0x1  }
0x4e2: {  	v10 =	vmul.f32 v14, v14;
	v12 =	vpop (erf)  }
0x4e3: {  	v5 =	vmul.f32 $1.000000000e+01, v12  }
0x4e4: {  	v9 =	vmul.f32 $2.222222240e-01, v10  }
0x4e5: {  	v5 =	vtrunc.f32 v5  }
0x4e6: {  	v9 =	vadd.f32 $2.857142980e-01, v9;
	v5 =	vcvt.f32.s32 v5;
	_ =	sdelay $0x1  }
0x4e7: {  	v9 =	vmul.f32 v9, v10;
	v16 =	vld [tilespmem:s21+$0x138A0];
	vm0 =	vlt.s32 v5, $0x9  }
0x4e8: {  	v19 =	vnsel vm0, $0x9, v5  }
0x4e9: {  	v5 =	vadd.f32 $4.000000060e-01, v9  }
0x4ea: {  	v9 =	vld [tilespmem:s21+$0xEA80]  }
0x4eb: {  	v20 =	vmul.f32 v5, v10;
	v5 =	vld [tilespmem:s21+$0x9C60]  }
0x4ec: {  	v11 =	vld [tilespmem:s21+$0x20];
	vm0 =	veq.s32 v16, $0x1  }
0x4ed: {  	v16 =	vadd.f32 $6.666666860e-01, v20;
	v20 =	vsel vm0, $0x3F800000, v0;
	[tilespmem:v19+s14+$0x0] =	vst.idx.add.f32.msk $0xffff, v1  }
0x4ee: {  	[tilespmem:v19+s15+$0x0] =	vst.idx.add.f32.msk $0xffff, v20  }
0x4ef: {  	v16 =	vmul.f32 v16, v10;
	[tilespmem:v19+s16+$0x0] =	vst.idx.add.f32.msk $0xffff, v12  }
0x4f0: {  	v10 =	vld [tilespmem:s21+$0x4E50]  }
0x4f1: {  	v16 =	vadd.f32 $2.000000000e+00, v16;
	v19 =	vmax.f32 v11, v7;
	v12 =	vmin.f32 v11, v7;
	v20 =	vld [tilespmem:s21+$0x138B0]  }
0x4f2: {  	v21 =	vsub.f32 v12, v19;
	v12 =	vld [tilespmem:s21+$0x30]  }
0x4f3: {  	v22 =	vmul.f32 v16, v14;
	v14 =	vld [tilespmem:s21+$0x9C70]  }
0x4f4: {  	v21 =	vmul.f32 $1.442695020e+00, v21;
	v16 =	vld [tilespmem:s21+$0xEA90]  }
0x4f5: {  	v18 =	vadd.f32 v22, v18;
	v22 =	vsub.f32 $0.0e+00, v10  }
0x4f6: {  	vm0 =	veq.s32 v20, $0x1;
	(erf) = vpow2.f32 v21  }
0x4f7: {  	v20 =	vmax.f32 v12, v10;
	v21 =	vmin.f32 v12, v10;
	v22 =	vmul.f32 $1.442695020e+00, v22  }
0x4f8: {  	v15 =	vmul.f32 v15, v2;
	v17 =	vsub.f32 v18, v17;
	v21 =	vsub.f32 v21, v20  }
0x4f9: {  	v13 =	vmul.f32 v13, v3;
	v8 =	vsub.f32 v18, v8;
	(erf) = vpow2.f32 v22  }
0x4fa: {  	v15 =	vmul.f32 v17, v15;
	v17 =	vmul.f32 $1.442695020e+00, v21  }
0x4fb: {  	v8 =	vmul.f32 v8, v13  }
0x4fc: {  	(erf) = vpow2.f32 v17  }
0x4fd: {  	v8 =	vadd.f32 v8, v15;
	_ =	sdelay $0x1  }
0x4fe: {  	v13 =	vpop (erf)  }
0x4ff: {  	v17 =	vadd.f32 $2.000000000e+00, v13;
	_ =	sdelay $0x1  }
0x500: {  	(erf) = vrcp.f32 v17;
	v15 =	vpop (erf)  }
0x501: {  	v15 =	vadd.f32 $1.000000000e+00, v15;
	_ =	sdelay $0x1  }
0x502: {  	v17 =	vpop (erf);
	(erf) = vrcp.f32 v15  }
0x503: {  	v15 =	vadd.f32 $2.000000000e+00, v17;
	_ =	sdelay $0x1  }
0x504: {  	(erf) = vrcp.f32 v15;
	_ =	sdelay $0x2  }
0x505: {  	v15 =	vpop (erf)  }
0x506: {  	v15 =	vmul.f32 v15, v13;
	_ =	sdelay $0x1  }
0x507: {  	v13 =	vmul.f32 v15, v15;
	v18 =	vpop (erf)  }
0x508: {  	v21 =	vmul.f32 $1.000000000e+01, v18  }
0x509: {  	v22 =	vmul.f32 $2.222222240e-01, v13  }
0x50a: {  	v21 =	vtrunc.f32 v21;
	v23 =	vpop (erf)  }
0x50b: {  	v22 =	vadd.f32 $2.857142980e-01, v22;
	v17 =	vmul.f32 v23, v17;
	v21 =	vcvt.f32.s32 v21;
	_ =	sdelay $0x1  }
0x50c: {  	v22 =	vmul.f32 v22, v13;
	v23 =	vmul.f32 v17, v17;
	vm1 =	vlt.s32 v21, $0x9  }
0x50d: {  	v21 =	vnsel vm1, $0x9, v21  }
0x50e: {  	v22 =	vadd.f32 $4.000000060e-01, v22;
	v24 =	vmul.f32 $2.222222240e-01, v23;
	_ =	sdelay $0x1  }
0x50f: {  	v22 =	vmul.f32 v22, v13;
	v24 =	vadd.f32 $2.857142980e-01, v24;
	_ =	sdelay $0x1  }
0x510: {  	v25 =	vsel vm0, $0x3F800000, v0;
	v22 =	vadd.f32 $6.666666860e-01, v22;
	v24 =	vmul.f32 v24, v23;
	[tilespmem:v21+s14+$0x0] =	vst.idx.add.f32.msk $0xffff, v1  }
0x511: {  	[tilespmem:v21+s15+$0x0] =	vst.idx.add.f32.msk $0xffff, v25  }
0x512: {  	v22 =	vmul.f32 v22, v13;
	v24 =	vadd.f32 $4.000000060e-01, v24;
	[tilespmem:v21+s16+$0x0] =	vst.idx.add.f32.msk $0xffff, v18  }
0x513: {  	v13 =	vld [tilespmem:s21+$0x40]  }
0x514: {  	v18 =	vadd.f32 $2.000000000e+00, v22;
	v21 =	vmul.f32 v24, v23;
	v22 =	vld [tilespmem:s21+$0x4E60]  }
0x515: {  	v24 =	vld [tilespmem:s21+$0x138C0]  }
0x516: {  	v15 =	vmul.f32 v18, v15;
	v18 =	vadd.f32 $6.666666860e-01, v21;
	v21 =	vld [tilespmem:s21+$0x9C80]  }
0x517: {  	v25 =	vld [tilespmem:s21+$0xEAA0]  }
0x518: {  	v15 =	vadd.f32 v15, v19;
	v18 =	vmul.f32 v18, v23  }
0x519: {  	v19 =	vmax.f32 v13, v22;
	v23 =	vmin.f32 v13, v22;
	v26 =	vsub.f32 $0.0e+00, v22  }
0x51a: {  	v18 =	vadd.f32 $2.000000000e+00, v18;
	v23 =	vsub.f32 v23, v19;
	vm0 =	veq.s32 v24, $0x1  }
0x51b: {  	v11 =	vsub.f32 v15, v11;
	v7 =	vsub.f32 v15, v7;
	v15 =	vmul.f32 $1.442695020e+00, v26  }
0x51c: {  	v17 =	vmul.f32 v18, v17;
	v18 =	vmul.f32 $1.442695020e+00, v23  }
0x51d: {  	(erf) = vpow2.f32 v15  }
0x51e: {  	v9 =	vmul.f32 v9, v3;
	v15 =	vadd.f32 v17, v20;
	(erf) = vpow2.f32 v18  }
0x51f: {  	v5 =	vmul.f32 v5, v2;
	v16 =	vmul.f32 v16, v3  }
0x520: {  	v14 =	vmul.f32 v14, v2;
	v12 =	vsub.f32 v15, v12;
	v10 =	vsub.f32 v15, v10  }
0x521: {  	v5 =	vmul.f32 v11, v5;
	v7 =	vmul.f32 v7, v9  }
0x522: {  	v9 =	vmul.f32 v12, v14;
	v10 =	vmul.f32 v10, v16;
	_ =	sdelay $0x1  }
0x523: {  	v11 =	vadd.f32 v7, v5;
	v7 =	vadd.f32 v10, v9;
	_ =	sdelay $0x1  }
0x524: {  	v7 =	vadd.f32 v7, v11;
	v5 =	vpop (erf)  }
0x525: {  	v5 =	vadd.f32 $1.000000000e+00, v5;
	v9 =	vpop (erf)  }
0x526: {  	v10 =	vadd.f32 $2.000000000e+00, v9  }
0x527: {  	(erf) = vrcp.f32 v5  }
0x528: {  	(erf) = vrcp.f32 v10;
	_ =	sdelay $0x7  }
0x529: {  	v5 =	vpop (erf)  }
0x52a: {  	v10 =	vmul.f32 $1.000000000e+01, v5;
	v11 =	vpop (erf)  }
0x52b: {  	v9 =	vmul.f32 v11, v9  }
0x52c: {  	v10 =	vtrunc.f32 v10  }
0x52d: {  	v11 =	vmul.f32 v9, v9;
	v10 =	vcvt.f32.s32 v10;
	_ =	sdelay $0x1  }
0x52e: {  	v12 =	vmul.f32 $2.222222240e-01, v11;
	vm1 =	vlt.s32 v10, $0x9  }
0x52f: {  	v10 =	vnsel vm1, $0x9, v10  }
0x530: {  	v12 =	vadd.f32 $2.857142980e-01, v12;
	_ =	sdelay $0x1  }
0x531: {  	v12 =	vmul.f32 v12, v11;
	_ =	sdelay $0x1  }
0x532: {  	v14 =	vsel vm0, $0x3F800000, v0;
	v12 =	vadd.f32 $4.000000060e-01, v12;
	[tilespmem:v10+s14+$0x0] =	vst.idx.add.f32.msk $0xffff, v1  }
0x533: {  	[tilespmem:v10+s15+$0x0] =	vst.idx.add.f32.msk $0xffff, v14  }
0x534: {  	s21 =	sshra.s32 s23, $0x2;
	v12 =	vmul.f32 v12, v11;
	[tilespmem:v10+s16+$0x0] =	vst.idx.add.f32.msk $0xffff, v5  }
0x535: {  	v5 =	vld [tilespmem:s21+$0x4E20]  }
0x536: {  	v10 =	vadd.f32 $6.666666860e-01, v12;
	_ =	sdelay $0x1  }
0x537: {  	v10 =	vmul.f32 v10, v11;
	_ =	sdelay $0x1  }
0x538: {  	v11 =	vsub.f32 $0.0e+00, v5;
	v10 =	vadd.f32 $2.000000000e+00, v10;
	_ =	sdelay $0x1  }
0x539: {  	v11 =	vmul.f32 $1.442695020e+00, v11;
	v9 =	vmul.f32 v10, v9;
	_ =	sdelay $0x1  }
0x53a: {  	(erf) = vpow2.f32 v11;
	v9 =	vadd.f32 v9, v19  }
0x53b: {  	v10 =	vmul.f32 v21, v2;
	v11 =	vmul.f32 v25, v3  }
0x53c: {  	v12 =	vsub.f32 v9, v13;
	v9 =	vsub.f32 v9, v22  }
0x53d: {  	v6 =	vadd.f32 v8, v6  }
.Ltmp3:
0x53e: {  	v8 =	vmul.f32 v12, v10;
	v9 =	vmul.f32 v9, v11;
	(pc) =	sbr.rel @p0 .LBB2_8-.Ltmp3, $3  }
0x53f: {  	v6 =	vadd.f32 v7, v6  }
0x540: {  	v7 =	vadd.f32 v9, v8;
	_ =	sdelay $0x1  }
0x541: {  	v6 =	vadd.f32 v7, v6  }
0x542: {  	v7 =	vpop (erf)  }
0x543: {  	v7 =	vadd.f32 $1.000000000e+00, v7;
	_ =	sdelay $0x1  }
0x544: {  	(erf) = vrcp.f32 v7;
	_ =	sdelay $0x8  }
0x545: {  	v7 =	vpop (erf)  }
0x546: {  	v8 =	vmul.f32 $1.000000000e+01, v7;
	_ =	sdelay $0x1  }
0x547: {  	v8 =	vtrunc.f32 v8  }
0x548: {  	v8 =	vcvt.f32.s32 v8;
	_ =	sdelay $0x1  }
0x549: {  	v11 =	vld [tilespmem:s21+$0x13880];
	vm0 =	vlt.s32 v8, $0x9  }
0x54a: {  	v8 =	vnsel vm0, $0x9, v8;
	_ =	sdelay $0x1  }
0x54b: {  	v9 =	vld [tilespmem:s21+$0xEA60]  }
0x54c: {  	v54 =	vld [tilespmem:s21+$0x9C40]  }
0x54d: {  	v21 =	vld [tilespmem:s21+$0x0];
	vm9 =	veq.s32 v11, $0x1  }
0x54e: {  	v11 =	vsel vm9, $0x3F800000, v0;
	[tilespmem:v8+s14+$0x0] =	vst.idx.add.f32.msk $0xffff, v1  }
0x54f: {  	[tilespmem:v8+s15+$0x0] =	vst.idx.add.f32.msk $0xffff, v11  }
0x550: {  	[tilespmem:v8+s16+$0x0] =	vst.idx.add.f32.msk $0xffff, v7  }
0x551: {  	v18 =	vld [tilespmem:s21+$0x4E30];
	_ =	sdelay $0x2  }
0x552: {  	v29 =	vmax.f32 v21, v5;
	v8 =	vmin.f32 v21, v5  }
0x553: {  	v8 =	vsub.f32 v8, v29  }
0x554: {  	v55 =	vsub.f32 $0.0e+00, v18  }
0x555: {  	v8 =	vmul.f32 $1.442695020e+00, v8  }
0x556: {  	v11 =	vmul.f32 $1.442695020e+00, v55  }
0x557: {  	(erf) = vpow2.f32 v8  }
0x558: {  	(erf) = vpow2.f32 v11;
	_ =	sdelay $0x7  }
0x559: {  	v43 =	vpop (erf)  }
0x55a: {  	v8 =	vadd.f32 $2.000000000e+00, v43;
	v11 =	vpop (erf)  }
0x55b: {  	v11 =	vadd.f32 $1.000000000e+00, v11  }
0x55c: {  	(erf) = vrcp.f32 v8  }
0x55d: {  	(erf) = vrcp.f32 v11;
	_ =	sdelay $0x7  }
0x55e: {  	v45 =	vpop (erf)  }
0x55f: {  	v8 =	vpop (erf)  }
0x560: {  	v56 =	vmul.f32 $1.000000000e+01, v8;
	_ =	sdelay $0x1  }
0x561: {  	v11 =	vtrunc.f32 v56  }
0x562: {  	v11 =	vcvt.f32.s32 v11  }
0x563: {  	v13 =	vld [tilespmem:s21+$0x13890]  }
0x564: {  	v7 =	vld [tilespmem:s21+$0xEA70];
	vm10 =	vlt.s32 v11, $0x9  }
0x565: {  	v11 =	vnsel vm10, $0x9, v11;
	_ =	sdelay $0x2  }
0x566: {  	v20 =	vld [tilespmem:s21+$0x10]  }
0x567: {  	[tilespmem:$0x1FF50] =	vst v7;
	v7 =	vld [tilespmem:s21+$0x9C50];
	vm11 =	veq.s32 v13, $0x1  }
0x568: {  	v13 =	vsel vm11, $0x3F800000, v0;
	[tilespmem:v11+s14+$0x0] =	vst.idx.add.f32.msk $0xffff, v1  }
0x569: {  	[tilespmem:v11+s15+$0x0] =	vst.idx.add.f32.msk $0xffff, v13  }
0x56a: {  	[tilespmem:v11+s16+$0x0] =	vst.idx.add.f32.msk $0xffff, v8  }
0x56b: {  	v16 =	vld [tilespmem:s21+$0x4E40];
	_ =	sdelay $0x2  }
0x56c: {  	v26 =	vmax.f32 v20, v18;
	v57 =	vmin.f32 v20, v18  }
0x56d: {  	v11 =	vsub.f32 v57, v26  }
0x56e: {  	v58 =	vsub.f32 $0.0e+00, v16  }
0x56f: {  	v11 =	vmul.f32 $1.442695020e+00, v11  }
0x570: {  	v13 =	vmul.f32 $1.442695020e+00, v58  }
0x571: {  	(erf) = vpow2.f32 v11  }
0x572: {  	(erf) = vpow2.f32 v13;
	_ =	sdelay $0x7  }
0x573: {  	v49 =	vpop (erf)  }
0x574: {  	v59 =	vadd.f32 $2.000000000e+00, v49;
	v13 =	vpop (erf)  }
0x575: {  	v13 =	vadd.f32 $1.000000000e+00, v13  }
0x576: {  	(erf) = vrcp.f32 v59  }
0x577: {  	(erf) = vrcp.f32 v13;
	_ =	sdelay $0x7  }
0x578: {  	v52 =	vpop (erf)  }
0x579: {  	v60 =	vpop (erf)  }
0x57a: {  	v61 =	vmul.f32 $1.000000000e+01, v60;
	_ =	sdelay $0x1  }
0x57b: {  	v13 =	vtrunc.f32 v61  }
0x57c: {  	v13 =	vcvt.f32.s32 v13  }
0x57d: {  	v17 =	vld [tilespmem:s21+$0x138A0]  }
0x57e: {  	[tilespmem:$0x1FF40] =	vst v7;
	v7 =	vld [tilespmem:s21+$0xEA80];
	vm12 =	vlt.s32 v13, $0x9  }
0x57f: {  	v13 =	vnsel vm12, $0x9, v13;
	_ =	sdelay $0x2  }
0x580: {  	v19 =	vld [tilespmem:s21+$0x20]  }
0x581: {  	[tilespmem:$0x1FF70] =	vst v7;
	v7 =	vld [tilespmem:s21+$0x9C60];
	vm13 =	veq.s32 v17, $0x1  }
0x582: {  	v17 =	vsel vm13, $0x3F800000, v0;
	[tilespmem:v13+s14+$0x0] =	vst.idx.add.f32.msk $0xffff, v1  }
0x583: {  	[tilespmem:v13+s15+$0x0] =	vst.idx.add.f32.msk $0xffff, v17  }
0x584: {  	[tilespmem:v13+s16+$0x0] =	vst.idx.add.f32.msk $0xffff, v60  }
0x585: {  	v13 =	vld [tilespmem:s21+$0x4E50];
	_ =	sdelay $0x2  }
0x586: {  	v27 =	vmax.f32 v19, v16;
	v62 =	vmin.f32 v19, v16  }
0x587: {  	v11 =	vsub.f32 v62, v27  }
0x588: {  	v63 =	vsub.f32 $0.0e+00, v13  }
0x589: {  	v11 =	vmul.f32 $1.442695020e+00, v11  }
0x58a: {  	v17 =	vmul.f32 $1.442695020e+00, v63  }
0x58b: {  	(erf) = vpow2.f32 v11  }
0x58c: {  	v22 =	vld [tilespmem:s21+$0x30];
	(erf) = vpow2.f32 v17;
	_ =	sdelay $0x4  }
0x58d: {  	v25 =	vmax.f32 v22, v13;
	v12 =	vmin.f32 v22, v13  }
0x58e: {  	v11 =	vsub.f32 v12, v25;
	_ =	sdelay $0x1  }
0x58f: {  	[tilespmem:$0x1FF20] =	vst v54;
	v54 =	vpop (erf);
	v11 =	vmul.f32 $1.442695020e+00, v11  }
0x590: {  	v14 =	vadd.f32 $2.000000000e+00, v54;
	v23 =	vpop (erf)  }
0x591: {  	(erf) = vpow2.f32 v11;
	v15 =	vadd.f32 $1.000000000e+00, v23  }
0x592: {  	(erf) = vrcp.f32 v14  }
0x593: {  	(erf) = vrcp.f32 v15;
	_ =	sdelay $0x6  }
0x594: {  	v55 =	vpop (erf)  }
0x595: {  	v57 =	vpop (erf)  }
0x596: {  	v11 =	vpop (erf)  }
0x597: {  	v23 =	vmul.f32 $1.000000000e+01, v11;
	_ =	sdelay $0x1  }
0x598: {  	v17 =	vtrunc.f32 v23  }
0x599: {  	v17 =	vcvt.f32.s32 v17;
	_ =	sdelay $0x1  }
0x59a: {  	v24 =	vld [tilespmem:s21+$0x138B0];
	vm14 =	vlt.s32 v17, $0x9  }
0x59b: {  	v17 =	vnsel vm14, $0x9, v17;
	_ =	sdelay $0x2  }
0x59c: {  	v32 =	vld [tilespmem:s21+$0x9C70]  }
0x59d: {  	v31 =	vld [tilespmem:s21+$0xEA90];
	vm15 =	veq.s32 v24, $0x1  }
0x59e: {  	v23 =	vsel vm15, $0x3F800000, v0;
	[tilespmem:v17+s14+$0x0] =	vst.idx.add.f32.msk $0xffff, v1  }
0x59f: {  	[tilespmem:v17+s15+$0x0] =	vst.idx.add.f32.msk $0xffff, v23  }
0x5a0: {  	[tilespmem:v17+s16+$0x0] =	vst.idx.add.f32.msk $0xffff, v11  }
0x5a1: {  	v14 =	vld [tilespmem:s21+$0x4E60];
	_ =	sdelay $0x4  }
0x5a2: {  	v36 =	vsub.f32 $0.0e+00, v14  }
0x5a3: {  	v37 =	vadd.f32 $2.000000000e+00, v55  }
0x5a4: {  	v17 =	vmul.f32 $1.442695020e+00, v36  }
0x5a5: {  	(erf) = vrcp.f32 v37  }
0x5a6: {  	(erf) = vpow2.f32 v17  }
0x5a7: {  	v17 =	vld [tilespmem:s21+$0x40];
	_ =	sdelay $0x4  }
0x5a8: {  	v23 =	vmax.f32 v17, v14;
	v24 =	vmin.f32 v17, v14  }
0x5a9: {  	v24 =	vsub.f32 v24, v23  }
0x5aa: {  	v58 =	vpop (erf)  }
0x5ab: {  	v24 =	vmul.f32 $1.442695020e+00, v24;
	v28 =	vpop (erf)  }
0x5ac: {  	v28 =	vadd.f32 $1.000000000e+00, v28  }
0x5ad: {  	(erf) = vpow2.f32 v24  }
0x5ae: {  	(erf) = vrcp.f32 v28;
	_ =	sdelay $0x7  }
0x5af: {  	v53 =	vpop (erf)  }
0x5b0: {  	v38 =	vpop (erf)  }
0x5b1: {  	v39 =	vmul.f32 $1.000000000e+01, v38;
	_ =	sdelay $0x1  }
0x5b2: {  	v28 =	vtrunc.f32 v39  }
0x5b3: {  	v28 =	vcvt.f32.s32 v28;
	_ =	sdelay $0x1  }
0x5b4: {  	v33 =	vld [tilespmem:s21+$0x138C0];
	vm4 =	vlt.s32 v28, $0x9  }
0x5b5: {  	v28 =	vnsel vm4, $0x9, v28;
	_ =	sdelay $0x2  }
0x5b6: {  	v30 =	vld [tilespmem:s21+$0x9C80]  }
0x5b7: {  	[tilespmem:$0x1FF60] =	vst v7;
	v7 =	vld [tilespmem:s21+$0xEAA0];
	vm5 =	veq.s32 v33, $0x1  }
0x5b8: {  	v34 =	vsel vm5, $0x3F800000, v0;
	v40 =	vadd.f32 $2.000000000e+00, v53;
	[tilespmem:v28+s14+$0x0] =	vst.idx.add.f32.msk $0xffff, v1  }
0x5b9: {  	[tilespmem:v28+s15+$0x0] =	vst.idx.add.f32.msk $0xffff, v34  }
0x5ba: {  	s22 =	rddreg [dreg:$0xe];
	s21 =	simm.s32 $0x0;
	(erf) = vrcp.f32 v40;
	[tilespmem:v28+s16+$0x0] =	vst.idx.add.f32.msk $0xffff, v38  }
0x5bb: {  	[tilespmem:s21], [sflag:$0x1] =	stream.linear.gather [hbm4b:s22+s21], $0x2710, $0x38;
	[tilespmem:$0x18730] =	vst v63  }
0x5bc: {  	s24 =	rddreg [dreg:$0xf]  }
0x5bd: {  	[tilespmem:s31], [sflag:$0x1] =	stream.linear.gather [hbm4b:s24+s21], $0x2710, $0x38;
	[tilespmem:$0x18730] =	vst v63  }
0x5be: {  	s25 =	rddreg [dreg:$0x10]  }
0x5bf: {  	[tilespmem:s0], [sflag:$0x1] =	stream.linear.gather [hbm4b:s25+s21], $0x2710, $0x38;
	[tilespmem:$0x18730] =	vst v63  }
0x5c0: {  	s23 =	rddreg [dreg:$0x11];
	[tilespmem:$0x1FF30] =	vst v9  }
0x5c1: {  	[tilespmem:s3], [sflag:$0x1] =	stream.linear.gather [hbm4b:s23+s21], $0x2710, $0x38;
	[tilespmem:$0x18730] =	vst v63  }
0x5c2: {  	[tilespmem:$0x1FF80] =	vst v7;
	s24 =	rddreg [dreg:$0x12]  }
0x5c3: {  	v56 =	vpop (erf);
	[tilespmem:s4], [sflag:$0x1] =	stream.linear.gather [hbm4b:s24+s21], $0x2710, $0x38;
	[tilespmem:$0x18730] =	vst v63  }
0x5c4: {  	_ =	swait.ge [sflag:s17], $0x2710  }
0x5c5: {  	[sflag:s17] =	ssyncset.done $0x0  }
0x5c6: {  	[sflag:s17] =	ssyncadd.s32 $0xFFFFD8F0  }
0x5c7: {  	_ =	swait.ge [sflag:s17], $0x2710  }
0x5c8: {  	[sflag:s17] =	ssyncset.done $0x0  }
0x5c9: {  	[sflag:s17] =	ssyncadd.s32 $0xFFFFD8F0  }
0x5ca: {  	_ =	swait.ge [sflag:s17], $0x2710  }
0x5cb: {  	[sflag:s17] =	ssyncset.done $0x0  }
0x5cc: {  	[sflag:s17] =	ssyncadd.s32 $0xFFFFD8F0  }
0x5cd: {  	_ =	swait.ge [sflag:s17], $0x2710  }
0x5ce: {  	[sflag:s17] =	ssyncset.done $0x0  }
0x5cf: {  	[sflag:s17] =	ssyncadd.s32 $0xFFFFD8F0  }
0x5d0: {  	_ =	swait.ge [sflag:s17], $0x2710  }
0x5d1: {  	[sflag:s17] =	ssyncset.done $0x0  }
0x5d2: {  	s25 =	simm.s32 $0x0;
	[sflag:s17] =	ssyncadd.s32 $0xFFFFD8F0  }
0x5d3: {  	v28 =	vld [tilespmem:s25+$0x7530];
	_ =	sdelay $0x4  }
0x5d4: {  	v41 =	vsub.f32 $0.0e+00, v28;
	_ =	sdelay $0x1  }
0x5d5: {  	v24 =	vmul.f32 $1.442695020e+00, v41;
	_ =	sdelay $0x1  }
0x5d6: {  	(erf) = vpow2.f32 v24;
	_ =	sdelay $0x8  }
0x5d7: {  	v24 =	vpop (erf)  }
0x5d8: {  	v24 =	vadd.f32 $1.000000000e+00, v24;
	_ =	sdelay $0x1  }
0x5d9: {  	(erf) = vrcp.f32 v24;
	_ =	sdelay $0x8  }
0x5da: {  	v42 =	vpop (erf)  }
0x5db: {  	v44 =	vmul.f32 $1.000000000e+01, v42;
	_ =	sdelay $0x1  }
0x5dc: {  	v24 =	vtrunc.f32 v44  }
0x5dd: {  	v24 =	vcvt.f32.s32 v24;
	_ =	sdelay $0x1  }
0x5de: {  	v46 =	vld [tilespmem:s25+$0x15F90];
	vm6 =	vlt.s32 v24, $0x9  }
0x5df: {  	v37 =	vnsel vm6, $0x9, v24;
	_ =	sdelay $0x1  }
0x5e0: {  	v35 =	vld [tilespmem:s25+$0xC350]  }
0x5e1: {  	v36 =	vld [tilespmem:s25+$0x2710]  }
0x5e2: {  	vm7 =	veq.s32 v46, $0x1;
	v24 =	vld [tilespmem:s25+$0x11170]  }
0x5e3: {  	v34 =	vsel vm7, $0x3F800000, v0;
	[tilespmem:v37+s14+$0x0] =	vst.idx.add.f32.msk $0xffff, v1  }
0x5e4: {  	[tilespmem:v37+s15+$0x0] =	vst.idx.add.f32.msk $0xffff, v34  }
0x5e5: {  	[tilespmem:v37+s16+$0x0] =	vst.idx.add.f32.msk $0xffff, v42  }
0x5e6: {  	v33 =	vld [tilespmem:s25+$0x7540];
	_ =	sdelay $0x2  }
0x5e7: {  	v40 =	vmax.f32 v36, v28;
	v47 =	vmin.f32 v36, v28  }
0x5e8: {  	v34 =	vsub.f32 v47, v40  }
0x5e9: {  	v48 =	vsub.f32 $0.0e+00, v33  }
0x5ea: {  	v34 =	vmul.f32 $1.442695020e+00, v34  }
0x5eb: {  	v37 =	vmul.f32 $1.442695020e+00, v48  }
0x5ec: {  	(erf) = vpow2.f32 v34  }
0x5ed: {  	(erf) = vpow2.f32 v37;
	_ =	sdelay $0x7  }
0x5ee: {  	v59 =	vpop (erf)  }
0x5ef: {  	v50 =	vadd.f32 $2.000000000e+00, v59;
	v37 =	vpop (erf)  }
0x5f0: {  	v37 =	vadd.f32 $1.000000000e+00, v37  }
0x5f1: {  	(erf) = vrcp.f32 v50  }
0x5f2: {  	(erf) = vrcp.f32 v37;
	_ =	sdelay $0x7  }
0x5f3: {  	v60 =	vpop (erf)  }
0x5f4: {  	v51 =	vpop (erf)  }
0x5f5: {  	v61 =	vmul.f32 $1.000000000e+01, v51;
	_ =	sdelay $0x1  }
0x5f6: {  	v37 =	vtrunc.f32 v61  }
0x5f7: {  	v37 =	vcvt.f32.s32 v37;
	_ =	sdelay $0x1  }
0x5f8: {  	v39 =	vld [tilespmem:s25+$0x15FA0];
	vm8 =	vlt.s32 v37, $0x9  }
0x5f9: {  	v42 =	vnsel vm8, $0x9, v37;
	_ =	sdelay $0x1  }
0x5fa: {  	v38 =	vld [tilespmem:s25+$0xC360]  }
0x5fb: {  	v41 =	vld [tilespmem:s25+$0x2720]  }
0x5fc: {  	vm9 =	veq.s32 v39, $0x1;
	v37 =	vld [tilespmem:s25+$0x11180]  }
0x5fd: {  	v39 =	vsel vm9, $0x3F800000, v0;
	[tilespmem:v42+s14+$0x0] =	vst.idx.add.f32.msk $0xffff, v1  }
0x5fe: {  	[tilespmem:v42+s15+$0x0] =	vst.idx.add.f32.msk $0xffff, v39  }
0x5ff: {  	[tilespmem:v42+s16+$0x0] =	vst.idx.add.f32.msk $0xffff, v51  }
0x600: {  	v34 =	vld [tilespmem:s25+$0x7550];
	_ =	sdelay $0x2  }
0x601: {  	v62 =	vmin.f32 v41, v33;
	v48 =	vmax.f32 v41, v33  }
0x602: {  	v39 =	vsub.f32 v62, v48  }
0x603: {  	v63 =	vsub.f32 $0.0e+00, v34  }
0x604: {  	v39 =	vmul.f32 $1.442695020e+00, v39  }
0x605: {  	v42 =	vmul.f32 $1.442695020e+00, v63  }
0x606: {  	(erf) = vpow2.f32 v39  }
0x607: {  	(erf) = vpow2.f32 v42;
	_ =	sdelay $0x7  }
0x608: {  	v61 =	vpop (erf)  }
0x609: {  	v9 =	vadd.f32 $2.000000000e+00, v61;
	v42 =	vpop (erf)  }
0x60a: {  	v42 =	vadd.f32 $1.000000000e+00, v42  }
0x60b: {  	(erf) = vrcp.f32 v9  }
0x60c: {  	(erf) = vrcp.f32 v42;
	_ =	sdelay $0x7  }
0x60d: {  	v62 =	vpop (erf)  }
0x60e: {  	v42 =	vpop (erf)  }
0x60f: {  	v10 =	vmul.f32 $1.000000000e+01, v42;
	_ =	sdelay $0x1  }
0x610: {  	v39 =	vtrunc.f32 v10  }
0x611: {  	v39 =	vcvt.f32.s32 v39;
	_ =	sdelay $0x1  }
0x612: {  	v47 =	vld [tilespmem:s25+$0x15FB0];
	vm10 =	vlt.s32 v39, $0x9  }
0x613: {  	v50 =	vnsel vm10, $0x9, v39;
	_ =	sdelay $0x1  }
0x614: {  	v44 =	vld [tilespmem:s25+$0xC370]  }
0x615: {  	v46 =	vld [tilespmem:s25+$0x2730]  }
0x616: {  	vm11 =	veq.s32 v47, $0x1;
	v39 =	vld [tilespmem:s25+$0x11190]  }
0x617: {  	v47 =	vsel vm11, $0x3F800000, v0;
	[tilespmem:v50+s14+$0x0] =	vst.idx.add.f32.msk $0xffff, v1  }
0x618: {  	[tilespmem:v50+s15+$0x0] =	vst.idx.add.f32.msk $0xffff, v47  }
0x619: {  	[tilespmem:v50+s16+$0x0] =	vst.idx.add.f32.msk $0xffff, v42  }
0x61a: {  	v42 =	vld [tilespmem:s25+$0x7560];
	_ =	sdelay $0x2  }
0x61b: {  	v11 =	vmin.f32 v46, v34;
	v50 =	vmax.f32 v46, v34  }
0x61c: {  	v47 =	vsub.f32 v11, v50  }
0x61d: {  	v51 =	vsub.f32 $0.0e+00, v42  }
0x61e: {  	v47 =	vmul.f32 $1.442695020e+00, v47  }
0x61f: {  	v51 =	vmul.f32 $1.442695020e+00, v51  }
0x620: {  	(erf) = vpow2.f32 v47  }
0x621: {  	v47 =	vld [tilespmem:s25+$0x2740];
	(erf) = vpow2.f32 v51;
	_ =	sdelay $0x4  }
0x622: {  	v51 =	vmax.f32 v47, v42;
	v63 =	vmin.f32 v47, v42  }
0x623: {  	v9 =	vmul.f32 v45, v43;
	v63 =	vsub.f32 v63, v51;
	_ =	sdelay $0x1  }
0x624: {  	v12 =	vmul.f32 $1.442695020e+00, v63;
	v63 =	vmul.f32 v9, v9;
	v43 =	vpop (erf)  }
0x625: {  	v8 =	vadd.f32 $2.000000000e+00, v43;
	v7 =	vpop (erf)  }
0x626: {  	(erf) = vpow2.f32 v12;
	v15 =	vmul.f32 $2.222222240e-01, v63;
	v7 =	vadd.f32 $1.000000000e+00, v7  }
0x627: {  	(erf) = vrcp.f32 v8  }
0x628: {  	v12 =	vmul.f32 v52, v49;
	(erf) = vrcp.f32 v7;
	v7 =	vadd.f32 $2.857142980e-01, v15;
	_ =	sdelay $0x1  }
0x629: {  	v49 =	vmul.f32 v12, v12;
	v7 =	vmul.f32 v7, v63;
	_ =	sdelay $0x1  }
0x62a: {  	v10 =	vmul.f32 $2.222222240e-01, v49;
	v7 =	vadd.f32 $4.000000060e-01, v7;
	_ =	sdelay $0x1  }
0x62b: {  	v11 =	vadd.f32 $2.857142980e-01, v10;
	v7 =	vmul.f32 v7, v63;
	_ =	sdelay $0x1  }
0x62c: {  	v54 =	vmul.f32 v57, v54;
	v52 =	vmul.f32 v11, v49;
	v45 =	vpop (erf);
	v7 =	vadd.f32 $6.666666860e-01, v7  }
0x62d: {  	v55 =	vmul.f32 v58, v55;
	v15 =	vpop (erf)  }
0x62e: {  	v58 =	vmul.f32 v54, v54;
	v52 =	vadd.f32 $4.000000060e-01, v52;
	v11 =	vpop (erf);
	v7 =	vmul.f32 v7, v63  }
0x62f: {  	v10 =	vmul.f32 $1.000000000e+01, v11  }
0x630: {  	v52 =	vmul.f32 v52, v49;
	v63 =	vmul.f32 $2.222222240e-01, v58;
	v8 =	vadd.f32 $2.000000000e+00, v7  }
0x631: {  	v57 =	vtrunc.f32 v10;
	v7 =	vmul.f32 v55, v55  }
0x632: {  	v57 =	vcvt.f32.s32 v57;
	v8 =	vmul.f32 v8, v9;
	v9 =	vadd.f32 $6.666666860e-01, v52  }
0x633: {  	v52 =	vadd.f32 $2.857142980e-01, v63;
	v63 =	vmul.f32 $2.222222240e-01, v7  }
0x634: {  	v10 =	vld [tilespmem:s25+$0x15FC0];
	vm12 =	vlt.s32 v57, $0x9;
	v9 =	vmul.f32 v9, v49  }
0x635: {  	v49 =	vnsel vm12, $0x9, v57;
	v8 =	vadd.f32 v8, v29;
	v63 =	vadd.f32 $2.857142980e-01, v63  }
0x636: {  	v29 =	vmul.f32 v52, v58  }
0x637: {  	v9 =	vadd.f32 $2.000000000e+00, v9;
	v57 =	vsub.f32 v8, v21;
	v52 =	vmul.f32 v63, v7;
	v21 =	vld [tilespmem:s25+$0xC380]  }
0x638: {  	v8 =	vsub.f32 v8, v5;
	v5 =	vld [tilespmem:s25+$0x111A0]  }
0x639: {  	vm13 =	veq.s32 v10, $0x1;
	v9 =	vmul.f32 v9, v12;
	v12 =	vadd.f32 $4.000000060e-01, v52;
	v52 =	vld [tilespmem:$0x1FF20]  }
0x63a: {  	v63 =	vsel vm13, $0x3F800000, v0;
	[tilespmem:v49+s14+$0x0] =	vst.idx.add.f32.msk $0xffff, v1  }
0x63b: {  	v29 =	vadd.f32 $4.000000060e-01, v29;
	[tilespmem:v49+s15+$0x0] =	vst.idx.add.f32.msk $0xffff, v63  }
0x63c: {  	v63 =	vld [tilespmem:$0x1FF30]  }
0x63d: {  	v10 =	vmul.f32 v29, v58  }
0x63e: {  	[tilespmem:v49+s16+$0x0] =	vst.idx.add.f32.msk $0xffff, v11;
	v49 =	vadd.f32 v9, v26  }
0x63f: {  	v10 =	vadd.f32 $6.666666860e-01, v10  }
0x640: {  	v12 =	vmul.f32 v12, v7;
	v20 =	vsub.f32 v49, v20;
	v11 =	vsub.f32 v49, v18;
	v49 =	vld [tilespmem:$0x1FF40]  }
0x641: {  	v9 =	vld [tilespmem:s25+$0x2750];
	v29 =	vmul.f32 v52, v2;
	v52 =	vmul.f32 v63, v3  }
0x642: {  	v12 =	vadd.f32 $6.666666860e-01, v12;
	v63 =	vmul.f32 v10, v58;
	v10 =	vld [tilespmem:s25+$0x7570]  }
0x643: {  	v8 =	vmul.f32 v8, v52;
	v52 =	vld [tilespmem:$0x1FF50]  }
0x644: {  	v7 =	vmul.f32 v12, v7  }
0x645: {  	v26 =	vmul.f32 v57, v29;
	v29 =	vadd.f32 $2.000000000e+00, v63;
	v18 =	vmul.f32 v49, v2  }
0x646: {  	v12 =	vmul.f32 v56, v53  }
0x647: {  	v56 =	vadd.f32 $2.000000000e+00, v7;
	v18 =	vmul.f32 v20, v18;
	v20 =	vmul.f32 v29, v54  }
0x648: {  	v7 =	vmax.f32 v9, v10;
	v57 =	vmin.f32 v9, v10;
	v49 =	vmul.f32 v52, v3  }
0x649: {  	v58 =	vsub.f32 $0.0e+00, v10;
	v29 =	vmul.f32 v56, v55;
	v52 =	vsub.f32 v57, v7  }
0x64a: {  	v56 =	vld [tilespmem:$0x1FF70];
	v11 =	vmul.f32 v11, v49;
	v49 =	vmul.f32 v12, v12  }
0x64b: {  	v63 =	vadd.f32 $2.000000000e+00, v45;
	v53 =	vmul.f32 $1.442695020e+00, v58;
	v58 =	vmul.f32 $1.442695020e+00, v52  }
0x64c: {  	v52 =	vmul.f32 v60, v59;
	v60 =	vld [tilespmem:$0x1FF60];
	v57 =	vmul.f32 $2.222222240e-01, v49  }
0x64d: {  	v15 =	vmul.f32 v15, v43;
	(erf) = vrcp.f32 v63  }
0x64e: {  	v20 =	vadd.f32 v20, v27;
	(erf) = vpow2.f32 v53;
	v59 =	vadd.f32 $2.857142980e-01, v57  }
0x64f: {  	v55 =	vadd.f32 v29, v25;
	v25 =	vmul.f32 v56, v3;
	v53 =	vmul.f32 v52, v52  }
0x650: {  	v19 =	vsub.f32 v20, v19;
	(erf) = vpow2.f32 v58;
	v63 =	vmul.f32 v59, v49  }
0x651: {  	v16 =	vsub.f32 v20, v16;
	v57 =	vmul.f32 $2.222222240e-01, v53;
	v54 =	vmul.f32 v60, v2  }
0x652: {  	v8 =	vadd.f32 v8, v26;
	v29 =	vmul.f32 v62, v61;
	v27 =	vadd.f32 $4.000000060e-01, v63  }
0x653: {  	v16 =	vmul.f32 v16, v25;
	v60 =	vadd.f32 $2.857142980e-01, v57;
	v19 =	vmul.f32 v19, v54  }
0x654: {  	v22 =	vsub.f32 v55, v22;
	v58 =	vmul.f32 v32, v2;
	v59 =	vmul.f32 v27, v49  }
0x655: {  	v32 =	vmul.f32 v60, v53;
	v16 =	vadd.f32 v16, v19;
	v19 =	vmul.f32 v29, v29  }
0x656: {  	v13 =	vsub.f32 v55, v13;
	v63 =	vmul.f32 v31, v3;
	v31 =	vadd.f32 $6.666666860e-01, v59  }
0x657: {  	v22 =	vmul.f32 v22, v58;
	v26 =	vadd.f32 $4.000000060e-01, v32;
	v55 =	vmul.f32 $2.222222240e-01, v19;
	v27 =	vpop (erf)  }
0x658: {  	v13 =	vmul.f32 v13, v63;
	v54 =	vpop (erf);
	v25 =	vmul.f32 v31, v49  }
0x659: {  	v58 =	vmul.f32 v26, v53;
	v59 =	vadd.f32 $2.857142980e-01, v55;
	v20 =	vadd.f32 $1.000000000e+00, v54  }
0x65a: {  	v13 =	vadd.f32 v13, v22;
	v31 =	vpop (erf);
	v57 =	vadd.f32 $2.000000000e+00, v25;
	v25 =	vmul.f32 v15, v15  }
0x65b: {  	v61 =	vmul.f32 v59, v19;
	(erf) = vrcp.f32 v20;
	v56 =	vadd.f32 $2.000000000e+00, v31  }
0x65c: {  	v12 =	vmul.f32 v57, v12;
	v63 =	vmul.f32 $2.222222240e-01, v25  }
0x65d: {  	v13 =	vadd.f32 v13, v16;
	v16 =	vadd.f32 $4.000000060e-01, v61;
	(erf) = vrcp.f32 v56  }
0x65e: {  	v22 =	vmul.f32 v27, v45;
	v12 =	vadd.f32 v12, v23;
	v20 =	vadd.f32 $2.857142980e-01, v63  }
0x65f: {  	v11 =	vadd.f32 v11, v18;
	v60 =	vadd.f32 $6.666666860e-01, v58;
	v45 =	vmul.f32 v16, v19  }
0x660: {  	v49 =	vmul.f32 v22, v22;
	v17 =	vsub.f32 v12, v17;
	v54 =	vmul.f32 v20, v25  }
0x661: {  	v62 =	vmul.f32 v60, v53;
	v12 =	vsub.f32 v12, v14;
	v14 =	vadd.f32 $6.666666860e-01, v45  }
0x662: {  	v8 =	vadd.f32 v11, v8;
	v55 =	vmul.f32 $2.222222240e-01, v49;
	v18 =	vadd.f32 $4.000000060e-01, v54  }
0x663: {  	v32 =	vmul.f32 v30, v2;
	v53 =	vadd.f32 $2.000000000e+00, v62;
	v14 =	vmul.f32 v14, v19  }
0x664: {  	v8 =	vadd.f32 v13, v8;
	v20 =	vadd.f32 $2.857142980e-01, v55;
	v58 =	vmul.f32 v18, v25  }
0x665: {  	v11 =	vmul.f32 v53, v52;
	v17 =	vmul.f32 v17, v32;
	v56 =	vpop (erf);
	v14 =	vadd.f32 $2.000000000e+00, v14  }
0x666: {  	v59 =	vmul.f32 v20, v49;
	v32 =	vmul.f32 $1.000000000e+01, v56;
	v57 =	vpop (erf);
	v13 =	vadd.f32 $6.666666860e-01, v58  }
0x667: {  	v14 =	vmul.f32 v14, v29;
	v19 =	vmul.f32 v57, v31  }
0x668: {  	v11 =	vadd.f32 v11, v40;
	v13 =	vmul.f32 v13, v25;
	v25 =	vtrunc.f32 v32  }
0x669: {  	v43 =	vld [tilespmem:$0x1FF80];
	v14 =	vadd.f32 v14, v48;
	v60 =	vmul.f32 v19, v19;
	v25 =	vcvt.f32.s32 v25  }
0x66a: {  	v24 =	vmul.f32 v24, v3;
	v62 =	vsub.f32 v11, v36;
	v18 =	vadd.f32 $4.000000060e-01, v59  }
0x66b: {  	v36 =	vsub.f32 v14, v41;
	v41 =	vld [tilespmem:s25+$0x15FD0];
	v63 =	vmul.f32 $2.222222240e-01, v60;
	vm14 =	vlt.s32 v25, $0x9  }
0x66c: {  	v18 =	vmul.f32 v18, v49;
	v13 =	vadd.f32 $2.000000000e+00, v13;
	v25 =	vnsel vm14, $0x9, v25  }
0x66d: {  	v21 =	vmul.f32 v21, v2;
	v61 =	vmul.f32 v35, v2;
	v35 =	vadd.f32 $2.857142980e-01, v63  }
0x66e: {  	v26 =	vmul.f32 v43, v3;
	v18 =	vadd.f32 $6.666666860e-01, v18;
	v13 =	vmul.f32 v13, v15  }
0x66f: {  	v52 =	vld [tilespmem:s25+$0x111B0];
	v45 =	vmul.f32 v38, v2;
	v27 =	vmul.f32 v35, v60  }
0x670: {  	v40 =	vmul.f32 v18, v49;
	v13 =	vadd.f32 v13, v50;
	v50 =	vld [tilespmem:s25+$0xC390];
	vm15 =	veq.s32 v41, $0x1  }
0x671: {  	v12 =	vmul.f32 v12, v26;
	v55 =	vsel vm15, $0x3F800000, v0;
	v43 =	vadd.f32 $4.000000060e-01, v27;
	[tilespmem:v25+s14+$0x0] =	vst.idx.add.f32.msk $0xffff, v1  }
0x672: {  	v11 =	vsub.f32 v11, v28;
	v54 =	vmul.f32 v44, v2;
	v15 =	vadd.f32 $2.000000000e+00, v40;
	[tilespmem:v25+s15+$0x0] =	vst.idx.add.f32.msk $0xffff, v55  }
0x673: {  	s21 =	simm.s32 $0x50;
	v26 =	vmul.f32 v62, v61;
	v18 =	vmul.f32 v43, v60;
	[tilespmem:v25+s16+$0x0] =	vst.idx.add.f32.msk $0xffff, v56  }
0x674: {  	v4 =	vadd.f32 v6, v4;
	v58 =	vmul.f32 v5, v3;
	v15 =	vmul.f32 v15, v22;
	v5 =	vld [tilespmem:s21+$0x7530]  }
0x675: {  	v11 =	vmul.f32 v11, v24;
	v12 =	vadd.f32 v12, v17;
	v18 =	vadd.f32 $6.666666860e-01, v18  }
0x676: {  	v48 =	vmul.f32 v37, v3;
	v14 =	vsub.f32 v14, v33;
	v15 =	vadd.f32 v15, v51  }
0x677: {  	v49 =	vmul.f32 v36, v45;
	v53 =	vsub.f32 v13, v46;
	v18 =	vmul.f32 v18, v60  }
0x678: {  	v14 =	vmul.f32 v14, v48;
	v57 =	vsub.f32 v15, v47;
	v15 =	vsub.f32 v15, v42  }
0x679: {  	v27 =	vmul.f32 v53, v54;
	v18 =	vadd.f32 $2.000000000e+00, v18;
	v63 =	vsub.f32 $0.0e+00, v5  }
0x67a: {  	v13 =	vsub.f32 v13, v34;
	v56 =	vmul.f32 v39, v3;
	v15 =	vmul.f32 v15, v58  }
0x67b: {  	v6 =	vadd.f32 v12, v8;
	v59 =	vmul.f32 v18, v19;
	v8 =	vmul.f32 $1.442695020e+00, v63  }
0x67c: {  	v11 =	vadd.f32 v11, v26;
	v13 =	vmul.f32 v13, v56;
	v60 =	vmul.f32 v57, v21  }
0x67d: {  	v14 =	vadd.f32 v14, v49;
	v7 =	vadd.f32 v59, v7;
	(erf) = vpow2.f32 v8  }
0x67e: {  	v16 =	vmul.f32 v52, v3;
	v13 =	vadd.f32 v13, v27;
	v15 =	vadd.f32 v15, v60  }
0x67f: {  	v61 =	vmul.f32 v50, v2;
	v9 =	vsub.f32 v7, v9;
	v7 =	vsub.f32 v7, v10  }
0x680: {  	v11 =	vadd.f32 v14, v11  }
0x681: {  	v62 =	vadd.f32 v15, v13;
	v9 =	vmul.f32 v9, v61;
	v7 =	vmul.f32 v7, v16;
	_ =	sdelay $0x1  }
0x682: {  	v10 =	vadd.f32 v62, v11;
	v7 =	vadd.f32 v7, v9;
	_ =	sdelay $0x1  }
0x683: {  	s22 =	simm.s32 $0x280;
	v4 =	vadd.f32 v6, v4;
	v6 =	vadd.f32 v7, v10  }
.LBB2_10:
0x684: {  	p0 =	sne.s32 s22, $0x9B00;
	v7 =	vpop (erf);
	s23 =	smov.u32 s22;
	s22 =	sadd.s32 $0x140, s22  }
0x685: {  	v7 =	vadd.f32 $1.000000000e+00, v7;
	v4 =	vadd.f32 v6, v4;
	_ =	sdelay $0x1  }
0x686: {  	(erf) = vrcp.f32 v7;
	_ =	sdelay $0x8  }
0x687: {  	v6 =	vpop (erf)  }
0x688: {  	v7 =	vmul.f32 $1.000000000e+01, v6;
	_ =	sdelay $0x1  }
0x689: {  	v7 =	vtrunc.f32 v7  }
0x68a: {  	v7 =	vcvt.f32.s32 v7;
	_ =	sdelay $0x1  }
0x68b: {  	v8 =	vld [tilespmem:s21+$0x15F90];
	vm0 =	vlt.s32 v7, $0x9  }
0x68c: {  	v7 =	vnsel vm0, $0x9, v7;
	_ =	sdelay $0x1  }
0x68d: {  	v9 =	vld [tilespmem:s21+$0x11170]  }
0x68e: {  	v10 =	vld [tilespmem:s21+$0xC350]  }
0x68f: {  	v11 =	vld [tilespmem:s21+$0x2710];
	vm0 =	veq.s32 v8, $0x1  }
0x690: {  	v8 =	vsel vm0, $0x3F800000, v0;
	[tilespmem:v7+s14+$0x0] =	vst.idx.add.f32.msk $0xffff, v1  }
0x691: {  	[tilespmem:v7+s15+$0x0] =	vst.idx.add.f32.msk $0xffff, v8  }
0x692: {  	[tilespmem:v7+s16+$0x0] =	vst.idx.add.f32.msk $0xffff, v6  }
0x693: {  	v8 =	vld [tilespmem:s21+$0x7540]  }
0x694: {  	v6 =	vmax.f32 v11, v5;
	v7 =	vmin.f32 v11, v5  }
0x695: {  	v7 =	vsub.f32 v7, v6;
	_ =	sdelay $0x1  }
0x696: {  	v7 =	vmul.f32 $1.442695020e+00, v7  }
0x697: {  	v12 =	vsub.f32 $0.0e+00, v8  }
0x698: {  	(erf) = vpow2.f32 v7  }
0x699: {  	v7 =	vmul.f32 $1.442695020e+00, v12;
	_ =	sdelay $0x1  }
0x69a: {  	(erf) = vpow2.f32 v7;
	_ =	sdelay $0x5  }
0x69b: {  	v7 =	vpop (erf)  }
0x69c: {  	v13 =	vadd.f32 $2.000000000e+00, v7;
	_ =	sdelay $0x1  }
0x69d: {  	(erf) = vrcp.f32 v13;
	v12 =	vpop (erf)  }
0x69e: {  	v12 =	vadd.f32 $1.000000000e+00, v12;
	_ =	sdelay $0x1  }
0x69f: {  	(erf) = vrcp.f32 v12;
	_ =	sdelay $0x5  }
0x6a0: {  	v12 =	vpop (erf)  }
0x6a1: {  	v12 =	vmul.f32 v12, v7;
	_ =	sdelay $0x1  }
0x6a2: {  	v7 =	vmul.f32 v12, v12;
	v14 =	vpop (erf)  }
0x6a3: {  	v13 =	vmul.f32 $1.000000000e+01, v14  }
0x6a4: {  	v15 =	vmul.f32 $2.222222240e-01, v7  }
0x6a5: {  	v13 =	vtrunc.f32 v13  }
0x6a6: {  	v15 =	vadd.f32 $2.857142980e-01, v15;
	v13 =	vcvt.f32.s32 v13;
	_ =	sdelay $0x1  }
0x6a7: {  	v15 =	vmul.f32 v15, v7;
	v16 =	vld [tilespmem:s21+$0x15FA0];
	vm0 =	vlt.s32 v13, $0x9  }
0x6a8: {  	v18 =	vnsel vm0, $0x9, v13  }
0x6a9: {  	v15 =	vadd.f32 $4.000000060e-01, v15  }
0x6aa: {  	v13 =	vld [tilespmem:s21+$0x11180]  }
0x6ab: {  	v19 =	vmul.f32 v15, v7;
	v15 =	vld [tilespmem:s21+$0xC360]  }
0x6ac: {  	v17 =	vld [tilespmem:s21+$0x2720];
	vm0 =	veq.s32 v16, $0x1  }
0x6ad: {  	v16 =	vadd.f32 $6.666666860e-01, v19;
	v19 =	vsel vm0, $0x3F800000, v0;
	[tilespmem:v18+s14+$0x0] =	vst.idx.add.f32.msk $0xffff, v1  }
0x6ae: {  	[tilespmem:v18+s15+$0x0] =	vst.idx.add.f32.msk $0xffff, v19  }
0x6af: {  	v16 =	vmul.f32 v16, v7;
	[tilespmem:v18+s16+$0x0] =	vst.idx.add.f32.msk $0xffff, v14  }
0x6b0: {  	v7 =	vld [tilespmem:s21+$0x7550]  }
0x6b1: {  	v14 =	vadd.f32 $2.000000000e+00, v16;
	v18 =	vmax.f32 v17, v8;
	v16 =	vmin.f32 v17, v8  }
0x6b2: {  	v16 =	vsub.f32 v16, v18  }
0x6b3: {  	v12 =	vmul.f32 v14, v12  }
0x6b4: {  	v14 =	vmul.f32 $1.442695020e+00, v16  }
0x6b5: {  	v6 =	vadd.f32 v12, v6;
	v12 =	vsub.f32 $0.0e+00, v7  }
0x6b6: {  	v10 =	vmul.f32 v10, v2;
	(erf) = vpow2.f32 v14  }
0x6b7: {  	v11 =	vsub.f32 v6, v11;
	v5 =	vsub.f32 v6, v5;
	v6 =	vmul.f32 $1.442695020e+00, v12  }
0x6b8: {  	v9 =	vmul.f32 v9, v3  }
0x6b9: {  	v10 =	vmul.f32 v11, v10;
	(erf) = vpow2.f32 v6  }
0x6ba: {  	v5 =	vmul.f32 v5, v9;
	_ =	sdelay $0x1  }
0x6bb: {  	v6 =	vadd.f32 v5, v10;
	_ =	sdelay $0x2  }
0x6bc: {  	v5 =	vpop (erf)  }
0x6bd: {  	v10 =	vadd.f32 $2.000000000e+00, v5;
	_ =	sdelay $0x1  }
0x6be: {  	(erf) = vrcp.f32 v10;
	v9 =	vpop (erf)  }
0x6bf: {  	v9 =	vadd.f32 $1.000000000e+00, v9;
	_ =	sdelay $0x1  }
0x6c0: {  	(erf) = vrcp.f32 v9;
	_ =	sdelay $0x5  }
0x6c1: {  	v9 =	vpop (erf)  }
0x6c2: {  	v14 =	vmul.f32 v9, v5;
	_ =	sdelay $0x1  }
0x6c3: {  	v10 =	vmul.f32 v14, v14;
	v12 =	vpop (erf)  }
0x6c4: {  	v5 =	vmul.f32 $1.000000000e+01, v12  }
0x6c5: {  	v9 =	vmul.f32 $2.222222240e-01, v10  }
0x6c6: {  	v5 =	vtrunc.f32 v5  }
0x6c7: {  	v9 =	vadd.f32 $2.857142980e-01, v9;
	v5 =	vcvt.f32.s32 v5;
	_ =	sdelay $0x1  }
0x6c8: {  	v9 =	vmul.f32 v9, v10;
	v16 =	vld [tilespmem:s21+$0x15FB0];
	vm0 =	vlt.s32 v5, $0x9  }
0x6c9: {  	v19 =	vnsel vm0, $0x9, v5  }
0x6ca: {  	v5 =	vadd.f32 $4.000000060e-01, v9  }
0x6cb: {  	v9 =	vld [tilespmem:s21+$0x11190]  }
0x6cc: {  	v20 =	vmul.f32 v5, v10;
	v5 =	vld [tilespmem:s21+$0xC370]  }
0x6cd: {  	v11 =	vld [tilespmem:s21+$0x2730];
	vm0 =	veq.s32 v16, $0x1  }
0x6ce: {  	v16 =	vadd.f32 $6.666666860e-01, v20;
	v20 =	vsel vm0, $0x3F800000, v0;
	[tilespmem:v19+s14+$0x0] =	vst.idx.add.f32.msk $0xffff, v1  }
0x6cf: {  	[tilespmem:v19+s15+$0x0] =	vst.idx.add.f32.msk $0xffff, v20  }
0x6d0: {  	v16 =	vmul.f32 v16, v10;
	[tilespmem:v19+s16+$0x0] =	vst.idx.add.f32.msk $0xffff, v12  }
0x6d1: {  	v10 =	vld [tilespmem:s21+$0x7560]  }
0x6d2: {  	v16 =	vadd.f32 $2.000000000e+00, v16;
	v19 =	vmax.f32 v11, v7;
	v12 =	vmin.f32 v11, v7;
	v20 =	vld [tilespmem:s21+$0x15FC0]  }
0x6d3: {  	v21 =	vsub.f32 v12, v19;
	v12 =	vld [tilespmem:s21+$0x2740]  }
0x6d4: {  	v22 =	vmul.f32 v16, v14;
	v14 =	vld [tilespmem:s21+$0xC380]  }
0x6d5: {  	v21 =	vmul.f32 $1.442695020e+00, v21;
	v16 =	vld [tilespmem:s21+$0x111A0]  }
0x6d6: {  	v18 =	vadd.f32 v22, v18;
	v22 =	vsub.f32 $0.0e+00, v10  }
0x6d7: {  	vm0 =	veq.s32 v20, $0x1;
	(erf) = vpow2.f32 v21  }
0x6d8: {  	v20 =	vmax.f32 v12, v10;
	v21 =	vmin.f32 v12, v10;
	v22 =	vmul.f32 $1.442695020e+00, v22  }
0x6d9: {  	v15 =	vmul.f32 v15, v2;
	v17 =	vsub.f32 v18, v17;
	v21 =	vsub.f32 v21, v20  }
0x6da: {  	v13 =	vmul.f32 v13, v3;
	v8 =	vsub.f32 v18, v8;
	(erf) = vpow2.f32 v22  }
0x6db: {  	v15 =	vmul.f32 v17, v15;
	v17 =	vmul.f32 $1.442695020e+00, v21  }
0x6dc: {  	v8 =	vmul.f32 v8, v13  }
0x6dd: {  	(erf) = vpow2.f32 v17  }
0x6de: {  	v8 =	vadd.f32 v8, v15;
	_ =	sdelay $0x1  }
0x6df: {  	v13 =	vpop (erf)  }
0x6e0: {  	v17 =	vadd.f32 $2.000000000e+00, v13;
	_ =	sdelay $0x1  }
0x6e1: {  	(erf) = vrcp.f32 v17;
	v15 =	vpop (erf)  }
0x6e2: {  	v15 =	vadd.f32 $1.000000000e+00, v15;
	_ =	sdelay $0x1  }
0x6e3: {  	v17 =	vpop (erf);
	(erf) = vrcp.f32 v15  }
0x6e4: {  	v15 =	vadd.f32 $2.000000000e+00, v17;
	_ =	sdelay $0x1  }
0x6e5: {  	(erf) = vrcp.f32 v15;
	_ =	sdelay $0x2  }
0x6e6: {  	v15 =	vpop (erf)  }
0x6e7: {  	v15 =	vmul.f32 v15, v13;
	_ =	sdelay $0x1  }
0x6e8: {  	v13 =	vmul.f32 v15, v15;
	v18 =	vpop (erf)  }
0x6e9: {  	v21 =	vmul.f32 $1.000000000e+01, v18  }
0x6ea: {  	v22 =	vmul.f32 $2.222222240e-01, v13  }
0x6eb: {  	v21 =	vtrunc.f32 v21;
	v23 =	vpop (erf)  }
0x6ec: {  	v22 =	vadd.f32 $2.857142980e-01, v22;
	v17 =	vmul.f32 v23, v17;
	v21 =	vcvt.f32.s32 v21;
	_ =	sdelay $0x1  }
0x6ed: {  	v22 =	vmul.f32 v22, v13;
	v23 =	vmul.f32 v17, v17;
	vm1 =	vlt.s32 v21, $0x9  }
0x6ee: {  	v21 =	vnsel vm1, $0x9, v21  }
0x6ef: {  	v22 =	vadd.f32 $4.000000060e-01, v22;
	v24 =	vmul.f32 $2.222222240e-01, v23;
	_ =	sdelay $0x1  }
0x6f0: {  	v22 =	vmul.f32 v22, v13;
	v24 =	vadd.f32 $2.857142980e-01, v24;
	_ =	sdelay $0x1  }
0x6f1: {  	v25 =	vsel vm0, $0x3F800000, v0;
	v22 =	vadd.f32 $6.666666860e-01, v22;
	v24 =	vmul.f32 v24, v23;
	[tilespmem:v21+s14+$0x0] =	vst.idx.add.f32.msk $0xffff, v1  }
0x6f2: {  	[tilespmem:v21+s15+$0x0] =	vst.idx.add.f32.msk $0xffff, v25  }
0x6f3: {  	v22 =	vmul.f32 v22, v13;
	v24 =	vadd.f32 $4.000000060e-01, v24;
	[tilespmem:v21+s16+$0x0] =	vst.idx.add.f32.msk $0xffff, v18  }
0x6f4: {  	v13 =	vld [tilespmem:s21+$0x2750]  }
0x6f5: {  	v18 =	vadd.f32 $2.000000000e+00, v22;
	v21 =	vmul.f32 v24, v23;
	v22 =	vld [tilespmem:s21+$0x7570]  }
0x6f6: {  	v24 =	vld [tilespmem:s21+$0x15FD0]  }
0x6f7: {  	v15 =	vmul.f32 v18, v15;
	v18 =	vadd.f32 $6.666666860e-01, v21;
	v21 =	vld [tilespmem:s21+$0xC390]  }
0x6f8: {  	v25 =	vld [tilespmem:s21+$0x111B0]  }
0x6f9: {  	v15 =	vadd.f32 v15, v19;
	v18 =	vmul.f32 v18, v23  }
0x6fa: {  	v19 =	vmax.f32 v13, v22;
	v23 =	vmin.f32 v13, v22;
	v26 =	vsub.f32 $0.0e+00, v22  }
0x6fb: {  	v18 =	vadd.f32 $2.000000000e+00, v18;
	v23 =	vsub.f32 v23, v19;
	vm0 =	veq.s32 v24, $0x1  }
0x6fc: {  	v11 =	vsub.f32 v15, v11;
	v7 =	vsub.f32 v15, v7;
	v15 =	vmul.f32 $1.442695020e+00, v26  }
0x6fd: {  	v17 =	vmul.f32 v18, v17;
	v18 =	vmul.f32 $1.442695020e+00, v23  }
0x6fe: {  	(erf) = vpow2.f32 v15  }
0x6ff: {  	v9 =	vmul.f32 v9, v3;
	v15 =	vadd.f32 v17, v20;
	(erf) = vpow2.f32 v18  }
0x700: {  	v5 =	vmul.f32 v5, v2;
	v16 =	vmul.f32 v16, v3  }
0x701: {  	v14 =	vmul.f32 v14, v2;
	v12 =	vsub.f32 v15, v12;
	v10 =	vsub.f32 v15, v10  }
0x702: {  	v5 =	vmul.f32 v11, v5;
	v7 =	vmul.f32 v7, v9  }
0x703: {  	v9 =	vmul.f32 v12, v14;
	v10 =	vmul.f32 v10, v16;
	_ =	sdelay $0x1  }
0x704: {  	v11 =	vadd.f32 v7, v5;
	v7 =	vadd.f32 v10, v9;
	_ =	sdelay $0x1  }
0x705: {  	v7 =	vadd.f32 v7, v11;
	v5 =	vpop (erf)  }
0x706: {  	v5 =	vadd.f32 $1.000000000e+00, v5;
	v9 =	vpop (erf)  }
0x707: {  	v10 =	vadd.f32 $2.000000000e+00, v9  }
0x708: {  	(erf) = vrcp.f32 v5  }
0x709: {  	(erf) = vrcp.f32 v10;
	_ =	sdelay $0x7  }
0x70a: {  	v5 =	vpop (erf)  }
0x70b: {  	v10 =	vmul.f32 $1.000000000e+01, v5;
	v11 =	vpop (erf)  }
0x70c: {  	v9 =	vmul.f32 v11, v9  }
0x70d: {  	v10 =	vtrunc.f32 v10  }
0x70e: {  	v11 =	vmul.f32 v9, v9;
	v10 =	vcvt.f32.s32 v10;
	_ =	sdelay $0x1  }
0x70f: {  	v12 =	vmul.f32 $2.222222240e-01, v11;
	vm1 =	vlt.s32 v10, $0x9  }
0x710: {  	v10 =	vnsel vm1, $0x9, v10  }
0x711: {  	v12 =	vadd.f32 $2.857142980e-01, v12;
	_ =	sdelay $0x1  }
0x712: {  	v12 =	vmul.f32 v12, v11;
	_ =	sdelay $0x1  }
0x713: {  	v14 =	vsel vm0, $0x3F800000, v0;
	v12 =	vadd.f32 $4.000000060e-01, v12;
	[tilespmem:v10+s14+$0x0] =	vst.idx.add.f32.msk $0xffff, v1  }
0x714: {  	[tilespmem:v10+s15+$0x0] =	vst.idx.add.f32.msk $0xffff, v14  }
0x715: {  	s21 =	sshra.s32 s23, $0x2;
	v12 =	vmul.f32 v12, v11;
	[tilespmem:v10+s16+$0x0] =	vst.idx.add.f32.msk $0xffff, v5  }
0x716: {  	v5 =	vld [tilespmem:s21+$0x7530]  }
0x717: {  	v10 =	vadd.f32 $6.666666860e-01, v12;
	_ =	sdelay $0x1  }
0x718: {  	v10 =	vmul.f32 v10, v11;
	_ =	sdelay $0x1  }
0x719: {  	v11 =	vsub.f32 $0.0e+00, v5;
	v10 =	vadd.f32 $2.000000000e+00, v10;
	_ =	sdelay $0x1  }
0x71a: {  	v11 =	vmul.f32 $1.442695020e+00, v11;
	v9 =	vmul.f32 v10, v9;
	_ =	sdelay $0x1  }
0x71b: {  	(erf) = vpow2.f32 v11;
	v9 =	vadd.f32 v9, v19  }
0x71c: {  	v10 =	vmul.f32 v21, v2;
	v11 =	vmul.f32 v25, v3  }
0x71d: {  	v12 =	vsub.f32 v9, v13;
	v9 =	vsub.f32 v9, v22  }
0x71e: {  	v6 =	vadd.f32 v8, v6  }
.Ltmp4:
0x71f: {  	v8 =	vmul.f32 v12, v10;
	v9 =	vmul.f32 v9, v11;
	(pc) =	sbr.rel @p0 .LBB2_10-.Ltmp4, $3  }
0x720: {  	v6 =	vadd.f32 v7, v6  }
0x721: {  	v7 =	vadd.f32 v9, v8;
	_ =	sdelay $0x1  }
0x722: {  	v6 =	vadd.f32 v7, v6  }
0x723: {  	v7 =	vpop (erf)  }
0x724: {  	v7 =	vadd.f32 $1.000000000e+00, v7;
	_ =	sdelay $0x1  }
0x725: {  	(erf) = vrcp.f32 v7;
	_ =	sdelay $0x8  }
0x726: {  	v7 =	vpop (erf)  }
0x727: {  	v8 =	vmul.f32 $1.000000000e+01, v7;
	_ =	sdelay $0x1  }
0x728: {  	v8 =	vtrunc.f32 v8  }
0x729: {  	v8 =	vcvt.f32.s32 v8;
	_ =	sdelay $0x1  }
0x72a: {  	v11 =	vld [tilespmem:s21+$0x15F90];
	vm0 =	vlt.s32 v8, $0x9  }
0x72b: {  	v8 =	vnsel vm0, $0x9, v8;
	_ =	sdelay $0x1  }
0x72c: {  	v9 =	vld [tilespmem:s21+$0x11170]  }
0x72d: {  	v19 =	vld [tilespmem:s21+$0xC350]  }
0x72e: {  	v21 =	vld [tilespmem:s21+$0x2710];
	vm9 =	veq.s32 v11, $0x1  }
0x72f: {  	v11 =	vsel vm9, $0x3F800000, v0;
	[tilespmem:v8+s14+$0x0] =	vst.idx.add.f32.msk $0xffff, v1  }
0x730: {  	[tilespmem:v8+s15+$0x0] =	vst.idx.add.f32.msk $0xffff, v11  }
0x731: {  	[tilespmem:v8+s16+$0x0] =	vst.idx.add.f32.msk $0xffff, v7  }
0x732: {  	v18 =	vld [tilespmem:s21+$0x7540];
	_ =	sdelay $0x2  }
0x733: {  	v31 =	vmax.f32 v21, v5;
	v8 =	vmin.f32 v21, v5  }
0x734: {  	v8 =	vsub.f32 v8, v31  }
0x735: {  	v20 =	vsub.f32 $0.0e+00, v18  }
0x736: {  	v8 =	vmul.f32 $1.442695020e+00, v8  }
0x737: {  	v11 =	vmul.f32 $1.442695020e+00, v20  }
0x738: {  	(erf) = vpow2.f32 v8  }
0x739: {  	(erf) = vpow2.f32 v11;
	_ =	sdelay $0x7  }
0x73a: {  	v44 =	vpop (erf)  }
0x73b: {  	v8 =	vadd.f32 $2.000000000e+00, v44;
	v11 =	vpop (erf)  }
0x73c: {  	v11 =	vadd.f32 $1.000000000e+00, v11  }
0x73d: {  	(erf) = vrcp.f32 v8  }
0x73e: {  	(erf) = vrcp.f32 v11;
	_ =	sdelay $0x7  }
0x73f: {  	v48 =	vpop (erf)  }
0x740: {  	v8 =	vpop (erf)  }
0x741: {  	v22 =	vmul.f32 $1.000000000e+01, v8;
	_ =	sdelay $0x1  }
0x742: {  	v11 =	vtrunc.f32 v22  }
0x743: {  	v11 =	vcvt.f32.s32 v11  }
0x744: {  	v7 =	vld [tilespmem:s21+$0x11180]  }
0x745: {  	v13 =	vld [tilespmem:s21+$0x15FA0];
	vm10 =	vlt.s32 v11, $0x9  }
0x746: {  	v11 =	vnsel vm10, $0x9, v11;
	_ =	sdelay $0x2  }
0x747: {  	[tilespmem:$0x1FEE0] =	vst v7;
	v7 =	vld [tilespmem:s21+$0xC360]  }
0x748: {  	vm11 =	veq.s32 v13, $0x1;
	v20 =	vld [tilespmem:s21+$0x2720]  }
0x749: {  	v13 =	vsel vm11, $0x3F800000, v0;
	[tilespmem:v11+s14+$0x0] =	vst.idx.add.f32.msk $0xffff, v1  }
0x74a: {  	[tilespmem:v11+s15+$0x0] =	vst.idx.add.f32.msk $0xffff, v13  }
0x74b: {  	[tilespmem:v11+s16+$0x0] =	vst.idx.add.f32.msk $0xffff, v8  }
0x74c: {  	v16 =	vld [tilespmem:s21+$0x7550];
	_ =	sdelay $0x2  }
0x74d: {  	v27 =	vmax.f32 v20, v18;
	v23 =	vmin.f32 v20, v18  }
0x74e: {  	v11 =	vsub.f32 v23, v27  }
0x74f: {  	v24 =	vsub.f32 $0.0e+00, v16  }
0x750: {  	v11 =	vmul.f32 $1.442695020e+00, v11  }
0x751: {  	v13 =	vmul.f32 $1.442695020e+00, v24  }
0x752: {  	(erf) = vpow2.f32 v11  }
0x753: {  	(erf) = vpow2.f32 v13;
	_ =	sdelay $0x7  }
0x754: {  	v51 =	vpop (erf)  }
0x755: {  	v25 =	vadd.f32 $2.000000000e+00, v51;
	v13 =	vpop (erf)  }
0x756: {  	v13 =	vadd.f32 $1.000000000e+00, v13  }
0x757: {  	(erf) = vrcp.f32 v25  }
0x758: {  	(erf) = vrcp.f32 v13;
	_ =	sdelay $0x7  }
0x759: {  	v52 =	vpop (erf)  }
0x75a: {  	v26 =	vpop (erf)  }
0x75b: {  	v28 =	vmul.f32 $1.000000000e+01, v26;
	_ =	sdelay $0x1  }
0x75c: {  	v13 =	vtrunc.f32 v28  }
0x75d: {  	v13 =	vcvt.f32.s32 v13  }
0x75e: {  	v17 =	vld [tilespmem:s21+$0x15FB0]  }
0x75f: {  	[tilespmem:$0x1FED0] =	vst v7;
	v7 =	vld [tilespmem:s21+$0x11190];
	vm12 =	vlt.s32 v13, $0x9  }
0x760: {  	v13 =	vnsel vm12, $0x9, v13;
	_ =	sdelay $0x2  }
0x761: {  	[tilespmem:$0x1FEB0] =	vst v19;
	v19 =	vld [tilespmem:s21+$0x2730]  }
0x762: {  	[tilespmem:$0x1FF00] =	vst v7;
	v7 =	vld [tilespmem:s21+$0xC370];
	vm13 =	veq.s32 v17, $0x1  }
0x763: {  	v17 =	vsel vm13, $0x3F800000, v0;
	[tilespmem:v13+s14+$0x0] =	vst.idx.add.f32.msk $0xffff, v1  }
0x764: {  	[tilespmem:v13+s15+$0x0] =	vst.idx.add.f32.msk $0xffff, v17  }
0x765: {  	[tilespmem:v13+s16+$0x0] =	vst.idx.add.f32.msk $0xffff, v26  }
0x766: {  	v13 =	vld [tilespmem:s21+$0x7560];
	_ =	sdelay $0x2  }
0x767: {  	v29 =	vmin.f32 v19, v16;
	v28 =	vmax.f32 v19, v16  }
0x768: {  	v11 =	vsub.f32 v29, v28  }
0x769: {  	v30 =	vsub.f32 $0.0e+00, v13  }
0x76a: {  	v11 =	vmul.f32 $1.442695020e+00, v11  }
0x76b: {  	v17 =	vmul.f32 $1.442695020e+00, v30  }
0x76c: {  	(erf) = vpow2.f32 v11  }
0x76d: {  	v22 =	vld [tilespmem:s21+$0x2740];
	(erf) = vpow2.f32 v17;
	_ =	sdelay $0x4  }
0x76e: {  	v26 =	vmax.f32 v22, v13;
	v32 =	vmin.f32 v22, v13  }
0x76f: {  	v11 =	vsub.f32 v32, v26;
	_ =	sdelay $0x1  }
0x770: {  	v54 =	vpop (erf);
	v11 =	vmul.f32 $1.442695020e+00, v11  }
0x771: {  	v33 =	vadd.f32 $2.000000000e+00, v54;
	v23 =	vpop (erf)  }
0x772: {  	(erf) = vpow2.f32 v11;
	v34 =	vadd.f32 $1.000000000e+00, v23  }
0x773: {  	(erf) = vrcp.f32 v33  }
0x774: {  	(erf) = vrcp.f32 v34;
	_ =	sdelay $0x6  }
0x775: {  	v56 =	vpop (erf)  }
0x776: {  	v57 =	vpop (erf)  }
0x777: {  	v11 =	vpop (erf)  }
0x778: {  	v35 =	vmul.f32 $1.000000000e+01, v11;
	_ =	sdelay $0x1  }
0x779: {  	v17 =	vtrunc.f32 v35  }
0x77a: {  	v17 =	vcvt.f32.s32 v17;
	_ =	sdelay $0x1  }
0x77b: {  	v36 =	vld [tilespmem:s21+$0x15FC0];
	vm14 =	vlt.s32 v17, $0x9  }
0x77c: {  	v17 =	vnsel vm14, $0x9, v17;
	_ =	sdelay $0x2  }
0x77d: {  	v32 =	vld [tilespmem:s21+$0x111A0]  }
0x77e: {  	vm15 =	veq.s32 v36, $0x1;
	v34 =	vld [tilespmem:s21+$0xC380]  }
0x77f: {  	v23 =	vsel vm15, $0x3F800000, v0;
	[tilespmem:v17+s14+$0x0] =	vst.idx.add.f32.msk $0xffff, v1  }
0x780: {  	[tilespmem:v17+s15+$0x0] =	vst.idx.add.f32.msk $0xffff, v23  }
0x781: {  	[tilespmem:v17+s16+$0x0] =	vst.idx.add.f32.msk $0xffff, v11  }
0x782: {  	v14 =	vld [tilespmem:s21+$0x7570];
	_ =	sdelay $0x4  }
0x783: {  	v37 =	vsub.f32 $0.0e+00, v14  }
0x784: {  	v38 =	vadd.f32 $2.000000000e+00, v56  }
0x785: {  	v17 =	vmul.f32 $1.442695020e+00, v37  }
0x786: {  	(erf) = vrcp.f32 v38  }
0x787: {  	(erf) = vpow2.f32 v17  }
0x788: {  	v17 =	vld [tilespmem:s21+$0x2750];
	_ =	sdelay $0x4  }
0x789: {  	v24 =	vmax.f32 v17, v14;
	v39 =	vmin.f32 v17, v14  }
0x78a: {  	v23 =	vsub.f32 v39, v24  }
0x78b: {  	v58 =	vpop (erf)  }
0x78c: {  	v23 =	vmul.f32 $1.442695020e+00, v23;
	v25 =	vpop (erf)  }
0x78d: {  	v25 =	vadd.f32 $1.000000000e+00, v25  }
0x78e: {  	(erf) = vpow2.f32 v23  }
0x78f: {  	(erf) = vrcp.f32 v25;
	_ =	sdelay $0x7  }
0x790: {  	v53 =	vpop (erf)  }
0x791: {  	v40 =	vpop (erf)  }
0x792: {  	v41 =	vmul.f32 $1.000000000e+01, v40;
	_ =	sdelay $0x1  }
0x793: {  	v29 =	vadd.f32 $2.000000000e+00, v53;
	v25 =	vtrunc.f32 v41  }
0x794: {  	v25 =	vcvt.f32.s32 v25  }
0x795: {  	v30 =	vld [tilespmem:s21+$0x15FD0];
	(erf) = vrcp.f32 v29  }
0x796: {  	[tilespmem:$0x1FEF0] =	vst v7;
	v7 =	vld [tilespmem:s21+$0x111B0];
	vm4 =	vlt.s32 v25, $0x9  }
0x797: {  	v25 =	vnsel vm4, $0x9, v25;
	_ =	sdelay $0x2  }
0x798: {  	[tilespmem:$0x1FEC0] =	vst v9  }
0x799: {  	[tilespmem:$0x1FF10] =	vst v7;
	vm5 =	veq.s32 v30, $0x1;
	v29 =	vld [tilespmem:s21+$0xC390]  }
0x79a: {  	v30 =	vsel vm5, $0x3F800000, v0;
	[tilespmem:v25+s14+$0x0] =	vst.idx.add.f32.msk $0xffff, v1  }
0x79b: {  	[tilespmem:v25+s15+$0x0] =	vst.idx.add.f32.msk $0xffff, v30  }
0x79c: {  	v55 =	vpop (erf);
	[tilespmem:v25+s16+$0x0] =	vst.idx.add.f32.msk $0xffff, v40  }
0x79d: {  	_ =	swait.ge [sflag:s13], $0x2710  }
0x79e: {  	[sflag:s13] =	ssyncset.done $0x0  }
0x79f: {  	[sflag:s13] =	ssyncadd.s32 $0xFFFFD8F0  }
0x7a0: {  	_ =	swait.ge [sflag:s13], $0x2710  }
0x7a1: {  	[sflag:s13] =	ssyncset.done $0x0  }
0x7a2: {  	[sflag:s13] =	ssyncadd.s32 $0xFFFFD8F0  }
0x7a3: {  	_ =	swait.ge [sflag:s13], $0x2710  }
0x7a4: {  	[sflag:s13] =	ssyncset.done $0x0  }
0x7a5: {  	[sflag:s13] =	ssyncadd.s32 $0xFFFFD8F0  }
0x7a6: {  	_ =	swait.ge [sflag:s13], $0x2710  }
0x7a7: {  	[sflag:s13] =	ssyncset.done $0x0  }
0x7a8: {  	[sflag:s13] =	ssyncadd.s32 $0xFFFFD8F0  }
0x7a9: {  	_ =	swait.ge [sflag:s13], $0x2710  }
0x7aa: {  	[sflag:s13] =	ssyncset.done $0x0  }
0x7ab: {  	s25 =	simm.s32 $0x0;
	[sflag:s13] =	ssyncadd.s32 $0xFFFFD8F0  }
0x7ac: {  	v25 =	vld [tilespmem:s25+$0x4E20];
	_ =	sdelay $0x4  }
0x7ad: {  	v42 =	vsub.f32 $0.0e+00, v25;
	_ =	sdelay $0x1  }
0x7ae: {  	v23 =	vmul.f32 $1.442695020e+00, v42;
	_ =	sdelay $0x1  }
0x7af: {  	(erf) = vpow2.f32 v23;
	_ =	sdelay $0x8  }
0x7b0: {  	v23 =	vpop (erf)  }
0x7b1: {  	v23 =	vadd.f32 $1.000000000e+00, v23;
	_ =	sdelay $0x1  }
0x7b2: {  	(erf) = vrcp.f32 v23;
	_ =	sdelay $0x8  }
0x7b3: {  	v43 =	vpop (erf)  }
0x7b4: {  	v45 =	vmul.f32 $1.000000000e+01, v43;
	_ =	sdelay $0x1  }
0x7b5: {  	v23 =	vtrunc.f32 v45  }
0x7b6: {  	v23 =	vcvt.f32.s32 v23;
	_ =	sdelay $0x1  }
0x7b7: {  	v33 =	vld [tilespmem:s25+$0x13880];
	vm6 =	vlt.s32 v23, $0x9  }
0x7b8: {  	v37 =	vnsel vm6, $0x9, v23;
	_ =	sdelay $0x1  }
0x7b9: {  	v35 =	vld [tilespmem:s25+$0x9C40]  }
0x7ba: {  	v36 =	vld [tilespmem:s25+$0x0]  }
0x7bb: {  	vm7 =	veq.s32 v33, $0x1;
	v23 =	vld [tilespmem:s25+$0xEA60]  }
0x7bc: {  	v33 =	vsel vm7, $0x3F800000, v0;
	[tilespmem:v37+s14+$0x0] =	vst.idx.add.f32.msk $0xffff, v1  }
0x7bd: {  	[tilespmem:v37+s15+$0x0] =	vst.idx.add.f32.msk $0xffff, v33  }
0x7be: {  	[tilespmem:v37+s16+$0x0] =	vst.idx.add.f32.msk $0xffff, v43  }
0x7bf: {  	v30 =	vld [tilespmem:s25+$0x4E30];
	_ =	sdelay $0x2  }
0x7c0: {  	v40 =	vmax.f32 v36, v25;
	v46 =	vmin.f32 v36, v25  }
0x7c1: {  	v33 =	vsub.f32 v46, v40  }
0x7c2: {  	v47 =	vsub.f32 $0.0e+00, v30  }
0x7c3: {  	v33 =	vmul.f32 $1.442695020e+00, v33  }
0x7c4: {  	v37 =	vmul.f32 $1.442695020e+00, v47  }
0x7c5: {  	(erf) = vpow2.f32 v33  }
0x7c6: {  	(erf) = vpow2.f32 v37;
	_ =	sdelay $0x7  }
0x7c7: {  	v59 =	vpop (erf)  }
0x7c8: {  	v49 =	vadd.f32 $2.000000000e+00, v59;
	v37 =	vpop (erf)  }
0x7c9: {  	v37 =	vadd.f32 $1.000000000e+00, v37  }
0x7ca: {  	(erf) = vrcp.f32 v49  }
0x7cb: {  	(erf) = vrcp.f32 v37;
	_ =	sdelay $0x7  }
0x7cc: {  	v60 =	vpop (erf)  }
0x7cd: {  	v50 =	vpop (erf)  }
0x7ce: {  	v61 =	vmul.f32 $1.000000000e+01, v50;
	_ =	sdelay $0x1  }
0x7cf: {  	v37 =	vtrunc.f32 v61  }
0x7d0: {  	v37 =	vcvt.f32.s32 v37;
	_ =	sdelay $0x1  }
0x7d1: {  	v39 =	vld [tilespmem:s25+$0x13890];
	vm8 =	vlt.s32 v37, $0x9  }
0x7d2: {  	v42 =	vnsel vm8, $0x9, v37;
	_ =	sdelay $0x1  }
0x7d3: {  	v38 =	vld [tilespmem:s25+$0x9C50]  }
0x7d4: {  	v41 =	vld [tilespmem:s25+$0x10]  }
0x7d5: {  	vm9 =	veq.s32 v39, $0x1;
	v37 =	vld [tilespmem:s25+$0xEA70]  }
0x7d6: {  	v39 =	vsel vm9, $0x3F800000, v0;
	[tilespmem:v42+s14+$0x0] =	vst.idx.add.f32.msk $0xffff, v1  }
0x7d7: {  	[tilespmem:v42+s15+$0x0] =	vst.idx.add.f32.msk $0xffff, v39  }
0x7d8: {  	[tilespmem:v42+s16+$0x0] =	vst.idx.add.f32.msk $0xffff, v50  }
0x7d9: {  	v33 =	vld [tilespmem:s25+$0x4E40];
	_ =	sdelay $0x2  }
0x7da: {  	v62 =	vmin.f32 v41, v30;
	v47 =	vmax.f32 v41, v30  }
0x7db: {  	v39 =	vsub.f32 v62, v47  }
0x7dc: {  	v63 =	vsub.f32 $0.0e+00, v33  }
0x7dd: {  	v39 =	vmul.f32 $1.442695020e+00, v39  }
0x7de: {  	v42 =	vmul.f32 $1.442695020e+00, v63  }
0x7df: {  	(erf) = vpow2.f32 v39  }
0x7e0: {  	(erf) = vpow2.f32 v42;
	_ =	sdelay $0x7  }
0x7e1: {  	v61 =	vpop (erf)  }
0x7e2: {  	v9 =	vadd.f32 $2.000000000e+00, v61;
	v42 =	vpop (erf)  }
0x7e3: {  	v42 =	vadd.f32 $1.000000000e+00, v42  }
0x7e4: {  	(erf) = vrcp.f32 v9  }
0x7e5: {  	(erf) = vrcp.f32 v42;
	_ =	sdelay $0x7  }
0x7e6: {  	v62 =	vpop (erf)  }
0x7e7: {  	v42 =	vpop (erf)  }
0x7e8: {  	v10 =	vmul.f32 $1.000000000e+01, v42;
	_ =	sdelay $0x1  }
0x7e9: {  	v39 =	vtrunc.f32 v10  }
0x7ea: {  	v39 =	vcvt.f32.s32 v39;
	_ =	sdelay $0x1  }
0x7eb: {  	v46 =	vld [tilespmem:s25+$0x138A0];
	vm10 =	vlt.s32 v39, $0x9  }
0x7ec: {  	v49 =	vnsel vm10, $0x9, v39;
	_ =	sdelay $0x1  }
0x7ed: {  	v43 =	vld [tilespmem:s25+$0x9C60]  }
0x7ee: {  	v45 =	vld [tilespmem:s25+$0x20]  }
0x7ef: {  	vm11 =	veq.s32 v46, $0x1;
	v39 =	vld [tilespmem:s25+$0xEA80]  }
0x7f0: {  	v46 =	vsel vm11, $0x3F800000, v0;
	[tilespmem:v49+s14+$0x0] =	vst.idx.add.f32.msk $0xffff, v1  }
0x7f1: {  	[tilespmem:v49+s15+$0x0] =	vst.idx.add.f32.msk $0xffff, v46  }
0x7f2: {  	[tilespmem:v49+s16+$0x0] =	vst.idx.add.f32.msk $0xffff, v42  }
0x7f3: {  	v42 =	vld [tilespmem:s25+$0x4E50];
	_ =	sdelay $0x2  }
0x7f4: {  	v11 =	vmin.f32 v45, v33;
	v49 =	vmax.f32 v45, v33  }
0x7f5: {  	v46 =	vsub.f32 v11, v49  }
0x7f6: {  	v50 =	vsub.f32 $0.0e+00, v42  }
0x7f7: {  	v46 =	vmul.f32 $1.442695020e+00, v46  }
0x7f8: {  	v50 =	vmul.f32 $1.442695020e+00, v50  }
0x7f9: {  	(erf) = vpow2.f32 v46  }
0x7fa: {  	v46 =	vld [tilespmem:s25+$0x30];
	(erf) = vpow2.f32 v50;
	_ =	sdelay $0x4  }
0x7fb: {  	v50 =	vmax.f32 v46, v42;
	v63 =	vmin.f32 v46, v42  }
0x7fc: {  	v9 =	vmul.f32 v48, v44;
	v63 =	vsub.f32 v63, v50;
	_ =	sdelay $0x1  }
0x7fd: {  	v12 =	vmul.f32 $1.442695020e+00, v63;
	v63 =	vmul.f32 v9, v9;
	v44 =	vpop (erf)  }
0x7fe: {  	v8 =	vadd.f32 $2.000000000e+00, v44;
	v7 =	vpop (erf)  }
0x7ff: {  	(erf) = vpow2.f32 v12;
	v15 =	vmul.f32 $2.222222240e-01, v63;
	v7 =	vadd.f32 $1.000000000e+00, v7  }
0x800: {  	(erf) = vrcp.f32 v8  }
0x801: {  	v12 =	vmul.f32 v52, v51;
	(erf) = vrcp.f32 v7;
	v7 =	vadd.f32 $2.857142980e-01, v15;
	_ =	sdelay $0x1  }
0x802: {  	v51 =	vmul.f32 v12, v12;
	v7 =	vmul.f32 v7, v63;
	_ =	sdelay $0x1  }
0x803: {  	v10 =	vmul.f32 $2.222222240e-01, v51;
	v7 =	vadd.f32 $4.000000060e-01, v7;
	_ =	sdelay $0x1  }
0x804: {  	v11 =	vadd.f32 $2.857142980e-01, v10;
	v7 =	vmul.f32 v7, v63;
	_ =	sdelay $0x1  }
0x805: {  	v54 =	vmul.f32 v57, v54;
	v52 =	vmul.f32 v11, v51;
	v48 =	vpop (erf);
	v7 =	vadd.f32 $6.666666860e-01, v7  }
0x806: {  	v56 =	vmul.f32 v58, v56;
	v15 =	vpop (erf)  }
0x807: {  	v58 =	vmul.f32 v54, v54;
	v52 =	vadd.f32 $4.000000060e-01, v52;
	v11 =	vpop (erf);
	v7 =	vmul.f32 v7, v63  }
0x808: {  	v10 =	vmul.f32 $1.000000000e+01, v11  }
0x809: {  	v52 =	vmul.f32 v52, v51;
	v63 =	vmul.f32 $2.222222240e-01, v58;
	v8 =	vadd.f32 $2.000000000e+00, v7  }
0x80a: {  	v57 =	vtrunc.f32 v10;
	v7 =	vmul.f32 v56, v56  }
0x80b: {  	v57 =	vcvt.f32.s32 v57;
	v8 =	vmul.f32 v8, v9;
	v9 =	vadd.f32 $6.666666860e-01, v52  }
0x80c: {  	v52 =	vadd.f32 $2.857142980e-01, v63;
	v63 =	vmul.f32 $2.222222240e-01, v7  }
0x80d: {  	v10 =	vld [tilespmem:s25+$0x138B0];
	vm12 =	vlt.s32 v57, $0x9;
	v9 =	vmul.f32 v9, v51  }
0x80e: {  	v51 =	vnsel vm12, $0x9, v57;
	v8 =	vadd.f32 v8, v31;
	v63 =	vadd.f32 $2.857142980e-01, v63  }
0x80f: {  	v31 =	vmul.f32 v52, v58  }
0x810: {  	v9 =	vadd.f32 $2.000000000e+00, v9;
	v57 =	vsub.f32 v8, v21;
	v52 =	vmul.f32 v63, v7;
	v21 =	vld [tilespmem:s25+$0x9C70]  }
0x811: {  	v8 =	vsub.f32 v8, v5;
	v5 =	vld [tilespmem:s25+$0xEA90]  }
0x812: {  	vm13 =	veq.s32 v10, $0x1;
	v9 =	vmul.f32 v9, v12;
	v12 =	vadd.f32 $4.000000060e-01, v52;
	v52 =	vld [tilespmem:$0x1FEB0]  }
0x813: {  	v63 =	vsel vm13, $0x3F800000, v0;
	[tilespmem:v51+s14+$0x0] =	vst.idx.add.f32.msk $0xffff, v1  }
0x814: {  	v31 =	vadd.f32 $4.000000060e-01, v31;
	[tilespmem:v51+s15+$0x0] =	vst.idx.add.f32.msk $0xffff, v63  }
0x815: {  	v63 =	vld [tilespmem:$0x1FEC0]  }
0x816: {  	v10 =	vmul.f32 v31, v58;
	_ =	sdelay $0x1  }
0x817: {  	v10 =	vadd.f32 $6.666666860e-01, v10;
	[tilespmem:v51+s16+$0x0] =	vst.idx.add.f32.msk $0xffff, v11  }
0x818: {  	v51 =	vadd.f32 v9, v27;
	v9 =	vld [tilespmem:s25+$0x40];
	v31 =	vmul.f32 v52, v2  }
0x819: {  	v52 =	vmul.f32 v63, v3;
	v63 =	vmul.f32 v10, v58;
	v10 =	vld [tilespmem:s25+$0x4E60]  }
0x81a: {  	v12 =	vmul.f32 v12, v7;
	v27 =	vmul.f32 v57, v31;
	v57 =	vld [tilespmem:$0x1FED0]  }
0x81b: {  	v58 =	vld [tilespmem:$0x1FEE0]  }
0x81c: {  	v12 =	vadd.f32 $6.666666860e-01, v12  }
0x81d: {  	v20 =	vsub.f32 v51, v20  }
0x81e: {  	v11 =	vsub.f32 v51, v18;
	v7 =	vmul.f32 v12, v7;
	v12 =	vmul.f32 v55, v53  }
0x81f: {  	v8 =	vmul.f32 v8, v52;
	v31 =	vadd.f32 $2.000000000e+00, v63;
	v18 =	vmul.f32 v57, v2  }
0x820: {  	v63 =	vadd.f32 $2.000000000e+00, v7;
	v51 =	vmul.f32 v58, v3;
	v7 =	vmax.f32 v9, v10  }
0x821: {  	v57 =	vmin.f32 v9, v10;
	v58 =	vsub.f32 $0.0e+00, v10;
	v18 =	vmul.f32 v20, v18  }
0x822: {  	v52 =	vsub.f32 v57, v7;
	v11 =	vmul.f32 v11, v51;
	v20 =	vmul.f32 v31, v54  }
0x823: {  	v51 =	vmul.f32 v12, v12;
	v31 =	vmul.f32 v63, v56  }
0x824: {  	v53 =	vmul.f32 $1.442695020e+00, v58;
	v56 =	vld [tilespmem:$0x1FF00];
	v58 =	vmul.f32 $1.442695020e+00, v52  }
0x825: {  	v52 =	vmul.f32 v60, v59;
	v60 =	vld [tilespmem:$0x1FEF0];
	v57 =	vmul.f32 $2.222222240e-01, v51  }
0x826: {  	v63 =	vadd.f32 $2.000000000e+00, v48  }
0x827: {  	v20 =	vadd.f32 v20, v28;
	v59 =	vadd.f32 $2.857142980e-01, v57  }
0x828: {  	(erf) = vrcp.f32 v63;
	v55 =	vadd.f32 v31, v26;
	v31 =	vmul.f32 v62, v61  }
0x829: {  	(erf) = vpow2.f32 v53;
	v19 =	vsub.f32 v20, v19;
	v63 =	vmul.f32 v59, v51  }
0x82a: {  	v16 =	vsub.f32 v20, v16;
	v26 =	vmul.f32 v56, v3;
	v54 =	vmul.f32 v60, v2  }
0x82b: {  	v53 =	vmul.f32 v52, v52;
	(erf) = vpow2.f32 v58;
	v28 =	vadd.f32 $4.000000060e-01, v63  }
0x82c: {  	v16 =	vmul.f32 v16, v26;
	v19 =	vmul.f32 v19, v54  }
0x82d: {  	v57 =	vmul.f32 $2.222222240e-01, v53;
	v59 =	vmul.f32 v28, v51  }
0x82e: {  	v58 =	vmul.f32 v34, v2;
	v16 =	vadd.f32 v16, v19;
	v19 =	vmul.f32 v31, v31  }
0x82f: {  	v60 =	vadd.f32 $2.857142980e-01, v57;
	v63 =	vmul.f32 v32, v3;
	v32 =	vadd.f32 $6.666666860e-01, v59  }
0x830: {  	v22 =	vsub.f32 v55, v22;
	v13 =	vsub.f32 v55, v13;
	v55 =	vmul.f32 $2.222222240e-01, v19  }
0x831: {  	v8 =	vadd.f32 v8, v27;
	v34 =	vmul.f32 v60, v53;
	v26 =	vmul.f32 v32, v51  }
0x832: {  	v22 =	vmul.f32 v22, v58;
	v13 =	vmul.f32 v13, v63;
	v28 =	vpop (erf);
	v59 =	vadd.f32 $2.857142980e-01, v55  }
0x833: {  	v27 =	vadd.f32 $4.000000060e-01, v34;
	v54 =	vpop (erf);
	v57 =	vadd.f32 $2.000000000e+00, v26  }
0x834: {  	v13 =	vadd.f32 v13, v22;
	v20 =	vadd.f32 $1.000000000e+00, v54;
	v32 =	vpop (erf);
	v61 =	vmul.f32 v59, v19  }
0x835: {  	v58 =	vmul.f32 v27, v53;
	v56 =	vadd.f32 $2.000000000e+00, v32;
	v12 =	vmul.f32 v57, v12  }
0x836: {  	v13 =	vadd.f32 v13, v16;
	(erf) = vrcp.f32 v20;
	v16 =	vadd.f32 $4.000000060e-01, v61  }
0x837: {  	v15 =	vmul.f32 v15, v44;
	(erf) = vrcp.f32 v56;
	v12 =	vadd.f32 v12, v24  }
0x838: {  	v22 =	vmul.f32 v28, v48;
	v60 =	vadd.f32 $6.666666860e-01, v58;
	v48 =	vmul.f32 v16, v19  }
0x839: {  	v23 =	vmul.f32 v23, v3;
	v26 =	vmul.f32 v15, v15;
	v17 =	vsub.f32 v12, v17  }
0x83a: {  	v62 =	vmul.f32 v60, v53;
	v12 =	vsub.f32 v12, v14;
	v14 =	vadd.f32 $6.666666860e-01, v48  }
0x83b: {  	v51 =	vmul.f32 v22, v22;
	v63 =	vmul.f32 $2.222222240e-01, v26  }
0x83c: {  	v11 =	vadd.f32 v11, v18;
	v53 =	vadd.f32 $2.000000000e+00, v62;
	v14 =	vmul.f32 v14, v19  }
0x83d: {  	v21 =	vmul.f32 v21, v2;
	v55 =	vmul.f32 $2.222222240e-01, v51;
	v20 =	vadd.f32 $2.857142980e-01, v63  }
0x83e: {  	v8 =	vadd.f32 v11, v8;
	v11 =	vmul.f32 v53, v52;
	v14 =	vadd.f32 $2.000000000e+00, v14  }
0x83f: {  	v44 =	vld [tilespmem:$0x1FF10];
	v34 =	vmul.f32 v29, v2;
	v54 =	vmul.f32 v20, v26;
	v20 =	vadd.f32 $2.857142980e-01, v55;
	v56 =	vpop (erf)  }
0x840: {  	v11 =	vadd.f32 v11, v40;
	v57 =	vpop (erf);
	v14 =	vmul.f32 v14, v31;
	v31 =	vmul.f32 $1.000000000e+01, v56  }
0x841: {  	v18 =	vadd.f32 $4.000000060e-01, v54;
	v59 =	vmul.f32 v20, v51;
	v19 =	vmul.f32 v57, v32  }
0x842: {  	v62 =	vsub.f32 v11, v36;
	v11 =	vsub.f32 v11, v25;
	v25 =	vtrunc.f32 v31  }
0x843: {  	v4 =	vadd.f32 v6, v4;
	v60 =	vmul.f32 v19, v19;
	v25 =	vcvt.f32.s32 v25  }
0x844: {  	v27 =	vmul.f32 v44, v3;
	v58 =	vmul.f32 v18, v26;
	v18 =	vadd.f32 $4.000000060e-01, v59  }
0x845: {  	v8 =	vadd.f32 v13, v8;
	v40 =	vld [tilespmem:s25+$0x138C0];
	v63 =	vmul.f32 $2.222222240e-01, v60;
	vm14 =	vlt.s32 v25, $0x9  }
0x846: {  	v13 =	vadd.f32 $6.666666860e-01, v58;
	v18 =	vmul.f32 v18, v51;
	v25 =	vnsel vm14, $0x9, v25  }
0x847: {  	v44 =	vmul.f32 v38, v2;
	v17 =	vmul.f32 v17, v34;
	v34 =	vadd.f32 $2.857142980e-01, v63  }
0x848: {  	v61 =	vmul.f32 v35, v2;
	v13 =	vmul.f32 v13, v26;
	v18 =	vadd.f32 $6.666666860e-01, v18  }
0x849: {  	v52 =	vld [tilespmem:s25+$0xEAA0];
	v12 =	vmul.f32 v12, v27;
	v14 =	vadd.f32 v14, v47;
	v27 =	vmul.f32 v34, v60  }
0x84a: {  	vm15 =	veq.s32 v40, $0x1;
	v13 =	vadd.f32 $2.000000000e+00, v13;
	v36 =	vmul.f32 v18, v51;
	v51 =	vld [tilespmem:s25+$0x9C80]  }
0x84b: {  	v55 =	vsel vm15, $0x3F800000, v0;
	v35 =	vsub.f32 v14, v41;
	v41 =	vadd.f32 $4.000000060e-01, v27;
	[tilespmem:v25+s14+$0x0] =	vst.idx.add.f32.msk $0xffff, v1  }
0x84c: {  	v54 =	vmul.f32 v43, v2;
	v13 =	vmul.f32 v13, v15;
	v15 =	vadd.f32 $2.000000000e+00, v36;
	[tilespmem:v25+s15+$0x0] =	vst.idx.add.f32.msk $0xffff, v55  }
0x84d: {  	s21 =	simm.s32 $0x50;
	v11 =	vmul.f32 v11, v23;
	v18 =	vmul.f32 v41, v60;
	[tilespmem:v25+s16+$0x0] =	vst.idx.add.f32.msk $0xffff, v56  }
0x84e: {  	v12 =	vadd.f32 v12, v17;
	v58 =	vmul.f32 v5, v3;
	v15 =	vmul.f32 v15, v22;
	v5 =	vld [tilespmem:s21+$0x4E20]  }
0x84f: {  	v32 =	vmul.f32 v62, v61;
	v13 =	vadd.f32 v13, v49;
	v18 =	vadd.f32 $6.666666860e-01, v18  }
0x850: {  	v47 =	vmul.f32 v37, v3;
	v14 =	vsub.f32 v14, v30;
	v15 =	vadd.f32 v15, v50  }
0x851: {  	v48 =	vmul.f32 v35, v44;
	v53 =	vsub.f32 v13, v45;
	v18 =	vmul.f32 v18, v60  }
0x852: {  	v14 =	vmul.f32 v14, v47;
	v57 =	vsub.f32 v15, v46;
	v15 =	vsub.f32 v15, v42  }
0x853: {  	v27 =	vmul.f32 v53, v54;
	v18 =	vadd.f32 $2.000000000e+00, v18;
	v63 =	vsub.f32 $0.0e+00, v5  }
0x854: {  	v13 =	vsub.f32 v13, v33;
	v56 =	vmul.f32 v39, v3;
	v15 =	vmul.f32 v15, v58  }
0x855: {  	v6 =	vadd.f32 v12, v8;
	v59 =	vmul.f32 v18, v19;
	v8 =	vmul.f32 $1.442695020e+00, v63  }
0x856: {  	v11 =	vadd.f32 v11, v32;
	v13 =	vmul.f32 v13, v56;
	v60 =	vmul.f32 v57, v21  }
0x857: {  	v14 =	vadd.f32 v14, v48;
	v7 =	vadd.f32 v59, v7;
	(erf) = vpow2.f32 v8  }
0x858: {  	v16 =	vmul.f32 v52, v3;
	v13 =	vadd.f32 v13, v27;
	v15 =	vadd.f32 v15, v60  }
0x859: {  	v61 =	vmul.f32 v51, v2;
	v9 =	vsub.f32 v7, v9;
	v7 =	vsub.f32 v7, v10  }
0x85a: {  	v11 =	vadd.f32 v14, v11  }
0x85b: {  	v62 =	vadd.f32 v15, v13;
	v9 =	vmul.f32 v9, v61;
	v7 =	vmul.f32 v7, v16;
	_ =	sdelay $0x1  }
0x85c: {  	v10 =	vadd.f32 v62, v11;
	v7 =	vadd.f32 v7, v9;
	_ =	sdelay $0x1  }
0x85d: {  	s22 =	simm.s32 $0x280;
	v4 =	vadd.f32 v6, v4;
	v6 =	vadd.f32 v7, v10  }
.LBB2_12:
0x85e: {  	p0 =	sne.s32 s22, $0x9B00;
	v7 =	vpop (erf);
	s23 =	smov.u32 s22;
	s22 =	sadd.s32 $0x140, s22  }
0x85f: {  	v7 =	vadd.f32 $1.000000000e+00, v7;
	v4 =	vadd.f32 v6, v4;
	_ =	sdelay $0x1  }
0x860: {  	(erf) = vrcp.f32 v7;
	_ =	sdelay $0x8  }
0x861: {  	v6 =	vpop (erf)  }
0x862: {  	v7 =	vmul.f32 $1.000000000e+01, v6;
	_ =	sdelay $0x1  }
0x863: {  	v7 =	vtrunc.f32 v7  }
0x864: {  	v7 =	vcvt.f32.s32 v7;
	_ =	sdelay $0x1  }
0x865: {  	v8 =	vld [tilespmem:s21+$0x13880];
	vm0 =	vlt.s32 v7, $0x9  }
0x866: {  	v7 =	vnsel vm0, $0x9, v7;
	_ =	sdelay $0x1  }
0x867: {  	v9 =	vld [tilespmem:s21+$0xEA60]  }
0x868: {  	v10 =	vld [tilespmem:s21+$0x9C40]  }
0x869: {  	v11 =	vld [tilespmem:s21+$0x0];
	vm0 =	veq.s32 v8, $0x1  }
0x86a: {  	v8 =	vsel vm0, $0x3F800000, v0;
	[tilespmem:v7+s14+$0x0] =	vst.idx.add.f32.msk $0xffff, v1  }
0x86b: {  	[tilespmem:v7+s15+$0x0] =	vst.idx.add.f32.msk $0xffff, v8  }
0x86c: {  	[tilespmem:v7+s16+$0x0] =	vst.idx.add.f32.msk $0xffff, v6  }
0x86d: {  	v8 =	vld [tilespmem:s21+$0x4E30]  }
0x86e: {  	v6 =	vmax.f32 v11, v5;
	v7 =	vmin.f32 v11, v5  }
0x86f: {  	v7 =	vsub.f32 v7, v6;
	_ =	sdelay $0x1  }
0x870: {  	v7 =	vmul.f32 $1.442695020e+00, v7  }
0x871: {  	v12 =	vsub.f32 $0.0e+00, v8  }
0x872: {  	(erf) = vpow2.f32 v7  }
0x873: {  	v7 =	vmul.f32 $1.442695020e+00, v12;
	_ =	sdelay $0x1  }
0x874: {  	(erf) = vpow2.f32 v7;
	_ =	sdelay $0x5  }
0x875: {  	v7 =	vpop (erf)  }
0x876: {  	v13 =	vadd.f32 $2.000000000e+00, v7;
	_ =	sdelay $0x1  }
0x877: {  	(erf) = vrcp.f32 v13;
	v12 =	vpop (erf)  }
0x878: {  	v12 =	vadd.f32 $1.000000000e+00, v12;
	_ =	sdelay $0x1  }
0x879: {  	(erf) = vrcp.f32 v12;
	_ =	sdelay $0x5  }
0x87a: {  	v12 =	vpop (erf)  }
0x87b: {  	v12 =	vmul.f32 v12, v7;
	_ =	sdelay $0x1  }
0x87c: {  	v7 =	vmul.f32 v12, v12;
	v14 =	vpop (erf)  }
0x87d: {  	v13 =	vmul.f32 $1.000000000e+01, v14  }
0x87e: {  	v15 =	vmul.f32 $2.222222240e-01, v7  }
0x87f: {  	v13 =	vtrunc.f32 v13  }
0x880: {  	v15 =	vadd.f32 $2.857142980e-01, v15;
	v13 =	vcvt.f32.s32 v13;
	_ =	sdelay $0x1  }
0x881: {  	v15 =	vmul.f32 v15, v7;
	v16 =	vld [tilespmem:s21+$0x13890];
	vm0 =	vlt.s32 v13, $0x9  }
0x882: {  	v18 =	vnsel vm0, $0x9, v13  }
0x883: {  	v15 =	vadd.f32 $4.000000060e-01, v15  }
0x884: {  	v13 =	vld [tilespmem:s21+$0xEA70]  }
0x885: {  	v19 =	vmul.f32 v15, v7;
	v15 =	vld [tilespmem:s21+$0x9C50]  }
0x886: {  	v17 =	vld [tilespmem:s21+$0x10];
	vm0 =	veq.s32 v16, $0x1  }
0x887: {  	v16 =	vadd.f32 $6.666666860e-01, v19;
	v19 =	vsel vm0, $0x3F800000, v0;
	[tilespmem:v18+s14+$0x0] =	vst.idx.add.f32.msk $0xffff, v1  }
0x888: {  	[tilespmem:v18+s15+$0x0] =	vst.idx.add.f32.msk $0xffff, v19  }
0x889: {  	v16 =	vmul.f32 v16, v7;
	[tilespmem:v18+s16+$0x0] =	vst.idx.add.f32.msk $0xffff, v14  }
0x88a: {  	v7 =	vld [tilespmem:s21+$0x4E40]  }
0x88b: {  	v14 =	vadd.f32 $2.000000000e+00, v16;
	v18 =	vmax.f32 v17, v8;
	v16 =	vmin.f32 v17, v8  }
0x88c: {  	v16 =	vsub.f32 v16, v18  }
0x88d: {  	v12 =	vmul.f32 v14, v12  }
0x88e: {  	v14 =	vmul.f32 $1.442695020e+00, v16  }
0x88f: {  	v6 =	vadd.f32 v12, v6;
	v12 =	vsub.f32 $0.0e+00, v7  }
0x890: {  	v10 =	vmul.f32 v10, v2;
	(erf) = vpow2.f32 v14  }
0x891: {  	v11 =	vsub.f32 v6, v11;
	v5 =	vsub.f32 v6, v5;
	v6 =	vmul.f32 $1.442695020e+00, v12  }
0x892: {  	v9 =	vmul.f32 v9, v3  }
0x893: {  	v10 =	vmul.f32 v11, v10;
	(erf) = vpow2.f32 v6  }
0x894: {  	v5 =	vmul.f32 v5, v9;
	_ =	sdelay $0x1  }
0x895: {  	v6 =	vadd.f32 v5, v10;
	_ =	sdelay $0x2  }
0x896: {  	v5 =	vpop (erf)  }
0x897: {  	v10 =	vadd.f32 $2.000000000e+00, v5;
	_ =	sdelay $0x1  }
0x898: {  	(erf) = vrcp.f32 v10;
	v9 =	vpop (erf)  }
0x899: {  	v9 =	vadd.f32 $1.000000000e+00, v9;
	_ =	sdelay $0x1  }
0x89a: {  	(erf) = vrcp.f32 v9;
	_ =	sdelay $0x5  }
0x89b: {  	v9 =	vpop (erf)  }
0x89c: {  	v14 =	vmul.f32 v9, v5;
	_ =	sdelay $0x1  }
0x89d: {  	v10 =	vmul.f32 v14, v14;
	v12 =	vpop (erf)  }
0x89e: {  	v5 =	vmul.f32 $1.000000000e+01, v12  }
0x89f: {  	v9 =	vmul.f32 $2.222222240e-01, v10  }
0x8a0: {  	v5 =	vtrunc.f32 v5  }
0x8a1: {  	v9 =	vadd.f32 $2.857142980e-01, v9;
	v5 =	vcvt.f32.s32 v5;
	_ =	sdelay $0x1  }
0x8a2: {  	v9 =	vmul.f32 v9, v10;
	v16 =	vld [tilespmem:s21+$0x138A0];
	vm0 =	vlt.s32 v5, $0x9  }
0x8a3: {  	v19 =	vnsel vm0, $0x9, v5  }
0x8a4: {  	v5 =	vadd.f32 $4.000000060e-01, v9  }
0x8a5: {  	v9 =	vld [tilespmem:s21+$0xEA80]  }
0x8a6: {  	v20 =	vmul.f32 v5, v10;
	v5 =	vld [tilespmem:s21+$0x9C60]  }
0x8a7: {  	v11 =	vld [tilespmem:s21+$0x20];
	vm0 =	veq.s32 v16, $0x1  }
0x8a8: {  	v16 =	vadd.f32 $6.666666860e-01, v20;
	v20 =	vsel vm0, $0x3F800000, v0;
	[tilespmem:v19+s14+$0x0] =	vst.idx.add.f32.msk $0xffff, v1  }
0x8a9: {  	[tilespmem:v19+s15+$0x0] =	vst.idx.add.f32.msk $0xffff, v20  }
0x8aa: {  	v16 =	vmul.f32 v16, v10;
	[tilespmem:v19+s16+$0x0] =	vst.idx.add.f32.msk $0xffff, v12  }
0x8ab: {  	v10 =	vld [tilespmem:s21+$0x4E50]  }
0x8ac: {  	v16 =	vadd.f32 $2.000000000e+00, v16;
	v19 =	vmax.f32 v11, v7;
	v12 =	vmin.f32 v11, v7;
	v20 =	vld [tilespmem:s21+$0x138B0]  }
0x8ad: {  	v21 =	vsub.f32 v12, v19;
	v12 =	vld [tilespmem:s21+$0x30]  }
0x8ae: {  	v22 =	vmul.f32 v16, v14;
	v14 =	vld [tilespmem:s21+$0x9C70]  }
0x8af: {  	v21 =	vmul.f32 $1.442695020e+00, v21;
	v16 =	vld [tilespmem:s21+$0xEA90]  }
0x8b0: {  	v18 =	vadd.f32 v22, v18;
	v22 =	vsub.f32 $0.0e+00, v10  }
0x8b1: {  	vm0 =	veq.s32 v20, $0x1;
	(erf) = vpow2.f32 v21  }
0x8b2: {  	v20 =	vmax.f32 v12, v10;
	v21 =	vmin.f32 v12, v10;
	v22 =	vmul.f32 $1.442695020e+00, v22  }
0x8b3: {  	v15 =	vmul.f32 v15, v2;
	v17 =	vsub.f32 v18, v17;
	v21 =	vsub.f32 v21, v20  }
0x8b4: {  	v13 =	vmul.f32 v13, v3;
	v8 =	vsub.f32 v18, v8;
	(erf) = vpow2.f32 v22  }
0x8b5: {  	v15 =	vmul.f32 v17, v15;
	v17 =	vmul.f32 $1.442695020e+00, v21  }
0x8b6: {  	v8 =	vmul.f32 v8, v13  }
0x8b7: {  	(erf) = vpow2.f32 v17  }
0x8b8: {  	v8 =	vadd.f32 v8, v15;
	_ =	sdelay $0x1  }
0x8b9: {  	v13 =	vpop (erf)  }
0x8ba: {  	v17 =	vadd.f32 $2.000000000e+00, v13;
	_ =	sdelay $0x1  }
0x8bb: {  	(erf) = vrcp.f32 v17;
	v15 =	vpop (erf)  }
0x8bc: {  	v15 =	vadd.f32 $1.000000000e+00, v15;
	_ =	sdelay $0x1  }
0x8bd: {  	v17 =	vpop (erf);
	(erf) = vrcp.f32 v15  }
0x8be: {  	v15 =	vadd.f32 $2.000000000e+00, v17;
	_ =	sdelay $0x1  }
0x8bf: {  	(erf) = vrcp.f32 v15;
	_ =	sdelay $0x2  }
0x8c0: {  	v15 =	vpop (erf)  }
0x8c1: {  	v15 =	vmul.f32 v15, v13;
	_ =	sdelay $0x1  }
0x8c2: {  	v13 =	vmul.f32 v15, v15;
	v18 =	vpop (erf)  }
0x8c3: {  	v21 =	vmul.f32 $1.000000000e+01, v18  }
0x8c4: {  	v22 =	vmul.f32 $2.222222240e-01, v13  }
0x8c5: {  	v21 =	vtrunc.f32 v21;
	v23 =	vpop (erf)  }
0x8c6: {  	v22 =	vadd.f32 $2.857142980e-01, v22;
	v17 =	vmul.f32 v23, v17;
	v21 =	vcvt.f32.s32 v21;
	_ =	sdelay $0x1  }
0x8c7: {  	v22 =	vmul.f32 v22, v13;
	v23 =	vmul.f32 v17, v17;
	vm1 =	vlt.s32 v21, $0x9  }
0x8c8: {  	v21 =	vnsel vm1, $0x9, v21  }
0x8c9: {  	v22 =	vadd.f32 $4.000000060e-01, v22;
	v24 =	vmul.f32 $2.222222240e-01, v23;
	_ =	sdelay $0x1  }
0x8ca: {  	v22 =	vmul.f32 v22, v13;
	v24 =	vadd.f32 $2.857142980e-01, v24;
	_ =	sdelay $0x1  }
0x8cb: {  	v25 =	vsel vm0, $0x3F800000, v0;
	v22 =	vadd.f32 $6.666666860e-01, v22;
	v24 =	vmul.f32 v24, v23;
	[tilespmem:v21+s14+$0x0] =	vst.idx.add.f32.msk $0xffff, v1  }
0x8cc: {  	[tilespmem:v21+s15+$0x0] =	vst.idx.add.f32.msk $0xffff, v25  }
0x8cd: {  	v22 =	vmul.f32 v22, v13;
	v24 =	vadd.f32 $4.000000060e-01, v24;
	[tilespmem:v21+s16+$0x0] =	vst.idx.add.f32.msk $0xffff, v18  }
0x8ce: {  	v13 =	vld [tilespmem:s21+$0x40]  }
0x8cf: {  	v18 =	vadd.f32 $2.000000000e+00, v22;
	v21 =	vmul.f32 v24, v23;
	v22 =	vld [tilespmem:s21+$0x4E60]  }
0x8d0: {  	v24 =	vld [tilespmem:s21+$0x138C0]  }
0x8d1: {  	v15 =	vmul.f32 v18, v15;
	v18 =	vadd.f32 $6.666666860e-01, v21;
	v21 =	vld [tilespmem:s21+$0x9C80]  }
0x8d2: {  	v25 =	vld [tilespmem:s21+$0xEAA0]  }
0x8d3: {  	v15 =	vadd.f32 v15, v19;
	v18 =	vmul.f32 v18, v23  }
0x8d4: {  	v19 =	vmax.f32 v13, v22;
	v23 =	vmin.f32 v13, v22;
	v26 =	vsub.f32 $0.0e+00, v22  }
0x8d5: {  	v18 =	vadd.f32 $2.000000000e+00, v18;
	v23 =	vsub.f32 v23, v19;
	vm0 =	veq.s32 v24, $0x1  }
0x8d6: {  	v11 =	vsub.f32 v15, v11;
	v7 =	vsub.f32 v15, v7;
	v15 =	vmul.f32 $1.442695020e+00, v26  }
0x8d7: {  	v17 =	vmul.f32 v18, v17;
	v18 =	vmul.f32 $1.442695020e+00, v23  }
0x8d8: {  	(erf) = vpow2.f32 v15  }
0x8d9: {  	v9 =	vmul.f32 v9, v3;
	v15 =	vadd.f32 v17, v20;
	(erf) = vpow2.f32 v18  }
0x8da: {  	v5 =	vmul.f32 v5, v2;
	v16 =	vmul.f32 v16, v3  }
0x8db: {  	v14 =	vmul.f32 v14, v2;
	v12 =	vsub.f32 v15, v12;
	v10 =	vsub.f32 v15, v10  }
0x8dc: {  	v5 =	vmul.f32 v11, v5;
	v7 =	vmul.f32 v7, v9  }
0x8dd: {  	v9 =	vmul.f32 v12, v14;
	v10 =	vmul.f32 v10, v16;
	_ =	sdelay $0x1  }
0x8de: {  	v11 =	vadd.f32 v7, v5;
	v7 =	vadd.f32 v10, v9;
	_ =	sdelay $0x1  }
0x8df: {  	v7 =	vadd.f32 v7, v11;
	v5 =	vpop (erf)  }
0x8e0: {  	v5 =	vadd.f32 $1.000000000e+00, v5;
	v9 =	vpop (erf)  }
0x8e1: {  	v10 =	vadd.f32 $2.000000000e+00, v9  }
0x8e2: {  	(erf) = vrcp.f32 v5  }
0x8e3: {  	(erf) = vrcp.f32 v10;
	_ =	sdelay $0x7  }
0x8e4: {  	v5 =	vpop (erf)  }
0x8e5: {  	v10 =	vmul.f32 $1.000000000e+01, v5;
	v11 =	vpop (erf)  }
0x8e6: {  	v9 =	vmul.f32 v11, v9  }
0x8e7: {  	v10 =	vtrunc.f32 v10  }
0x8e8: {  	v11 =	vmul.f32 v9, v9;
	v10 =	vcvt.f32.s32 v10;
	_ =	sdelay $0x1  }
0x8e9: {  	v12 =	vmul.f32 $2.222222240e-01, v11;
	vm1 =	vlt.s32 v10, $0x9  }
0x8ea: {  	v10 =	vnsel vm1, $0x9, v10  }
0x8eb: {  	v12 =	vadd.f32 $2.857142980e-01, v12;
	_ =	sdelay $0x1  }
0x8ec: {  	v12 =	vmul.f32 v12, v11;
	_ =	sdelay $0x1  }
0x8ed: {  	v14 =	vsel vm0, $0x3F800000, v0;
	v12 =	vadd.f32 $4.000000060e-01, v12;
	[tilespmem:v10+s14+$0x0] =	vst.idx.add.f32.msk $0xffff, v1  }
0x8ee: {  	[tilespmem:v10+s15+$0x0] =	vst.idx.add.f32.msk $0xffff, v14  }
0x8ef: {  	s21 =	sshra.s32 s23, $0x2;
	v12 =	vmul.f32 v12, v11;
	[tilespmem:v10+s16+$0x0] =	vst.idx.add.f32.msk $0xffff, v5  }
0x8f0: {  	v5 =	vld [tilespmem:s21+$0x4E20]  }
0x8f1: {  	v10 =	vadd.f32 $6.666666860e-01, v12;
	_ =	sdelay $0x1  }
0x8f2: {  	v10 =	vmul.f32 v10, v11;
	_ =	sdelay $0x1  }
0x8f3: {  	v11 =	vsub.f32 $0.0e+00, v5;
	v10 =	vadd.f32 $2.000000000e+00, v10;
	_ =	sdelay $0x1  }
0x8f4: {  	v11 =	vmul.f32 $1.442695020e+00, v11;
	v9 =	vmul.f32 v10, v9;
	_ =	sdelay $0x1  }
0x8f5: {  	(erf) = vpow2.f32 v11;
	v9 =	vadd.f32 v9, v19  }
0x8f6: {  	v10 =	vmul.f32 v21, v2;
	v11 =	vmul.f32 v25, v3  }
0x8f7: {  	v12 =	vsub.f32 v9, v13;
	v9 =	vsub.f32 v9, v22  }
0x8f8: {  	v6 =	vadd.f32 v8, v6  }
.Ltmp5:
0x8f9: {  	v8 =	vmul.f32 v12, v10;
	v9 =	vmul.f32 v9, v11;
	(pc) =	sbr.rel @p0 .LBB2_12-.Ltmp5, $3  }
0x8fa: {  	v6 =	vadd.f32 v7, v6  }
0x8fb: {  	v7 =	vadd.f32 v9, v8;
	_ =	sdelay $0x1  }
0x8fc: {  	v6 =	vadd.f32 v7, v6  }
0x8fd: {  	v7 =	vpop (erf)  }
0x8fe: {  	v7 =	vadd.f32 $1.000000000e+00, v7;
	_ =	sdelay $0x1  }
0x8ff: {  	(erf) = vrcp.f32 v7;
	_ =	sdelay $0x8  }
0x900: {  	v7 =	vpop (erf)  }
0x901: {  	v8 =	vmul.f32 $1.000000000e+01, v7;
	_ =	sdelay $0x1  }
0x902: {  	v8 =	vtrunc.f32 v8  }
0x903: {  	v8 =	vcvt.f32.s32 v8;
	_ =	sdelay $0x1  }
0x904: {  	v11 =	vld [tilespmem:s21+$0x13880];
	vm0 =	vlt.s32 v8, $0x9  }
0x905: {  	v12 =	vnsel vm0, $0x9, v8;
	_ =	sdelay $0x1  }
0x906: {  	v9 =	vld [tilespmem:s21+$0x9C40]  }
0x907: {  	v10 =	vld [tilespmem:s21+$0x0]  }
0x908: {  	vm7 =	veq.s32 v11, $0x1;
	v8 =	vld [tilespmem:s21+$0xEA60]  }
0x909: {  	v11 =	vsel vm7, $0x3F800000, v0;
	[tilespmem:v12+s14+$0x0] =	vst.idx.add.f32.msk $0xffff, v1  }
0x90a: {  	[tilespmem:v12+s15+$0x0] =	vst.idx.add.f32.msk $0xffff, v11  }
0x90b: {  	[tilespmem:v12+s16+$0x0] =	vst.idx.add.f32.msk $0xffff, v7  }
0x90c: {  	v7 =	vld [tilespmem:s21+$0x4E30];
	_ =	sdelay $0x2  }
0x90d: {  	v13 =	vmax.f32 v10, v5;
	v46 =	vmin.f32 v10, v5  }
0x90e: {  	v11 =	vsub.f32 v46, v13  }
0x90f: {  	v47 =	vsub.f32 $0.0e+00, v7  }
0x910: {  	v11 =	vmul.f32 $1.442695020e+00, v11  }
0x911: {  	v12 =	vmul.f32 $1.442695020e+00, v47  }
0x912: {  	(erf) = vpow2.f32 v11  }
0x913: {  	(erf) = vpow2.f32 v12;
	_ =	sdelay $0x7  }
0x914: {  	v21 =	vpop (erf)  }
0x915: {  	v48 =	vadd.f32 $2.000000000e+00, v21;
	v12 =	vpop (erf)  }
0x916: {  	v12 =	vadd.f32 $1.000000000e+00, v12  }
0x917: {  	(erf) = vrcp.f32 v48  }
0x918: {  	(erf) = vrcp.f32 v12;
	_ =	sdelay $0x7  }
0x919: {  	v22 =	vpop (erf)  }
0x91a: {  	v49 =	vpop (erf)  }
0x91b: {  	v50 =	vmul.f32 $1.000000000e+01, v49;
	_ =	sdelay $0x1  }
0x91c: {  	v12 =	vtrunc.f32 v50  }
0x91d: {  	v12 =	vcvt.f32.s32 v12;
	_ =	sdelay $0x1  }
0x91e: {  	v16 =	vld [tilespmem:s21+$0x13890];
	vm8 =	vlt.s32 v12, $0x9  }
0x91f: {  	v17 =	vnsel vm8, $0x9, v12;
	_ =	sdelay $0x1  }
0x920: {  	v14 =	vld [tilespmem:s21+$0x9C50]  }
0x921: {  	v15 =	vld [tilespmem:s21+$0x10]  }
0x922: {  	vm9 =	veq.s32 v16, $0x1;
	v12 =	vld [tilespmem:s21+$0xEA70]  }
0x923: {  	v16 =	vsel vm9, $0x3F800000, v0;
	[tilespmem:v17+s14+$0x0] =	vst.idx.add.f32.msk $0xffff, v1  }
0x924: {  	[tilespmem:v17+s15+$0x0] =	vst.idx.add.f32.msk $0xffff, v16  }
0x925: {  	[tilespmem:v17+s16+$0x0] =	vst.idx.add.f32.msk $0xffff, v49  }
0x926: {  	v11 =	vld [tilespmem:s21+$0x4E40];
	_ =	sdelay $0x2  }
0x927: {  	v51 =	vmin.f32 v15, v7;
	v16 =	vmax.f32 v15, v7  }
0x928: {  	v17 =	vsub.f32 v51, v16  }
0x929: {  	v18 =	vsub.f32 $0.0e+00, v11  }
0x92a: {  	v17 =	vmul.f32 $1.442695020e+00, v17  }
0x92b: {  	v18 =	vmul.f32 $1.442695020e+00, v18  }
0x92c: {  	(erf) = vpow2.f32 v17  }
0x92d: {  	(erf) = vpow2.f32 v18;
	_ =	sdelay $0x7  }
0x92e: {  	v23 =	vpop (erf)  }
0x92f: {  	v52 =	vadd.f32 $2.000000000e+00, v23;
	v18 =	vpop (erf)  }
0x930: {  	v18 =	vadd.f32 $1.000000000e+00, v18  }
0x931: {  	(erf) = vrcp.f32 v52  }
0x932: {  	(erf) = vrcp.f32 v18;
	_ =	sdelay $0x7  }
0x933: {  	v24 =	vpop (erf)  }
0x934: {  	v53 =	vpop (erf)  }
0x935: {  	v54 =	vmul.f32 $1.000000000e+01, v53;
	_ =	sdelay $0x1  }
0x936: {  	v18 =	vtrunc.f32 v54  }
0x937: {  	v18 =	vcvt.f32.s32 v18;
	_ =	sdelay $0x1  }
0x938: {  	v25 =	vld [tilespmem:s21+$0x138A0];
	vm10 =	vlt.s32 v18, $0x9  }
0x939: {  	v26 =	vnsel vm10, $0x9, v18;
	_ =	sdelay $0x1  }
0x93a: {  	v19 =	vld [tilespmem:s21+$0x9C60]  }
0x93b: {  	v20 =	vld [tilespmem:s21+$0x20]  }
0x93c: {  	vm11 =	veq.s32 v25, $0x1;
	v18 =	vld [tilespmem:s21+$0xEA80]  }
0x93d: {  	v25 =	vsel vm11, $0x3F800000, v0;
	[tilespmem:v26+s14+$0x0] =	vst.idx.add.f32.msk $0xffff, v1  }
0x93e: {  	[tilespmem:v26+s15+$0x0] =	vst.idx.add.f32.msk $0xffff, v25  }
0x93f: {  	[tilespmem:v26+s16+$0x0] =	vst.idx.add.f32.msk $0xffff, v53  }
0x940: {  	v17 =	vld [tilespmem:s21+$0x4E50];
	_ =	sdelay $0x2  }
0x941: {  	v55 =	vmin.f32 v20, v11;
	v25 =	vmax.f32 v20, v11  }
0x942: {  	v26 =	vsub.f32 v55, v25  }
0x943: {  	v27 =	vsub.f32 $0.0e+00, v17  }
0x944: {  	v26 =	vmul.f32 $1.442695020e+00, v26  }
0x945: {  	v27 =	vmul.f32 $1.442695020e+00, v27  }
0x946: {  	(erf) = vpow2.f32 v26  }
0x947: {  	v26 =	vld [tilespmem:s21+$0x30];
	(erf) = vpow2.f32 v27;
	_ =	sdelay $0x4  }
0x948: {  	v28 =	vmin.f32 v26, v17;
	v27 =	vmax.f32 v26, v17  }
0x949: {  	v28 =	vsub.f32 v28, v27;
	_ =	sdelay $0x1  }
0x94a: {  	v28 =	vmul.f32 $1.442695020e+00, v28;
	v29 =	vpop (erf)  }
0x94b: {  	v30 =	vadd.f32 $2.000000000e+00, v29;
	v31 =	vpop (erf)  }
0x94c: {  	(erf) = vpow2.f32 v28;
	v56 =	vadd.f32 $1.000000000e+00, v31  }
0x94d: {  	(erf) = vrcp.f32 v30  }
0x94e: {  	(erf) = vrcp.f32 v56;
	_ =	sdelay $0x6  }
0x94f: {  	v57 =	vpop (erf)  }
0x950: {  	v30 =	vpop (erf)  }
0x951: {  	v58 =	vpop (erf)  }
0x952: {  	v32 =	vmul.f32 $1.000000000e+01, v58;
	_ =	sdelay $0x1  }
0x953: {  	v32 =	vtrunc.f32 v32  }
0x954: {  	v32 =	vcvt.f32.s32 v32;
	_ =	sdelay $0x1  }
0x955: {  	v33 =	vld [tilespmem:s21+$0x138B0];
	vm12 =	vlt.s32 v32, $0x9  }
0x956: {  	v32 =	vnsel vm12, $0x9, v32;
	_ =	sdelay $0x2  }
0x957: {  	v34 =	vld [tilespmem:s21+$0x9C70]  }
0x958: {  	v35 =	vld [tilespmem:s21+$0xEA90];
	vm13 =	veq.s32 v33, $0x1  }
0x959: {  	v33 =	vsel vm13, $0x3F800000, v0;
	[tilespmem:v32+s14+$0x0] =	vst.idx.add.f32.msk $0xffff, v1  }
0x95a: {  	[tilespmem:v32+s15+$0x0] =	vst.idx.add.f32.msk $0xffff, v33  }
0x95b: {  	[tilespmem:v32+s16+$0x0] =	vst.idx.add.f32.msk $0xffff, v58  }
0x95c: {  	v31 =	vld [tilespmem:s21+$0x40]  }
0x95d: {  	v32 =	vld [tilespmem:s21+$0x4E60];
	_ =	sdelay $0x4  }
0x95e: {  	v33 =	vmax.f32 v31, v32;
	v36 =	vmin.f32 v31, v32;
	v37 =	vsub.f32 $0.0e+00, v32  }
0x95f: {  	v38 =	vadd.f32 $2.000000000e+00, v57;
	v36 =	vsub.f32 v36, v33  }
0x960: {  	v37 =	vmul.f32 $1.442695020e+00, v37  }
0x961: {  	(erf) = vrcp.f32 v38;
	v36 =	vmul.f32 $1.442695020e+00, v36  }
0x962: {  	(erf) = vpow2.f32 v37  }
0x963: {  	(erf) = vpow2.f32 v36;
	_ =	sdelay $0x5  }
0x964: {  	v21 =	vmul.f32 v22, v21  }
0x965: {  	v60 =	vpop (erf)  }
0x966: {  	v22 =	vmul.f32 v21, v21;
	v61 =	vpop (erf)  }
0x967: {  	v23 =	vmul.f32 v24, v23;
	v62 =	vadd.f32 $1.000000000e+00, v61;
	v63 =	vpop (erf)  }
0x968: {  	v59 =	vmul.f32 $2.222222240e-01, v22;
	v39 =	vadd.f32 $2.000000000e+00, v63  }
0x969: {  	v40 =	vmul.f32 v23, v23;
	(erf) = vrcp.f32 v62  }
0x96a: {  	v24 =	vmul.f32 v30, v29;
	(erf) = vrcp.f32 v39  }
0x96b: {  	v46 =	vmul.f32 $2.222222240e-01, v40;
	v36 =	vadd.f32 $2.857142980e-01, v59  }
0x96c: {  	v47 =	vmul.f32 v24, v24;
	v28 =	vmul.f32 v60, v57  }
0x96d: {  	v36 =	vmul.f32 v36, v22  }
0x96e: {  	v30 =	vadd.f32 $2.857142980e-01, v46;
	v48 =	vmul.f32 $2.222222240e-01, v47;
	v49 =	vmul.f32 v28, v28  }
0x96f: {  	v45 =	vadd.f32 $4.000000060e-01, v36  }
0x970: {  	v30 =	vmul.f32 v30, v40;
	v51 =	vmul.f32 $2.222222240e-01, v49;
	v37 =	vadd.f32 $2.857142980e-01, v48  }
0x971: {  	v9 =	vmul.f32 v9, v2;
	v29 =	vmul.f32 v45, v22  }
0x972: {  	v50 =	vadd.f32 $4.000000060e-01, v30;
	v30 =	vadd.f32 $2.857142980e-01, v51;
	v37 =	vmul.f32 v37, v47;
	v41 =	vpop (erf)  }
0x973: {  	v8 =	vmul.f32 v8, v3;
	v14 =	vmul.f32 v14, v2;
	v29 =	vadd.f32 $6.666666860e-01, v29;
	v42 =	vpop (erf)  }
0x974: {  	v53 =	vmul.f32 v30, v49;
	v37 =	vadd.f32 $4.000000060e-01, v37;
	v38 =	vmul.f32 v42, v63  }
0x975: {  	v22 =	vmul.f32 v29, v22;
	v29 =	vmul.f32 v50, v40  }
0x976: {  	v57 =	vadd.f32 $4.000000060e-01, v53;
	v54 =	vmul.f32 v37, v47;
	v55 =	vmul.f32 v38, v38  }
0x977: {  	v51 =	vmul.f32 v35, v3;
	v22 =	vadd.f32 $2.000000000e+00, v22;
	v52 =	vadd.f32 $6.666666860e-01, v29  }
0x978: {  	v48 =	vmul.f32 v19, v2;
	v58 =	vadd.f32 $6.666666860e-01, v54;
	v59 =	vmul.f32 $2.222222240e-01, v55  }
0x979: {  	v21 =	vmul.f32 v22, v21;
	v56 =	vmul.f32 v52, v40  }
0x97a: {  	v61 =	vmul.f32 v58, v47;
	v22 =	vmul.f32 v57, v49;
	v62 =	vadd.f32 $2.857142980e-01, v59  }
0x97b: {  	v47 =	vmul.f32 v18, v3;
	v13 =	vadd.f32 v21, v13;
	v21 =	vadd.f32 $2.000000000e+00, v56  }
0x97c: {  	v40 =	vmul.f32 v12, v3;
	v22 =	vadd.f32 $6.666666860e-01, v22;
	v63 =	vmul.f32 v62, v55  }
0x97d: {  	v10 =	vsub.f32 v13, v10;
	v60 =	vsub.f32 v13, v5;
	v21 =	vmul.f32 v21, v23  }
0x97e: {  	v52 =	vmul.f32 v34, v2;
	v13 =	vadd.f32 $2.000000000e+00, v61;
	v39 =	vadd.f32 $4.000000060e-01, v63  }
0x97f: {  	v30 =	vmul.f32 v22, v49;
	v9 =	vmul.f32 v10, v9;
	v29 =	vadd.f32 v21, v16  }
0x980: {  	v36 =	vmul.f32 v13, v24;
	v42 =	vmul.f32 v39, v55  }
0x981: {  	v16 =	vadd.f32 $2.000000000e+00, v30;
	v50 =	vmul.f32 $1.000000000e+01, v41;
	v15 =	vsub.f32 v29, v15  }
0x982: {  	v5 =	vmul.f32 v60, v8;
	v7 =	vsub.f32 v29, v7;
	v45 =	vadd.f32 $6.666666860e-01, v42  }
0x983: {  	v44 =	vmul.f32 v16, v28;
	v8 =	vadd.f32 v36, v25;
	v18 =	vtrunc.f32 v50  }
0x984: {  	v5 =	vadd.f32 v5, v9;
	v43 =	vmul.f32 v15, v14;
	v10 =	vmul.f32 v45, v55  }
0x985: {  	v7 =	vmul.f32 v7, v40;
	v46 =	vadd.f32 v44, v27;
	v49 =	vsub.f32 v8, v20  }
0x986: {  	v53 =	vld [tilespmem:s21+$0x9C80];
	v8 =	vsub.f32 v8, v11;
	v56 =	vcvt.f32.s32 v18;
	v10 =	vadd.f32 $2.000000000e+00, v10  }
0x987: {  	v54 =	vsub.f32 v46, v26;
	v12 =	vsub.f32 v46, v17;
	v15 =	vmul.f32 v49, v48;
	v55 =	vld [tilespmem:s21+$0xEAA0]  }
0x988: {  	v57 =	vld [tilespmem:s21+$0x138C0];
	v8 =	vmul.f32 v8, v47;
	vm14 =	vlt.s32 v56, $0x9;
	v10 =	vmul.f32 v10, v38  }
0x989: {  	v58 =	vmul.f32 v54, v52;
	v11 =	vmul.f32 v12, v51;
	v59 =	vnsel vm14, $0x9, v56  }
0x98a: {  	v7 =	vadd.f32 v7, v43;
	v10 =	vadd.f32 v10, v33  }
0x98b: {  	v2 =	vmul.f32 v53, v2;
	v8 =	vadd.f32 v8, v15;
	v11 =	vadd.f32 v11, v58  }
0x98c: {  	v3 =	vmul.f32 v55, v3;
	v60 =	vsub.f32 v10, v31;
	v10 =	vsub.f32 v10, v32  }
0x98d: {  	vm15 =	veq.s32 v57, $0x1;
	v5 =	vadd.f32 v7, v5;
	v8 =	vadd.f32 v11, v8  }
0x98e: {  	v61 =	vsel vm15, $0x3F800000, v0;
	[tilespmem:v59+s14+$0x0] =	vst.idx.add.f32.msk $0xffff, v1;
	v2 =	vmul.f32 v60, v2;
	v3 =	vmul.f32 v10, v3  }
0x98f: {  	[tilespmem:v59+s15+$0x0] =	vst.idx.add.f32.msk $0xffff, v61  }
0x990: {  	v5 =	vadd.f32 v8, v5;
	[tilespmem:v59+s16+$0x0] =	vst.idx.add.f32.msk $0xffff, v41;
	v2 =	vadd.f32 v3, v2  }
0x991: {  	v62 =	vld [tilespmem:$0x186C0]  }
0x992: {  	v63 =	vld [tilespmem:$0x186D0];
	v3 =	vadd.f32 v6, v4;
	v2 =	vadd.f32 v2, v5;
	_ =	sdelay $0x1  }
0x993: {  	v2 =	vadd.f32 v2, v3;
	v3 =	vld [tilespmem:$0x186E0];
	_ =	sdelay $0x1  }
0x994: {  	[tilespmem:$0x18700] =	vst v62  }
0x995: {  	s18 =	sadd.s32 $0x1, s18;
	[tilespmem:$0x18710] =	vst v63  }
0x996: {  	p0 =	sne.s32 s18, s28;
	[tilespmem:$0x186F0] =	vst v2  }
.Ltmp6:
0x997: {  	s25 =	simm.s32 $0x186F0;
	[tilespmem:$0x18720] =	vst v3;
	(pc) =	sbr.rel @p0 .LBB2_1-.Ltmp6, $4  }
0x998: {  	[hbm4b:s26+s5] =	stream.linear.scatter [tilespmem:s25], [sflag:$0x3], $0x40, $0x38;
	[tilespmem:$0x18730] =	vst v63  }
0x999: {  	_ =	swait.ge [sflag:s30], $0x40  }
0x99a: {  	[sflag:s30] =	ssyncset.done $0x0  }
0x99b: {  	[sflag:s30] =	ssyncadd.s32 $0xFFFFFFC0  }
0x99c: {  	_ =	sfence.sel $0x180000  }
0x99d: {  	[bflag:$0x0] =	sbarrier.arrive $0xFFFF  }
0x99e: {  	_ =	strace $0x90000047  }
0x99f: {  	s0 =	stileid.u32;
	[bflag:$0x2] =	sbarrier.arrive $0xFFFF  }
0x9a0: {  	p0 =	sne.s32 s0, $0x0;
	s0 =	rddreg [dreg:$0x3]  }
0x9a1: {  	s0 =	sadd.s32 @!p0 $0x100000, s0  }
0x9a2: {  	[sflag:s0] =	ssyncadd.tile.s32 @!p0 $0x1;
	_ =	shalt  }
.Lfunc_end2:
_tile_overlayer_lowered:
.L_overlay_start_2:
0x9a3: {  	(tag) =	ssettag $0x2  }
0x9a4: {  	s0 =	rddreg [dreg:$0x0];
	s2 =	stileid.u32  }
0x9a5: {  	s1 =	rddreg [dreg:$0x1];
	p0 =	sne.s32 s2, $0x0  }
0x9a6: {  	s3 =	rddreg [dreg:$0x2];
	[bflag:$0x3] =	sbarrier.arrive $0xFFFF;
	s2 =	simm.s32 @!p0 $0x1C03  }
0x9a7: {  	[timem:s3], [sflag:s2] =	dma.local @!p0 [hbm:s0], s1  }
0x9a8: {  	s0 =	simm.s32 @!p0 $0x3  }
0x9a9: {  	_ =	swait.ge @!p0 [sflag:s0], s1  }
0x9aa: {  	s1 =	ssub.s32 @!p0 $0x0, s1;
	[sflag:s0] =	ssyncset.done @!p0 $0x0  }
0x9ab: {  	[sflag:s0] =	ssyncadd.s32 @!p0 s1  }
0x9ac: {  	[bflag:$0x3] =	sbarrier.arrive $0xFFFF  }
0x9ad: {  	_ =	shalt  }

// kernel: kernel.7.cloned.1.call-start
scs
__scs_entry_jumppad:
0x0: {  	(pc) =	sbr.rel $0x88, $3  }
0x1: {  	(tag) =	ssettag $0x0;
	lr =	simm.s32 $0x1  }
0x2: {  	[smem:$0x3F9D] =	sst lr;
	_ =	strace $0xD0000000  }
0x3: {  	_ = 	snop  }
0x4: {  	_ = 	snop  }
0x5: {  	_ = 	snop  }
0x6: {  	_ = 	snop  }
0x7: {  	_ = 	snop  }
__scs_overlays_trampoline_lowered:
0x8: {  	[smem:$0x3FAC] =	sst s0  }
0x9: {  	[smem:$0x3FAD] =	sst s1  }
0xa: {  	[smem:$0x3FAE] =	sst s2  }
0xb: {  	[smem:$0x3FAF] =	sst s3  }
0xc: {  	[smem:$0x3FB0] =	sst s4  }
0xd: {  	[smem:$0x3FB1] =	sst s5  }
0xe: {  	[smem:$0x3FB2] =	sst s6  }
0xf: {  	[smem:$0x3FB3] =	sst s7  }
0x10: {  	[smem:$0x3FB4] =	sst s8  }
0x11: {  	[smem:$0x3FB5] =	sst s9;
	s0 =	simm.s32 @!p0 $0x0  }
0x12: {  	s1 =	sld [smem:$0x3F9B];
	s0 =	simm.s32 @p0 $0x1  }
0x13: {  	[smem:$0x3FB6] =	sst s0;
	s0 =	simm.s32 @!p1 $0x0  }
0x14: {  	s2 =	sld [smem:$0x3F9A];
	s0 =	simm.s32 @p1 $0x1  }
0x15: {  	[smem:$0x3FB7] =	sst s0;
	s0 =	simm.s32 @!p2 $0x0  }
0x16: {  	s3 =	sld [smem:$0x3FDB];
	s0 =	simm.s32 @p2 $0x1  }
0x17: {  	s4 =	simm.s32 $0x1BF5;
	[smem:$0x3FB9] =	sst s0  }
0x18: {  	s0 =	sld [smem:$0x3F9C];
	_ =	swait.ge [sflag:s4], $0x0  }
0x19: {  	s7 =	sld [smem:$0x3F9D]  }
0x1a: {  	s8 =	sadd.s32 $0xFFFFE003, lr  }
0x1b: {  	s9 =	sadd.s32 $0xFFFFFEF7, lr;
	s5 =	simm.s32 $0xFFFFFFFF;
	p2 =	slt.u32 s8, $0xFFFFF086  }
0x1c: {  	p1 =	slt.u32 s9, $0xF7A;
	s5 =	simm.s32 @!p2 $0x0  }
0x1d: {  	s5 =	simm.s32 @p1 $0x1;
	p0 =	seq.s32 s7, s2  }
0x1e: {  	s7 =	smul.u32 @!p0 $0xF7A, s2;
	p2 =	seq.s32 @!p0 s5, $0x0  }
0x1f: {  	s9 =	smul.u32 $0xF7A, s1;
	s8 =	simm.s32 @!p0 $0x1BF5;
	p2 =	por !p2, p0  }
0x20: {  	[sflag:s8] =	ssyncset.s32 @!p0 $0xFFFFF086;
	s6 =	sadd.s32 @!p0 s3, s7;
	s7 =	simm.s32 @!p0 $0x108  }
0x21: {  	s3 =	sadd.s32 s3, s9;
	s6 =	sadd.s32 @!p0 $0x88, s6;
	s7 =	simm.s32 @p2 $0x1082  }
0x22: {  	[simem:s7], [sflag:s8] =	dma.local @!p0 [hbm:s6], $0xF7A  }
0x23: {  	s9 =	sor.u32 $0xD0000000, s2;
	s6 =	simm.s32 $0x108;
	_ =	swait.ge @!p0 [sflag:s8], $0x0  }
0x24: {  	s3 =	sadd.s32 $0x88, s3;
	s6 =	simm.s32 @!p1 $0x1082;
	[sflag:s4] =	ssyncset.s32 $0xFFFFF086  }
0x25: {  	[simem:s6], [sflag:s4] =	dma.local [hbm:s3], $0xF7A  }
0x26: {  	[smem:$0x3F9D] =	sst s1;
	(tag) =	ssettag s2;
	_ =	strace s9  }
0x27: {  	s1 =	sld [smem:$0x3FAD]  }
0x28: {  	s2 =	sld [smem:$0x3FAE]  }
0x29: {  	s4 =	sld [smem:$0x3FB0]  }
0x2a: {  	p0 =	seq.s32 s5, $0x0;
	s5 =	sld [smem:$0x3FB1]  }
0x2b: {  	s6 =	sld [smem:$0x3FB2]  }
0x2c: {  	s7 =	sld [smem:$0x3FB3]  }
0x2d: {  	s3 =	simm.s32 $0x108;
	s8 =	sld [smem:$0x3FB4]  }
0x2e: {  	s3 =	simm.s32 @!p0 $0x1082;
	s9 =	sld [smem:$0x3FB5]  }
0x2f: {  	lr =	sadd.s32 s0, s3;
	s0 =	sld [smem:$0x3FAC]  }
0x30: {  	s3 =	sld [smem:$0x3FAF]  }
0x31: {  	[smem:$0x3FB8] =	sst s10  }
0x32: {  	s10 =	sld [smem:$0x3FB6];
	_ =	sdelay $0x3  }
0x33: {  	p0 =	seq.s32 s10, $0x1;
	s10 =	sld [smem:$0x3FB8];
	_ =	sdelay $0x3  }
0x34: {  	[smem:$0x3FB8] =	sst s10  }
0x35: {  	s10 =	sld [smem:$0x3FB7];
	_ =	sdelay $0x3  }
0x36: {  	p1 =	seq.s32 s10, $0x1;
	s10 =	sld [smem:$0x3FB8];
	_ =	sdelay $0x3  }
0x37: {  	[smem:$0x3FB8] =	sst s10  }
0x38: {  	s10 =	sld [smem:$0x3FB9]  }
0x39: {  	_ = 	snop;
	(pc) =	sbr.ind lr, $3  }
0x3a: {  	_ = 	snop  }
0x3b: {  	_ = 	snop  }
0x3c: {  	p2 =	seq.s32 s10, $0x1;
	s10 =	sld [smem:$0x3FB8]  }
0x3d: {  	_ =	shalt  }
0x3e: {  	_ =	shalt  }
0x3f: {  	_ =	shalt  }
0x40: {  	_ =	shalt  }
0x41: {  	_ =	shalt  }
0x42: {  	_ =	shalt  }
0x43: {  	_ =	shalt  }
0x44: {  	_ =	shalt  }
0x45: {  	_ =	shalt  }
0x46: {  	_ =	shalt  }
0x47: {  	_ =	shalt  }
0x48: {  	_ =	shalt  }
0x49: {  	_ =	shalt  }
0x4a: {  	_ =	shalt  }
0x4b: {  	_ =	shalt  }
0x4c: {  	_ =	shalt  }
0x4d: {  	_ =	shalt  }
0x4e: {  	_ =	shalt  }
0x4f: {  	_ =	shalt  }
0x50: {  	_ =	shalt  }
0x51: {  	_ =	shalt  }
0x52: {  	_ =	shalt  }
0x53: {  	_ =	shalt  }
0x54: {  	_ =	shalt  }
0x55: {  	_ =	shalt  }
0x56: {  	_ =	shalt  }
0x57: {  	_ =	shalt  }
0x58: {  	_ =	shalt  }
0x59: {  	_ =	shalt  }
0x5a: {  	_ =	shalt  }
0x5b: {  	_ =	shalt  }
0x5c: {  	_ =	shalt  }
0x5d: {  	_ =	shalt  }
0x5e: {  	_ =	shalt  }
0x5f: {  	_ =	shalt  }
0x60: {  	_ =	shalt  }
0x61: {  	_ =	shalt  }
0x62: {  	_ =	shalt  }
0x63: {  	_ =	shalt  }
0x64: {  	_ =	shalt  }
0x65: {  	_ =	shalt  }
0x66: {  	_ =	shalt  }
0x67: {  	_ =	shalt  }
0x68: {  	_ =	shalt  }
0x69: {  	_ =	shalt  }
0x6a: {  	_ =	shalt  }
0x6b: {  	_ =	shalt  }
0x6c: {  	_ =	shalt  }
0x6d: {  	_ =	shalt  }
0x6e: {  	_ =	shalt  }
0x6f: {  	_ =	shalt  }
0x70: {  	_ =	shalt  }
0x71: {  	_ =	shalt  }
0x72: {  	_ =	shalt  }
0x73: {  	_ =	shalt  }
0x74: {  	_ =	shalt  }
0x75: {  	_ =	shalt  }
0x76: {  	_ =	shalt  }
0x77: {  	_ =	shalt  }
0x78: {  	_ =	shalt  }
0x79: {  	_ =	shalt  }
0x7a: {  	_ =	shalt  }
0x7b: {  	_ =	shalt  }
0x7c: {  	_ =	shalt  }
0x7d: {  	_ =	shalt  }
0x7e: {  	_ =	shalt  }
0x7f: {  	_ =	shalt  }
0x80: {  	_ =	shalt  }
0x81: {  	_ =	shalt  }
0x82: {  	_ =	shalt  }
0x83: {  	_ =	shalt  }
0x84: {  	_ =	shalt  }
0x85: {  	_ =	shalt  }
0x86: {  	_ =	shalt  }
0x87: {  	_ =	shalt  }
.Lfunc_end0:
.L_simem_size_0:
called_computation.1_lowered:
.L_overlay_start_0:
0x88: {  	s2 =	sld [smem:$0x3FD9]  }
0x89: {  	s3 =	sld [smem:$0x3FFE];
	_ =	sdelay $0x1  }
0x8a: {  	s1 =	srdreg.scid  }
0x8b: {  	s0 =	sand.u32 $0x1, s1  }
0x8c: {  	s17 =	sshll.u32 s0, $0xA;
	s2 =	sadd.s32 s3, s2  }
0x8d: {  	s2 =	sadd.s32 s2, s17  }
0x8e: {  	[smem:$0x3FC4] =	sst s2  }
0x8f: {  	_ = 	snop  }
0x90: {  	s2 =	sld [smem:$0x3FD0];
	(tm) =	ssettm $0x1  }
0x91: {  	s18 =	sld [smem:$0x3FFB];
	_ =	sdelay $0x3  }
0x92: {  	_ =	strace s18  }
0x93: {  	s3 =	sld [smem:$0x3FFC];
	_ =	sdelay $0x3  }
0x94: {  	_ =	strace s3  }
0x95: {  	s3 =	sld [smem:$0x3FFD];
	_ =	sdelay $0x3  }
0x96: {  	_ =	strace s3  }
0x97: {  	_ =	strace $0x8FFFFFFF  }
0x98: {  	s19 =	sld [smem:$0x3FDB];
	_ =	sdelay $0x1  }
0x99: {  	s4 =	simm.s32 $_scs_section_size  }
0x9a: {  	s5 =	simm.s32 $_size__tile_overlayer_lowered;
	s6 =	simm.s32 $_tile_overlayer_lowered  }
0x9b: {  	s22 =	simm.s32 $0x1BFF;
	s21 =	sshll.u32 s6, $0x1;
	s3 =	sadd.s32 s4, s19  }
0x9c: {  	s7 =	simm.s32 $0x0;
	s20 =	sshll.u32 s5, $0x1;
	s5 =	sadd.s32 s21, s3  }
0x9d: {  	[timem:s7], [sflag:s22] =	dma.local [hbm:s5], s20  }
0x9e: {  	_ =	swait.ge [sflag:s22], s20  }
0x9f: {  	s4 =	ssub.s32 $0x0, s20;
	[sflag:s22] =	ssyncset.done $0x0  }
0xa0: {  	[sflag:s22] =	ssyncadd.s32 s4;
	_ =	sdelay $0x1  }
0xa1: {  	s23 =	simm.s32 $0x1B8B  }
0xa2: {  	_ =	swait.ge [sflag:s23], $0x1  }
0xa3: {  	[sflag:s23] =	ssyncset.done $0x0  }
0xa4: {  	s25 =	simm.s32 $0x1B8E;
	s24 =	sld [smem:$0x3FFE];
	[sflag:s23] =	ssyncadd.s32 $0xFFFFFFFF  }
0xa5: {  	s26 =	simm.s32 $execute0_lowered;
	[smem:$0x3FD2] =	sst s25  }
0xa6: {  	s5 =	sshll.u32 s26, $0x1;
	_ =	strace $0x80000049;
	[dreg:$0x1] =	wrdreg $0xFFFFFFFF  }
0xa7: {  	s28 =	simm.s32 $_size_execute0_lowered;
	s3 =	sadd.s32 s3, s5;
	[dreg:$0x0] =	wrdreg $0x0  }
0xa8: {  	s5 =	sshll.u32 s28, $0x1;
	[dreg:$0x2] =	wrdreg s3  }
0xa9: {  	[dreg:$0x3] =	wrdreg s5  }
0xaa: {  	[dreg:$0x4] =	wrdreg $0xC0  }
0xab: {  	_ =	task [dreg:s7], $0x5FFFF  }
0xac: {  	[dreg:$0x1] =	wrdreg $0xFFFFFFFF  }
0xad: {  	[dreg:$0x0] =	wrdreg $0x60  }
0xae: {  	[dreg:$0x2] =	wrdreg s24  }
0xaf: {  	[dreg:$0x3] =	wrdreg s2  }
0xb0: {  	[dreg:$0x4] =	wrdreg $0x9  }
0xb1: {  	_ =	task.clear_ibuf [dreg:s7], $0x5FFFF;
	_ =	strace $0x90000049  }
0xb2: {  	s29 =	simm.s32 $0x9;
	_ =	strace $0x8000004B  }
0xb3: {  	_ =	swait.ge [sflag:s29], $0x1  }
0xb4: {  	[sflag:s29] =	ssyncadd.s32 $0xFFFFFFFF  }
0xb5: {  	_ =	strace $0x9000004B  }
0xb6: {  	_ =	sfence  }
0xb7: {  	s30 =	sld [smem:$0x0];
	_ =	sdelay $0x2  }
0xb8: {  	s31 =	sshll.u32 s1, $0xD;
	s1 =	sshrl.u32 s1, $0x2  }
0xb9: {  	s3 =	sand.u32 $0x4000, s31;
	s1 =	sadd.s32 s1, s30  }
0xba: {  	s0 =	sor.u32 s3, s0;
	s1 =	sshll.u32 s1, $0x11  }
0xbb: {  	s0 =	sor.u32 s1, s0  }
0xbc: {  	s0 =	sadd.s32 $0x8F2B, s0  }
0xbd: {  	[sflag:s0] =	ssyncadd.remote.s32 $0x1  }
0xbe: {  	_ =	sfence.sel $0xFFFF  }
0xbf: {  	[dreg:$0x0] =	wrdreg $0xFFFFFFFF;
	(pc) =	sbr.abs _section_cstart, $3  }
0xc0: {  	[dreg:$0x1] =	wrdreg $0xFFFFFFFF  }
0xc1: {  	_ =	task.clear_ibuf [dreg:s7], $0x2FFFF;
	_ =	strace $0x9FFFFFFF  }
0xc2: {  	(tm) =	ssettm $0x7FFFFFFF  }
0xc3: {  	_ =	shalt  }
tec
execute0_lowered:
.L_overlay_start_1:
0x0: {  	(tag) =	ssettag $0x1  }
0x1: {  	s1 =	rddreg [dreg:$0x0]  }
0x2: {  	s2 =	rddreg [dreg:$0x1]  }
0x3: {  	s3 =	srdreg.scid;
	s0 =	rddreg [dreg:$0x2];
	_ =	strace $0x8000004A  }
.Ltmp0:
0x4: {  	s9 =	simm.s32 $0x800;
	s5 =	sand.u32 $0x1, s3;
	(pc) =	sbr.rel .LBB2_1-.Ltmp0, $4  }
0x5: {  	s4 =	sadd.s32 $0x3D1000, s1;
	s3 =	stileid.u32;
	s6 =	ssub.s32 $0x2, s5  }
0x6: {  	s31 =	sshll.u32 s3, $0x1;
	s8 =	ssub.s32 $0x0, s5;
	s7 =	sshrl.u32 s6, $0x1  }
0x7: {  	p0 =	sne.s32 s31, s8;
	s8 =	simm.s32 $0x1;
	s6 =	ssub.s32 s6, s7  }
0x8: {  	s7 =	simm.s32 $0x810;
	s5 =	smax.u32 s6, $0x1;
	s6 =	simm.s32 $0x0  }
.LBB2_3:
0x9: {  	s5 =	sadd.s32 $0xFFFFFFFF, s5  }
0xa: {  	p1 =	sne.s32 s5, $0x0  }
.Ltmp1:
0xb: {  	_ = 	snop;
	(pc) =	sbr.rel @!p1 .LBB2_4-.Ltmp1, $1  }
0xc: {  	_ =	sdelay $0x3  }
.LBB2_1:
.Ltmp2:
0xd: {  	(pc) =	sbr.rel @p0 .LBB2_3-.Ltmp2, $4  }
0xe: {  	[tilespmem:s7], [sflag:$0x1] =	stream.linear.gather [hbm4b:s1+s6], $0x1, $0x38;
	[tilespmem:$0x820] =	vst v63  }
0xf: {  	_ =	swait.ge [sflag:s8], $0x1  }
0x10: {  	[sflag:s8] =	ssyncset.done $0x0  }
0x11: {  	[sflag:s8] =	ssyncadd.s32 $0xFFFFFFFF  }
0x12: {  	v0 =	vld.msk [tilespmem:$0x810 ss:$0x0], $0xffff;
	[tilespmem:s6], [sflag:$0x1] =	stream.linear.gather [hbm4b:s4+s6], $0x800, $0x38  }
0x13: {  	_ =	swait.ge [sflag:s8], $0x800  }
0x14: {  	[sflag:s8] =	ssyncset.done $0x0  }
0x15: {  	[sflag:s8] =	ssyncadd.s32 $0xFFFFF800  }
0x16: {  	v1 =	vld [tilespmem:$0x0]  }
0x17: {  	v2 =	vld [tilespmem:$0x10]  }
0x18: {  	v3 =	vld [tilespmem:$0x20]  }
0x19: {  	v4 =	vld [tilespmem:$0x30]  }
0x1a: {  	v5 =	vld [tilespmem:$0x40]  }
0x1b: {  	v6 =	vld [tilespmem:$0x50]  }
0x1c: {  	v7 =	vld [tilespmem:$0x60]  }
0x1d: {  	v8 =	vld [tilespmem:$0x70]  }
0x1e: {  	v9 =	vld [tilespmem:$0x80]  }
0x1f: {  	v10 =	vld [tilespmem:$0x90]  }
0x20: {  	v11 =	vld [tilespmem:$0xA0]  }
0x21: {  	v12 =	vld [tilespmem:$0xB0]  }
0x22: {  	v13 =	vld [tilespmem:$0xC0]  }
0x23: {  	v14 =	vld [tilespmem:$0xD0]  }
0x24: {  	v15 =	vld [tilespmem:$0xE0]  }
0x25: {  	v16 =	vld [tilespmem:$0xF0]  }
0x26: {  	v17 =	vld [tilespmem:$0x100]  }
0x27: {  	v18 =	vld [tilespmem:$0x110]  }
0x28: {  	v19 =	vld [tilespmem:$0x120]  }
0x29: {  	v20 =	vld [tilespmem:$0x130]  }
0x2a: {  	v21 =	vld [tilespmem:$0x140]  }
0x2b: {  	v22 =	vld [tilespmem:$0x150]  }
0x2c: {  	v23 =	vld [tilespmem:$0x160]  }
0x2d: {  	v24 =	vld [tilespmem:$0x170]  }
0x2e: {  	v25 =	vld [tilespmem:$0x180]  }
0x2f: {  	v26 =	vld [tilespmem:$0x190]  }
0x30: {  	v27 =	vld [tilespmem:$0x1A0]  }
0x31: {  	v28 =	vld [tilespmem:$0x1B0]  }
0x32: {  	v29 =	vld [tilespmem:$0x1C0]  }
0x33: {  	v30 =	vld [tilespmem:$0x1D0]  }
0x34: {  	v31 =	vld [tilespmem:$0x1E0]  }
0x35: {  	v32 =	vld [tilespmem:$0x1F0]  }
0x36: {  	v33 =	vld [tilespmem:$0x200]  }
0x37: {  	v34 =	vld [tilespmem:$0x210]  }
0x38: {  	v35 =	vld [tilespmem:$0x220]  }
0x39: {  	v36 =	vld [tilespmem:$0x230]  }
0x3a: {  	v37 =	vld [tilespmem:$0x240]  }
0x3b: {  	v38 =	vld [tilespmem:$0x250]  }
0x3c: {  	v39 =	vld [tilespmem:$0x260]  }
0x3d: {  	v40 =	vld [tilespmem:$0x270]  }
0x3e: {  	v41 =	vld [tilespmem:$0x280]  }
0x3f: {  	v42 =	vld [tilespmem:$0x290]  }
0x40: {  	v43 =	vld [tilespmem:$0x2A0]  }
0x41: {  	v44 =	vld [tilespmem:$0x2B0]  }
0x42: {  	v45 =	vld [tilespmem:$0x2C0]  }
0x43: {  	v46 =	vld [tilespmem:$0x2D0]  }
0x44: {  	v47 =	vld [tilespmem:$0x2E0]  }
0x45: {  	v48 =	vld [tilespmem:$0x2F0]  }
0x46: {  	v49 =	vld [tilespmem:$0x300]  }
0x47: {  	v50 =	vld [tilespmem:$0x310]  }
0x48: {  	v51 =	vld [tilespmem:$0x320]  }
0x49: {  	v52 =	vld [tilespmem:$0x330]  }
0x4a: {  	v53 =	vld [tilespmem:$0x340]  }
0x4b: {  	v54 =	vld [tilespmem:$0x350]  }
0x4c: {  	v55 =	vld [tilespmem:$0x360];
	v2 =	vadd.f32 $0.0e+00, v2  }
0x4d: {  	v56 =	vld [tilespmem:$0x370]  }
0x4e: {  	v57 =	vld [tilespmem:$0x390];
	v2 =	vadd.f32 v6, v2  }
0x4f: {  	v58 =	vld [tilespmem:$0x3B0]  }
0x50: {  	v59 =	vld [tilespmem:$0x3D0];
	v2 =	vadd.f32 v10, v2  }
0x51: {  	v60 =	vld [tilespmem:$0x3F0]  }
0x52: {  	v61 =	vld [tilespmem:$0x410];
	v2 =	vadd.f32 v14, v2  }
0x53: {  	v62 =	vld [tilespmem:$0x490]  }
0x54: {  	v63 =	vld [tilespmem:$0x4D0];
	v3 =	vadd.f32 $0.0e+00, v3;
	v2 =	vadd.f32 v18, v2  }
0x55: {  	v4 =	vadd.f32 $0.0e+00, v4;
	v1 =	vadd.f32 $0.0e+00, v1;
	v6 =	vld [tilespmem:$0x380]  }
0x56: {  	v3 =	vadd.f32 v7, v3;
	v7 =	vld [tilespmem:$0x430];
	v2 =	vadd.f32 v22, v2  }
0x57: {  	v4 =	vadd.f32 v8, v4;
	v8 =	vld [tilespmem:$0x440]  }
0x58: {  	v1 =	vadd.f32 v5, v1;
	v5 =	vld [tilespmem:$0x4C0];
	v2 =	vadd.f32 v26, v2  }
0x59: {  	v10 =	vld [tilespmem:$0x3A0]  }
0x5a: {  	v3 =	vadd.f32 v11, v3;
	v11 =	vld [tilespmem:$0x450];
	v2 =	vadd.f32 v30, v2  }
0x5b: {  	v4 =	vadd.f32 v12, v4;
	v12 =	vld [tilespmem:$0x460]  }
0x5c: {  	v1 =	vadd.f32 v9, v1;
	v9 =	vld [tilespmem:$0x4E0];
	v2 =	vadd.f32 v34, v2  }
0x5d: {  	v14 =	vld [tilespmem:$0x3C0];
	v3 =	vadd.f32 v15, v3;
	v4 =	vadd.f32 v16, v4  }
0x5e: {  	v15 =	vld [tilespmem:$0x470];
	v2 =	vadd.f32 v38, v2  }
0x5f: {  	v16 =	vld [tilespmem:$0x480];
	v3 =	vadd.f32 v19, v3;
	v4 =	vadd.f32 v20, v4  }
0x60: {  	v1 =	vadd.f32 v13, v1;
	v13 =	vld [tilespmem:$0x500];
	v2 =	vadd.f32 v42, v2  }
0x61: {  	v18 =	vld [tilespmem:$0x3E0];
	v3 =	vadd.f32 v23, v3;
	v4 =	vadd.f32 v24, v4  }
0x62: {  	v20 =	vld [tilespmem:$0x4A0];
	v1 =	vadd.f32 v17, v1;
	v2 =	vadd.f32 v46, v2  }
0x63: {  	v22 =	vld [tilespmem:$0x400];
	v3 =	vadd.f32 v27, v3;
	v4 =	vadd.f32 v28, v4  }
0x64: {  	v23 =	vld [tilespmem:$0x4B0];
	v1 =	vadd.f32 v21, v1;
	v2 =	vadd.f32 v50, v2  }
0x65: {  	v21 =	vld [tilespmem:$0x540];
	v3 =	vadd.f32 v31, v3;
	v4 =	vadd.f32 v32, v4  }
0x66: {  	v26 =	vld [tilespmem:$0x420];
	v1 =	vadd.f32 v25, v1;
	v2 =	vadd.f32 v54, v2  }
0x67: {  	v27 =	vld [tilespmem:$0x4F0];
	v3 =	vadd.f32 v35, v3;
	v4 =	vadd.f32 v36, v4  }
0x68: {  	v1 =	vadd.f32 v29, v1;
	v29 =	vld [tilespmem:$0x640];
	v2 =	vadd.f32 v57, v2  }
0x69: {  	v36 =	vld [tilespmem:$0x510];
	v3 =	vadd.f32 v39, v3;
	v4 =	vadd.f32 v40, v4  }
0x6a: {  	v1 =	vadd.f32 v33, v1;
	v34 =	vld [tilespmem:$0x6D0];
	v2 =	vadd.f32 v59, v2  }
0x6b: {  	v35 =	vld [tilespmem:$0x660];
	v3 =	vadd.f32 v43, v3;
	v4 =	vadd.f32 v44, v4  }
0x6c: {  	v38 =	vld [tilespmem:$0x520];
	v1 =	vadd.f32 v37, v1;
	v2 =	vadd.f32 v61, v2  }
0x6d: {  	v37 =	vld [tilespmem:$0x670];
	v3 =	vadd.f32 v47, v3;
	v4 =	vadd.f32 v48, v4  }
0x6e: {  	v39 =	vld [tilespmem:$0x680];
	v2 =	vadd.f32 v11, v2  }
0x6f: {  	v40 =	vld [tilespmem:$0x790];
	v3 =	vadd.f32 v51, v3;
	v4 =	vadd.f32 v52, v4  }
0x70: {  	v42 =	vld [tilespmem:$0x530];
	v2 =	vadd.f32 v62, v2  }
0x71: {  	v44 =	vld [tilespmem:$0x550];
	v3 =	vadd.f32 v55, v3;
	v4 =	vadd.f32 v56, v4  }
0x72: {  	v1 =	vadd.f32 v41, v1;
	v41 =	vld [tilespmem:$0x6A0];
	v2 =	vadd.f32 v63, v2  }
0x73: {  	v51 =	vld [tilespmem:$0x590];
	v3 =	vadd.f32 v10, v3;
	v4 =	vadd.f32 v58, v4  }
0x74: {  	v43 =	vld [tilespmem:$0x6B0];
	v2 =	vadd.f32 v36, v2  }
0x75: {  	v56 =	vld [tilespmem:$0x5D0];
	v3 =	vadd.f32 v18, v3;
	v4 =	vadd.f32 v60, v4  }
0x76: {  	v46 =	vld [tilespmem:$0x560];
	v1 =	vadd.f32 v45, v1;
	v2 =	vadd.f32 v44, v2  }
0x77: {  	v60 =	vld [tilespmem:$0x610];
	v3 =	vadd.f32 v26, v3;
	v4 =	vadd.f32 v7, v4  }
0x78: {  	v48 =	vld [tilespmem:$0x570];
	v1 =	vadd.f32 v49, v1;
	v2 =	vadd.f32 v51, v2  }
0x79: {  	v3 =	vadd.f32 v12, v3;
	v4 =	vadd.f32 v15, v4;
	v62 =	vld [tilespmem:$0x650]  }
0x7a: {  	v52 =	vld [tilespmem:$0x5A0];
	v1 =	vadd.f32 v53, v1;
	v2 =	vadd.f32 v56, v2  }
0x7b: {  	v3 =	vadd.f32 v20, v3;
	v4 =	vadd.f32 v23, v4;
	v23 =	vld [tilespmem:$0x690]  }
0x7c: {  	v54 =	vld [tilespmem:$0x5B0];
	v1 =	vadd.f32 v6, v1;
	v2 =	vadd.f32 v60, v2  }
0x7d: {  	v57 =	vld [tilespmem:$0x5E0];
	v3 =	vadd.f32 v9, v3;
	v4 =	vadd.f32 v27, v4  }
0x7e: {  	v58 =	vld [tilespmem:$0x5F0];
	v1 =	vadd.f32 v14, v1;
	v2 =	vadd.f32 v62, v2  }
0x7f: {  	v3 =	vadd.f32 v38, v3;
	v4 =	vadd.f32 v42, v4;
	v36 =	vld [tilespmem:$0x710]  }
0x80: {  	v61 =	vld [tilespmem:$0x620];
	v1 =	vadd.f32 v22, v1;
	v2 =	vadd.f32 v23, v2  }
0x81: {  	v38 =	vld [tilespmem:$0x750];
	v3 =	vadd.f32 v46, v3;
	v4 =	vadd.f32 v48, v4  }
0x82: {  	v1 =	vadd.f32 v8, v1;
	v63 =	vld [tilespmem:$0x630];
	v2 =	vadd.f32 v34, v2  }
0x83: {  	v45 =	vld [tilespmem:$0x6F0];
	v3 =	vadd.f32 v52, v3;
	v4 =	vadd.f32 v54, v4  }
0x84: {  	v47 =	vld [tilespmem:$0x730];
	v1 =	vadd.f32 v16, v1;
	v2 =	vadd.f32 v36, v2  }
0x85: {  	v42 =	vld [tilespmem:$0x7D0];
	v3 =	vadd.f32 v57, v3;
	v4 =	vadd.f32 v58, v4  }
0x86: {  	v50 =	vld [tilespmem:$0x580];
	v1 =	vadd.f32 v5, v1;
	v2 =	vadd.f32 v38, v2  }
0x87: {  	v49 =	vld [tilespmem:$0x770];
	v3 =	vadd.f32 v61, v3;
	v4 =	vadd.f32 v63, v4  }
0x88: {  	v1 =	vadd.f32 v13, v1;
	v44 =	vld [tilespmem:$0x6E0];
	v2 =	vadd.f32 v40, v2  }
0x89: {  	v55 =	vld [tilespmem:$0x5C0];
	v3 =	vadd.f32 v35, v3;
	v4 =	vadd.f32 v37, v4  }
0x8a: {  	v46 =	vld [tilespmem:$0x720];
	v1 =	vadd.f32 v21, v1;
	v2 =	vadd.f32 v42, v2  }
0x8b: {  	v59 =	vld [tilespmem:$0x600];
	v3 =	vadd.f32 v41, v3;
	v4 =	vadd.f32 v43, v4  }
0x8c: {  	v48 =	vld [tilespmem:$0x760];
	v1 =	vadd.f32 v50, v1;
	v50 =	vmax.f32 v2, $1.000000000e+00  }
0x8d: {  	v51 =	vld [tilespmem:$0x7A0];
	v3 =	vadd.f32 v44, v3;
	v4 =	vadd.f32 v45, v4;
	(erf) = vrcp.f32 v50  }
0x8e: {  	v52 =	vld [tilespmem:$0x7B0];
	v1 =	vadd.f32 v55, v1  }
0x8f: {  	v53 =	vld [tilespmem:$0x7E0];
	v3 =	vadd.f32 v46, v3;
	v4 =	vadd.f32 v47, v4  }
0x90: {  	v54 =	vld [tilespmem:$0x7F0];
	v1 =	vadd.f32 v59, v1  }
0x91: {  	v55 =	vld [tilespmem:$0x6C0];
	v3 =	vadd.f32 v48, v3;
	v4 =	vadd.f32 v49, v4  }
0x92: {  	v1 =	vadd.f32 v29, v1  }
0x93: {  	v56 =	vld [tilespmem:$0x700];
	v3 =	vadd.f32 v51, v3;
	v4 =	vadd.f32 v52, v4  }
0x94: {  	v1 =	vadd.f32 v39, v1  }
0x95: {  	v57 =	vld [tilespmem:$0x740];
	v3 =	vadd.f32 v53, v3;
	v4 =	vadd.f32 v54, v4  }
0x96: {  	v1 =	vadd.f32 v55, v1;
	v58 =	vpop (erf)  }
0x97: {  	v59 =	vld [tilespmem:$0x780];
	v3 =	vmul.f32 v58, v3;
	v4 =	vmul.f32 v58, v4  }
0x98: {  	v1 =	vadd.f32 v56, v1  }
0x99: {  	v60 =	vld [tilespmem:$0x7C0];
	v3 =	vsub.f32 v3, v4  }
0x9a: {  	v1 =	vadd.f32 v57, v1;
	v61 =	vmul.f32 v2, v0  }
0x9b: {  	v3 =	vand.u32 $0x7FFFFFFF, v3  }
0x9c: {  	v1 =	vadd.f32 v59, v1;
	v3 =	vmul.f32 v3, v61  }
0x9d: {  	vm0 =	vgt.f32 v2, $0.0e+00  }
0x9e: {  	v1 =	vadd.f32 v60, v1;
	v2 =	vnsel vm0, $0x0, v3  }
0x9f: {  	(xrf2) =	vadd.scan.msk.f32 $0xffff, v2  }
0xa0: {  	(xrf2) =	vadd.scan.msk.f32 $0xffff, v1;
	_ =	sdelay $0x8  }
0xa1: {  	v62, _, _ =	vpop (xrf2)  }
0xa2: {  	v63, _, _ =	vpop (xrf2)  }
0xa3: {  	v1 =	vmul.f32 $1.000000050e-03, v62;
	v2 =	vbroadcast v63, $0xF;
	_ =	sdelay $0x1  }
0xa4: {  	v1 =	vbroadcast v1, $0xF;
	v0 =	vmul.f32 v2, v0;
	_ =	sdelay $0x1  }
0xa5: {  	v0 =	vadd.f32 v1, v0;
	_ =	sdelay $0x1  }
.Ltmp3:
0xa6: {  	[tilespmem:$0x800] =	vst v0;
	(pc) =	sbr.rel .LBB2_3-.Ltmp3, $4  }
0xa7: {  	[hbm4b:s2+s6] =	stream.linear.scatter [tilespmem:s9], [sflag:$0x1], $0x10, $0x38;
	[tilespmem:$0x820] =	vst v63  }
0xa8: {  	_ =	swait.ge [sflag:s8], $0x10  }
0xa9: {  	[sflag:s8] =	ssyncset.done $0x0  }
0xaa: {  	[sflag:s8] =	ssyncadd.s32 $0xFFFFFFF0  }
.LBB2_4:
0xab: {  	_ =	sfence.sel $0x180000  }
0xac: {  	[bflag:$0x0] =	sbarrier.arrive $0xFFFF  }
0xad: {  	p0 =	sne.s32 s3, $0x0;
	_ =	strace $0x9000004A  }
0xae: {  	s0 =	sadd.s32 @!p0 $0x100000, s0;
	[bflag:$0x2] =	sbarrier.arrive $0xFFFF  }
0xaf: {  	[sflag:s0] =	ssyncadd.tile.s32 @!p0 $0x1;
	_ =	shalt  }
.Lfunc_end2:
_tile_overlayer_lowered:
.L_overlay_start_2:
0xb0: {  	(tag) =	ssettag $0x2  }
0xb1: {  	s0 =	rddreg [dreg:$0x0];
	s2 =	stileid.u32  }
0xb2: {  	s1 =	rddreg [dreg:$0x1];
	p0 =	sne.s32 s2, $0x0  }
0xb3: {  	s3 =	rddreg [dreg:$0x2];
	[bflag:$0x3] =	sbarrier.arrive $0xFFFF;
	s2 =	simm.s32 @!p0 $0x1C01  }
0xb4: {  	[timem:s3], [sflag:s2] =	dma.local @!p0 [hbm:s0], s1  }
0xb5: {  	s0 =	simm.s32 @!p0 $0x1  }
0xb6: {  	_ =	swait.ge @!p0 [sflag:s0], s1  }
0xb7: {  	s1 =	ssub.s32 @!p0 $0x0, s1;
	[sflag:s0] =	ssyncset.done @!p0 $0x0  }
0xb8: {  	[sflag:s0] =	ssyncadd.s32 @!p0 s1  }
0xb9: {  	[bflag:$0x3] =	sbarrier.arrive $0xFFFF  }
0xba: {  	_ =	shalt  }

</sc_bundles>
